<compile_context>
chip_gen: v7x
topology: tpu7x:2x2x1
jax: 0.10.2.dev20260603
libtpu: 0.0.44.dev20260713+nightly
codegen_flags: <defaults>
</compile_context>

<pallas_src>
import functools

import jax
import jax.numpy as jnp
from jax import lax
from jax.experimental import pallas as pl
from jax.experimental.pallas import tpu as pltpu
from jax.experimental.pallas import tpu_sc as plsc

EPS = 1e-5

NC = 2
NS = 16
NW = NC * NS
LANE = 16

SPLIT = 96
G = 2
IDXG = 16


def _pack_kernel(V, D):
    CHR = 120
    NCH = V // CHR
    mesh = plsc.VectorSubcoreMesh(
        core_axis_name="c", subcore_axis_name="s",
        num_cores=NC, num_subcores=NS)

    @functools.partial(
        pl.kernel,
        out_type=jax.ShapeDtypeStruct((V, D // 2), jnp.int32),
        mesh=mesh,
        scratch_types=[
            pltpu.VMEM((CHR, D), jnp.float32),
            pltpu.VMEM((CHR, D // 2), jnp.int32),
        ],
        compiler_params=pltpu.CompilerParams(
            use_tc_tiling_on_sc=False, needs_layout_passes=False),
    )
    def pack_tab(embed_hbm, out_hbm, fin_v, pk_v):
        wid = lax.axis_index("s") * NC + lax.axis_index("c")
        nt = (NCH + NW - 1) // NW

        def body(t, _):
            ch = t * NW + wid

            @pl.when(ch < NCH)
            def _():
                pltpu.sync_copy(embed_hbm.at[pl.ds(ch * CHR, CHR)], fin_v)

                def rb(r, _2):
                    for half in range(D // 32):
                        v0 = fin_v[r, pl.ds(half * 32, 16)]
                        v1 = fin_v[r, pl.ds(half * 32 + 16, 16)]
                        pk = plsc.pack(v0, v1,
                                       format=plsc.PackFormat.INTERLEAVED)
                        pk_v[r, pl.ds(half * 16, 16)] = plsc.bitcast(
                            pk, jnp.int32)
                    return 0

                lax.fori_loop(0, CHR, rb, 0)
                pltpu.sync_copy(pk_v, out_hbm.at[pl.ds(ch * CHR, CHR)])

            return 0

        lax.fori_loop(0, nt, body, 0)

    return pack_tab


def _pool_kernel(B, SEQ, V, D):
    SPW = B // NW
    NGRP = SPW // G
    NACC = D // LANE
    UNR = 4
    inv_seq = 1.0 / SEQ

    NBUF = 4
    mesh = plsc.VectorSubcoreMesh(
        core_axis_name="c", subcore_axis_name="s",
        num_cores=NC, num_subcores=NS)

    @functools.partial(
        pl.kernel,
        out_type=jax.ShapeDtypeStruct((B, D), jnp.float32),
        mesh=mesh,
        scratch_types=[
            pltpu.VMEM((2 * IDXG * G, SEQ), jnp.int32),
            pltpu.VMEM((NBUF, G * SEQ, D // 2), jnp.int32),
            pltpu.VMEM((SPW, D), jnp.float32),
            [pltpu.SemaphoreType.DMA] * NBUF,
        ],
        compiler_params=pltpu.CompilerParams(
            use_tc_tiling_on_sc=False, needs_layout_passes=False),
    )
    def pool(x_hbm, embed_hbm, out_hbm, idx_v, rows_v, pooled_v, sems):
        wid = lax.axis_index("s") * NC + lax.axis_index("c")
        wbase = wid * SPW

        def gather_copy(buf, g, s, h):
            irow = (g % (2 * IDXG)) * G + s
            off = h * SPLIT
            ln = SPLIT if h == 0 else SEQ - SPLIT
            return pltpu.make_async_copy(
                embed_hbm.at[idx_v.at[irow, pl.ds(off, ln)]],
                rows_v.at[buf, pl.ds(s * SEQ + off, ln)],
                sems[buf])

        def issue(buf, g):
            for s in range(G):
                for h in range(2):
                    gather_copy(buf, g, s, h).start()

        def drain(buf, g):
            for s in range(G):
                for h in range(2):
                    gather_copy(buf, g, s, h).wait()

        def refill(nb):
            blk = IDXG * G
            pltpu.sync_copy(
                x_hbm.at[pl.ds(wbase + nb * blk, blk)],
                idx_v.at[pl.ds((nb % 2) * blk, blk)])

        def accum_group(buf, g):
            rows = rows_v.at[buf]
            for s in range(G):
                base = s * SEQ

                def rbody(r, accs):
                    accs = list(accs)
                    for u in range(UNR // 2):
                        row = base + r * UNR + 2 * u
                        for v in range(D // 32):
                            sv = (plsc.bitcast(rows[row, pl.ds(v * 16, 16)],
                                               jnp.bfloat16)
                                  + plsc.bitcast(rows[row + 1, pl.ds(v * 16, 16)],
                                                 jnp.bfloat16))
                            even, odd = plsc.unpack(
                                sv, format=plsc.PackFormat.INTERLEAVED)
                            k = (u % 2) * NACC + 2 * v
                            accs[k] = accs[k] + even
                            accs[k + 1] = accs[k + 1] + odd
                    return tuple(accs)

                zero = jnp.zeros((LANE,), jnp.float32)
                accs = lax.fori_loop(0, SEQ // UNR, rbody, (zero,) * (2 * NACC))
                prow = g * G + s
                for c in range(NACC):
                    pooled_v[prow, pl.ds(c * LANE, LANE)] = (
                        (accs[c] + accs[NACC + c]) * inv_seq)

        refill(0)
        for k in range(NBUF - 1):
            issue(k, k)

        def outer(i, _):
            for k in range(NBUF):
                g = NBUF * i + k
                drain(k, g)
                gnext = g + (NBUF - 1)

                @pl.when(gnext < NGRP)
                def _():
                    @pl.when(gnext % IDXG == 0)
                    def _():
                        refill(gnext // IDXG)

                    issue((k + NBUF - 1) % NBUF, gnext)

                accum_group(k, g)
            return 0

        lax.fori_loop(0, NGRP // NBUF, outer, 0)
        pltpu.sync_copy(pooled_v, out_hbm.at[pl.ds(wid * SPW, SPW)])

    return pool


def _mlp_call(pooled, W1, b1r, gammar, betar, W2, b2r, B, D, H, CLS, blk):
    nblk = B // blk

    def body(p_ref, w1_ref, b1_ref, g_ref, be_ref, w2_ref, b2_ref,
             o_ref, sum_scr, s_scr, muh_scr, scale_scr):
        ph = pl.program_id(0)
        j = pl.program_id(1)

        @pl.when(ph == 0)
        def _():
            @pl.when(j == 0)
            def _():
                sum_scr[...] = jnp.zeros_like(sum_scr)
                s_scr[...] = jnp.zeros_like(s_scr)

            p = p_ref[...]
            sum_scr[...] += jnp.sum(p, axis=0, keepdims=True)
            s_scr[...] += lax.dot_general(
                p, p, (((0,), (0,)), ((), ())),
                preferred_element_type=jnp.float32)

            @pl.when(j == nblk - 1)
            def _():
                mu_p = sum_scr[...] * (1.0 / B)
                cov = s_scr[...] * (1.0 / B) - lax.dot_general(
                    mu_p, mu_p, (((0,), (0,)), ((), ())),
                    preferred_element_type=jnp.float32)
                w1 = w1_ref[...]
                muh_scr[...] = (
                    jnp.dot(mu_p, w1, preferred_element_type=jnp.float32)
                    + b1_ref[...])
                m = jnp.dot(cov, w1, preferred_element_type=jnp.float32)
                varh = jnp.sum(w1 * m, axis=0, keepdims=True)
                scale_scr[...] = g_ref[...] * lax.rsqrt(varh + EPS)

        @pl.when(ph == 1)
        def _():
            h = jnp.dot(p_ref[...], w1_ref[...],
                        preferred_element_type=jnp.float32) + b1_ref[...]
            hn = (h - muh_scr[...]) * scale_scr[...] + be_ref[...]
            hr = jnp.maximum(hn, 0.0)
            o_ref[...] = jnp.dot(
                hr, w2_ref[...], preferred_element_type=jnp.float32) + b2_ref[...]

    full = lambda ph, j: (0, 0)
    return pl.pallas_call(
        body,
        grid=(2, nblk),
        in_specs=[
            pl.BlockSpec((blk, D), lambda ph, j: (j, 0)),
            pl.BlockSpec((D, H), full),
            pl.BlockSpec((1, H), full),
            pl.BlockSpec((1, H), full),
            pl.BlockSpec((1, H), full),
            pl.BlockSpec((H, CLS), full),
            pl.BlockSpec((1, CLS), full),
        ],
        out_specs=pl.BlockSpec((blk, CLS), lambda ph, j: (j, 0)),
        out_shape=jax.ShapeDtypeStruct((B, CLS), jnp.float32),
        scratch_shapes=[
            pltpu.VMEM((1, D), jnp.float32),
            pltpu.VMEM((D, D), jnp.float32),
            pltpu.VMEM((1, H), jnp.float32),
            pltpu.VMEM((1, H), jnp.float32),
        ],
    )(pooled, W1, b1r, gammar, betar, W2, b2r)


def kernel(x, embed, W1, b1, gamma, beta, W2, b2):
    B, SEQ = x.shape
    V, D = embed.shape
    H = W1.shape[1]
    CLS = W2.shape[1]

    embed_pk = _pack_kernel(V, D)(embed)
    pooled = _pool_kernel(B, SEQ, V, D)(x.astype(jnp.int32), embed_pk)

    out = _mlp_call(
        pooled, W1, b1.reshape(1, H), gamma.reshape(1, H),
        beta.reshape(1, H), W2, b2.reshape(1, CLS), B, D, H, CLS, blk=4096)
    return out

# --- scband reference (transcript-rebuilt; emitter-appended) ---
"""Pipeline reference for scband-fast-text-65197603553339 (READ-ONLY COPY).

The authoritative reference and input builder live on the scoring server;
editing this copy changes nothing except your own understanding.
"""

import jax, jax.numpy as jnp
import numpy as np

VOCAB = 42000
W2V_DIM = 64
HIDDEN = 128
CLASSES = 10
BATCH = 16384
SEQ = 200
EPS = 1e-5

def setup_inputs(seed: int = 0) -> dict:
    key = jax.random.key(seed)
    ks = jax.random.split(key, 8)
    x = jax.random.randint(ks[0], (BATCH, SEQ), 0, VOCAB, dtype=jnp.int64 if jax.config.jax_enable_x64 else jnp.int32)
    embed = jax.random.normal(ks[1], (VOCAB, W2V_DIM), dtype=jnp.float32)
    W1 = jax.random.normal(ks[2], (W2V_DIM, HIDDEN), dtype=jnp.float32) * (1.0 / np.sqrt(W2V_DIM))
    b1 = jnp.zeros((HIDDEN,), dtype=jnp.float32)
    gamma = jnp.ones((HIDDEN,), dtype=jnp.float32)
    beta = jnp.zeros((HIDDEN,), dtype=jnp.float32)
    W2 = jax.random.normal(ks[3], (HIDDEN, CLASSES), dtype=jnp.float32) * (1.0 / np.sqrt(HIDDEN))
    b2 = jnp.zeros((CLASSES,), dtype=jnp.float32)
    return {"x": x, "embed": embed, "W1": W1, "b1": b1, "gamma": gamma, "beta": beta, "W2": W2, "b2": b2}

def reference(x, embed, W1, b1, gamma, beta, W2, b2):
    # embedding lookup: [B, S, D]
    e = jnp.take(embed, x, axis=0)
    # mean-pool over sequence dim
    pooled = jnp.mean(e, axis=1)
    # Linear 1
    h = pooled @ W1 + b1
    # BatchNorm1d (training mode: batch stats, biased variance)
    mu = jnp.mean(h, axis=0)
    var = jnp.mean((h - mu) ** 2, axis=0)
    hn = (h - mu) / jnp.sqrt(var + EPS) * gamma + beta
    # ReLU
    hr = jnp.maximum(hn, 0.0)
    # Linear 2
    out = hr @ W2 + b2
    return out

if __name__ == "__main__":
    import jax
    _d = setup_inputs()
    print(jax.jit(kernel)(*tuple(_d.values())))

</pallas_src>

<mosaic_0001>
#map = affine_map<(d0, d1) -> (0, 0)>
module attributes {stable_mosaic.version = 14 : i64} {
  func.func @pool(%arg0: i32, %arg1: i32, %arg2: memref<16384x200xi32, #tpu.memory_space<hbm>>, %arg3: memref<42000x32xi32, #tpu.memory_space<hbm>>, %arg4: memref<16384x64xf32, #tpu.memory_space<hbm>>, %arg5: memref<64x200xi32, #tpu.memory_space<vmem>>, %arg6: memref<4x400x32xi32, #tpu.memory_space<vmem>>, %arg7: memref<512x64xf32, #tpu.memory_space<vmem>>, %arg8: memref<!tpu.dma_semaphore, #tpu.memory_space<semaphore_mem>>, %arg9: memref<!tpu.dma_semaphore, #tpu.memory_space<semaphore_mem>>, %arg10: memref<!tpu.dma_semaphore, #tpu.memory_space<semaphore_mem>>, %arg11: memref<!tpu.dma_semaphore, #tpu.memory_space<semaphore_mem>>) attributes {dimension_semantics = [#tpu.dimension_semantics<core_parallel>, #tpu.dimension_semantics<subcore_parallel>], iteration_bounds = array<i64: 2, 16>, scalar_prefetch = 0 : i64, scratch_operands = 7 : i64, tpu.core_type = #tpu.core_type<sc_vector_subcore>, window_params = [{transform_indices = #map}, {transform_indices = #map}, {transform_indices = #map}]} {
    %mul3A = arith.constant 2 : i32
    %mul3A_0 = arith.muli %arg1, %mul3A : i32
    %add3A = arith.addi %mul3A_0, %arg0 : i32
    %mul3A_1 = arith.constant 512 : i32
    %mul3A_2 = arith.muli %add3A, %mul3A_1 : i32
    %add3A_3 = arith.constant 0 : i32
    %add3A_4 = arith.addi %mul3A_2, %add3A_3 : i32
    "tpu.region"() ({
      %run_scoped3A = tpu.sem_alloc : memref<!tpu.dma_semaphore, #tpu.memory_space<semaphore_mem>>
      %dma_start3A_156 = arith.constant 0 : i32
      %dma_start3A_157 = arith.constant 0 : i32
      %dma_start3A_158 = tpu.memref_slice %arg5[%dma_start3A_156, %dma_start3A_157] : memref<64x200xi32, #tpu.memory_space<vmem>> -> memref<32x200xi32, #tpu.memory_space<vmem>>
      %dma_start3A_159 = arith.constant 0 : i32
      %dma_start3A_160 = tpu.memref_slice %arg2[%add3A_4, %dma_start3A_159] : memref<16384x200xi32, #tpu.memory_space<hbm>> -> memref<32x200xi32, #tpu.memory_space<hbm>>
      %dma_start3A_161 = arith.constant 0 : i32
      %dma_start3A_162 = arith.constant 0 : i32
      %dma_start3A_163 = tpu.memref_slice %arg5[%dma_start3A_161, %dma_start3A_162] : memref<64x200xi32, #tpu.memory_space<vmem>> -> memref<32x200xi32, #tpu.memory_space<vmem>>
      %dma_start3A_164 = arith.constant 0 : i32
      %dma_start3A_165 = tpu.memref_slice %arg2[%add3A_4, %dma_start3A_164] : memref<16384x200xi32, #tpu.memory_space<hbm>> -> memref<32x200xi32, #tpu.memory_space<hbm>>
      tpu.enqueue_dma source(%dma_start3A_165 : memref<32x200xi32, #tpu.memory_space<hbm>>) target(%dma_start3A_163 : memref<32x200xi32, #tpu.memory_space<vmem>>) target_semaphore(%run_scoped3A : memref<!tpu.dma_semaphore, #tpu.memory_space<semaphore_mem>>)
      %dma_wait3A = arith.constant 0 : i32
      %dma_wait3A_166 = arith.constant 0 : i32
      %dma_wait3A_167 = tpu.memref_slice %arg5[%dma_wait3A, %dma_wait3A_166] : memref<64x200xi32, #tpu.memory_space<vmem>> -> memref<32x200xi32, #tpu.memory_space<vmem>>
      %dma_wait3A_168 = arith.constant 0 : i32
      %dma_wait3A_169 = tpu.memref_slice %arg2[%add3A_4, %dma_wait3A_168] : memref<16384x200xi32, #tpu.memory_space<hbm>> -> memref<32x200xi32, #tpu.memory_space<hbm>>
      %dma_wait3A_170 = arith.constant 0 : i32
      %dma_wait3A_171 = arith.constant 0 : i32
      %dma_wait3A_172 = tpu.memref_slice %arg5[%dma_wait3A_170, %dma_wait3A_171] : memref<64x200xi32, #tpu.memory_space<vmem>> -> memref<32x200xi32, #tpu.memory_space<vmem>>
      %dma_wait3A_173 = arith.constant 0 : i32
      %dma_wait3A_174 = tpu.memref_slice %arg2[%add3A_4, %dma_wait3A_173] : memref<16384x200xi32, #tpu.memory_space<hbm>> -> memref<32x200xi32, #tpu.memory_space<hbm>>
      tpu.wait_dma2 semaphore(%run_scoped3A : memref<!tpu.dma_semaphore, #tpu.memory_space<semaphore_mem>>) src(%dma_wait3A_174 : memref<32x200xi32, #tpu.memory_space<hbm>>) dst(%dma_wait3A_172 : memref<32x200xi32, #tpu.memory_space<vmem>>)
      tpu.yield
    }) : () -> ()
    %dma_start3A = arith.constant 0 : i32
    %dma_start3A_5 = arith.constant 0 : i32
    %dma_start3A_6 = arith.constant 0 : i32
    %dma_start3A_7 = arith.constant 0 : i32
    %dma_start3A_8 = tpu.memref_slice %arg6[%dma_start3A_5, %dma_start3A_6, %dma_start3A_7] : memref<4x400x32xi32, #tpu.memory_space<vmem>> -> memref<1x96x32xi32, #tpu.memory_space<vmem>>
    %dma_start3A_9 = tpu.memref_squeeze %dma_start3A_8 : memref<1x96x32xi32, #tpu.memory_space<vmem>> -> memref<96x32xi32, #tpu.memory_space<vmem>>
    %dma_start3A_10 = arith.constant 0 : i32
    %dma_start3A_11 = tpu.memref_slice %arg5[%dma_start3A, %dma_start3A_10] : memref<64x200xi32, #tpu.memory_space<vmem>> -> memref<1x96xi32, #tpu.memory_space<vmem>>
    %dma_start3A_12 = tpu.memref_squeeze %dma_start3A_11 : memref<1x96xi32, #tpu.memory_space<vmem>> -> memref<96xi32, #tpu.memory_space<vmem>>
    %dma_start3A_13 = arith.constant 0 : i32
    %dma_start3A_14 = arith.constant 0 : i32
    %dma_start3A_15 = tpu.memref_slice %arg3[%dma_start3A_13, %dma_start3A_14] : memref<42000x32xi32, #tpu.memory_space<hbm>> -> memref<42000x32xi32, #tpu.memory_space<hbm>>
    tpu.enqueue_indirect_dma source(%dma_start3A_15 : memref<42000x32xi32, #tpu.memory_space<hbm>>) target(%dma_start3A_9 : memref<96x32xi32, #tpu.memory_space<vmem>>) offsets(%dma_start3A_12 : memref<96xi32, #tpu.memory_space<vmem>>) semaphore(%arg8 : memref<!tpu.dma_semaphore, #tpu.memory_space<semaphore_mem>>)
    %dma_start3A_16 = arith.constant 0 : i32
    %dma_start3A_17 = arith.constant 0 : i32
    %dma_start3A_18 = arith.constant 96 : i32
    %dma_start3A_19 = arith.constant 0 : i32
    %dma_start3A_20 = tpu.memref_slice %arg6[%dma_start3A_17, %dma_start3A_18, %dma_start3A_19] : memref<4x400x32xi32, #tpu.memory_space<vmem>> -> memref<1x104x32xi32, #tpu.memory_space<vmem>>
    %dma_start3A_21 = tpu.memref_squeeze %dma_start3A_20 : memref<1x104x32xi32, #tpu.memory_space<vmem>> -> memref<104x32xi32, #tpu.memory_space<vmem>>
    %dma_start3A_22 = arith.constant 96 : i32
    %dma_start3A_23 = tpu.memref_slice %arg5[%dma_start3A_16, %dma_start3A_22] : memref<64x200xi32, #tpu.memory_space<vmem>> -> memref<1x104xi32, #tpu.memory_space<vmem>>
    %dma_start3A_24 = tpu.memref_squeeze %dma_start3A_23 : memref<1x104xi32, #tpu.memory_space<vmem>> -> memref<104xi32, #tpu.memory_space<vmem>>
    %dma_start3A_25 = arith.constant 0 : i32
    %dma_start3A_26 = arith.constant 0 : i32
    %dma_start3A_27 = tpu.memref_slice %arg3[%dma_start3A_25, %dma_start3A_26] : memref<42000x32xi32, #tpu.memory_space<hbm>> -> memref<42000x32xi32, #tpu.memory_space<hbm>>
    tpu.enqueue_indirect_dma source(%dma_start3A_27 : memref<42000x32xi32, #tpu.memory_space<hbm>>) target(%dma_start3A_21 : memref<104x32xi32, #tpu.memory_space<vmem>>) offsets(%dma_start3A_24 : memref<104xi32, #tpu.memory_space<vmem>>) semaphore(%arg8 : memref<!tpu.dma_semaphore, #tpu.memory_space<semaphore_mem>>)
    %dma_start3A_28 = arith.constant 1 : i32
    %dma_start3A_29 = arith.constant 0 : i32
    %dma_start3A_30 = arith.constant 200 : i32
    %dma_start3A_31 = arith.constant 0 : i32
    %dma_start3A_32 = tpu.memref_slice %arg6[%dma_start3A_29, %dma_start3A_30, %dma_start3A_31] : memref<4x400x32xi32, #tpu.memory_space<vmem>> -> memref<1x96x32xi32, #tpu.memory_space<vmem>>
    %dma_start3A_33 = tpu.memref_squeeze %dma_start3A_32 : memref<1x96x32xi32, #tpu.memory_space<vmem>> -> memref<96x32xi32, #tpu.memory_space<vmem>>
    %dma_start3A_34 = arith.constant 0 : i32
    %dma_start3A_35 = tpu.memref_slice %arg5[%dma_start3A_28, %dma_start3A_34] : memref<64x200xi32, #tpu.memory_space<vmem>> -> memref<1x96xi32, #tpu.memory_space<vmem>>
    %dma_start3A_36 = tpu.memref_squeeze %dma_start3A_35 : memref<1x96xi32, #tpu.memory_space<vmem>> -> memref<96xi32, #tpu.memory_space<vmem>>
    %dma_start3A_37 = arith.constant 0 : i32
    %dma_start3A_38 = arith.constant 0 : i32
    %dma_start3A_39 = tpu.memref_slice %arg3[%dma_start3A_37, %dma_start3A_38] : memref<42000x32xi32, #tpu.memory_space<hbm>> -> memref<42000x32xi32, #tpu.memory_space<hbm>>
    tpu.enqueue_indirect_dma source(%dma_start3A_39 : memref<42000x32xi32, #tpu.memory_space<hbm>>) target(%dma_start3A_33 : memref<96x32xi32, #tpu.memory_space<vmem>>) offsets(%dma_start3A_36 : memref<96xi32, #tpu.memory_space<vmem>>) semaphore(%arg8 : memref<!tpu.dma_semaphore, #tpu.memory_space<semaphore_mem>>)
    %dma_start3A_40 = arith.constant 1 : i32
    %dma_start3A_41 = arith.constant 0 : i32
    %dma_start3A_42 = arith.constant 296 : i32
    %dma_start3A_43 = arith.constant 0 : i32
    %dma_start3A_44 = tpu.memref_slice %arg6[%dma_start3A_41, %dma_start3A_42, %dma_start3A_43] : memref<4x400x32xi32, #tpu.memory_space<vmem>> -> memref<1x104x32xi32, #tpu.memory_space<vmem>>
    %dma_start3A_45 = tpu.memref_squeeze %dma_start3A_44 : memref<1x104x32xi32, #tpu.memory_space<vmem>> -> memref<104x32xi32, #tpu.memory_space<vmem>>
    %dma_start3A_46 = arith.constant 96 : i32
    %dma_start3A_47 = tpu.memref_slice %arg5[%dma_start3A_40, %dma_start3A_46] : memref<64x200xi32, #tpu.memory_space<vmem>> -> memref<1x104xi32, #tpu.memory_space<vmem>>
    %dma_start3A_48 = tpu.memref_squeeze %dma_start3A_47 : memref<1x104xi32, #tpu.memory_space<vmem>> -> memref<104xi32, #tpu.memory_space<vmem>>
    %dma_start3A_49 = arith.constant 0 : i32
    %dma_start3A_50 = arith.constant 0 : i32
    %dma_start3A_51 = tpu.memref_slice %arg3[%dma_start3A_49, %dma_start3A_50] : memref<42000x32xi32, #tpu.memory_space<hbm>> -> memref<42000x32xi32, #tpu.memory_space<hbm>>
    tpu.enqueue_indirect_dma source(%dma_start3A_51 : memref<42000x32xi32, #tpu.memory_space<hbm>>) target(%dma_start3A_45 : memref<104x32xi32, #tpu.memory_space<vmem>>) offsets(%dma_start3A_48 : memref<104xi32, #tpu.memory_space<vmem>>) semaphore(%arg8 : memref<!tpu.dma_semaphore, #tpu.memory_space<semaphore_mem>>)
    %dma_start3A_52 = arith.constant 2 : i32
    %dma_start3A_53 = arith.constant 1 : i32
    %dma_start3A_54 = arith.constant 0 : i32
    %dma_start3A_55 = arith.constant 0 : i32
    %dma_start3A_56 = tpu.memref_slice %arg6[%dma_start3A_53, %dma_start3A_54, %dma_start3A_55] : memref<4x400x32xi32, #tpu.memory_space<vmem>> -> memref<1x96x32xi32, #tpu.memory_space<vmem>>
    %dma_start3A_57 = tpu.memref_squeeze %dma_start3A_56 : memref<1x96x32xi32, #tpu.memory_space<vmem>> -> memref<96x32xi32, #tpu.memory_space<vmem>>
    %dma_start3A_58 = arith.constant 0 : i32
    %dma_start3A_59 = tpu.memref_slice %arg5[%dma_start3A_52, %dma_start3A_58] : memref<64x200xi32, #tpu.memory_space<vmem>> -> memref<1x96xi32, #tpu.memory_space<vmem>>
    %dma_start3A_60 = tpu.memref_squeeze %dma_start3A_59 : memref<1x96xi32, #tpu.memory_space<vmem>> -> memref<96xi32, #tpu.memory_space<vmem>>
    %dma_start3A_61 = arith.constant 0 : i32
    %dma_start3A_62 = arith.constant 0 : i32
    %dma_start3A_63 = tpu.memref_slice %arg3[%dma_start3A_61, %dma_start3A_62] : memref<42000x32xi32, #tpu.memory_space<hbm>> -> memref<42000x32xi32, #tpu.memory_space<hbm>>
    tpu.enqueue_indirect_dma source(%dma_start3A_63 : memref<42000x32xi32, #tpu.memory_space<hbm>>) target(%dma_start3A_57 : memref<96x32xi32, #tpu.memory_space<vmem>>) offsets(%dma_start3A_60 : memref<96xi32, #tpu.memory_space<vmem>>) semaphore(%arg9 : memref<!tpu.dma_semaphore, #tpu.memory_space<semaphore_mem>>)
    %dma_start3A_64 = arith.constant 2 : i32
    %dma_start3A_65 = arith.constant 1 : i32
    %dma_start3A_66 = arith.constant 96 : i32
    %dma_start3A_67 = arith.constant 0 : i32
    %dma_start3A_68 = tpu.memref_slice %arg6[%dma_start3A_65, %dma_start3A_66, %dma_start3A_67] : memref<4x400x32xi32, #tpu.memory_space<vmem>> -> memref<1x104x32xi32, #tpu.memory_space<vmem>>
    %dma_start3A_69 = tpu.memref_squeeze %dma_start3A_68 : memref<1x104x32xi32, #tpu.memory_space<vmem>> -> memref<104x32xi32, #tpu.memory_space<vmem>>
    %dma_start3A_70 = arith.constant 96 : i32
    %dma_start3A_71 = tpu.memref_slice %arg5[%dma_start3A_64, %dma_start3A_70] : memref<64x200xi32, #tpu.memory_space<vmem>> -> memref<1x104xi32, #tpu.memory_space<vmem>>
    %dma_start3A_72 = tpu.memref_squeeze %dma_start3A_71 : memref<1x104xi32, #tpu.memory_space<vmem>> -> memref<104xi32, #tpu.memory_space<vmem>>
    %dma_start3A_73 = arith.constant 0 : i32
    %dma_start3A_74 = arith.constant 0 : i32
    %dma_start3A_75 = tpu.memref_slice %arg3[%dma_start3A_73, %dma_start3A_74] : memref<42000x32xi32, #tpu.memory_space<hbm>> -> memref<42000x32xi32, #tpu.memory_space<hbm>>
    tpu.enqueue_indirect_dma source(%dma_start3A_75 : memref<42000x32xi32, #tpu.memory_space<hbm>>) target(%dma_start3A_69 : memref<104x32xi32, #tpu.memory_space<vmem>>) offsets(%dma_start3A_72 : memref<104xi32, #tpu.memory_space<vmem>>) semaphore(%arg9 : memref<!tpu.dma_semaphore, #tpu.memory_space<semaphore_mem>>)
    %dma_start3A_76 = arith.constant 3 : i32
    %dma_start3A_77 = arith.constant 1 : i32
    %dma_start3A_78 = arith.constant 200 : i32
    %dma_start3A_79 = arith.constant 0 : i32
    %dma_start3A_80 = tpu.memref_slice %arg6[%dma_start3A_77, %dma_start3A_78, %dma_start3A_79] : memref<4x400x32xi32, #tpu.memory_space<vmem>> -> memref<1x96x32xi32, #tpu.memory_space<vmem>>
    %dma_start3A_81 = tpu.memref_squeeze %dma_start3A_80 : memref<1x96x32xi32, #tpu.memory_space<vmem>> -> memref<96x32xi32, #tpu.memory_space<vmem>>
    %dma_start3A_82 = arith.constant 0 : i32
    %dma_start3A_83 = tpu.memref_slice %arg5[%dma_start3A_76, %dma_start3A_82] : memref<64x200xi32, #tpu.memory_space<vmem>> -> memref<1x96xi32, #tpu.memory_space<vmem>>
    %dma_start3A_84 = tpu.memref_squeeze %dma_start3A_83 : memref<1x96xi32, #tpu.memory_space<vmem>> -> memref<96xi32, #tpu.memory_space<vmem>>
    %dma_start3A_85 = arith.constant 0 : i32
    %dma_start3A_86 = arith.constant 0 : i32
    %dma_start3A_87 = tpu.memref_slice %arg3[%dma_start3A_85, %dma_start3A_86] : memref<42000x32xi32, #tpu.memory_space<hbm>> -> memref<42000x32xi32, #tpu.memory_space<hbm>>
    tpu.enqueue_indirect_dma source(%dma_start3A_87 : memref<42000x32xi32, #tpu.memory_space<hbm>>) target(%dma_start3A_81 : memref<96x32xi32, #tpu.memory_space<vmem>>) offsets(%dma_start3A_84 : memref<96xi32, #tpu.memory_space<vmem>>) semaphore(%arg9 : memref<!tpu.dma_semaphore, #tpu.memory_space<semaphore_mem>>)
    %dma_start3A_88 = arith.constant 3 : i32
    %dma_start3A_89 = arith.constant 1 : i32
    %dma_start3A_90 = arith.constant 296 : i32
    %dma_start3A_91 = arith.constant 0 : i32
    %dma_start3A_92 = tpu.memref_slice %arg6[%dma_start3A_89, %dma_start3A_90, %dma_start3A_91] : memref<4x400x32xi32, #tpu.memory_space<vmem>> -> memref<1x104x32xi32, #tpu.memory_space<vmem>>
    %dma_start3A_93 = tpu.memref_squeeze %dma_start3A_92 : memref<1x104x32xi32, #tpu.memory_space<vmem>> -> memref<104x32xi32, #tpu.memory_space<vmem>>
    %dma_start3A_94 = arith.constant 96 : i32
    %dma_start3A_95 = tpu.memref_slice %arg5[%dma_start3A_88, %dma_start3A_94] : memref<64x200xi32, #tpu.memory_space<vmem>> -> memref<1x104xi32, #tpu.memory_space<vmem>>
    %dma_start3A_96 = tpu.memref_squeeze %dma_start3A_95 : memref<1x104xi32, #tpu.memory_space<vmem>> -> memref<104xi32, #tpu.memory_space<vmem>>
    %dma_start3A_97 = arith.constant 0 : i32
    %dma_start3A_98 = arith.constant 0 : i32
    %dma_start3A_99 = tpu.memref_slice %arg3[%dma_start3A_97, %dma_start3A_98] : memref<42000x32xi32, #tpu.memory_space<hbm>> -> memref<42000x32xi32, #tpu.memory_space<hbm>>
    tpu.enqueue_indirect_dma source(%dma_start3A_99 : memref<42000x32xi32, #tpu.memory_space<hbm>>) target(%dma_start3A_93 : memref<104x32xi32, #tpu.memory_space<vmem>>) offsets(%dma_start3A_96 : memref<104xi32, #tpu.memory_space<vmem>>) semaphore(%arg9 : memref<!tpu.dma_semaphore, #tpu.memory_space<semaphore_mem>>)
    %dma_start3A_100 = arith.constant 4 : i32
    %dma_start3A_101 = arith.constant 2 : i32
    %dma_start3A_102 = arith.constant 0 : i32
    %dma_start3A_103 = arith.constant 0 : i32
    %dma_start3A_104 = tpu.memref_slice %arg6[%dma_start3A_101, %dma_start3A_102, %dma_start3A_103] : memref<4x400x32xi32, #tpu.memory_space<vmem>> -> memref<1x96x32xi32, #tpu.memory_space<vmem>>
    %dma_start3A_105 = tpu.memref_squeeze %dma_start3A_104 : memref<1x96x32xi32, #tpu.memory_space<vmem>> -> memref<96x32xi32, #tpu.memory_space<vmem>>
    %dma_start3A_106 = arith.constant 0 : i32
    %dma_start3A_107 = tpu.memref_slice %arg5[%dma_start3A_100, %dma_start3A_106] : memref<64x200xi32, #tpu.memory_space<vmem>> -> memref<1x96xi32, #tpu.memory_space<vmem>>
    %dma_start3A_108 = tpu.memref_squeeze %dma_start3A_107 : memref<1x96xi32, #tpu.memory_space<vmem>> -> memref<96xi32, #tpu.memory_space<vmem>>
    %dma_start3A_109 = arith.constant 0 : i32
    %dma_start3A_110 = arith.constant 0 : i32
    %dma_start3A_111 = tpu.memref_slice %arg3[%dma_start3A_109, %dma_start3A_110] : memref<42000x32xi32, #tpu.memory_space<hbm>> -> memref<42000x32xi32, #tpu.memory_space<hbm>>
    tpu.enqueue_indirect_dma source(%dma_start3A_111 : memref<42000x32xi32, #tpu.memory_space<hbm>>) target(%dma_start3A_105 : memref<96x32xi32, #tpu.memory_space<vmem>>) offsets(%dma_start3A_108 : memref<96xi32, #tpu.memory_space<vmem>>) semaphore(%arg10 : memref<!tpu.dma_semaphore, #tpu.memory_space<semaphore_mem>>)
    %dma_start3A_112 = arith.constant 4 : i32
    %dma_start3A_113 = arith.constant 2 : i32
    %dma_start3A_114 = arith.constant 96 : i32
    %dma_start3A_115 = arith.constant 0 : i32
    %dma_start3A_116 = tpu.memref_slice %arg6[%dma_start3A_113, %dma_start3A_114, %dma_start3A_115] : memref<4x400x32xi32, #tpu.memory_space<vmem>> -> memref<1x104x32xi32, #tpu.memory_space<vmem>>
    %dma_start3A_117 = tpu.memref_squeeze %dma_start3A_116 : memref<1x104x32xi32, #tpu.memory_space<vmem>> -> memref<104x32xi32, #tpu.memory_space<vmem>>
    %dma_start3A_118 = arith.constant 96 : i32
    %dma_start3A_119 = tpu.memref_slice %arg5[%dma_start3A_112, %dma_start3A_118] : memref<64x200xi32, #tpu.memory_space<vmem>> -> memref<1x104xi32, #tpu.memory_space<vmem>>
    %dma_start3A_120 = tpu.memref_squeeze %dma_start3A_119 : memref<1x104xi32, #tpu.memory_space<vmem>> -> memref<104xi32, #tpu.memory_space<vmem>>
    %dma_start3A_121 = arith.constant 0 : i32
    %dma_start3A_122 = arith.constant 0 : i32
    %dma_start3A_123 = tpu.memref_slice %arg3[%dma_start3A_121, %dma_start3A_122] : memref<42000x32xi32, #tpu.memory_space<hbm>> -> memref<42000x32xi32, #tpu.memory_space<hbm>>
    tpu.enqueue_indirect_dma source(%dma_start3A_123 : memref<42000x32xi32, #tpu.memory_space<hbm>>) target(%dma_start3A_117 : memref<104x32xi32, #tpu.memory_space<vmem>>) offsets(%dma_start3A_120 : memref<104xi32, #tpu.memory_space<vmem>>) semaphore(%arg10 : memref<!tpu.dma_semaphore, #tpu.memory_space<semaphore_mem>>)
    %dma_start3A_124 = arith.constant 5 : i32
    %dma_start3A_125 = arith.constant 2 : i32
    %dma_start3A_126 = arith.constant 200 : i32
    %dma_start3A_127 = arith.constant 0 : i32
    %dma_start3A_128 = tpu.memref_slice %arg6[%dma_start3A_125, %dma_start3A_126, %dma_start3A_127] : memref<4x400x32xi32, #tpu.memory_space<vmem>> -> memref<1x96x32xi32, #tpu.memory_space<vmem>>
    %dma_start3A_129 = tpu.memref_squeeze %dma_start3A_128 : memref<1x96x32xi32, #tpu.memory_space<vmem>> -> memref<96x32xi32, #tpu.memory_space<vmem>>
    %dma_start3A_130 = arith.constant 0 : i32
    %dma_start3A_131 = tpu.memref_slice %arg5[%dma_start3A_124, %dma_start3A_130] : memref<64x200xi32, #tpu.memory_space<vmem>> -> memref<1x96xi32, #tpu.memory_space<vmem>>
    %dma_start3A_132 = tpu.memref_squeeze %dma_start3A_131 : memref<1x96xi32, #tpu.memory_space<vmem>> -> memref<96xi32, #tpu.memory_space<vmem>>
    %dma_start3A_133 = arith.constant 0 : i32
    %dma_start3A_134 = arith.constant 0 : i32
    %dma_start3A_135 = tpu.memref_slice %arg3[%dma_start3A_133, %dma_start3A_134] : memref<42000x32xi32, #tpu.memory_space<hbm>> -> memref<42000x32xi32, #tpu.memory_space<hbm>>
    tpu.enqueue_indirect_dma source(%dma_start3A_135 : memref<42000x32xi32, #tpu.memory_space<hbm>>) target(%dma_start3A_129 : memref<96x32xi32, #tpu.memory_space<vmem>>) offsets(%dma_start3A_132 : memref<96xi32, #tpu.memory_space<vmem>>) semaphore(%arg10 : memref<!tpu.dma_semaphore, #tpu.memory_space<semaphore_mem>>)
    %dma_start3A_136 = arith.constant 5 : i32
    %dma_start3A_137 = arith.constant 2 : i32
    %dma_start3A_138 = arith.constant 296 : i32
    %dma_start3A_139 = arith.constant 0 : i32
    %dma_start3A_140 = tpu.memref_slice %arg6[%dma_start3A_137, %dma_start3A_138, %dma_start3A_139] : memref<4x400x32xi32, #tpu.memory_space<vmem>> -> memref<1x104x32xi32, #tpu.memory_space<vmem>>
    %dma_start3A_141 = tpu.memref_squeeze %dma_start3A_140 : memref<1x104x32xi32, #tpu.memory_space<vmem>> -> memref<104x32xi32, #tpu.memory_space<vmem>>
    %dma_start3A_142 = arith.constant 96 : i32
    %dma_start3A_143 = tpu.memref_slice %arg5[%dma_start3A_136, %dma_start3A_142] : memref<64x200xi32, #tpu.memory_space<vmem>> -> memref<1x104xi32, #tpu.memory_space<vmem>>
    %dma_start3A_144 = tpu.memref_squeeze %dma_start3A_143 : memref<1x104xi32, #tpu.memory_space<vmem>> -> memref<104xi32, #tpu.memory_space<vmem>>
    %dma_start3A_145 = arith.constant 0 : i32
    %dma_start3A_146 = arith.constant 0 : i32
    %dma_start3A_147 = tpu.memref_slice %arg3[%dma_start3A_145, %dma_start3A_146] : memref<42000x32xi32, #tpu.memory_space<hbm>> -> memref<42000x32xi32, #tpu.memory_space<hbm>>
    tpu.enqueue_indirect_dma source(%dma_start3A_147 : memref<42000x32xi32, #tpu.memory_space<hbm>>) target(%dma_start3A_141 : memref<104x32xi32, #tpu.memory_space<vmem>>) offsets(%dma_start3A_144 : memref<104xi32, #tpu.memory_space<vmem>>) semaphore(%arg10 : memref<!tpu.dma_semaphore, #tpu.memory_space<semaphore_mem>>)
    %scan3A = arith.constant 0 : i32
    %scan3A_148 = arith.constant 0 : i32
    %scan3A_149 = arith.constant 64 : i32
    %scan3A_150 = arith.addi %scan3A_148, %scan3A_149 : i32
    %scan3A_151 = arith.constant 1 : i32
    %scan3A_152 = scf.for %scan3A_156 = %scan3A_148 to %scan3A_150 step %scan3A_151 iter_args(%scan3A_157 = %scan3A) -> (i32)  : i32 {
      %mul3A_158 = arith.constant 4 : i32
      %mul3A_159 = arith.muli %mul3A_158, %scan3A_156 : i32
      %add3A_160 = arith.constant 0 : i32
      %add3A_161 = arith.addi %mul3A_159, %add3A_160 : i32
      %jit3A = arith.constant 32 : i32
      %eq3A = arith.constant 0 : i32
      %eq3A_162 = arith.cmpi eq, %jit3A, %eq3A : i32
      %jit3A_163 = arith.constant 1 : i32
      %select_n3A = arith.select %eq3A_162, %jit3A_163, %jit3A : i32
      %rem3A = arith.remsi %add3A_161, %select_n3A : i32
      %ne3A = arith.constant 0 : i32
      %ne3A_164 = arith.cmpi ne, %rem3A, %ne3A : i32
      %lt3A = arith.constant 0 : i32
      %lt3A_165 = arith.cmpi slt, %rem3A, %lt3A : i32
      %lt3A_166 = arith.constant 0 : i32
      %lt3A_167 = arith.cmpi slt, %select_n3A, %lt3A_166 : i32
      %ne3A_168 = arith.xori %lt3A_165, %lt3A_167 : i1
      %and3A = arith.andi %ne3A_168, %ne3A_164 : i1
      %add3A_169 = arith.addi %rem3A, %select_n3A : i32
      %select_n3A_170 = arith.select %and3A, %add3A_169, %rem3A : i32
      %mul3A_171 = arith.constant 2 : i32
      %mul3A_172 = arith.muli %select_n3A_170, %mul3A_171 : i32
      %add3A_173 = arith.constant 0 : i32
      %add3A_174 = arith.addi %mul3A_172, %add3A_173 : i32
      %dma_wait3A = arith.constant 0 : i32
      %dma_wait3A_175 = arith.constant 0 : i32
      %dma_wait3A_176 = arith.constant 0 : i32
      %dma_wait3A_177 = tpu.memref_slice %arg6[%dma_wait3A, %dma_wait3A_175, %dma_wait3A_176] : memref<4x400x32xi32, #tpu.memory_space<vmem>> -> memref<1x96x32xi32, #tpu.memory_space<vmem>>
      %dma_wait3A_178 = tpu.memref_squeeze %dma_wait3A_177 : memref<1x96x32xi32, #tpu.memory_space<vmem>> -> memref<96x32xi32, #tpu.memory_space<vmem>>
      %dma_wait3A_179 = arith.constant 0 : i32
      %dma_wait3A_180 = tpu.memref_slice %arg5[%add3A_174, %dma_wait3A_179] : memref<64x200xi32, #tpu.memory_space<vmem>> -> memref<1x96xi32, #tpu.memory_space<vmem>>
      %dma_wait3A_181 = tpu.memref_squeeze %dma_wait3A_180 : memref<1x96xi32, #tpu.memory_space<vmem>> -> memref<96xi32, #tpu.memory_space<vmem>>
      %dma_wait3A_182 = arith.constant 0 : i32
      %dma_wait3A_183 = arith.constant 0 : i32
      %dma_wait3A_184 = tpu.memref_slice %arg3[%dma_wait3A_182, %dma_wait3A_183] : memref<42000x32xi32, #tpu.memory_space<hbm>> -> memref<42000x32xi32, #tpu.memory_space<hbm>>
      tpu.wait_indirect_dma semaphore(%arg8 : memref<!tpu.dma_semaphore, #tpu.memory_space<semaphore_mem>>) src(%dma_wait3A_184 : memref<42000x32xi32, #tpu.memory_space<hbm>>) dst(%dma_wait3A_178 : memref<96x32xi32, #tpu.memory_space<vmem>>)
      %jit3A_185 = arith.constant 32 : i32
      %eq3A_186 = arith.constant 0 : i32
      %eq3A_187 = arith.cmpi eq, %jit3A_185, %eq3A_186 : i32
      %jit3A_188 = arith.constant 1 : i32
      %select_n3A_189 = arith.select %eq3A_187, %jit3A_188, %jit3A_185 : i32
      %rem3A_190 = arith.remsi %add3A_161, %select_n3A_189 : i32
      %ne3A_191 = arith.constant 0 : i32
      %ne3A_192 = arith.cmpi ne, %rem3A_190, %ne3A_191 : i32
      %lt3A_193 = arith.constant 0 : i32
      %lt3A_194 = arith.cmpi slt, %rem3A_190, %lt3A_193 : i32
      %lt3A_195 = arith.constant 0 : i32
      %lt3A_196 = arith.cmpi slt, %select_n3A_189, %lt3A_195 : i32
      %ne3A_197 = arith.xori %lt3A_194, %lt3A_196 : i1
      %and3A_198 = arith.andi %ne3A_197, %ne3A_192 : i1
      %add3A_199 = arith.addi %rem3A_190, %select_n3A_189 : i32
      %select_n3A_200 = arith.select %and3A_198, %add3A_199, %rem3A_190 : i32
      %mul3A_201 = arith.constant 2 : i32
      %mul3A_202 = arith.muli %select_n3A_200, %mul3A_201 : i32
      %add3A_203 = arith.constant 0 : i32
      %add3A_204 = arith.addi %mul3A_202, %add3A_203 : i32
      %dma_wait3A_205 = arith.constant 0 : i32
      %dma_wait3A_206 = arith.constant 96 : i32
      %dma_wait3A_207 = arith.constant 0 : i32
      %dma_wait3A_208 = tpu.memref_slice %arg6[%dma_wait3A_205, %dma_wait3A_206, %dma_wait3A_207] : memref<4x400x32xi32, #tpu.memory_space<vmem>> -> memref<1x104x32xi32, #tpu.memory_space<vmem>>
      %dma_wait3A_209 = tpu.memref_squeeze %dma_wait3A_208 : memref<1x104x32xi32, #tpu.memory_space<vmem>> -> memref<104x32xi32, #tpu.memory_space<vmem>>
      %dma_wait3A_210 = arith.constant 96 : i32
      %dma_wait3A_211 = tpu.memref_slice %arg5[%add3A_204, %dma_wait3A_210] : memref<64x200xi32, #tpu.memory_space<vmem>> -> memref<1x104xi32, #tpu.memory_space<vmem>>
      %dma_wait3A_212 = tpu.memref_squeeze %dma_wait3A_211 : memref<1x104xi32, #tpu.memory_space<vmem>> -> memref<104xi32, #tpu.memory_space<vmem>>
      %dma_wait3A_213 = arith.constant 0 : i32
      %dma_wait3A_214 = arith.constant 0 : i32
      %dma_wait3A_215 = tpu.memref_slice %arg3[%dma_wait3A_213, %dma_wait3A_214] : memref<42000x32xi32, #tpu.memory_space<hbm>> -> memref<42000x32xi32, #tpu.memory_space<hbm>>
      tpu.wait_indirect_dma semaphore(%arg8 : memref<!tpu.dma_semaphore, #tpu.memory_space<semaphore_mem>>) src(%dma_wait3A_215 : memref<42000x32xi32, #tpu.memory_space<hbm>>) dst(%dma_wait3A_209 : memref<104x32xi32, #tpu.memory_space<vmem>>)
      %jit3A_216 = arith.constant 32 : i32
      %eq3A_217 = arith.constant 0 : i32
      %eq3A_218 = arith.cmpi eq, %jit3A_216, %eq3A_217 : i32
      %jit3A_219 = arith.constant 1 : i32
      %select_n3A_220 = arith.select %eq3A_218, %jit3A_219, %jit3A_216 : i32
      %rem3A_221 = arith.remsi %add3A_161, %select_n3A_220 : i32
      %ne3A_222 = arith.constant 0 : i32
      %ne3A_223 = arith.cmpi ne, %rem3A_221, %ne3A_222 : i32
      %lt3A_224 = arith.constant 0 : i32
      %lt3A_225 = arith.cmpi slt, %rem3A_221, %lt3A_224 : i32
      %lt3A_226 = arith.constant 0 : i32
      %lt3A_227 = arith.cmpi slt, %select_n3A_220, %lt3A_226 : i32
      %ne3A_228 = arith.xori %lt3A_225, %lt3A_227 : i1
      %and3A_229 = arith.andi %ne3A_228, %ne3A_223 : i1
      %add3A_230 = arith.addi %rem3A_221, %select_n3A_220 : i32
      %select_n3A_231 = arith.select %and3A_229, %add3A_230, %rem3A_221 : i32
      %mul3A_232 = arith.constant 2 : i32
      %mul3A_233 = arith.muli %select_n3A_231, %mul3A_232 : i32
      %add3A_234 = arith.constant 1 : i32
      %add3A_235 = arith.addi %mul3A_233, %add3A_234 : i32
      %dma_wait3A_236 = arith.constant 0 : i32
      %dma_wait3A_237 = arith.constant 200 : i32
      %dma_wait3A_238 = arith.constant 0 : i32
      %dma_wait3A_239 = tpu.memref_slice %arg6[%dma_wait3A_236, %dma_wait3A_237, %dma_wait3A_238] : memref<4x400x32xi32, #tpu.memory_space<vmem>> -> memref<1x96x32xi32, #tpu.memory_space<vmem>>
      %dma_wait3A_240 = tpu.memref_squeeze %dma_wait3A_239 : memref<1x96x32xi32, #tpu.memory_space<vmem>> -> memref<96x32xi32, #tpu.memory_space<vmem>>
      %dma_wait3A_241 = arith.constant 0 : i32
      %dma_wait3A_242 = tpu.memref_slice %arg5[%add3A_235, %dma_wait3A_241] : memref<64x200xi32, #tpu.memory_space<vmem>> -> memref<1x96xi32, #tpu.memory_space<vmem>>
      %dma_wait3A_243 = tpu.memref_squeeze %dma_wait3A_242 : memref<1x96xi32, #tpu.memory_space<vmem>> -> memref<96xi32, #tpu.memory_space<vmem>>
      %dma_wait3A_244 = arith.constant 0 : i32
      %dma_wait3A_245 = arith.constant 0 : i32
      %dma_wait3A_246 = tpu.memref_slice %arg3[%dma_wait3A_244, %dma_wait3A_245] : memref<42000x32xi32, #tpu.memory_space<hbm>> -> memref<42000x32xi32, #tpu.memory_space<hbm>>
      tpu.wait_indirect_dma semaphore(%arg8 : memref<!tpu.dma_semaphore, #tpu.memory_space<semaphore_mem>>) src(%dma_wait3A_246 : memref<42000x32xi32, #tpu.memory_space<hbm>>) dst(%dma_wait3A_240 : memref<96x32xi32, #tpu.memory_space<vmem>>)
      %jit3A_247 = arith.constant 32 : i32
      %eq3A_248 = arith.constant 0 : i32
      %eq3A_249 = arith.cmpi eq, %jit3A_247, %eq3A_248 : i32
      %jit3A_250 = arith.constant 1 : i32
      %select_n3A_251 = arith.select %eq3A_249, %jit3A_250, %jit3A_247 : i32
      %rem3A_252 = arith.remsi %add3A_161, %select_n3A_251 : i32
      %ne3A_253 = arith.constant 0 : i32
      %ne3A_254 = arith.cmpi ne, %rem3A_252, %ne3A_253 : i32
      %lt3A_255 = arith.constant 0 : i32
      %lt3A_256 = arith.cmpi slt, %rem3A_252, %lt3A_255 : i32
      %lt3A_257 = arith.constant 0 : i32
      %lt3A_258 = arith.cmpi slt, %select_n3A_251, %lt3A_257 : i32
      %ne3A_259 = arith.xori %lt3A_256, %lt3A_258 : i1
      %and3A_260 = arith.andi %ne3A_259, %ne3A_254 : i1
      %add3A_261 = arith.addi %rem3A_252, %select_n3A_251 : i32
      %select_n3A_262 = arith.select %and3A_260, %add3A_261, %rem3A_252 : i32
      %mul3A_263 = arith.constant 2 : i32
      %mul3A_264 = arith.muli %select_n3A_262, %mul3A_263 : i32
      %add3A_265 = arith.constant 1 : i32
      %add3A_266 = arith.addi %mul3A_264, %add3A_265 : i32
      %dma_wait3A_267 = arith.constant 0 : i32
      %dma_wait3A_268 = arith.constant 296 : i32
      %dma_wait3A_269 = arith.constant 0 : i32
      %dma_wait3A_270 = tpu.memref_slice %arg6[%dma_wait3A_267, %dma_wait3A_268, %dma_wait3A_269] : memref<4x400x32xi32, #tpu.memory_space<vmem>> -> memref<1x104x32xi32, #tpu.memory_space<vmem>>
      %dma_wait3A_271 = tpu.memref_squeeze %dma_wait3A_270 : memref<1x104x32xi32, #tpu.memory_space<vmem>> -> memref<104x32xi32, #tpu.memory_space<vmem>>
      %dma_wait3A_272 = arith.constant 96 : i32
      %dma_wait3A_273 = tpu.memref_slice %arg5[%add3A_266, %dma_wait3A_272] : memref<64x200xi32, #tpu.memory_space<vmem>> -> memref<1x104xi32, #tpu.memory_space<vmem>>
      %dma_wait3A_274 = tpu.memref_squeeze %dma_wait3A_273 : memref<1x104xi32, #tpu.memory_space<vmem>> -> memref<104xi32, #tpu.memory_space<vmem>>
      %dma_wait3A_275 = arith.constant 0 : i32
      %dma_wait3A_276 = arith.constant 0 : i32
      %dma_wait3A_277 = tpu.memref_slice %arg3[%dma_wait3A_275, %dma_wait3A_276] : memref<42000x32xi32, #tpu.memory_space<hbm>> -> memref<42000x32xi32, #tpu.memory_space<hbm>>
      tpu.wait_indirect_dma semaphore(%arg8 : memref<!tpu.dma_semaphore, #tpu.memory_space<semaphore_mem>>) src(%dma_wait3A_277 : memref<42000x32xi32, #tpu.memory_space<hbm>>) dst(%dma_wait3A_271 : memref<104x32xi32, #tpu.memory_space<vmem>>)
      %add3A_278 = arith.constant 3 : i32
      %add3A_279 = arith.addi %add3A_161, %add3A_278 : i32
      %lt3A_280 = arith.constant 256 : i32
      %lt3A_281 = arith.cmpi slt, %add3A_279, %lt3A_280 : i32
      %convert_element_type3A = arith.extui %lt3A_281 : i1 to i32
      %cond3A = arith.constant 0 : i32
      %cond3A_282 = arith.cmpi ne, %convert_element_type3A, %cond3A : i32
      scf.if %cond3A_282 {
        %jit3A_1015 = arith.constant 16 : i32
        %eq3A_1016 = arith.constant 0 : i32
        %eq3A_1017 = arith.cmpi eq, %jit3A_1015, %eq3A_1016 : i32
        %jit3A_1018 = arith.constant 1 : i32
        %select_n3A_1019 = arith.select %eq3A_1017, %jit3A_1018, %jit3A_1015 : i32
        %rem3A_1020 = arith.remsi %add3A_279, %select_n3A_1019 : i32
        %ne3A_1021 = arith.constant 0 : i32
        %ne3A_1022 = arith.cmpi ne, %rem3A_1020, %ne3A_1021 : i32
        %lt3A_1023 = arith.constant 0 : i32
        %lt3A_1024 = arith.cmpi slt, %rem3A_1020, %lt3A_1023 : i32
        %lt3A_1025 = arith.constant 0 : i32
        %lt3A_1026 = arith.cmpi slt, %select_n3A_1019, %lt3A_1025 : i32
        %ne3A_1027 = arith.xori %lt3A_1024, %lt3A_1026 : i1
        %and3A_1028 = arith.andi %ne3A_1027, %ne3A_1022 : i1
        %add3A_1029 = arith.addi %rem3A_1020, %select_n3A_1019 : i32
        %select_n3A_1030 = arith.select %and3A_1028, %add3A_1029, %rem3A_1020 : i32
        %eq3A_1031 = arith.constant 0 : i32
        %eq3A_1032 = arith.cmpi eq, %select_n3A_1030, %eq3A_1031 : i32
        %convert_element_type3A_1033 = arith.extui %eq3A_1032 : i1 to i32
        %cond3A_1034 = arith.constant 0 : i32
        %cond3A_1035 = arith.cmpi ne, %convert_element_type3A_1033, %cond3A_1034 : i32
        scf.if %cond3A_1035 {
          %jit3A_1160 = arith.constant 16 : i32
          %div3A = arith.divsi %add3A_279, %jit3A_1160 : i32
          %sign3A = arith.constant 0 : i32
          %sign3A_1161 = arith.cmpi sgt, %add3A_279, %sign3A : i32
          %sign3A_1162 = arith.extui %sign3A_1161 : i1 to i32
          %sign3A_1163 = arith.constant 0 : i32
          %sign3A_1164 = arith.cmpi slt, %add3A_279, %sign3A_1163 : i32
          %sign3A_1165 = arith.extui %sign3A_1164 : i1 to i32
          %sign3A_1166 = arith.subi %sign3A_1162, %sign3A_1165 : i32
          %sign3A_1167 = arith.constant 0 : i32
          %sign3A_1168 = arith.cmpi sgt, %jit3A_1160, %sign3A_1167 : i32
          %sign3A_1169 = arith.extui %sign3A_1168 : i1 to i32
          %sign3A_1170 = arith.constant 0 : i32
          %sign3A_1171 = arith.cmpi slt, %jit3A_1160, %sign3A_1170 : i32
          %sign3A_1172 = arith.extui %sign3A_1171 : i1 to i32
          %sign3A_1173 = arith.subi %sign3A_1169, %sign3A_1172 : i32
          %ne3A_1174 = arith.cmpi ne, %sign3A_1166, %sign3A_1173 : i32
          %rem3A_1175 = arith.remsi %add3A_279, %jit3A_1160 : i32
          %ne3A_1176 = arith.constant 0 : i32
          %ne3A_1177 = arith.cmpi ne, %rem3A_1175, %ne3A_1176 : i32
          %and3A_1178 = arith.andi %ne3A_1174, %ne3A_1177 : i1
          %sub3A = arith.constant 1 : i32
          %sub3A_1179 = arith.subi %div3A, %sub3A : i32
          %select_n3A_1180 = arith.select %and3A_1178, %sub3A_1179, %div3A : i32
          %mul3A_1181 = arith.constant 32 : i32
          %mul3A_1182 = arith.muli %select_n3A_1180, %mul3A_1181 : i32
          %add3A_1183 = arith.addi %mul3A_2, %mul3A_1182 : i32
          %jit3A_1184 = arith.constant 2 : i32
          %eq3A_1185 = arith.constant 0 : i32
          %eq3A_1186 = arith.cmpi eq, %jit3A_1184, %eq3A_1185 : i32
          %jit3A_1187 = arith.constant 1 : i32
          %select_n3A_1188 = arith.select %eq3A_1186, %jit3A_1187, %jit3A_1184 : i32
          %rem3A_1189 = arith.remsi %select_n3A_1180, %select_n3A_1188 : i32
          %ne3A_1190 = arith.constant 0 : i32
          %ne3A_1191 = arith.cmpi ne, %rem3A_1189, %ne3A_1190 : i32
          %lt3A_1192 = arith.constant 0 : i32
          %lt3A_1193 = arith.cmpi slt, %rem3A_1189, %lt3A_1192 : i32
          %lt3A_1194 = arith.constant 0 : i32
          %lt3A_1195 = arith.cmpi slt, %select_n3A_1188, %lt3A_1194 : i32
          %ne3A_1196 = arith.xori %lt3A_1193, %lt3A_1195 : i1
          %and3A_1197 = arith.andi %ne3A_1196, %ne3A_1191 : i1
          %add3A_1198 = arith.addi %rem3A_1189, %select_n3A_1188 : i32
          %select_n3A_1199 = arith.select %and3A_1197, %add3A_1198, %rem3A_1189 : i32
          %mul3A_1200 = arith.constant 32 : i32
          %mul3A_1201 = arith.muli %select_n3A_1199, %mul3A_1200 : i32
          "tpu.region"() ({
            %run_scoped3A = tpu.sem_alloc : memref<!tpu.dma_semaphore, #tpu.memory_space<semaphore_mem>>
            %dma_start3A_1202 = arith.constant 0 : i32
            %dma_start3A_1203 = tpu.memref_slice %arg5[%mul3A_1201, %dma_start3A_1202] : memref<64x200xi32, #tpu.memory_space<vmem>> -> memref<32x200xi32, #tpu.memory_space<vmem>>
            %dma_start3A_1204 = arith.constant 0 : i32
            %dma_start3A_1205 = tpu.memref_slice %arg2[%add3A_1183, %dma_start3A_1204] : memref<16384x200xi32, #tpu.memory_space<hbm>> -> memref<32x200xi32, #tpu.memory_space<hbm>>
            %dma_start3A_1206 = arith.constant 0 : i32
            %dma_start3A_1207 = tpu.memref_slice %arg5[%mul3A_1201, %dma_start3A_1206] : memref<64x200xi32, #tpu.memory_space<vmem>> -> memref<32x200xi32, #tpu.memory_space<vmem>>
            %dma_start3A_1208 = arith.constant 0 : i32
            %dma_start3A_1209 = tpu.memref_slice %arg2[%add3A_1183, %dma_start3A_1208] : memref<16384x200xi32, #tpu.memory_space<hbm>> -> memref<32x200xi32, #tpu.memory_space<hbm>>
            tpu.enqueue_dma source(%dma_start3A_1209 : memref<32x200xi32, #tpu.memory_space<hbm>>) target(%dma_start3A_1207 : memref<32x200xi32, #tpu.memory_space<vmem>>) target_semaphore(%run_scoped3A : memref<!tpu.dma_semaphore, #tpu.memory_space<semaphore_mem>>)
            %dma_wait3A_1210 = arith.constant 0 : i32
            %dma_wait3A_1211 = tpu.memref_slice %arg5[%mul3A_1201, %dma_wait3A_1210] : memref<64x200xi32, #tpu.memory_space<vmem>> -> memref<32x200xi32, #tpu.memory_space<vmem>>
            %dma_wait3A_1212 = arith.constant 0 : i32
            %dma_wait3A_1213 = tpu.memref_slice %arg2[%add3A_1183, %dma_wait3A_1212] : memref<16384x200xi32, #tpu.memory_space<hbm>> -> memref<32x200xi32, #tpu.memory_space<hbm>>
            %dma_wait3A_1214 = arith.constant 0 : i32
            %dma_wait3A_1215 = tpu.memref_slice %arg5[%mul3A_1201, %dma_wait3A_1214] : memref<64x200xi32, #tpu.memory_space<vmem>> -> memref<32x200xi32, #tpu.memory_space<vmem>>
            %dma_wait3A_1216 = arith.constant 0 : i32
            %dma_wait3A_1217 = tpu.memref_slice %arg2[%add3A_1183, %dma_wait3A_1216] : memref<16384x200xi32, #tpu.memory_space<hbm>> -> memref<32x200xi32, #tpu.memory_space<hbm>>
            tpu.wait_dma2 semaphore(%run_scoped3A : memref<!tpu.dma_semaphore, #tpu.memory_space<semaphore_mem>>) src(%dma_wait3A_1217 : memref<32x200xi32, #tpu.memory_space<hbm>>) dst(%dma_wait3A_1215 : memref<32x200xi32, #tpu.memory_space<vmem>>)
            tpu.yield
          }) : () -> ()
        } else {
        }
        %jit3A_1036 = arith.constant 32 : i32
        %eq3A_1037 = arith.constant 0 : i32
        %eq3A_1038 = arith.cmpi eq, %jit3A_1036, %eq3A_1037 : i32
        %jit3A_1039 = arith.constant 1 : i32
        %select_n3A_1040 = arith.select %eq3A_1038, %jit3A_1039, %jit3A_1036 : i32
        %rem3A_1041 = arith.remsi %add3A_279, %select_n3A_1040 : i32
        %ne3A_1042 = arith.constant 0 : i32
        %ne3A_1043 = arith.cmpi ne, %rem3A_1041, %ne3A_1042 : i32
        %lt3A_1044 = arith.constant 0 : i32
        %lt3A_1045 = arith.cmpi slt, %rem3A_1041, %lt3A_1044 : i32
        %lt3A_1046 = arith.constant 0 : i32
        %lt3A_1047 = arith.cmpi slt, %select_n3A_1040, %lt3A_1046 : i32
        %ne3A_1048 = arith.xori %lt3A_1045, %lt3A_1047 : i1
        %and3A_1049 = arith.andi %ne3A_1048, %ne3A_1043 : i1
        %add3A_1050 = arith.addi %rem3A_1041, %select_n3A_1040 : i32
        %select_n3A_1051 = arith.select %and3A_1049, %add3A_1050, %rem3A_1041 : i32
        %mul3A_1052 = arith.constant 2 : i32
        %mul3A_1053 = arith.muli %select_n3A_1051, %mul3A_1052 : i32
        %add3A_1054 = arith.constant 0 : i32
        %add3A_1055 = arith.addi %mul3A_1053, %add3A_1054 : i32
        %dma_start3A_1056 = arith.constant 3 : i32
        %dma_start3A_1057 = arith.constant 0 : i32
        %dma_start3A_1058 = arith.constant 0 : i32
        %dma_start3A_1059 = tpu.memref_slice %arg6[%dma_start3A_1056, %dma_start3A_1057, %dma_start3A_1058] : memref<4x400x32xi32, #tpu.memory_space<vmem>> -> memref<1x96x32xi32, #tpu.memory_space<vmem>>
        %dma_start3A_1060 = tpu.memref_squeeze %dma_start3A_1059 : memref<1x96x32xi32, #tpu.memory_space<vmem>> -> memref<96x32xi32, #tpu.memory_space<vmem>>
        %dma_start3A_1061 = arith.constant 0 : i32
        %dma_start3A_1062 = tpu.memref_slice %arg5[%add3A_1055, %dma_start3A_1061] : memref<64x200xi32, #tpu.memory_space<vmem>> -> memref<1x96xi32, #tpu.memory_space<vmem>>
        %dma_start3A_1063 = tpu.memref_squeeze %dma_start3A_1062 : memref<1x96xi32, #tpu.memory_space<vmem>> -> memref<96xi32, #tpu.memory_space<vmem>>
        %dma_start3A_1064 = arith.constant 0 : i32
        %dma_start3A_1065 = arith.constant 0 : i32
        %dma_start3A_1066 = tpu.memref_slice %arg3[%dma_start3A_1064, %dma_start3A_1065] : memref<42000x32xi32, #tpu.memory_space<hbm>> -> memref<42000x32xi32, #tpu.memory_space<hbm>>
        tpu.enqueue_indirect_dma source(%dma_start3A_1066 : memref<42000x32xi32, #tpu.memory_space<hbm>>) target(%dma_start3A_1060 : memref<96x32xi32, #tpu.memory_space<vmem>>) offsets(%dma_start3A_1063 : memref<96xi32, #tpu.memory_space<vmem>>) semaphore(%arg11 : memref<!tpu.dma_semaphore, #tpu.memory_space<semaphore_mem>>)
        %jit3A_1067 = arith.constant 32 : i32
        %eq3A_1068 = arith.constant 0 : i32
        %eq3A_1069 = arith.cmpi eq, %jit3A_1067, %eq3A_1068 : i32
        %jit3A_1070 = arith.constant 1 : i32
        %select_n3A_1071 = arith.select %eq3A_1069, %jit3A_1070, %jit3A_1067 : i32
        %rem3A_1072 = arith.remsi %add3A_279, %select_n3A_1071 : i32
        %ne3A_1073 = arith.constant 0 : i32
        %ne3A_1074 = arith.cmpi ne, %rem3A_1072, %ne3A_1073 : i32
        %lt3A_1075 = arith.constant 0 : i32
        %lt3A_1076 = arith.cmpi slt, %rem3A_1072, %lt3A_1075 : i32
        %lt3A_1077 = arith.constant 0 : i32
        %lt3A_1078 = arith.cmpi slt, %select_n3A_1071, %lt3A_1077 : i32
        %ne3A_1079 = arith.xori %lt3A_1076, %lt3A_1078 : i1
        %and3A_1080 = arith.andi %ne3A_1079, %ne3A_1074 : i1
        %add3A_1081 = arith.addi %rem3A_1072, %select_n3A_1071 : i32
        %select_n3A_1082 = arith.select %and3A_1080, %add3A_1081, %rem3A_1072 : i32
        %mul3A_1083 = arith.constant 2 : i32
        %mul3A_1084 = arith.muli %select_n3A_1082, %mul3A_1083 : i32
        %add3A_1085 = arith.constant 0 : i32
        %add3A_1086 = arith.addi %mul3A_1084, %add3A_1085 : i32
        %dma_start3A_1087 = arith.constant 3 : i32
        %dma_start3A_1088 = arith.constant 96 : i32
        %dma_start3A_1089 = arith.constant 0 : i32
        %dma_start3A_1090 = tpu.memref_slice %arg6[%dma_start3A_1087, %dma_start3A_1088, %dma_start3A_1089] : memref<4x400x32xi32, #tpu.memory_space<vmem>> -> memref<1x104x32xi32, #tpu.memory_space<vmem>>
        %dma_start3A_1091 = tpu.memref_squeeze %dma_start3A_1090 : memref<1x104x32xi32, #tpu.memory_space<vmem>> -> memref<104x32xi32, #tpu.memory_space<vmem>>
        %dma_start3A_1092 = arith.constant 96 : i32
        %dma_start3A_1093 = tpu.memref_slice %arg5[%add3A_1086, %dma_start3A_1092] : memref<64x200xi32, #tpu.memory_space<vmem>> -> memref<1x104xi32, #tpu.memory_space<vmem>>
        %dma_start3A_1094 = tpu.memref_squeeze %dma_start3A_1093 : memref<1x104xi32, #tpu.memory_space<vmem>> -> memref<104xi32, #tpu.memory_space<vmem>>
        %dma_start3A_1095 = arith.constant 0 : i32
        %dma_start3A_1096 = arith.constant 0 : i32
        %dma_start3A_1097 = tpu.memref_slice %arg3[%dma_start3A_1095, %dma_start3A_1096] : memref<42000x32xi32, #tpu.memory_space<hbm>> -> memref<42000x32xi32, #tpu.memory_space<hbm>>
        tpu.enqueue_indirect_dma source(%dma_start3A_1097 : memref<42000x32xi32, #tpu.memory_space<hbm>>) target(%dma_start3A_1091 : memref<104x32xi32, #tpu.memory_space<vmem>>) offsets(%dma_start3A_1094 : memref<104xi32, #tpu.memory_space<vmem>>) semaphore(%arg11 : memref<!tpu.dma_semaphore, #tpu.memory_space<semaphore_mem>>)
        %jit3A_1098 = arith.constant 32 : i32
        %eq3A_1099 = arith.constant 0 : i32
        %eq3A_1100 = arith.cmpi eq, %jit3A_1098, %eq3A_1099 : i32
        %jit3A_1101 = arith.constant 1 : i32
        %select_n3A_1102 = arith.select %eq3A_1100, %jit3A_1101, %jit3A_1098 : i32
        %rem3A_1103 = arith.remsi %add3A_279, %select_n3A_1102 : i32
        %ne3A_1104 = arith.constant 0 : i32
        %ne3A_1105 = arith.cmpi ne, %rem3A_1103, %ne3A_1104 : i32
        %lt3A_1106 = arith.constant 0 : i32
        %lt3A_1107 = arith.cmpi slt, %rem3A_1103, %lt3A_1106 : i32
        %lt3A_1108 = arith.constant 0 : i32
        %lt3A_1109 = arith.cmpi slt, %select_n3A_1102, %lt3A_1108 : i32
        %ne3A_1110 = arith.xori %lt3A_1107, %lt3A_1109 : i1
        %and3A_1111 = arith.andi %ne3A_1110, %ne3A_1105 : i1
        %add3A_1112 = arith.addi %rem3A_1103, %select_n3A_1102 : i32
        %select_n3A_1113 = arith.select %and3A_1111, %add3A_1112, %rem3A_1103 : i32
        %mul3A_1114 = arith.constant 2 : i32
        %mul3A_1115 = arith.muli %select_n3A_1113, %mul3A_1114 : i32
        %add3A_1116 = arith.constant 1 : i32
        %add3A_1117 = arith.addi %mul3A_1115, %add3A_1116 : i32
        %dma_start3A_1118 = arith.constant 3 : i32
        %dma_start3A_1119 = arith.constant 200 : i32
        %dma_start3A_1120 = arith.constant 0 : i32
        %dma_start3A_1121 = tpu.memref_slice %arg6[%dma_start3A_1118, %dma_start3A_1119, %dma_start3A_1120] : memref<4x400x32xi32, #tpu.memory_space<vmem>> -> memref<1x96x32xi32, #tpu.memory_space<vmem>>
        %dma_start3A_1122 = tpu.memref_squeeze %dma_start3A_1121 : memref<1x96x32xi32, #tpu.memory_space<vmem>> -> memref<96x32xi32, #tpu.memory_space<vmem>>
        %dma_start3A_1123 = arith.constant 0 : i32
        %dma_start3A_1124 = tpu.memref_slice %arg5[%add3A_1117, %dma_start3A_1123] : memref<64x200xi32, #tpu.memory_space<vmem>> -> memref<1x96xi32, #tpu.memory_space<vmem>>
        %dma_start3A_1125 = tpu.memref_squeeze %dma_start3A_1124 : memref<1x96xi32, #tpu.memory_space<vmem>> -> memref<96xi32, #tpu.memory_space<vmem>>
        %dma_start3A_1126 = arith.constant 0 : i32
        %dma_start3A_1127 = arith.constant 0 : i32
        %dma_start3A_1128 = tpu.memref_slice %arg3[%dma_start3A_1126, %dma_start3A_1127] : memref<42000x32xi32, #tpu.memory_space<hbm>> -> memref<42000x32xi32, #tpu.memory_space<hbm>>
        tpu.enqueue_indirect_dma source(%dma_start3A_1128 : memref<42000x32xi32, #tpu.memory_space<hbm>>) target(%dma_start3A_1122 : memref<96x32xi32, #tpu.memory_space<vmem>>) offsets(%dma_start3A_1125 : memref<96xi32, #tpu.memory_space<vmem>>) semaphore(%arg11 : memref<!tpu.dma_semaphore, #tpu.memory_space<semaphore_mem>>)
        %jit3A_1129 = arith.constant 32 : i32
        %eq3A_1130 = arith.constant 0 : i32
        %eq3A_1131 = arith.cmpi eq, %jit3A_1129, %eq3A_1130 : i32
        %jit3A_1132 = arith.constant 1 : i32
        %select_n3A_1133 = arith.select %eq3A_1131, %jit3A_1132, %jit3A_1129 : i32
        %rem3A_1134 = arith.remsi %add3A_279, %select_n3A_1133 : i32
        %ne3A_1135 = arith.constant 0 : i32
        %ne3A_1136 = arith.cmpi ne, %rem3A_1134, %ne3A_1135 : i32
        %lt3A_1137 = arith.constant 0 : i32
        %lt3A_1138 = arith.cmpi slt, %rem3A_1134, %lt3A_1137 : i32
        %lt3A_1139 = arith.constant 0 : i32
        %lt3A_1140 = arith.cmpi slt, %select_n3A_1133, %lt3A_1139 : i32
        %ne3A_1141 = arith.xori %lt3A_1138, %lt3A_1140 : i1
        %and3A_1142 = arith.andi %ne3A_1141, %ne3A_1136 : i1
        %add3A_1143 = arith.addi %rem3A_1134, %select_n3A_1133 : i32
        %select_n3A_1144 = arith.select %and3A_1142, %add3A_1143, %rem3A_1134 : i32
        %mul3A_1145 = arith.constant 2 : i32
        %mul3A_1146 = arith.muli %select_n3A_1144, %mul3A_1145 : i32
        %add3A_1147 = arith.constant 1 : i32
        %add3A_1148 = arith.addi %mul3A_1146, %add3A_1147 : i32
        %dma_start3A_1149 = arith.constant 3 : i32
        %dma_start3A_1150 = arith.constant 296 : i32
        %dma_start3A_1151 = arith.constant 0 : i32
        %dma_start3A_1152 = tpu.memref_slice %arg6[%dma_start3A_1149, %dma_start3A_1150, %dma_start3A_1151] : memref<4x400x32xi32, #tpu.memory_space<vmem>> -> memref<1x104x32xi32, #tpu.memory_space<vmem>>
        %dma_start3A_1153 = tpu.memref_squeeze %dma_start3A_1152 : memref<1x104x32xi32, #tpu.memory_space<vmem>> -> memref<104x32xi32, #tpu.memory_space<vmem>>
        %dma_start3A_1154 = arith.constant 96 : i32
        %dma_start3A_1155 = tpu.memref_slice %arg5[%add3A_1148, %dma_start3A_1154] : memref<64x200xi32, #tpu.memory_space<vmem>> -> memref<1x104xi32, #tpu.memory_space<vmem>>
        %dma_start3A_1156 = tpu.memref_squeeze %dma_start3A_1155 : memref<1x104xi32, #tpu.memory_space<vmem>> -> memref<104xi32, #tpu.memory_space<vmem>>
        %dma_start3A_1157 = arith.constant 0 : i32
        %dma_start3A_1158 = arith.constant 0 : i32
        %dma_start3A_1159 = tpu.memref_slice %arg3[%dma_start3A_1157, %dma_start3A_1158] : memref<42000x32xi32, #tpu.memory_space<hbm>> -> memref<42000x32xi32, #tpu.memory_space<hbm>>
        tpu.enqueue_indirect_dma source(%dma_start3A_1159 : memref<42000x32xi32, #tpu.memory_space<hbm>>) target(%dma_start3A_1153 : memref<104x32xi32, #tpu.memory_space<vmem>>) offsets(%dma_start3A_1156 : memref<104xi32, #tpu.memory_space<vmem>>) semaphore(%arg11 : memref<!tpu.dma_semaphore, #tpu.memory_space<semaphore_mem>>)
      } else {
      }
      %broadcast_in_dim3A = arith.constant 0.000000e+00 : f32
      %broadcast_in_dim3A_283 = vector.broadcast %broadcast_in_dim3A : f32 to vector<16xf32>
      %scan3A_284 = arith.constant 0 : i32
      %scan3A_285 = arith.constant 0 : i32
      %scan3A_286 = arith.constant 50 : i32
      %scan3A_287 = arith.addi %scan3A_285, %scan3A_286 : i32
      %scan3A_288 = arith.constant 1 : i32
      %scan3A_289:8 = scf.for %scan3A_1015 = %scan3A_285 to %scan3A_287 step %scan3A_288 iter_args(%scan3A_1016 = %broadcast_in_dim3A_283, %scan3A_1017 = %broadcast_in_dim3A_283, %scan3A_1018 = %broadcast_in_dim3A_283, %scan3A_1019 = %broadcast_in_dim3A_283, %scan3A_1020 = %broadcast_in_dim3A_283, %scan3A_1021 = %broadcast_in_dim3A_283, %scan3A_1022 = %broadcast_in_dim3A_283, %scan3A_1023 = %broadcast_in_dim3A_283) -> (vector<16xf32>, vector<16xf32>, vector<16xf32>, vector<16xf32>, vector<16xf32>, vector<16xf32>, vector<16xf32>, vector<16xf32>)  : i32 {
        %mul3A_1024 = arith.constant 4 : i32
        %mul3A_1025 = arith.muli %scan3A_1015, %mul3A_1024 : i32
        %add3A_1026 = arith.constant 0 : i32
        %add3A_1027 = arith.addi %add3A_1026, %mul3A_1025 : i32
        %add3A_1028 = arith.constant 0 : i32
        %add3A_1029 = arith.addi %add3A_1027, %add3A_1028 : i32
        %get3A = arith.constant 0 : i32
        %get3A_1030 = arith.constant 0 : i32
        %get3A_1031 = tpu.memref_slice %arg6[%scan3A_284, %get3A, %get3A_1030] : memref<4x400x32xi32, #tpu.memory_space<vmem>> -> memref<1x400x32xi32, #tpu.memory_space<vmem>>
        %get3A_1032 = tpu.memref_squeeze %get3A_1031 : memref<1x400x32xi32, #tpu.memory_space<vmem>> -> memref<400x32xi32, #tpu.memory_space<vmem>>
        %get3A_1033 = arith.index_cast %add3A_1029 : i32 to index
        %get3A_1034 = arith.constant 0 : index
        %get3A_1035 = tpu.vector_load %get3A_1032[%get3A_1033, %get3A_1034] {strides = array<i32>} : memref<400x32xi32, #tpu.memory_space<vmem>>, vector<16xi32>,
        %bitcast3A = vector.bitcast %get3A_1035 : vector<16xi32> to vector<32xbf16>
        %add3A_1036 = arith.constant 1 : i32
        %add3A_1037 = arith.addi %add3A_1029, %add3A_1036 : i32
        %get3A_1038 = arith.constant 0 : i32
        %get3A_1039 = arith.constant 0 : i32
        %get3A_1040 = tpu.memref_slice %arg6[%scan3A_284, %get3A_1038, %get3A_1039] : memref<4x400x32xi32, #tpu.memory_space<vmem>> -> memref<1x400x32xi32, #tpu.memory_space<vmem>>
        %get3A_1041 = tpu.memref_squeeze %get3A_1040 : memref<1x400x32xi32, #tpu.memory_space<vmem>> -> memref<400x32xi32, #tpu.memory_space<vmem>>
        %get3A_1042 = arith.index_cast %add3A_1037 : i32 to index
        %get3A_1043 = arith.constant 0 : index
        %get3A_1044 = tpu.vector_load %get3A_1041[%get3A_1042, %get3A_1043] {strides = array<i32>} : memref<400x32xi32, #tpu.memory_space<vmem>>, vector<16xi32>,
        %bitcast3A_1045 = vector.bitcast %get3A_1044 : vector<16xi32> to vector<32xbf16>
        %add3A_1046 = arith.addf %bitcast3A, %bitcast3A_1045 : vector<32xbf16>
        %unpack3A = tpu.unpack_subelements %add3A_1046, 0 {pack_format = #tpu.pack_format<interleaved>} : vector<32xbf16> -> vector<16xf32>
        %unpack3A_1047 = tpu.unpack_subelements %add3A_1046, 1 {pack_format = #tpu.pack_format<interleaved>} : vector<32xbf16> -> vector<16xf32>
        %add3A_1048 = arith.addf %scan3A_1016, %unpack3A : vector<16xf32>
        %add3A_1049 = arith.addf %scan3A_1017, %unpack3A_1047 : vector<16xf32>
        %get3A_1050 = arith.constant 0 : i32
        %get3A_1051 = arith.constant 0 : i32
        %get3A_1052 = tpu.memref_slice %arg6[%scan3A_284, %get3A_1050, %get3A_1051] : memref<4x400x32xi32, #tpu.memory_space<vmem>> -> memref<1x400x32xi32, #tpu.memory_space<vmem>>
        %get3A_1053 = tpu.memref_squeeze %get3A_1052 : memref<1x400x32xi32, #tpu.memory_space<vmem>> -> memref<400x32xi32, #tpu.memory_space<vmem>>
        %get3A_1054 = arith.index_cast %add3A_1029 : i32 to index
        %get3A_1055 = arith.constant 16 : index
        %get3A_1056 = tpu.vector_load %get3A_1053[%get3A_1054, %get3A_1055] {strides = array<i32>} : memref<400x32xi32, #tpu.memory_space<vmem>>, vector<16xi32>,
        %bitcast3A_1057 = vector.bitcast %get3A_1056 : vector<16xi32> to vector<32xbf16>
        %add3A_1058 = arith.constant 1 : i32
        %add3A_1059 = arith.addi %add3A_1029, %add3A_1058 : i32
        %get3A_1060 = arith.constant 0 : i32
        %get3A_1061 = arith.constant 0 : i32
        %get3A_1062 = tpu.memref_slice %arg6[%scan3A_284, %get3A_1060, %get3A_1061] : memref<4x400x32xi32, #tpu.memory_space<vmem>> -> memref<1x400x32xi32, #tpu.memory_space<vmem>>
        %get3A_1063 = tpu.memref_squeeze %get3A_1062 : memref<1x400x32xi32, #tpu.memory_space<vmem>> -> memref<400x32xi32, #tpu.memory_space<vmem>>
        %get3A_1064 = arith.index_cast %add3A_1059 : i32 to index
        %get3A_1065 = arith.constant 16 : index
        %get3A_1066 = tpu.vector_load %get3A_1063[%get3A_1064, %get3A_1065] {strides = array<i32>} : memref<400x32xi32, #tpu.memory_space<vmem>>, vector<16xi32>,
        %bitcast3A_1067 = vector.bitcast %get3A_1066 : vector<16xi32> to vector<32xbf16>
        %add3A_1068 = arith.addf %bitcast3A_1057, %bitcast3A_1067 : vector<32xbf16>
        %unpack3A_1069 = tpu.unpack_subelements %add3A_1068, 0 {pack_format = #tpu.pack_format<interleaved>} : vector<32xbf16> -> vector<16xf32>
        %unpack3A_1070 = tpu.unpack_subelements %add3A_1068, 1 {pack_format = #tpu.pack_format<interleaved>} : vector<32xbf16> -> vector<16xf32>
        %add3A_1071 = arith.addf %scan3A_1018, %unpack3A_1069 : vector<16xf32>
        %add3A_1072 = arith.addf %scan3A_1019, %unpack3A_1070 : vector<16xf32>
        %mul3A_1073 = arith.constant 4 : i32
        %mul3A_1074 = arith.muli %scan3A_1015, %mul3A_1073 : i32
        %add3A_1075 = arith.constant 0 : i32
        %add3A_1076 = arith.addi %add3A_1075, %mul3A_1074 : i32
        %add3A_1077 = arith.constant 2 : i32
        %add3A_1078 = arith.addi %add3A_1076, %add3A_1077 : i32
        %get3A_1079 = arith.constant 0 : i32
        %get3A_1080 = arith.constant 0 : i32
        %get3A_1081 = tpu.memref_slice %arg6[%scan3A_284, %get3A_1079, %get3A_1080] : memref<4x400x32xi32, #tpu.memory_space<vmem>> -> memref<1x400x32xi32, #tpu.memory_space<vmem>>
        %get3A_1082 = tpu.memref_squeeze %get3A_1081 : memref<1x400x32xi32, #tpu.memory_space<vmem>> -> memref<400x32xi32, #tpu.memory_space<vmem>>
        %get3A_1083 = arith.index_cast %add3A_1078 : i32 to index
        %get3A_1084 = arith.constant 0 : index
        %get3A_1085 = tpu.vector_load %get3A_1082[%get3A_1083, %get3A_1084] {strides = array<i32>} : memref<400x32xi32, #tpu.memory_space<vmem>>, vector<16xi32>,
        %bitcast3A_1086 = vector.bitcast %get3A_1085 : vector<16xi32> to vector<32xbf16>
        %add3A_1087 = arith.constant 1 : i32
        %add3A_1088 = arith.addi %add3A_1078, %add3A_1087 : i32
        %get3A_1089 = arith.constant 0 : i32
        %get3A_1090 = arith.constant 0 : i32
        %get3A_1091 = tpu.memref_slice %arg6[%scan3A_284, %get3A_1089, %get3A_1090] : memref<4x400x32xi32, #tpu.memory_space<vmem>> -> memref<1x400x32xi32, #tpu.memory_space<vmem>>
        %get3A_1092 = tpu.memref_squeeze %get3A_1091 : memref<1x400x32xi32, #tpu.memory_space<vmem>> -> memref<400x32xi32, #tpu.memory_space<vmem>>
        %get3A_1093 = arith.index_cast %add3A_1088 : i32 to index
        %get3A_1094 = arith.constant 0 : index
        %get3A_1095 = tpu.vector_load %get3A_1092[%get3A_1093, %get3A_1094] {strides = array<i32>} : memref<400x32xi32, #tpu.memory_space<vmem>>, vector<16xi32>,
        %bitcast3A_1096 = vector.bitcast %get3A_1095 : vector<16xi32> to vector<32xbf16>
        %add3A_1097 = arith.addf %bitcast3A_1086, %bitcast3A_1096 : vector<32xbf16>
        %unpack3A_1098 = tpu.unpack_subelements %add3A_1097, 0 {pack_format = #tpu.pack_format<interleaved>} : vector<32xbf16> -> vector<16xf32>
        %unpack3A_1099 = tpu.unpack_subelements %add3A_1097, 1 {pack_format = #tpu.pack_format<interleaved>} : vector<32xbf16> -> vector<16xf32>
        %add3A_1100 = arith.addf %scan3A_1020, %unpack3A_1098 : vector<16xf32>
        %add3A_1101 = arith.addf %scan3A_1021, %unpack3A_1099 : vector<16xf32>
        %get3A_1102 = arith.constant 0 : i32
        %get3A_1103 = arith.constant 0 : i32
        %get3A_1104 = tpu.memref_slice %arg6[%scan3A_284, %get3A_1102, %get3A_1103] : memref<4x400x32xi32, #tpu.memory_space<vmem>> -> memref<1x400x32xi32, #tpu.memory_space<vmem>>
        %get3A_1105 = tpu.memref_squeeze %get3A_1104 : memref<1x400x32xi32, #tpu.memory_space<vmem>> -> memref<400x32xi32, #tpu.memory_space<vmem>>
        %get3A_1106 = arith.index_cast %add3A_1078 : i32 to index
        %get3A_1107 = arith.constant 16 : index
        %get3A_1108 = tpu.vector_load %get3A_1105[%get3A_1106, %get3A_1107] {strides = array<i32>} : memref<400x32xi32, #tpu.memory_space<vmem>>, vector<16xi32>,
        %bitcast3A_1109 = vector.bitcast %get3A_1108 : vector<16xi32> to vector<32xbf16>
        %add3A_1110 = arith.constant 1 : i32
        %add3A_1111 = arith.addi %add3A_1078, %add3A_1110 : i32
        %get3A_1112 = arith.constant 0 : i32
        %get3A_1113 = arith.constant 0 : i32
        %get3A_1114 = tpu.memref_slice %arg6[%scan3A_284, %get3A_1112, %get3A_1113] : memref<4x400x32xi32, #tpu.memory_space<vmem>> -> memref<1x400x32xi32, #tpu.memory_space<vmem>>
        %get3A_1115 = tpu.memref_squeeze %get3A_1114 : memref<1x400x32xi32, #tpu.memory_space<vmem>> -> memref<400x32xi32, #tpu.memory_space<vmem>>
        %get3A_1116 = arith.index_cast %add3A_1111 : i32 to index
        %get3A_1117 = arith.constant 16 : index
        %get3A_1118 = tpu.vector_load %get3A_1115[%get3A_1116, %get3A_1117] {strides = array<i32>} : memref<400x32xi32, #tpu.memory_space<vmem>>, vector<16xi32>,
        %bitcast3A_1119 = vector.bitcast %get3A_1118 : vector<16xi32> to vector<32xbf16>
        %add3A_1120 = arith.addf %bitcast3A_1109, %bitcast3A_1119 : vector<32xbf16>
        %unpack3A_1121 = tpu.unpack_subelements %add3A_1120, 0 {pack_format = #tpu.pack_format<interleaved>} : vector<32xbf16> -> vector<16xf32>
        %unpack3A_1122 = tpu.unpack_subelements %add3A_1120, 1 {pack_format = #tpu.pack_format<interleaved>} : vector<32xbf16> -> vector<16xf32>
        %add3A_1123 = arith.addf %scan3A_1022, %unpack3A_1121 : vector<16xf32>
        %add3A_1124 = arith.addf %scan3A_1023, %unpack3A_1122 : vector<16xf32>
        scf.yield %add3A_1048, %add3A_1049, %add3A_1071, %add3A_1072, %add3A_1100, %add3A_1101, %add3A_1123, %add3A_1124 : vector<16xf32>, vector<16xf32>, vector<16xf32>, vector<16xf32>, vector<16xf32>, vector<16xf32>, vector<16xf32>, vector<16xf32>
      }
      %scan3A_290 = arith.constant 50 : i32
      %mul3A_291 = arith.constant 2 : i32
      %mul3A_292 = arith.muli %add3A_161, %mul3A_291 : i32
      %add3A_293 = arith.constant 0 : i32
      %add3A_294 = arith.addi %mul3A_292, %add3A_293 : i32
      %add3A_295 = arith.addf %scan3A_289#0, %scan3A_289#4 : vector<16xf32>
      %mul3A_296 = arith.constant 5.000000e-03 : f32
      %mul3A_297 = vector.broadcast %mul3A_296 : f32 to vector<16xf32>
      %mul3A_298 = arith.mulf %add3A_295, %mul3A_297 : vector<16xf32>
      %swap3A = arith.index_cast %add3A_294 : i32 to index
      %swap3A_299 = arith.constant 0 : index
      %swap3A_300 = tpu.vector_load %arg7[%swap3A, %swap3A_299] {strides = array<i32>} : memref<512x64xf32, #tpu.memory_space<vmem>>, vector<16xf32>,
      tpu.vector_store %arg7[%swap3A, %swap3A_299], %mul3A_298 {strides = array<i32>} : memref<512x64xf32, #tpu.memory_space<vmem>>, vector<16xf32>,
      %add3A_301 = arith.addf %scan3A_289#1, %scan3A_289#5 : vector<16xf32>
      %mul3A_302 = arith.constant 5.000000e-03 : f32
      %mul3A_303 = vector.broadcast %mul3A_302 : f32 to vector<16xf32>
      %mul3A_304 = arith.mulf %add3A_301, %mul3A_303 : vector<16xf32>
      %swap3A_305 = arith.index_cast %add3A_294 : i32 to index
      %swap3A_306 = arith.constant 16 : index
      %swap3A_307 = tpu.vector_load %arg7[%swap3A_305, %swap3A_306] {strides = array<i32>} : memref<512x64xf32, #tpu.memory_space<vmem>>, vector<16xf32>,
      tpu.vector_store %arg7[%swap3A_305, %swap3A_306], %mul3A_304 {strides = array<i32>} : memref<512x64xf32, #tpu.memory_space<vmem>>, vector<16xf32>,
      %add3A_308 = arith.addf %scan3A_289#2, %scan3A_289#6 : vector<16xf32>
      %mul3A_309 = arith.constant 5.000000e-03 : f32
      %mul3A_310 = vector.broadcast %mul3A_309 : f32 to vector<16xf32>
      %mul3A_311 = arith.mulf %add3A_308, %mul3A_310 : vector<16xf32>
      %swap3A_312 = arith.index_cast %add3A_294 : i32 to index
      %swap3A_313 = arith.constant 32 : index
      %swap3A_314 = tpu.vector_load %arg7[%swap3A_312, %swap3A_313] {strides = array<i32>} : memref<512x64xf32, #tpu.memory_space<vmem>>, vector<16xf32>,
      tpu.vector_store %arg7[%swap3A_312, %swap3A_313], %mul3A_311 {strides = array<i32>} : memref<512x64xf32, #tpu.memory_space<vmem>>, vector<16xf32>,
      %add3A_315 = arith.addf %scan3A_289#3, %scan3A_289#7 : vector<16xf32>
      %mul3A_316 = arith.constant 5.000000e-03 : f32
      %mul3A_317 = vector.broadcast %mul3A_316 : f32 to vector<16xf32>
      %mul3A_318 = arith.mulf %add3A_315, %mul3A_317 : vector<16xf32>
      %swap3A_319 = arith.index_cast %add3A_294 : i32 to index
      %swap3A_320 = arith.constant 48 : index
      %swap3A_321 = tpu.vector_load %arg7[%swap3A_319, %swap3A_320] {strides = array<i32>} : memref<512x64xf32, #tpu.memory_space<vmem>>, vector<16xf32>,
      tpu.vector_store %arg7[%swap3A_319, %swap3A_320], %mul3A_318 {strides = array<i32>} : memref<512x64xf32, #tpu.memory_space<vmem>>, vector<16xf32>,
      %broadcast_in_dim3A_322 = arith.constant 0.000000e+00 : f32
      %broadcast_in_dim3A_323 = vector.broadcast %broadcast_in_dim3A_322 : f32 to vector<16xf32>
      %scan3A_324 = arith.constant 0 : i32
      %scan3A_325 = arith.constant 0 : i32
      %scan3A_326 = arith.constant 50 : i32
      %scan3A_327 = arith.addi %scan3A_325, %scan3A_326 : i32
      %scan3A_328 = arith.constant 1 : i32
      %scan3A_329:8 = scf.for %scan3A_1015 = %scan3A_325 to %scan3A_327 step %scan3A_328 iter_args(%scan3A_1016 = %broadcast_in_dim3A_323, %scan3A_1017 = %broadcast_in_dim3A_323, %scan3A_1018 = %broadcast_in_dim3A_323, %scan3A_1019 = %broadcast_in_dim3A_323, %scan3A_1020 = %broadcast_in_dim3A_323, %scan3A_1021 = %broadcast_in_dim3A_323, %scan3A_1022 = %broadcast_in_dim3A_323, %scan3A_1023 = %broadcast_in_dim3A_323) -> (vector<16xf32>, vector<16xf32>, vector<16xf32>, vector<16xf32>, vector<16xf32>, vector<16xf32>, vector<16xf32>, vector<16xf32>)  : i32 {
        %mul3A_1024 = arith.constant 4 : i32
        %mul3A_1025 = arith.muli %scan3A_1015, %mul3A_1024 : i32
        %add3A_1026 = arith.constant 200 : i32
        %add3A_1027 = arith.addi %add3A_1026, %mul3A_1025 : i32
        %add3A_1028 = arith.constant 0 : i32
        %add3A_1029 = arith.addi %add3A_1027, %add3A_1028 : i32
        %get3A = arith.constant 0 : i32
        %get3A_1030 = arith.constant 0 : i32
        %get3A_1031 = tpu.memref_slice %arg6[%scan3A_324, %get3A, %get3A_1030] : memref<4x400x32xi32, #tpu.memory_space<vmem>> -> memref<1x400x32xi32, #tpu.memory_space<vmem>>
        %get3A_1032 = tpu.memref_squeeze %get3A_1031 : memref<1x400x32xi32, #tpu.memory_space<vmem>> -> memref<400x32xi32, #tpu.memory_space<vmem>>
        %get3A_1033 = arith.index_cast %add3A_1029 : i32 to index
        %get3A_1034 = arith.constant 0 : index
        %get3A_1035 = tpu.vector_load %get3A_1032[%get3A_1033, %get3A_1034] {strides = array<i32>} : memref<400x32xi32, #tpu.memory_space<vmem>>, vector<16xi32>,
        %bitcast3A = vector.bitcast %get3A_1035 : vector<16xi32> to vector<32xbf16>
        %add3A_1036 = arith.constant 1 : i32
        %add3A_1037 = arith.addi %add3A_1029, %add3A_1036 : i32
        %get3A_1038 = arith.constant 0 : i32
        %get3A_1039 = arith.constant 0 : i32
        %get3A_1040 = tpu.memref_slice %arg6[%scan3A_324, %get3A_1038, %get3A_1039] : memref<4x400x32xi32, #tpu.memory_space<vmem>> -> memref<1x400x32xi32, #tpu.memory_space<vmem>>
        %get3A_1041 = tpu.memref_squeeze %get3A_1040 : memref<1x400x32xi32, #tpu.memory_space<vmem>> -> memref<400x32xi32, #tpu.memory_space<vmem>>
        %get3A_1042 = arith.index_cast %add3A_1037 : i32 to index
        %get3A_1043 = arith.constant 0 : index
        %get3A_1044 = tpu.vector_load %get3A_1041[%get3A_1042, %get3A_1043] {strides = array<i32>} : memref<400x32xi32, #tpu.memory_space<vmem>>, vector<16xi32>,
        %bitcast3A_1045 = vector.bitcast %get3A_1044 : vector<16xi32> to vector<32xbf16>
        %add3A_1046 = arith.addf %bitcast3A, %bitcast3A_1045 : vector<32xbf16>
        %unpack3A = tpu.unpack_subelements %add3A_1046, 0 {pack_format = #tpu.pack_format<interleaved>} : vector<32xbf16> -> vector<16xf32>
        %unpack3A_1047 = tpu.unpack_subelements %add3A_1046, 1 {pack_format = #tpu.pack_format<interleaved>} : vector<32xbf16> -> vector<16xf32>
        %add3A_1048 = arith.addf %scan3A_1016, %unpack3A : vector<16xf32>
        %add3A_1049 = arith.addf %scan3A_1017, %unpack3A_1047 : vector<16xf32>
        %get3A_1050 = arith.constant 0 : i32
        %get3A_1051 = arith.constant 0 : i32
        %get3A_1052 = tpu.memref_slice %arg6[%scan3A_324, %get3A_1050, %get3A_1051] : memref<4x400x32xi32, #tpu.memory_space<vmem>> -> memref<1x400x32xi32, #tpu.memory_space<vmem>>
        %get3A_1053 = tpu.memref_squeeze %get3A_1052 : memref<1x400x32xi32, #tpu.memory_space<vmem>> -> memref<400x32xi32, #tpu.memory_space<vmem>>
        %get3A_1054 = arith.index_cast %add3A_1029 : i32 to index
        %get3A_1055 = arith.constant 16 : index
        %get3A_1056 = tpu.vector_load %get3A_1053[%get3A_1054, %get3A_1055] {strides = array<i32>} : memref<400x32xi32, #tpu.memory_space<vmem>>, vector<16xi32>,
        %bitcast3A_1057 = vector.bitcast %get3A_1056 : vector<16xi32> to vector<32xbf16>
        %add3A_1058 = arith.constant 1 : i32
        %add3A_1059 = arith.addi %add3A_1029, %add3A_1058 : i32
        %get3A_1060 = arith.constant 0 : i32
        %get3A_1061 = arith.constant 0 : i32
        %get3A_1062 = tpu.memref_slice %arg6[%scan3A_324, %get3A_1060, %get3A_1061] : memref<4x400x32xi32, #tpu.memory_space<vmem>> -> memref<1x400x32xi32, #tpu.memory_space<vmem>>
        %get3A_1063 = tpu.memref_squeeze %get3A_1062 : memref<1x400x32xi32, #tpu.memory_space<vmem>> -> memref<400x32xi32, #tpu.memory_space<vmem>>
        %get3A_1064 = arith.index_cast %add3A_1059 : i32 to index
        %get3A_1065 = arith.constant 16 : index
        %get3A_1066 = tpu.vector_load %get3A_1063[%get3A_1064, %get3A_1065] {strides = array<i32>} : memref<400x32xi32, #tpu.memory_space<vmem>>, vector<16xi32>,
        %bitcast3A_1067 = vector.bitcast %get3A_1066 : vector<16xi32> to vector<32xbf16>
        %add3A_1068 = arith.addf %bitcast3A_1057, %bitcast3A_1067 : vector<32xbf16>
        %unpack3A_1069 = tpu.unpack_subelements %add3A_1068, 0 {pack_format = #tpu.pack_format<interleaved>} : vector<32xbf16> -> vector<16xf32>
        %unpack3A_1070 = tpu.unpack_subelements %add3A_1068, 1 {pack_format = #tpu.pack_format<interleaved>} : vector<32xbf16> -> vector<16xf32>
        %add3A_1071 = arith.addf %scan3A_1018, %unpack3A_1069 : vector<16xf32>
        %add3A_1072 = arith.addf %scan3A_1019, %unpack3A_1070 : vector<16xf32>
        %mul3A_1073 = arith.constant 4 : i32
        %mul3A_1074 = arith.muli %scan3A_1015, %mul3A_1073 : i32
        %add3A_1075 = arith.constant 200 : i32
        %add3A_1076 = arith.addi %add3A_1075, %mul3A_1074 : i32
        %add3A_1077 = arith.constant 2 : i32
        %add3A_1078 = arith.addi %add3A_1076, %add3A_1077 : i32
        %get3A_1079 = arith.constant 0 : i32
        %get3A_1080 = arith.constant 0 : i32
        %get3A_1081 = tpu.memref_slice %arg6[%scan3A_324, %get3A_1079, %get3A_1080] : memref<4x400x32xi32, #tpu.memory_space<vmem>> -> memref<1x400x32xi32, #tpu.memory_space<vmem>>
        %get3A_1082 = tpu.memref_squeeze %get3A_1081 : memref<1x400x32xi32, #tpu.memory_space<vmem>> -> memref<400x32xi32, #tpu.memory_space<vmem>>
        %get3A_1083 = arith.index_cast %add3A_1078 : i32 to index
        %get3A_1084 = arith.constant 0 : index
        %get3A_1085 = tpu.vector_load %get3A_1082[%get3A_1083, %get3A_1084] {strides = array<i32>} : memref<400x32xi32, #tpu.memory_space<vmem>>, vector<16xi32>,
        %bitcast3A_1086 = vector.bitcast %get3A_1085 : vector<16xi32> to vector<32xbf16>
        %add3A_1087 = arith.constant 1 : i32
        %add3A_1088 = arith.addi %add3A_1078, %add3A_1087 : i32
        %get3A_1089 = arith.constant 0 : i32
        %get3A_1090 = arith.constant 0 : i32
        %get3A_1091 = tpu.memref_slice %arg6[%scan3A_324, %get3A_1089, %get3A_1090] : memref<4x400x32xi32, #tpu.memory_space<vmem>> -> memref<1x400x32xi32, #tpu.memory_space<vmem>>
        %get3A_1092 = tpu.memref_squeeze %get3A_1091 : memref<1x400x32xi32, #tpu.memory_space<vmem>> -> memref<400x32xi32, #tpu.memory_space<vmem>>
        %get3A_1093 = arith.index_cast %add3A_1088 : i32 to index
        %get3A_1094 = arith.constant 0 : index
        %get3A_1095 = tpu.vector_load %get3A_1092[%get3A_1093, %get3A_1094] {strides = array<i32>} : memref<400x32xi32, #tpu.memory_space<vmem>>, vector<16xi32>,
        %bitcast3A_1096 = vector.bitcast %get3A_1095 : vector<16xi32> to vector<32xbf16>
        %add3A_1097 = arith.addf %bitcast3A_1086, %bitcast3A_1096 : vector<32xbf16>
        %unpack3A_1098 = tpu.unpack_subelements %add3A_1097, 0 {pack_format = #tpu.pack_format<interleaved>} : vector<32xbf16> -> vector<16xf32>
        %unpack3A_1099 = tpu.unpack_subelements %add3A_1097, 1 {pack_format = #tpu.pack_format<interleaved>} : vector<32xbf16> -> vector<16xf32>
        %add3A_1100 = arith.addf %scan3A_1020, %unpack3A_1098 : vector<16xf32>
        %add3A_1101 = arith.addf %scan3A_1021, %unpack3A_1099 : vector<16xf32>
        %get3A_1102 = arith.constant 0 : i32
        %get3A_1103 = arith.constant 0 : i32
        %get3A_1104 = tpu.memref_slice %arg6[%scan3A_324, %get3A_1102, %get3A_1103] : memref<4x400x32xi32, #tpu.memory_space<vmem>> -> memref<1x400x32xi32, #tpu.memory_space<vmem>>
        %get3A_1105 = tpu.memref_squeeze %get3A_1104 : memref<1x400x32xi32, #tpu.memory_space<vmem>> -> memref<400x32xi32, #tpu.memory_space<vmem>>
        %get3A_1106 = arith.index_cast %add3A_1078 : i32 to index
        %get3A_1107 = arith.constant 16 : index
        %get3A_1108 = tpu.vector_load %get3A_1105[%get3A_1106, %get3A_1107] {strides = array<i32>} : memref<400x32xi32, #tpu.memory_space<vmem>>, vector<16xi32>,
        %bitcast3A_1109 = vector.bitcast %get3A_1108 : vector<16xi32> to vector<32xbf16>
        %add3A_1110 = arith.constant 1 : i32
        %add3A_1111 = arith.addi %add3A_1078, %add3A_1110 : i32
        %get3A_1112 = arith.constant 0 : i32
        %get3A_1113 = arith.constant 0 : i32
        %get3A_1114 = tpu.memref_slice %arg6[%scan3A_324, %get3A_1112, %get3A_1113] : memref<4x400x32xi32, #tpu.memory_space<vmem>> -> memref<1x400x32xi32, #tpu.memory_space<vmem>>
        %get3A_1115 = tpu.memref_squeeze %get3A_1114 : memref<1x400x32xi32, #tpu.memory_space<vmem>> -> memref<400x32xi32, #tpu.memory_space<vmem>>
        %get3A_1116 = arith.index_cast %add3A_1111 : i32 to index
        %get3A_1117 = arith.constant 16 : index
        %get3A_1118 = tpu.vector_load %get3A_1115[%get3A_1116, %get3A_1117] {strides = array<i32>} : memref<400x32xi32, #tpu.memory_space<vmem>>, vector<16xi32>,
        %bitcast3A_1119 = vector.bitcast %get3A_1118 : vector<16xi32> to vector<32xbf16>
        %add3A_1120 = arith.addf %bitcast3A_1109, %bitcast3A_1119 : vector<32xbf16>
        %unpack3A_1121 = tpu.unpack_subelements %add3A_1120, 0 {pack_format = #tpu.pack_format<interleaved>} : vector<32xbf16> -> vector<16xf32>
        %unpack3A_1122 = tpu.unpack_subelements %add3A_1120, 1 {pack_format = #tpu.pack_format<interleaved>} : vector<32xbf16> -> vector<16xf32>
        %add3A_1123 = arith.addf %scan3A_1022, %unpack3A_1121 : vector<16xf32>
        %add3A_1124 = arith.addf %scan3A_1023, %unpack3A_1122 : vector<16xf32>
        scf.yield %add3A_1048, %add3A_1049, %add3A_1071, %add3A_1072, %add3A_1100, %add3A_1101, %add3A_1123, %add3A_1124 : vector<16xf32>, vector<16xf32>, vector<16xf32>, vector<16xf32>, vector<16xf32>, vector<16xf32>, vector<16xf32>, vector<16xf32>
      }
      %scan3A_330 = arith.constant 50 : i32
      %mul3A_331 = arith.constant 2 : i32
      %mul3A_332 = arith.muli %add3A_161, %mul3A_331 : i32
      %add3A_333 = arith.constant 1 : i32
      %add3A_334 = arith.addi %mul3A_332, %add3A_333 : i32
      %add3A_335 = arith.addf %scan3A_329#0, %scan3A_329#4 : vector<16xf32>
      %mul3A_336 = arith.constant 5.000000e-03 : f32
      %mul3A_337 = vector.broadcast %mul3A_336 : f32 to vector<16xf32>
      %mul3A_338 = arith.mulf %add3A_335, %mul3A_337 : vector<16xf32>
      %swap3A_339 = arith.index_cast %add3A_334 : i32 to index
      %swap3A_340 = arith.constant 0 : index
      %swap3A_341 = tpu.vector_load %arg7[%swap3A_339, %swap3A_340] {strides = array<i32>} : memref<512x64xf32, #tpu.memory_space<vmem>>, vector<16xf32>,
      tpu.vector_store %arg7[%swap3A_339, %swap3A_340], %mul3A_338 {strides = array<i32>} : memref<512x64xf32, #tpu.memory_space<vmem>>, vector<16xf32>,
      %add3A_342 = arith.addf %scan3A_329#1, %scan3A_329#5 : vector<16xf32>
      %mul3A_343 = arith.constant 5.000000e-03 : f32
      %mul3A_344 = vector.broadcast %mul3A_343 : f32 to vector<16xf32>
      %mul3A_345 = arith.mulf %add3A_342, %mul3A_344 : vector<16xf32>
      %swap3A_346 = arith.index_cast %add3A_334 : i32 to index
      %swap3A_347 = arith.constant 16 : index
      %swap3A_348 = tpu.vector_load %arg7[%swap3A_346, %swap3A_347] {strides = array<i32>} : memref<512x64xf32, #tpu.memory_space<vmem>>, vector<16xf32>,
      tpu.vector_store %arg7[%swap3A_346, %swap3A_347], %mul3A_345 {strides = array<i32>} : memref<512x64xf32, #tpu.memory_space<vmem>>, vector<16xf32>,
      %add3A_349 = arith.addf %scan3A_329#2, %scan3A_329#6 : vector<16xf32>
      %mul3A_350 = arith.constant 5.000000e-03 : f32
      %mul3A_351 = vector.broadcast %mul3A_350 : f32 to vector<16xf32>
      %mul3A_352 = arith.mulf %add3A_349, %mul3A_351 : vector<16xf32>
      %swap3A_353 = arith.index_cast %add3A_334 : i32 to index
      %swap3A_354 = arith.constant 32 : index
      %swap3A_355 = tpu.vector_load %arg7[%swap3A_353, %swap3A_354] {strides = array<i32>} : memref<512x64xf32, #tpu.memory_space<vmem>>, vector<16xf32>,
      tpu.vector_store %arg7[%swap3A_353, %swap3A_354], %mul3A_352 {strides = array<i32>} : memref<512x64xf32, #tpu.memory_space<vmem>>, vector<16xf32>,
      %add3A_356 = arith.addf %scan3A_329#3, %scan3A_329#7 : vector<16xf32>
      %mul3A_357 = arith.constant 5.000000e-03 : f32
      %mul3A_358 = vector.broadcast %mul3A_357 : f32 to vector<16xf32>
      %mul3A_359 = arith.mulf %add3A_356, %mul3A_358 : vector<16xf32>
      %swap3A_360 = arith.index_cast %add3A_334 : i32 to index
      %swap3A_361 = arith.constant 48 : index
      %swap3A_362 = tpu.vector_load %arg7[%swap3A_360, %swap3A_361] {strides = array<i32>} : memref<512x64xf32, #tpu.memory_space<vmem>>, vector<16xf32>,
      tpu.vector_store %arg7[%swap3A_360, %swap3A_361], %mul3A_359 {strides = array<i32>} : memref<512x64xf32, #tpu.memory_space<vmem>>, vector<16xf32>,
      %mul3A_363 = arith.constant 4 : i32
      %mul3A_364 = arith.muli %mul3A_363, %scan3A_156 : i32
      %add3A_365 = arith.constant 1 : i32
      %add3A_366 = arith.addi %mul3A_364, %add3A_365 : i32
      %jit3A_367 = arith.constant 32 : i32
      %eq3A_368 = arith.constant 0 : i32
      %eq3A_369 = arith.cmpi eq, %jit3A_367, %eq3A_368 : i32
      %jit3A_370 = arith.constant 1 : i32
      %select_n3A_371 = arith.select %eq3A_369, %jit3A_370, %jit3A_367 : i32
      %rem3A_372 = arith.remsi %add3A_366, %select_n3A_371 : i32
      %ne3A_373 = arith.constant 0 : i32
      %ne3A_374 = arith.cmpi ne, %rem3A_372, %ne3A_373 : i32
      %lt3A_375 = arith.constant 0 : i32
      %lt3A_376 = arith.cmpi slt, %rem3A_372, %lt3A_375 : i32
      %lt3A_377 = arith.constant 0 : i32
      %lt3A_378 = arith.cmpi slt, %select_n3A_371, %lt3A_377 : i32
      %ne3A_379 = arith.xori %lt3A_376, %lt3A_378 : i1
      %and3A_380 = arith.andi %ne3A_379, %ne3A_374 : i1
      %add3A_381 = arith.addi %rem3A_372, %select_n3A_371 : i32
      %select_n3A_382 = arith.select %and3A_380, %add3A_381, %rem3A_372 : i32
      %mul3A_383 = arith.constant 2 : i32
      %mul3A_384 = arith.muli %select_n3A_382, %mul3A_383 : i32
      %add3A_385 = arith.constant 0 : i32
      %add3A_386 = arith.addi %mul3A_384, %add3A_385 : i32
      %dma_wait3A_387 = arith.constant 1 : i32
      %dma_wait3A_388 = arith.constant 0 : i32
      %dma_wait3A_389 = arith.constant 0 : i32
      %dma_wait3A_390 = tpu.memref_slice %arg6[%dma_wait3A_387, %dma_wait3A_388, %dma_wait3A_389] : memref<4x400x32xi32, #tpu.memory_space<vmem>> -> memref<1x96x32xi32, #tpu.memory_space<vmem>>
      %dma_wait3A_391 = tpu.memref_squeeze %dma_wait3A_390 : memref<1x96x32xi32, #tpu.memory_space<vmem>> -> memref<96x32xi32, #tpu.memory_space<vmem>>
      %dma_wait3A_392 = arith.constant 0 : i32
      %dma_wait3A_393 = tpu.memref_slice %arg5[%add3A_386, %dma_wait3A_392] : memref<64x200xi32, #tpu.memory_space<vmem>> -> memref<1x96xi32, #tpu.memory_space<vmem>>
      %dma_wait3A_394 = tpu.memref_squeeze %dma_wait3A_393 : memref<1x96xi32, #tpu.memory_space<vmem>> -> memref<96xi32, #tpu.memory_space<vmem>>
      %dma_wait3A_395 = arith.constant 0 : i32
      %dma_wait3A_396 = arith.constant 0 : i32
      %dma_wait3A_397 = tpu.memref_slice %arg3[%dma_wait3A_395, %dma_wait3A_396] : memref<42000x32xi32, #tpu.memory_space<hbm>> -> memref<42000x32xi32, #tpu.memory_space<hbm>>
      tpu.wait_indirect_dma semaphore(%arg9 : memref<!tpu.dma_semaphore, #tpu.memory_space<semaphore_mem>>) src(%dma_wait3A_397 : memref<42000x32xi32, #tpu.memory_space<hbm>>) dst(%dma_wait3A_391 : memref<96x32xi32, #tpu.memory_space<vmem>>)
      %jit3A_398 = arith.constant 32 : i32
      %eq3A_399 = arith.constant 0 : i32
      %eq3A_400 = arith.cmpi eq, %jit3A_398, %eq3A_399 : i32
      %jit3A_401 = arith.constant 1 : i32
      %select_n3A_402 = arith.select %eq3A_400, %jit3A_401, %jit3A_398 : i32
      %rem3A_403 = arith.remsi %add3A_366, %select_n3A_402 : i32
      %ne3A_404 = arith.constant 0 : i32
      %ne3A_405 = arith.cmpi ne, %rem3A_403, %ne3A_404 : i32
      %lt3A_406 = arith.constant 0 : i32
      %lt3A_407 = arith.cmpi slt, %rem3A_403, %lt3A_406 : i32
      %lt3A_408 = arith.constant 0 : i32
      %lt3A_409 = arith.cmpi slt, %select_n3A_402, %lt3A_408 : i32
      %ne3A_410 = arith.xori %lt3A_407, %lt3A_409 : i1
      %and3A_411 = arith.andi %ne3A_410, %ne3A_405 : i1
      %add3A_412 = arith.addi %rem3A_403, %select_n3A_402 : i32
      %select_n3A_413 = arith.select %and3A_411, %add3A_412, %rem3A_403 : i32
      %mul3A_414 = arith.constant 2 : i32
      %mul3A_415 = arith.muli %select_n3A_413, %mul3A_414 : i32
      %add3A_416 = arith.constant 0 : i32
      %add3A_417 = arith.addi %mul3A_415, %add3A_416 : i32
      %dma_wait3A_418 = arith.constant 1 : i32
      %dma_wait3A_419 = arith.constant 96 : i32
      %dma_wait3A_420 = arith.constant 0 : i32
      %dma_wait3A_421 = tpu.memref_slice %arg6[%dma_wait3A_418, %dma_wait3A_419, %dma_wait3A_420] : memref<4x400x32xi32, #tpu.memory_space<vmem>> -> memref<1x104x32xi32, #tpu.memory_space<vmem>>
      %dma_wait3A_422 = tpu.memref_squeeze %dma_wait3A_421 : memref<1x104x32xi32, #tpu.memory_space<vmem>> -> memref<104x32xi32, #tpu.memory_space<vmem>>
      %dma_wait3A_423 = arith.constant 96 : i32
      %dma_wait3A_424 = tpu.memref_slice %arg5[%add3A_417, %dma_wait3A_423] : memref<64x200xi32, #tpu.memory_space<vmem>> -> memref<1x104xi32, #tpu.memory_space<vmem>>
      %dma_wait3A_425 = tpu.memref_squeeze %dma_wait3A_424 : memref<1x104xi32, #tpu.memory_space<vmem>> -> memref<104xi32, #tpu.memory_space<vmem>>
      %dma_wait3A_426 = arith.constant 0 : i32
      %dma_wait3A_427 = arith.constant 0 : i32
      %dma_wait3A_428 = tpu.memref_slice %arg3[%dma_wait3A_426, %dma_wait3A_427] : memref<42000x32xi32, #tpu.memory_space<hbm>> -> memref<42000x32xi32, #tpu.memory_space<hbm>>
      tpu.wait_indirect_dma semaphore(%arg9 : memref<!tpu.dma_semaphore, #tpu.memory_space<semaphore_mem>>) src(%dma_wait3A_428 : memref<42000x32xi32, #tpu.memory_space<hbm>>) dst(%dma_wait3A_422 : memref<104x32xi32, #tpu.memory_space<vmem>>)
      %jit3A_429 = arith.constant 32 : i32
      %eq3A_430 = arith.constant 0 : i32
      %eq3A_431 = arith.cmpi eq, %jit3A_429, %eq3A_430 : i32
      %jit3A_432 = arith.constant 1 : i32
      %select_n3A_433 = arith.select %eq3A_431, %jit3A_432, %jit3A_429 : i32
      %rem3A_434 = arith.remsi %add3A_366, %select_n3A_433 : i32
      %ne3A_435 = arith.constant 0 : i32
      %ne3A_436 = arith.cmpi ne, %rem3A_434, %ne3A_435 : i32
      %lt3A_437 = arith.constant 0 : i32
      %lt3A_438 = arith.cmpi slt, %rem3A_434, %lt3A_437 : i32
      %lt3A_439 = arith.constant 0 : i32
      %lt3A_440 = arith.cmpi slt, %select_n3A_433, %lt3A_439 : i32
      %ne3A_441 = arith.xori %lt3A_438, %lt3A_440 : i1
      %and3A_442 = arith.andi %ne3A_441, %ne3A_436 : i1
      %add3A_443 = arith.addi %rem3A_434, %select_n3A_433 : i32
      %select_n3A_444 = arith.select %and3A_442, %add3A_443, %rem3A_434 : i32
      %mul3A_445 = arith.constant 2 : i32
      %mul3A_446 = arith.muli %select_n3A_444, %mul3A_445 : i32
      %add3A_447 = arith.constant 1 : i32
      %add3A_448 = arith.addi %mul3A_446, %add3A_447 : i32
      %dma_wait3A_449 = arith.constant 1 : i32
      %dma_wait3A_450 = arith.constant 200 : i32
      %dma_wait3A_451 = arith.constant 0 : i32
      %dma_wait3A_452 = tpu.memref_slice %arg6[%dma_wait3A_449, %dma_wait3A_450, %dma_wait3A_451] : memref<4x400x32xi32, #tpu.memory_space<vmem>> -> memref<1x96x32xi32, #tpu.memory_space<vmem>>
      %dma_wait3A_453 = tpu.memref_squeeze %dma_wait3A_452 : memref<1x96x32xi32, #tpu.memory_space<vmem>> -> memref<96x32xi32, #tpu.memory_space<vmem>>
      %dma_wait3A_454 = arith.constant 0 : i32
      %dma_wait3A_455 = tpu.memref_slice %arg5[%add3A_448, %dma_wait3A_454] : memref<64x200xi32, #tpu.memory_space<vmem>> -> memref<1x96xi32, #tpu.memory_space<vmem>>
      %dma_wait3A_456 = tpu.memref_squeeze %dma_wait3A_455 : memref<1x96xi32, #tpu.memory_space<vmem>> -> memref<96xi32, #tpu.memory_space<vmem>>
      %dma_wait3A_457 = arith.constant 0 : i32
      %dma_wait3A_458 = arith.constant 0 : i32
      %dma_wait3A_459 = tpu.memref_slice %arg3[%dma_wait3A_457, %dma_wait3A_458] : memref<42000x32xi32, #tpu.memory_space<hbm>> -> memref<42000x32xi32, #tpu.memory_space<hbm>>
      tpu.wait_indirect_dma semaphore(%arg9 : memref<!tpu.dma_semaphore, #tpu.memory_space<semaphore_mem>>) src(%dma_wait3A_459 : memref<42000x32xi32, #tpu.memory_space<hbm>>) dst(%dma_wait3A_453 : memref<96x32xi32, #tpu.memory_space<vmem>>)
      %jit3A_460 = arith.constant 32 : i32
      %eq3A_461 = arith.constant 0 : i32
      %eq3A_462 = arith.cmpi eq, %jit3A_460, %eq3A_461 : i32
      %jit3A_463 = arith.constant 1 : i32
      %select_n3A_464 = arith.select %eq3A_462, %jit3A_463, %jit3A_460 : i32
      %rem3A_465 = arith.remsi %add3A_366, %select_n3A_464 : i32
      %ne3A_466 = arith.constant 0 : i32
      %ne3A_467 = arith.cmpi ne, %rem3A_465, %ne3A_466 : i32
      %lt3A_468 = arith.constant 0 : i32
      %lt3A_469 = arith.cmpi slt, %rem3A_465, %lt3A_468 : i32
      %lt3A_470 = arith.constant 0 : i32
      %lt3A_471 = arith.cmpi slt, %select_n3A_464, %lt3A_470 : i32
      %ne3A_472 = arith.xori %lt3A_469, %lt3A_471 : i1
      %and3A_473 = arith.andi %ne3A_472, %ne3A_467 : i1
      %add3A_474 = arith.addi %rem3A_465, %select_n3A_464 : i32
      %select_n3A_475 = arith.select %and3A_473, %add3A_474, %rem3A_465 : i32
      %mul3A_476 = arith.constant 2 : i32
      %mul3A_477 = arith.muli %select_n3A_475, %mul3A_476 : i32
      %add3A_478 = arith.constant 1 : i32
      %add3A_479 = arith.addi %mul3A_477, %add3A_478 : i32
      %dma_wait3A_480 = arith.constant 1 : i32
      %dma_wait3A_481 = arith.constant 296 : i32
      %dma_wait3A_482 = arith.constant 0 : i32
      %dma_wait3A_483 = tpu.memref_slice %arg6[%dma_wait3A_480, %dma_wait3A_481, %dma_wait3A_482] : memref<4x400x32xi32, #tpu.memory_space<vmem>> -> memref<1x104x32xi32, #tpu.memory_space<vmem>>
      %dma_wait3A_484 = tpu.memref_squeeze %dma_wait3A_483 : memref<1x104x32xi32, #tpu.memory_space<vmem>> -> memref<104x32xi32, #tpu.memory_space<vmem>>
      %dma_wait3A_485 = arith.constant 96 : i32
      %dma_wait3A_486 = tpu.memref_slice %arg5[%add3A_479, %dma_wait3A_485] : memref<64x200xi32, #tpu.memory_space<vmem>> -> memref<1x104xi32, #tpu.memory_space<vmem>>
      %dma_wait3A_487 = tpu.memref_squeeze %dma_wait3A_486 : memref<1x104xi32, #tpu.memory_space<vmem>> -> memref<104xi32, #tpu.memory_space<vmem>>
      %dma_wait3A_488 = arith.constant 0 : i32
      %dma_wait3A_489 = arith.constant 0 : i32
      %dma_wait3A_490 = tpu.memref_slice %arg3[%dma_wait3A_488, %dma_wait3A_489] : memref<42000x32xi32, #tpu.memory_space<hbm>> -> memref<42000x32xi32, #tpu.memory_space<hbm>>
      tpu.wait_indirect_dma semaphore(%arg9 : memref<!tpu.dma_semaphore, #tpu.memory_space<semaphore_mem>>) src(%dma_wait3A_490 : memref<42000x32xi32, #tpu.memory_space<hbm>>) dst(%dma_wait3A_484 : memref<104x32xi32, #tpu.memory_space<vmem>>)
      %add3A_491 = arith.constant 3 : i32
      %add3A_492 = arith.addi %add3A_366, %add3A_491 : i32
      %lt3A_493 = arith.constant 256 : i32
      %lt3A_494 = arith.cmpi slt, %add3A_492, %lt3A_493 : i32
      %convert_element_type3A_495 = arith.extui %lt3A_494 : i1 to i32
      %cond3A_496 = arith.constant 0 : i32
      %cond3A_497 = arith.cmpi ne, %convert_element_type3A_495, %cond3A_496 : i32
      scf.if %cond3A_497 {
        %jit3A_1015 = arith.constant 16 : i32
        %eq3A_1016 = arith.constant 0 : i32
        %eq3A_1017 = arith.cmpi eq, %jit3A_1015, %eq3A_1016 : i32
        %jit3A_1018 = arith.constant 1 : i32
        %select_n3A_1019 = arith.select %eq3A_1017, %jit3A_1018, %jit3A_1015 : i32
        %rem3A_1020 = arith.remsi %add3A_492, %select_n3A_1019 : i32
        %ne3A_1021 = arith.constant 0 : i32
        %ne3A_1022 = arith.cmpi ne, %rem3A_1020, %ne3A_1021 : i32
        %lt3A_1023 = arith.constant 0 : i32
        %lt3A_1024 = arith.cmpi slt, %rem3A_1020, %lt3A_1023 : i32
        %lt3A_1025 = arith.constant 0 : i32
        %lt3A_1026 = arith.cmpi slt, %select_n3A_1019, %lt3A_1025 : i32
        %ne3A_1027 = arith.xori %lt3A_1024, %lt3A_1026 : i1
        %and3A_1028 = arith.andi %ne3A_1027, %ne3A_1022 : i1
        %add3A_1029 = arith.addi %rem3A_1020, %select_n3A_1019 : i32
        %select_n3A_1030 = arith.select %and3A_1028, %add3A_1029, %rem3A_1020 : i32
        %eq3A_1031 = arith.constant 0 : i32
        %eq3A_1032 = arith.cmpi eq, %select_n3A_1030, %eq3A_1031 : i32
        %convert_element_type3A_1033 = arith.extui %eq3A_1032 : i1 to i32
        %cond3A_1034 = arith.constant 0 : i32
        %cond3A_1035 = arith.cmpi ne, %convert_element_type3A_1033, %cond3A_1034 : i32
        scf.if %cond3A_1035 {
          %jit3A_1160 = arith.constant 16 : i32
          %div3A = arith.divsi %add3A_492, %jit3A_1160 : i32
          %sign3A = arith.constant 0 : i32
          %sign3A_1161 = arith.cmpi sgt, %add3A_492, %sign3A : i32
          %sign3A_1162 = arith.extui %sign3A_1161 : i1 to i32
          %sign3A_1163 = arith.constant 0 : i32
          %sign3A_1164 = arith.cmpi slt, %add3A_492, %sign3A_1163 : i32
          %sign3A_1165 = arith.extui %sign3A_1164 : i1 to i32
          %sign3A_1166 = arith.subi %sign3A_1162, %sign3A_1165 : i32
          %sign3A_1167 = arith.constant 0 : i32
          %sign3A_1168 = arith.cmpi sgt, %jit3A_1160, %sign3A_1167 : i32
          %sign3A_1169 = arith.extui %sign3A_1168 : i1 to i32
          %sign3A_1170 = arith.constant 0 : i32
          %sign3A_1171 = arith.cmpi slt, %jit3A_1160, %sign3A_1170 : i32
          %sign3A_1172 = arith.extui %sign3A_1171 : i1 to i32
          %sign3A_1173 = arith.subi %sign3A_1169, %sign3A_1172 : i32
          %ne3A_1174 = arith.cmpi ne, %sign3A_1166, %sign3A_1173 : i32
          %rem3A_1175 = arith.remsi %add3A_492, %jit3A_1160 : i32
          %ne3A_1176 = arith.constant 0 : i32
          %ne3A_1177 = arith.cmpi ne, %rem3A_1175, %ne3A_1176 : i32
          %and3A_1178 = arith.andi %ne3A_1174, %ne3A_1177 : i1
          %sub3A = arith.constant 1 : i32
          %sub3A_1179 = arith.subi %div3A, %sub3A : i32
          %select_n3A_1180 = arith.select %and3A_1178, %sub3A_1179, %div3A : i32
          %mul3A_1181 = arith.constant 32 : i32
          %mul3A_1182 = arith.muli %select_n3A_1180, %mul3A_1181 : i32
          %add3A_1183 = arith.addi %mul3A_2, %mul3A_1182 : i32
          %jit3A_1184 = arith.constant 2 : i32
          %eq3A_1185 = arith.constant 0 : i32
          %eq3A_1186 = arith.cmpi eq, %jit3A_1184, %eq3A_1185 : i32
          %jit3A_1187 = arith.constant 1 : i32
          %select_n3A_1188 = arith.select %eq3A_1186, %jit3A_1187, %jit3A_1184 : i32
          %rem3A_1189 = arith.remsi %select_n3A_1180, %select_n3A_1188 : i32
          %ne3A_1190 = arith.constant 0 : i32
          %ne3A_1191 = arith.cmpi ne, %rem3A_1189, %ne3A_1190 : i32
          %lt3A_1192 = arith.constant 0 : i32
          %lt3A_1193 = arith.cmpi slt, %rem3A_1189, %lt3A_1192 : i32
          %lt3A_1194 = arith.constant 0 : i32
          %lt3A_1195 = arith.cmpi slt, %select_n3A_1188, %lt3A_1194 : i32
          %ne3A_1196 = arith.xori %lt3A_1193, %lt3A_1195 : i1
          %and3A_1197 = arith.andi %ne3A_1196, %ne3A_1191 : i1
          %add3A_1198 = arith.addi %rem3A_1189, %select_n3A_1188 : i32
          %select_n3A_1199 = arith.select %and3A_1197, %add3A_1198, %rem3A_1189 : i32
          %mul3A_1200 = arith.constant 32 : i32
          %mul3A_1201 = arith.muli %select_n3A_1199, %mul3A_1200 : i32
          "tpu.region"() ({
            %run_scoped3A = tpu.sem_alloc : memref<!tpu.dma_semaphore, #tpu.memory_space<semaphore_mem>>
            %dma_start3A_1202 = arith.constant 0 : i32
            %dma_start3A_1203 = tpu.memref_slice %arg5[%mul3A_1201, %dma_start3A_1202] : memref<64x200xi32, #tpu.memory_space<vmem>> -> memref<32x200xi32, #tpu.memory_space<vmem>>
            %dma_start3A_1204 = arith.constant 0 : i32
            %dma_start3A_1205 = tpu.memref_slice %arg2[%add3A_1183, %dma_start3A_1204] : memref<16384x200xi32, #tpu.memory_space<hbm>> -> memref<32x200xi32, #tpu.memory_space<hbm>>
            %dma_start3A_1206 = arith.constant 0 : i32
            %dma_start3A_1207 = tpu.memref_slice %arg5[%mul3A_1201, %dma_start3A_1206] : memref<64x200xi32, #tpu.memory_space<vmem>> -> memref<32x200xi32, #tpu.memory_space<vmem>>
            %dma_start3A_1208 = arith.constant 0 : i32
            %dma_start3A_1209 = tpu.memref_slice %arg2[%add3A_1183, %dma_start3A_1208] : memref<16384x200xi32, #tpu.memory_space<hbm>> -> memref<32x200xi32, #tpu.memory_space<hbm>>
            tpu.enqueue_dma source(%dma_start3A_1209 : memref<32x200xi32, #tpu.memory_space<hbm>>) target(%dma_start3A_1207 : memref<32x200xi32, #tpu.memory_space<vmem>>) target_semaphore(%run_scoped3A : memref<!tpu.dma_semaphore, #tpu.memory_space<semaphore_mem>>)
            %dma_wait3A_1210 = arith.constant 0 : i32
            %dma_wait3A_1211 = tpu.memref_slice %arg5[%mul3A_1201, %dma_wait3A_1210] : memref<64x200xi32, #tpu.memory_space<vmem>> -> memref<32x200xi32, #tpu.memory_space<vmem>>
            %dma_wait3A_1212 = arith.constant 0 : i32
            %dma_wait3A_1213 = tpu.memref_slice %arg2[%add3A_1183, %dma_wait3A_1212] : memref<16384x200xi32, #tpu.memory_space<hbm>> -> memref<32x200xi32, #tpu.memory_space<hbm>>
            %dma_wait3A_1214 = arith.constant 0 : i32
            %dma_wait3A_1215 = tpu.memref_slice %arg5[%mul3A_1201, %dma_wait3A_1214] : memref<64x200xi32, #tpu.memory_space<vmem>> -> memref<32x200xi32, #tpu.memory_space<vmem>>
            %dma_wait3A_1216 = arith.constant 0 : i32
            %dma_wait3A_1217 = tpu.memref_slice %arg2[%add3A_1183, %dma_wait3A_1216] : memref<16384x200xi32, #tpu.memory_space<hbm>> -> memref<32x200xi32, #tpu.memory_space<hbm>>
            tpu.wait_dma2 semaphore(%run_scoped3A : memref<!tpu.dma_semaphore, #tpu.memory_space<semaphore_mem>>) src(%dma_wait3A_1217 : memref<32x200xi32, #tpu.memory_space<hbm>>) dst(%dma_wait3A_1215 : memref<32x200xi32, #tpu.memory_space<vmem>>)
            tpu.yield
          }) : () -> ()
        } else {
        }
        %jit3A_1036 = arith.constant 32 : i32
        %eq3A_1037 = arith.constant 0 : i32
        %eq3A_1038 = arith.cmpi eq, %jit3A_1036, %eq3A_1037 : i32
        %jit3A_1039 = arith.constant 1 : i32
        %select_n3A_1040 = arith.select %eq3A_1038, %jit3A_1039, %jit3A_1036 : i32
        %rem3A_1041 = arith.remsi %add3A_492, %select_n3A_1040 : i32
        %ne3A_1042 = arith.constant 0 : i32
        %ne3A_1043 = arith.cmpi ne, %rem3A_1041, %ne3A_1042 : i32
        %lt3A_1044 = arith.constant 0 : i32
        %lt3A_1045 = arith.cmpi slt, %rem3A_1041, %lt3A_1044 : i32
        %lt3A_1046 = arith.constant 0 : i32
        %lt3A_1047 = arith.cmpi slt, %select_n3A_1040, %lt3A_1046 : i32
        %ne3A_1048 = arith.xori %lt3A_1045, %lt3A_1047 : i1
        %and3A_1049 = arith.andi %ne3A_1048, %ne3A_1043 : i1
        %add3A_1050 = arith.addi %rem3A_1041, %select_n3A_1040 : i32
        %select_n3A_1051 = arith.select %and3A_1049, %add3A_1050, %rem3A_1041 : i32
        %mul3A_1052 = arith.constant 2 : i32
        %mul3A_1053 = arith.muli %select_n3A_1051, %mul3A_1052 : i32
        %add3A_1054 = arith.constant 0 : i32
        %add3A_1055 = arith.addi %mul3A_1053, %add3A_1054 : i32
        %dma_start3A_1056 = arith.constant 0 : i32
        %dma_start3A_1057 = arith.constant 0 : i32
        %dma_start3A_1058 = arith.constant 0 : i32
        %dma_start3A_1059 = tpu.memref_slice %arg6[%dma_start3A_1056, %dma_start3A_1057, %dma_start3A_1058] : memref<4x400x32xi32, #tpu.memory_space<vmem>> -> memref<1x96x32xi32, #tpu.memory_space<vmem>>
        %dma_start3A_1060 = tpu.memref_squeeze %dma_start3A_1059 : memref<1x96x32xi32, #tpu.memory_space<vmem>> -> memref<96x32xi32, #tpu.memory_space<vmem>>
        %dma_start3A_1061 = arith.constant 0 : i32
        %dma_start3A_1062 = tpu.memref_slice %arg5[%add3A_1055, %dma_start3A_1061] : memref<64x200xi32, #tpu.memory_space<vmem>> -> memref<1x96xi32, #tpu.memory_space<vmem>>
        %dma_start3A_1063 = tpu.memref_squeeze %dma_start3A_1062 : memref<1x96xi32, #tpu.memory_space<vmem>> -> memref<96xi32, #tpu.memory_space<vmem>>
        %dma_start3A_1064 = arith.constant 0 : i32
        %dma_start3A_1065 = arith.constant 0 : i32
        %dma_start3A_1066 = tpu.memref_slice %arg3[%dma_start3A_1064, %dma_start3A_1065] : memref<42000x32xi32, #tpu.memory_space<hbm>> -> memref<42000x32xi32, #tpu.memory_space<hbm>>
        tpu.enqueue_indirect_dma source(%dma_start3A_1066 : memref<42000x32xi32, #tpu.memory_space<hbm>>) target(%dma_start3A_1060 : memref<96x32xi32, #tpu.memory_space<vmem>>) offsets(%dma_start3A_1063 : memref<96xi32, #tpu.memory_space<vmem>>) semaphore(%arg8 : memref<!tpu.dma_semaphore, #tpu.memory_space<semaphore_mem>>)
        %jit3A_1067 = arith.constant 32 : i32
        %eq3A_1068 = arith.constant 0 : i32
        %eq3A_1069 = arith.cmpi eq, %jit3A_1067, %eq3A_1068 : i32
        %jit3A_1070 = arith.constant 1 : i32
        %select_n3A_1071 = arith.select %eq3A_1069, %jit3A_1070, %jit3A_1067 : i32
        %rem3A_1072 = arith.remsi %add3A_492, %select_n3A_1071 : i32
        %ne3A_1073 = arith.constant 0 : i32
        %ne3A_1074 = arith.cmpi ne, %rem3A_1072, %ne3A_1073 : i32
        %lt3A_1075 = arith.constant 0 : i32
        %lt3A_1076 = arith.cmpi slt, %rem3A_1072, %lt3A_1075 : i32
        %lt3A_1077 = arith.constant 0 : i32
        %lt3A_1078 = arith.cmpi slt, %select_n3A_1071, %lt3A_1077 : i32
        %ne3A_1079 = arith.xori %lt3A_1076, %lt3A_1078 : i1
        %and3A_1080 = arith.andi %ne3A_1079, %ne3A_1074 : i1
        %add3A_1081 = arith.addi %rem3A_1072, %select_n3A_1071 : i32
        %select_n3A_1082 = arith.select %and3A_1080, %add3A_1081, %rem3A_1072 : i32
        %mul3A_1083 = arith.constant 2 : i32
        %mul3A_1084 = arith.muli %select_n3A_1082, %mul3A_1083 : i32
        %add3A_1085 = arith.constant 0 : i32
        %add3A_1086 = arith.addi %mul3A_1084, %add3A_1085 : i32
        %dma_start3A_1087 = arith.constant 0 : i32
        %dma_start3A_1088 = arith.constant 96 : i32
        %dma_start3A_1089 = arith.constant 0 : i32
        %dma_start3A_1090 = tpu.memref_slice %arg6[%dma_start3A_1087, %dma_start3A_1088, %dma_start3A_1089] : memref<4x400x32xi32, #tpu.memory_space<vmem>> -> memref<1x104x32xi32, #tpu.memory_space<vmem>>
        %dma_start3A_1091 = tpu.memref_squeeze %dma_start3A_1090 : memref<1x104x32xi32, #tpu.memory_space<vmem>> -> memref<104x32xi32, #tpu.memory_space<vmem>>
        %dma_start3A_1092 = arith.constant 96 : i32
        %dma_start3A_1093 = tpu.memref_slice %arg5[%add3A_1086, %dma_start3A_1092] : memref<64x200xi32, #tpu.memory_space<vmem>> -> memref<1x104xi32, #tpu.memory_space<vmem>>
        %dma_start3A_1094 = tpu.memref_squeeze %dma_start3A_1093 : memref<1x104xi32, #tpu.memory_space<vmem>> -> memref<104xi32, #tpu.memory_space<vmem>>
        %dma_start3A_1095 = arith.constant 0 : i32
        %dma_start3A_1096 = arith.constant 0 : i32
        %dma_start3A_1097 = tpu.memref_slice %arg3[%dma_start3A_1095, %dma_start3A_1096] : memref<42000x32xi32, #tpu.memory_space<hbm>> -> memref<42000x32xi32, #tpu.memory_space<hbm>>
        tpu.enqueue_indirect_dma source(%dma_start3A_1097 : memref<42000x32xi32, #tpu.memory_space<hbm>>) target(%dma_start3A_1091 : memref<104x32xi32, #tpu.memory_space<vmem>>) offsets(%dma_start3A_1094 : memref<104xi32, #tpu.memory_space<vmem>>) semaphore(%arg8 : memref<!tpu.dma_semaphore, #tpu.memory_space<semaphore_mem>>)
        %jit3A_1098 = arith.constant 32 : i32
        %eq3A_1099 = arith.constant 0 : i32
        %eq3A_1100 = arith.cmpi eq, %jit3A_1098, %eq3A_1099 : i32
        %jit3A_1101 = arith.constant 1 : i32
        %select_n3A_1102 = arith.select %eq3A_1100, %jit3A_1101, %jit3A_1098 : i32
        %rem3A_1103 = arith.remsi %add3A_492, %select_n3A_1102 : i32
        %ne3A_1104 = arith.constant 0 : i32
        %ne3A_1105 = arith.cmpi ne, %rem3A_1103, %ne3A_1104 : i32
        %lt3A_1106 = arith.constant 0 : i32
        %lt3A_1107 = arith.cmpi slt, %rem3A_1103, %lt3A_1106 : i32
        %lt3A_1108 = arith.constant 0 : i32
        %lt3A_1109 = arith.cmpi slt, %select_n3A_1102, %lt3A_1108 : i32
        %ne3A_1110 = arith.xori %lt3A_1107, %lt3A_1109 : i1
        %and3A_1111 = arith.andi %ne3A_1110, %ne3A_1105 : i1
        %add3A_1112 = arith.addi %rem3A_1103, %select_n3A_1102 : i32
        %select_n3A_1113 = arith.select %and3A_1111, %add3A_1112, %rem3A_1103 : i32
        %mul3A_1114 = arith.constant 2 : i32
        %mul3A_1115 = arith.muli %select_n3A_1113, %mul3A_1114 : i32
        %add3A_1116 = arith.constant 1 : i32
        %add3A_1117 = arith.addi %mul3A_1115, %add3A_1116 : i32
        %dma_start3A_1118 = arith.constant 0 : i32
        %dma_start3A_1119 = arith.constant 200 : i32
        %dma_start3A_1120 = arith.constant 0 : i32
        %dma_start3A_1121 = tpu.memref_slice %arg6[%dma_start3A_1118, %dma_start3A_1119, %dma_start3A_1120] : memref<4x400x32xi32, #tpu.memory_space<vmem>> -> memref<1x96x32xi32, #tpu.memory_space<vmem>>
        %dma_start3A_1122 = tpu.memref_squeeze %dma_start3A_1121 : memref<1x96x32xi32, #tpu.memory_space<vmem>> -> memref<96x32xi32, #tpu.memory_space<vmem>>
        %dma_start3A_1123 = arith.constant 0 : i32
        %dma_start3A_1124 = tpu.memref_slice %arg5[%add3A_1117, %dma_start3A_1123] : memref<64x200xi32, #tpu.memory_space<vmem>> -> memref<1x96xi32, #tpu.memory_space<vmem>>
        %dma_start3A_1125 = tpu.memref_squeeze %dma_start3A_1124 : memref<1x96xi32, #tpu.memory_space<vmem>> -> memref<96xi32, #tpu.memory_space<vmem>>
        %dma_start3A_1126 = arith.constant 0 : i32
        %dma_start3A_1127 = arith.constant 0 : i32
        %dma_start3A_1128 = tpu.memref_slice %arg3[%dma_start3A_1126, %dma_start3A_1127] : memref<42000x32xi32, #tpu.memory_space<hbm>> -> memref<42000x32xi32, #tpu.memory_space<hbm>>
        tpu.enqueue_indirect_dma source(%dma_start3A_1128 : memref<42000x32xi32, #tpu.memory_space<hbm>>) target(%dma_start3A_1122 : memref<96x32xi32, #tpu.memory_space<vmem>>) offsets(%dma_start3A_1125 : memref<96xi32, #tpu.memory_space<vmem>>) semaphore(%arg8 : memref<!tpu.dma_semaphore, #tpu.memory_space<semaphore_mem>>)
        %jit3A_1129 = arith.constant 32 : i32
        %eq3A_1130 = arith.constant 0 : i32
        %eq3A_1131 = arith.cmpi eq, %jit3A_1129, %eq3A_1130 : i32
        %jit3A_1132 = arith.constant 1 : i32
        %select_n3A_1133 = arith.select %eq3A_1131, %jit3A_1132, %jit3A_1129 : i32
        %rem3A_1134 = arith.remsi %add3A_492, %select_n3A_1133 : i32
        %ne3A_1135 = arith.constant 0 : i32
        %ne3A_1136 = arith.cmpi ne, %rem3A_1134, %ne3A_1135 : i32
        %lt3A_1137 = arith.constant 0 : i32
        %lt3A_1138 = arith.cmpi slt, %rem3A_1134, %lt3A_1137 : i32
        %lt3A_1139 = arith.constant 0 : i32
        %lt3A_1140 = arith.cmpi slt, %select_n3A_1133, %lt3A_1139 : i32
        %ne3A_1141 = arith.xori %lt3A_1138, %lt3A_1140 : i1
        %and3A_1142 = arith.andi %ne3A_1141, %ne3A_1136 : i1
        %add3A_1143 = arith.addi %rem3A_1134, %select_n3A_1133 : i32
        %select_n3A_1144 = arith.select %and3A_1142, %add3A_1143, %rem3A_1134 : i32
        %mul3A_1145 = arith.constant 2 : i32
        %mul3A_1146 = arith.muli %select_n3A_1144, %mul3A_1145 : i32
        %add3A_1147 = arith.constant 1 : i32
        %add3A_1148 = arith.addi %mul3A_1146, %add3A_1147 : i32
        %dma_start3A_1149 = arith.constant 0 : i32
        %dma_start3A_1150 = arith.constant 296 : i32
        %dma_start3A_1151 = arith.constant 0 : i32
        %dma_start3A_1152 = tpu.memref_slice %arg6[%dma_start3A_1149, %dma_start3A_1150, %dma_start3A_1151] : memref<4x400x32xi32, #tpu.memory_space<vmem>> -> memref<1x104x32xi32, #tpu.memory_space<vmem>>
        %dma_start3A_1153 = tpu.memref_squeeze %dma_start3A_1152 : memref<1x104x32xi32, #tpu.memory_space<vmem>> -> memref<104x32xi32, #tpu.memory_space<vmem>>
        %dma_start3A_1154 = arith.constant 96 : i32
        %dma_start3A_1155 = tpu.memref_slice %arg5[%add3A_1148, %dma_start3A_1154] : memref<64x200xi32, #tpu.memory_space<vmem>> -> memref<1x104xi32, #tpu.memory_space<vmem>>
        %dma_start3A_1156 = tpu.memref_squeeze %dma_start3A_1155 : memref<1x104xi32, #tpu.memory_space<vmem>> -> memref<104xi32, #tpu.memory_space<vmem>>
        %dma_start3A_1157 = arith.constant 0 : i32
        %dma_start3A_1158 = arith.constant 0 : i32
        %dma_start3A_1159 = tpu.memref_slice %arg3[%dma_start3A_1157, %dma_start3A_1158] : memref<42000x32xi32, #tpu.memory_space<hbm>> -> memref<42000x32xi32, #tpu.memory_space<hbm>>
        tpu.enqueue_indirect_dma source(%dma_start3A_1159 : memref<42000x32xi32, #tpu.memory_space<hbm>>) target(%dma_start3A_1153 : memref<104x32xi32, #tpu.memory_space<vmem>>) offsets(%dma_start3A_1156 : memref<104xi32, #tpu.memory_space<vmem>>) semaphore(%arg8 : memref<!tpu.dma_semaphore, #tpu.memory_space<semaphore_mem>>)
      } else {
      }
      %broadcast_in_dim3A_498 = arith.constant 0.000000e+00 : f32
      %broadcast_in_dim3A_499 = vector.broadcast %broadcast_in_dim3A_498 : f32 to vector<16xf32>
      %scan3A_500 = arith.constant 1 : i32
      %scan3A_501 = arith.constant 0 : i32
      %scan3A_502 = arith.constant 50 : i32
      %scan3A_503 = arith.addi %scan3A_501, %scan3A_502 : i32
      %scan3A_504 = arith.constant 1 : i32
      %scan3A_505:8 = scf.for %scan3A_1015 = %scan3A_501 to %scan3A_503 step %scan3A_504 iter_args(%scan3A_1016 = %broadcast_in_dim3A_499, %scan3A_1017 = %broadcast_in_dim3A_499, %scan3A_1018 = %broadcast_in_dim3A_499, %scan3A_1019 = %broadcast_in_dim3A_499, %scan3A_1020 = %broadcast_in_dim3A_499, %scan3A_1021 = %broadcast_in_dim3A_499, %scan3A_1022 = %broadcast_in_dim3A_499, %scan3A_1023 = %broadcast_in_dim3A_499) -> (vector<16xf32>, vector<16xf32>, vector<16xf32>, vector<16xf32>, vector<16xf32>, vector<16xf32>, vector<16xf32>, vector<16xf32>)  : i32 {
        %mul3A_1024 = arith.constant 4 : i32
        %mul3A_1025 = arith.muli %scan3A_1015, %mul3A_1024 : i32
        %add3A_1026 = arith.constant 0 : i32
        %add3A_1027 = arith.addi %add3A_1026, %mul3A_1025 : i32
        %add3A_1028 = arith.constant 0 : i32
        %add3A_1029 = arith.addi %add3A_1027, %add3A_1028 : i32
        %get3A = arith.constant 0 : i32
        %get3A_1030 = arith.constant 0 : i32
        %get3A_1031 = tpu.memref_slice %arg6[%scan3A_500, %get3A, %get3A_1030] : memref<4x400x32xi32, #tpu.memory_space<vmem>> -> memref<1x400x32xi32, #tpu.memory_space<vmem>>
        %get3A_1032 = tpu.memref_squeeze %get3A_1031 : memref<1x400x32xi32, #tpu.memory_space<vmem>> -> memref<400x32xi32, #tpu.memory_space<vmem>>
        %get3A_1033 = arith.index_cast %add3A_1029 : i32 to index
        %get3A_1034 = arith.constant 0 : index
        %get3A_1035 = tpu.vector_load %get3A_1032[%get3A_1033, %get3A_1034] {strides = array<i32>} : memref<400x32xi32, #tpu.memory_space<vmem>>, vector<16xi32>,
        %bitcast3A = vector.bitcast %get3A_1035 : vector<16xi32> to vector<32xbf16>
        %add3A_1036 = arith.constant 1 : i32
        %add3A_1037 = arith.addi %add3A_1029, %add3A_1036 : i32
        %get3A_1038 = arith.constant 0 : i32
        %get3A_1039 = arith.constant 0 : i32
        %get3A_1040 = tpu.memref_slice %arg6[%scan3A_500, %get3A_1038, %get3A_1039] : memref<4x400x32xi32, #tpu.memory_space<vmem>> -> memref<1x400x32xi32, #tpu.memory_space<vmem>>
        %get3A_1041 = tpu.memref_squeeze %get3A_1040 : memref<1x400x32xi32, #tpu.memory_space<vmem>> -> memref<400x32xi32, #tpu.memory_space<vmem>>
        %get3A_1042 = arith.index_cast %add3A_1037 : i32 to index
        %get3A_1043 = arith.constant 0 : index
        %get3A_1044 = tpu.vector_load %get3A_1041[%get3A_1042, %get3A_1043] {strides = array<i32>} : memref<400x32xi32, #tpu.memory_space<vmem>>, vector<16xi32>,
        %bitcast3A_1045 = vector.bitcast %get3A_1044 : vector<16xi32> to vector<32xbf16>
        %add3A_1046 = arith.addf %bitcast3A, %bitcast3A_1045 : vector<32xbf16>
        %unpack3A = tpu.unpack_subelements %add3A_1046, 0 {pack_format = #tpu.pack_format<interleaved>} : vector<32xbf16> -> vector<16xf32>
        %unpack3A_1047 = tpu.unpack_subelements %add3A_1046, 1 {pack_format = #tpu.pack_format<interleaved>} : vector<32xbf16> -> vector<16xf32>
        %add3A_1048 = arith.addf %scan3A_1016, %unpack3A : vector<16xf32>
        %add3A_1049 = arith.addf %scan3A_1017, %unpack3A_1047 : vector<16xf32>
        %get3A_1050 = arith.constant 0 : i32
        %get3A_1051 = arith.constant 0 : i32
        %get3A_1052 = tpu.memref_slice %arg6[%scan3A_500, %get3A_1050, %get3A_1051] : memref<4x400x32xi32, #tpu.memory_space<vmem>> -> memref<1x400x32xi32, #tpu.memory_space<vmem>>
        %get3A_1053 = tpu.memref_squeeze %get3A_1052 : memref<1x400x32xi32, #tpu.memory_space<vmem>> -> memref<400x32xi32, #tpu.memory_space<vmem>>
        %get3A_1054 = arith.index_cast %add3A_1029 : i32 to index
        %get3A_1055 = arith.constant 16 : index
        %get3A_1056 = tpu.vector_load %get3A_1053[%get3A_1054, %get3A_1055] {strides = array<i32>} : memref<400x32xi32, #tpu.memory_space<vmem>>, vector<16xi32>,
        %bitcast3A_1057 = vector.bitcast %get3A_1056 : vector<16xi32> to vector<32xbf16>
        %add3A_1058 = arith.constant 1 : i32
        %add3A_1059 = arith.addi %add3A_1029, %add3A_1058 : i32
        %get3A_1060 = arith.constant 0 : i32
        %get3A_1061 = arith.constant 0 : i32
        %get3A_1062 = tpu.memref_slice %arg6[%scan3A_500, %get3A_1060, %get3A_1061] : memref<4x400x32xi32, #tpu.memory_space<vmem>> -> memref<1x400x32xi32, #tpu.memory_space<vmem>>
        %get3A_1063 = tpu.memref_squeeze %get3A_1062 : memref<1x400x32xi32, #tpu.memory_space<vmem>> -> memref<400x32xi32, #tpu.memory_space<vmem>>
        %get3A_1064 = arith.index_cast %add3A_1059 : i32 to index
        %get3A_1065 = arith.constant 16 : index
        %get3A_1066 = tpu.vector_load %get3A_1063[%get3A_1064, %get3A_1065] {strides = array<i32>} : memref<400x32xi32, #tpu.memory_space<vmem>>, vector<16xi32>,
        %bitcast3A_1067 = vector.bitcast %get3A_1066 : vector<16xi32> to vector<32xbf16>
        %add3A_1068 = arith.addf %bitcast3A_1057, %bitcast3A_1067 : vector<32xbf16>
        %unpack3A_1069 = tpu.unpack_subelements %add3A_1068, 0 {pack_format = #tpu.pack_format<interleaved>} : vector<32xbf16> -> vector<16xf32>
        %unpack3A_1070 = tpu.unpack_subelements %add3A_1068, 1 {pack_format = #tpu.pack_format<interleaved>} : vector<32xbf16> -> vector<16xf32>
        %add3A_1071 = arith.addf %scan3A_1018, %unpack3A_1069 : vector<16xf32>
        %add3A_1072 = arith.addf %scan3A_1019, %unpack3A_1070 : vector<16xf32>
        %mul3A_1073 = arith.constant 4 : i32
        %mul3A_1074 = arith.muli %scan3A_1015, %mul3A_1073 : i32
        %add3A_1075 = arith.constant 0 : i32
        %add3A_1076 = arith.addi %add3A_1075, %mul3A_1074 : i32
        %add3A_1077 = arith.constant 2 : i32
        %add3A_1078 = arith.addi %add3A_1076, %add3A_1077 : i32
        %get3A_1079 = arith.constant 0 : i32
        %get3A_1080 = arith.constant 0 : i32
        %get3A_1081 = tpu.memref_slice %arg6[%scan3A_500, %get3A_1079, %get3A_1080] : memref<4x400x32xi32, #tpu.memory_space<vmem>> -> memref<1x400x32xi32, #tpu.memory_space<vmem>>
        %get3A_1082 = tpu.memref_squeeze %get3A_1081 : memref<1x400x32xi32, #tpu.memory_space<vmem>> -> memref<400x32xi32, #tpu.memory_space<vmem>>
        %get3A_1083 = arith.index_cast %add3A_1078 : i32 to index
        %get3A_1084 = arith.constant 0 : index
        %get3A_1085 = tpu.vector_load %get3A_1082[%get3A_1083, %get3A_1084] {strides = array<i32>} : memref<400x32xi32, #tpu.memory_space<vmem>>, vector<16xi32>,
        %bitcast3A_1086 = vector.bitcast %get3A_1085 : vector<16xi32> to vector<32xbf16>
        %add3A_1087 = arith.constant 1 : i32
        %add3A_1088 = arith.addi %add3A_1078, %add3A_1087 : i32
        %get3A_1089 = arith.constant 0 : i32
        %get3A_1090 = arith.constant 0 : i32
        %get3A_1091 = tpu.memref_slice %arg6[%scan3A_500, %get3A_1089, %get3A_1090] : memref<4x400x32xi32, #tpu.memory_space<vmem>> -> memref<1x400x32xi32, #tpu.memory_space<vmem>>
        %get3A_1092 = tpu.memref_squeeze %get3A_1091 : memref<1x400x32xi32, #tpu.memory_space<vmem>> -> memref<400x32xi32, #tpu.memory_space<vmem>>
        %get3A_1093 = arith.index_cast %add3A_1088 : i32 to index
        %get3A_1094 = arith.constant 0 : index
        %get3A_1095 = tpu.vector_load %get3A_1092[%get3A_1093, %get3A_1094] {strides = array<i32>} : memref<400x32xi32, #tpu.memory_space<vmem>>, vector<16xi32>,
        %bitcast3A_1096 = vector.bitcast %get3A_1095 : vector<16xi32> to vector<32xbf16>
        %add3A_1097 = arith.addf %bitcast3A_1086, %bitcast3A_1096 : vector<32xbf16>
        %unpack3A_1098 = tpu.unpack_subelements %add3A_1097, 0 {pack_format = #tpu.pack_format<interleaved>} : vector<32xbf16> -> vector<16xf32>
        %unpack3A_1099 = tpu.unpack_subelements %add3A_1097, 1 {pack_format = #tpu.pack_format<interleaved>} : vector<32xbf16> -> vector<16xf32>
        %add3A_1100 = arith.addf %scan3A_1020, %unpack3A_1098 : vector<16xf32>
        %add3A_1101 = arith.addf %scan3A_1021, %unpack3A_1099 : vector<16xf32>
        %get3A_1102 = arith.constant 0 : i32
        %get3A_1103 = arith.constant 0 : i32
        %get3A_1104 = tpu.memref_slice %arg6[%scan3A_500, %get3A_1102, %get3A_1103] : memref<4x400x32xi32, #tpu.memory_space<vmem>> -> memref<1x400x32xi32, #tpu.memory_space<vmem>>
        %get3A_1105 = tpu.memref_squeeze %get3A_1104 : memref<1x400x32xi32, #tpu.memory_space<vmem>> -> memref<400x32xi32, #tpu.memory_space<vmem>>
        %get3A_1106 = arith.index_cast %add3A_1078 : i32 to index
        %get3A_1107 = arith.constant 16 : index
        %get3A_1108 = tpu.vector_load %get3A_1105[%get3A_1106, %get3A_1107] {strides = array<i32>} : memref<400x32xi32, #tpu.memory_space<vmem>>, vector<16xi32>,
        %bitcast3A_1109 = vector.bitcast %get3A_1108 : vector<16xi32> to vector<32xbf16>
        %add3A_1110 = arith.constant 1 : i32
        %add3A_1111 = arith.addi %add3A_1078, %add3A_1110 : i32
        %get3A_1112 = arith.constant 0 : i32
        %get3A_1113 = arith.constant 0 : i32
        %get3A_1114 = tpu.memref_slice %arg6[%scan3A_500, %get3A_1112, %get3A_1113] : memref<4x400x32xi32, #tpu.memory_space<vmem>> -> memref<1x400x32xi32, #tpu.memory_space<vmem>>
        %get3A_1115 = tpu.memref_squeeze %get3A_1114 : memref<1x400x32xi32, #tpu.memory_space<vmem>> -> memref<400x32xi32, #tpu.memory_space<vmem>>
        %get3A_1116 = arith.index_cast %add3A_1111 : i32 to index
        %get3A_1117 = arith.constant 16 : index
        %get3A_1118 = tpu.vector_load %get3A_1115[%get3A_1116, %get3A_1117] {strides = array<i32>} : memref<400x32xi32, #tpu.memory_space<vmem>>, vector<16xi32>,
        %bitcast3A_1119 = vector.bitcast %get3A_1118 : vector<16xi32> to vector<32xbf16>
        %add3A_1120 = arith.addf %bitcast3A_1109, %bitcast3A_1119 : vector<32xbf16>
        %unpack3A_1121 = tpu.unpack_subelements %add3A_1120, 0 {pack_format = #tpu.pack_format<interleaved>} : vector<32xbf16> -> vector<16xf32>
        %unpack3A_1122 = tpu.unpack_subelements %add3A_1120, 1 {pack_format = #tpu.pack_format<interleaved>} : vector<32xbf16> -> vector<16xf32>
        %add3A_1123 = arith.addf %scan3A_1022, %unpack3A_1121 : vector<16xf32>
        %add3A_1124 = arith.addf %scan3A_1023, %unpack3A_1122 : vector<16xf32>
        scf.yield %add3A_1048, %add3A_1049, %add3A_1071, %add3A_1072, %add3A_1100, %add3A_1101, %add3A_1123, %add3A_1124 : vector<16xf32>, vector<16xf32>, vector<16xf32>, vector<16xf32>, vector<16xf32>, vector<16xf32>, vector<16xf32>, vector<16xf32>
      }
      %scan3A_506 = arith.constant 50 : i32
      %mul3A_507 = arith.constant 2 : i32
      %mul3A_508 = arith.muli %add3A_366, %mul3A_507 : i32
      %add3A_509 = arith.constant 0 : i32
      %add3A_510 = arith.addi %mul3A_508, %add3A_509 : i32
      %add3A_511 = arith.addf %scan3A_505#0, %scan3A_505#4 : vector<16xf32>
      %mul3A_512 = arith.constant 5.000000e-03 : f32
      %mul3A_513 = vector.broadcast %mul3A_512 : f32 to vector<16xf32>
      %mul3A_514 = arith.mulf %add3A_511, %mul3A_513 : vector<16xf32>
      %swap3A_515 = arith.index_cast %add3A_510 : i32 to index
      %swap3A_516 = arith.constant 0 : index
      %swap3A_517 = tpu.vector_load %arg7[%swap3A_515, %swap3A_516] {strides = array<i32>} : memref<512x64xf32, #tpu.memory_space<vmem>>, vector<16xf32>,
      tpu.vector_store %arg7[%swap3A_515, %swap3A_516], %mul3A_514 {strides = array<i32>} : memref<512x64xf32, #tpu.memory_space<vmem>>, vector<16xf32>,
      %add3A_518 = arith.addf %scan3A_505#1, %scan3A_505#5 : vector<16xf32>
      %mul3A_519 = arith.constant 5.000000e-03 : f32
      %mul3A_520 = vector.broadcast %mul3A_519 : f32 to vector<16xf32>
      %mul3A_521 = arith.mulf %add3A_518, %mul3A_520 : vector<16xf32>
      %swap3A_522 = arith.index_cast %add3A_510 : i32 to index
      %swap3A_523 = arith.constant 16 : index
      %swap3A_524 = tpu.vector_load %arg7[%swap3A_522, %swap3A_523] {strides = array<i32>} : memref<512x64xf32, #tpu.memory_space<vmem>>, vector<16xf32>,
      tpu.vector_store %arg7[%swap3A_522, %swap3A_523], %mul3A_521 {strides = array<i32>} : memref<512x64xf32, #tpu.memory_space<vmem>>, vector<16xf32>,
      %add3A_525 = arith.addf %scan3A_505#2, %scan3A_505#6 : vector<16xf32>
      %mul3A_526 = arith.constant 5.000000e-03 : f32
      %mul3A_527 = vector.broadcast %mul3A_526 : f32 to vector<16xf32>
      %mul3A_528 = arith.mulf %add3A_525, %mul3A_527 : vector<16xf32>
      %swap3A_529 = arith.index_cast %add3A_510 : i32 to index
      %swap3A_530 = arith.constant 32 : index
      %swap3A_531 = tpu.vector_load %arg7[%swap3A_529, %swap3A_530] {strides = array<i32>} : memref<512x64xf32, #tpu.memory_space<vmem>>, vector<16xf32>,
      tpu.vector_store %arg7[%swap3A_529, %swap3A_530], %mul3A_528 {strides = array<i32>} : memref<512x64xf32, #tpu.memory_space<vmem>>, vector<16xf32>,
      %add3A_532 = arith.addf %scan3A_505#3, %scan3A_505#7 : vector<16xf32>
      %mul3A_533 = arith.constant 5.000000e-03 : f32
      %mul3A_534 = vector.broadcast %mul3A_533 : f32 to vector<16xf32>
      %mul3A_535 = arith.mulf %add3A_532, %mul3A_534 : vector<16xf32>
      %swap3A_536 = arith.index_cast %add3A_510 : i32 to index
      %swap3A_537 = arith.constant 48 : index
      %swap3A_538 = tpu.vector_load %arg7[%swap3A_536, %swap3A_537] {strides = array<i32>} : memref<512x64xf32, #tpu.memory_space<vmem>>, vector<16xf32>,
      tpu.vector_store %arg7[%swap3A_536, %swap3A_537], %mul3A_535 {strides = array<i32>} : memref<512x64xf32, #tpu.memory_space<vmem>>, vector<16xf32>,
      %broadcast_in_dim3A_539 = arith.constant 0.000000e+00 : f32
      %broadcast_in_dim3A_540 = vector.broadcast %broadcast_in_dim3A_539 : f32 to vector<16xf32>
      %scan3A_541 = arith.constant 1 : i32
      %scan3A_542 = arith.constant 0 : i32
      %scan3A_543 = arith.constant 50 : i32
      %scan3A_544 = arith.addi %scan3A_542, %scan3A_543 : i32
      %scan3A_545 = arith.constant 1 : i32
      %scan3A_546:8 = scf.for %scan3A_1015 = %scan3A_542 to %scan3A_544 step %scan3A_545 iter_args(%scan3A_1016 = %broadcast_in_dim3A_540, %scan3A_1017 = %broadcast_in_dim3A_540, %scan3A_1018 = %broadcast_in_dim3A_540, %scan3A_1019 = %broadcast_in_dim3A_540, %scan3A_1020 = %broadcast_in_dim3A_540, %scan3A_1021 = %broadcast_in_dim3A_540, %scan3A_1022 = %broadcast_in_dim3A_540, %scan3A_1023 = %broadcast_in_dim3A_540) -> (vector<16xf32>, vector<16xf32>, vector<16xf32>, vector<16xf32>, vector<16xf32>, vector<16xf32>, vector<16xf32>, vector<16xf32>)  : i32 {
        %mul3A_1024 = arith.constant 4 : i32
        %mul3A_1025 = arith.muli %scan3A_1015, %mul3A_1024 : i32
        %add3A_1026 = arith.constant 200 : i32
        %add3A_1027 = arith.addi %add3A_1026, %mul3A_1025 : i32
        %add3A_1028 = arith.constant 0 : i32
        %add3A_1029 = arith.addi %add3A_1027, %add3A_1028 : i32
        %get3A = arith.constant 0 : i32
        %get3A_1030 = arith.constant 0 : i32
        %get3A_1031 = tpu.memref_slice %arg6[%scan3A_541, %get3A, %get3A_1030] : memref<4x400x32xi32, #tpu.memory_space<vmem>> -> memref<1x400x32xi32, #tpu.memory_space<vmem>>
        %get3A_1032 = tpu.memref_squeeze %get3A_1031 : memref<1x400x32xi32, #tpu.memory_space<vmem>> -> memref<400x32xi32, #tpu.memory_space<vmem>>
        %get3A_1033 = arith.index_cast %add3A_1029 : i32 to index
        %get3A_1034 = arith.constant 0 : index
        %get3A_1035 = tpu.vector_load %get3A_1032[%get3A_1033, %get3A_1034] {strides = array<i32>} : memref<400x32xi32, #tpu.memory_space<vmem>>, vector<16xi32>,
        %bitcast3A = vector.bitcast %get3A_1035 : vector<16xi32> to vector<32xbf16>
        %add3A_1036 = arith.constant 1 : i32
        %add3A_1037 = arith.addi %add3A_1029, %add3A_1036 : i32
        %get3A_1038 = arith.constant 0 : i32
        %get3A_1039 = arith.constant 0 : i32
        %get3A_1040 = tpu.memref_slice %arg6[%scan3A_541, %get3A_1038, %get3A_1039] : memref<4x400x32xi32, #tpu.memory_space<vmem>> -> memref<1x400x32xi32, #tpu.memory_space<vmem>>
        %get3A_1041 = tpu.memref_squeeze %get3A_1040 : memref<1x400x32xi32, #tpu.memory_space<vmem>> -> memref<400x32xi32, #tpu.memory_space<vmem>>
        %get3A_1042 = arith.index_cast %add3A_1037 : i32 to index
        %get3A_1043 = arith.constant 0 : index
        %get3A_1044 = tpu.vector_load %get3A_1041[%get3A_1042, %get3A_1043] {strides = array<i32>} : memref<400x32xi32, #tpu.memory_space<vmem>>, vector<16xi32>,
        %bitcast3A_1045 = vector.bitcast %get3A_1044 : vector<16xi32> to vector<32xbf16>
        %add3A_1046 = arith.addf %bitcast3A, %bitcast3A_1045 : vector<32xbf16>
        %unpack3A = tpu.unpack_subelements %add3A_1046, 0 {pack_format = #tpu.pack_format<interleaved>} : vector<32xbf16> -> vector<16xf32>
        %unpack3A_1047 = tpu.unpack_subelements %add3A_1046, 1 {pack_format = #tpu.pack_format<interleaved>} : vector<32xbf16> -> vector<16xf32>
        %add3A_1048 = arith.addf %scan3A_1016, %unpack3A : vector<16xf32>
        %add3A_1049 = arith.addf %scan3A_1017, %unpack3A_1047 : vector<16xf32>
        %get3A_1050 = arith.constant 0 : i32
        %get3A_1051 = arith.constant 0 : i32
        %get3A_1052 = tpu.memref_slice %arg6[%scan3A_541, %get3A_1050, %get3A_1051] : memref<4x400x32xi32, #tpu.memory_space<vmem>> -> memref<1x400x32xi32, #tpu.memory_space<vmem>>
        %get3A_1053 = tpu.memref_squeeze %get3A_1052 : memref<1x400x32xi32, #tpu.memory_space<vmem>> -> memref<400x32xi32, #tpu.memory_space<vmem>>
        %get3A_1054 = arith.index_cast %add3A_1029 : i32 to index
        %get3A_1055 = arith.constant 16 : index
        %get3A_1056 = tpu.vector_load %get3A_1053[%get3A_1054, %get3A_1055] {strides = array<i32>} : memref<400x32xi32, #tpu.memory_space<vmem>>, vector<16xi32>,
        %bitcast3A_1057 = vector.bitcast %get3A_1056 : vector<16xi32> to vector<32xbf16>
        %add3A_1058 = arith.constant 1 : i32
        %add3A_1059 = arith.addi %add3A_1029, %add3A_1058 : i32
        %get3A_1060 = arith.constant 0 : i32
        %get3A_1061 = arith.constant 0 : i32
        %get3A_1062 = tpu.memref_slice %arg6[%scan3A_541, %get3A_1060, %get3A_1061] : memref<4x400x32xi32, #tpu.memory_space<vmem>> -> memref<1x400x32xi32, #tpu.memory_space<vmem>>
        %get3A_1063 = tpu.memref_squeeze %get3A_1062 : memref<1x400x32xi32, #tpu.memory_space<vmem>> -> memref<400x32xi32, #tpu.memory_space<vmem>>
        %get3A_1064 = arith.index_cast %add3A_1059 : i32 to index
        %get3A_1065 = arith.constant 16 : index
        %get3A_1066 = tpu.vector_load %get3A_1063[%get3A_1064, %get3A_1065] {strides = array<i32>} : memref<400x32xi32, #tpu.memory_space<vmem>>, vector<16xi32>,
        %bitcast3A_1067 = vector.bitcast %get3A_1066 : vector<16xi32> to vector<32xbf16>
        %add3A_1068 = arith.addf %bitcast3A_1057, %bitcast3A_1067 : vector<32xbf16>
        %unpack3A_1069 = tpu.unpack_subelements %add3A_1068, 0 {pack_format = #tpu.pack_format<interleaved>} : vector<32xbf16> -> vector<16xf32>
        %unpack3A_1070 = tpu.unpack_subelements %add3A_1068, 1 {pack_format = #tpu.pack_format<interleaved>} : vector<32xbf16> -> vector<16xf32>
        %add3A_1071 = arith.addf %scan3A_1018, %unpack3A_1069 : vector<16xf32>
        %add3A_1072 = arith.addf %scan3A_1019, %unpack3A_1070 : vector<16xf32>
        %mul3A_1073 = arith.constant 4 : i32
        %mul3A_1074 = arith.muli %scan3A_1015, %mul3A_1073 : i32
        %add3A_1075 = arith.constant 200 : i32
        %add3A_1076 = arith.addi %add3A_1075, %mul3A_1074 : i32
        %add3A_1077 = arith.constant 2 : i32
        %add3A_1078 = arith.addi %add3A_1076, %add3A_1077 : i32
        %get3A_1079 = arith.constant 0 : i32
        %get3A_1080 = arith.constant 0 : i32
        %get3A_1081 = tpu.memref_slice %arg6[%scan3A_541, %get3A_1079, %get3A_1080] : memref<4x400x32xi32, #tpu.memory_space<vmem>> -> memref<1x400x32xi32, #tpu.memory_space<vmem>>
        %get3A_1082 = tpu.memref_squeeze %get3A_1081 : memref<1x400x32xi32, #tpu.memory_space<vmem>> -> memref<400x32xi32, #tpu.memory_space<vmem>>
        %get3A_1083 = arith.index_cast %add3A_1078 : i32 to index
        %get3A_1084 = arith.constant 0 : index
        %get3A_1085 = tpu.vector_load %get3A_1082[%get3A_1083, %get3A_1084] {strides = array<i32>} : memref<400x32xi32, #tpu.memory_space<vmem>>, vector<16xi32>,
        %bitcast3A_1086 = vector.bitcast %get3A_1085 : vector<16xi32> to vector<32xbf16>
        %add3A_1087 = arith.constant 1 : i32
        %add3A_1088 = arith.addi %add3A_1078, %add3A_1087 : i32
        %get3A_1089 = arith.constant 0 : i32
        %get3A_1090 = arith.constant 0 : i32
        %get3A_1091 = tpu.memref_slice %arg6[%scan3A_541, %get3A_1089, %get3A_1090] : memref<4x400x32xi32, #tpu.memory_space<vmem>> -> memref<1x400x32xi32, #tpu.memory_space<vmem>>
        %get3A_1092 = tpu.memref_squeeze %get3A_1091 : memref<1x400x32xi32, #tpu.memory_space<vmem>> -> memref<400x32xi32, #tpu.memory_space<vmem>>
        %get3A_1093 = arith.index_cast %add3A_1088 : i32 to index
        %get3A_1094 = arith.constant 0 : index
        %get3A_1095 = tpu.vector_load %get3A_1092[%get3A_1093, %get3A_1094] {strides = array<i32>} : memref<400x32xi32, #tpu.memory_space<vmem>>, vector<16xi32>,
        %bitcast3A_1096 = vector.bitcast %get3A_1095 : vector<16xi32> to vector<32xbf16>
        %add3A_1097 = arith.addf %bitcast3A_1086, %bitcast3A_1096 : vector<32xbf16>
        %unpack3A_1098 = tpu.unpack_subelements %add3A_1097, 0 {pack_format = #tpu.pack_format<interleaved>} : vector<32xbf16> -> vector<16xf32>
        %unpack3A_1099 = tpu.unpack_subelements %add3A_1097, 1 {pack_format = #tpu.pack_format<interleaved>} : vector<32xbf16> -> vector<16xf32>
        %add3A_1100 = arith.addf %scan3A_1020, %unpack3A_1098 : vector<16xf32>
        %add3A_1101 = arith.addf %scan3A_1021, %unpack3A_1099 : vector<16xf32>
        %get3A_1102 = arith.constant 0 : i32
        %get3A_1103 = arith.constant 0 : i32
        %get3A_1104 = tpu.memref_slice %arg6[%scan3A_541, %get3A_1102, %get3A_1103] : memref<4x400x32xi32, #tpu.memory_space<vmem>> -> memref<1x400x32xi32, #tpu.memory_space<vmem>>
        %get3A_1105 = tpu.memref_squeeze %get3A_1104 : memref<1x400x32xi32, #tpu.memory_space<vmem>> -> memref<400x32xi32, #tpu.memory_space<vmem>>
        %get3A_1106 = arith.index_cast %add3A_1078 : i32 to index
        %get3A_1107 = arith.constant 16 : index
        %get3A_1108 = tpu.vector_load %get3A_1105[%get3A_1106, %get3A_1107] {strides = array<i32>} : memref<400x32xi32, #tpu.memory_space<vmem>>, vector<16xi32>,
        %bitcast3A_1109 = vector.bitcast %get3A_1108 : vector<16xi32> to vector<32xbf16>
        %add3A_1110 = arith.constant 1 : i32
        %add3A_1111 = arith.addi %add3A_1078, %add3A_1110 : i32
        %get3A_1112 = arith.constant 0 : i32
        %get3A_1113 = arith.constant 0 : i32
        %get3A_1114 = tpu.memref_slice %arg6[%scan3A_541, %get3A_1112, %get3A_1113] : memref<4x400x32xi32, #tpu.memory_space<vmem>> -> memref<1x400x32xi32, #tpu.memory_space<vmem>>
        %get3A_1115 = tpu.memref_squeeze %get3A_1114 : memref<1x400x32xi32, #tpu.memory_space<vmem>> -> memref<400x32xi32, #tpu.memory_space<vmem>>
        %get3A_1116 = arith.index_cast %add3A_1111 : i32 to index
        %get3A_1117 = arith.constant 16 : index
        %get3A_1118 = tpu.vector_load %get3A_1115[%get3A_1116, %get3A_1117] {strides = array<i32>} : memref<400x32xi32, #tpu.memory_space<vmem>>, vector<16xi32>,
        %bitcast3A_1119 = vector.bitcast %get3A_1118 : vector<16xi32> to vector<32xbf16>
        %add3A_1120 = arith.addf %bitcast3A_1109, %bitcast3A_1119 : vector<32xbf16>
        %unpack3A_1121 = tpu.unpack_subelements %add3A_1120, 0 {pack_format = #tpu.pack_format<interleaved>} : vector<32xbf16> -> vector<16xf32>
        %unpack3A_1122 = tpu.unpack_subelements %add3A_1120, 1 {pack_format = #tpu.pack_format<interleaved>} : vector<32xbf16> -> vector<16xf32>
        %add3A_1123 = arith.addf %scan3A_1022, %unpack3A_1121 : vector<16xf32>
        %add3A_1124 = arith.addf %scan3A_1023, %unpack3A_1122 : vector<16xf32>
        scf.yield %add3A_1048, %add3A_1049, %add3A_1071, %add3A_1072, %add3A_1100, %add3A_1101, %add3A_1123, %add3A_1124 : vector<16xf32>, vector<16xf32>, vector<16xf32>, vector<16xf32>, vector<16xf32>, vector<16xf32>, vector<16xf32>, vector<16xf32>
      }
      %scan3A_547 = arith.constant 50 : i32
      %mul3A_548 = arith.constant 2 : i32
      %mul3A_549 = arith.muli %add3A_366, %mul3A_548 : i32
      %add3A_550 = arith.constant 1 : i32
      %add3A_551 = arith.addi %mul3A_549, %add3A_550 : i32
      %add3A_552 = arith.addf %scan3A_546#0, %scan3A_546#4 : vector<16xf32>
      %mul3A_553 = arith.constant 5.000000e-03 : f32
      %mul3A_554 = vector.broadcast %mul3A_553 : f32 to vector<16xf32>
      %mul3A_555 = arith.mulf %add3A_552, %mul3A_554 : vector<16xf32>
      %swap3A_556 = arith.index_cast %add3A_551 : i32 to index
      %swap3A_557 = arith.constant 0 : index
      %swap3A_558 = tpu.vector_load %arg7[%swap3A_556, %swap3A_557] {strides = array<i32>} : memref<512x64xf32, #tpu.memory_space<vmem>>, vector<16xf32>,
      tpu.vector_store %arg7[%swap3A_556, %swap3A_557], %mul3A_555 {strides = array<i32>} : memref<512x64xf32, #tpu.memory_space<vmem>>, vector<16xf32>,
      %add3A_559 = arith.addf %scan3A_546#1, %scan3A_546#5 : vector<16xf32>
      %mul3A_560 = arith.constant 5.000000e-03 : f32
      %mul3A_561 = vector.broadcast %mul3A_560 : f32 to vector<16xf32>
      %mul3A_562 = arith.mulf %add3A_559, %mul3A_561 : vector<16xf32>
      %swap3A_563 = arith.index_cast %add3A_551 : i32 to index
      %swap3A_564 = arith.constant 16 : index
      %swap3A_565 = tpu.vector_load %arg7[%swap3A_563, %swap3A_564] {strides = array<i32>} : memref<512x64xf32, #tpu.memory_space<vmem>>, vector<16xf32>,
      tpu.vector_store %arg7[%swap3A_563, %swap3A_564], %mul3A_562 {strides = array<i32>} : memref<512x64xf32, #tpu.memory_space<vmem>>, vector<16xf32>,
      %add3A_566 = arith.addf %scan3A_546#2, %scan3A_546#6 : vector<16xf32>
      %mul3A_567 = arith.constant 5.000000e-03 : f32
      %mul3A_568 = vector.broadcast %mul3A_567 : f32 to vector<16xf32>
      %mul3A_569 = arith.mulf %add3A_566, %mul3A_568 : vector<16xf32>
      %swap3A_570 = arith.index_cast %add3A_551 : i32 to index
      %swap3A_571 = arith.constant 32 : index
      %swap3A_572 = tpu.vector_load %arg7[%swap3A_570, %swap3A_571] {strides = array<i32>} : memref<512x64xf32, #tpu.memory_space<vmem>>, vector<16xf32>,
      tpu.vector_store %arg7[%swap3A_570, %swap3A_571], %mul3A_569 {strides = array<i32>} : memref<512x64xf32, #tpu.memory_space<vmem>>, vector<16xf32>,
      %add3A_573 = arith.addf %scan3A_546#3, %scan3A_546#7 : vector<16xf32>
      %mul3A_574 = arith.constant 5.000000e-03 : f32
      %mul3A_575 = vector.broadcast %mul3A_574 : f32 to vector<16xf32>
      %mul3A_576 = arith.mulf %add3A_573, %mul3A_575 : vector<16xf32>
      %swap3A_577 = arith.index_cast %add3A_551 : i32 to index
      %swap3A_578 = arith.constant 48 : index
      %swap3A_579 = tpu.vector_load %arg7[%swap3A_577, %swap3A_578] {strides = array<i32>} : memref<512x64xf32, #tpu.memory_space<vmem>>, vector<16xf32>,
      tpu.vector_store %arg7[%swap3A_577, %swap3A_578], %mul3A_576 {strides = array<i32>} : memref<512x64xf32, #tpu.memory_space<vmem>>, vector<16xf32>,
      %mul3A_580 = arith.constant 4 : i32
      %mul3A_581 = arith.muli %mul3A_580, %scan3A_156 : i32
      %add3A_582 = arith.constant 2 : i32
      %add3A_583 = arith.addi %mul3A_581, %add3A_582 : i32
      %jit3A_584 = arith.constant 32 : i32
      %eq3A_585 = arith.constant 0 : i32
      %eq3A_586 = arith.cmpi eq, %jit3A_584, %eq3A_585 : i32
      %jit3A_587 = arith.constant 1 : i32
      %select_n3A_588 = arith.select %eq3A_586, %jit3A_587, %jit3A_584 : i32
      %rem3A_589 = arith.remsi %add3A_583, %select_n3A_588 : i32
      %ne3A_590 = arith.constant 0 : i32
      %ne3A_591 = arith.cmpi ne, %rem3A_589, %ne3A_590 : i32
      %lt3A_592 = arith.constant 0 : i32
      %lt3A_593 = arith.cmpi slt, %rem3A_589, %lt3A_592 : i32
      %lt3A_594 = arith.constant 0 : i32
      %lt3A_595 = arith.cmpi slt, %select_n3A_588, %lt3A_594 : i32
      %ne3A_596 = arith.xori %lt3A_593, %lt3A_595 : i1
      %and3A_597 = arith.andi %ne3A_596, %ne3A_591 : i1
      %add3A_598 = arith.addi %rem3A_589, %select_n3A_588 : i32
      %select_n3A_599 = arith.select %and3A_597, %add3A_598, %rem3A_589 : i32
      %mul3A_600 = arith.constant 2 : i32
      %mul3A_601 = arith.muli %select_n3A_599, %mul3A_600 : i32
      %add3A_602 = arith.constant 0 : i32
      %add3A_603 = arith.addi %mul3A_601, %add3A_602 : i32
      %dma_wait3A_604 = arith.constant 2 : i32
      %dma_wait3A_605 = arith.constant 0 : i32
      %dma_wait3A_606 = arith.constant 0 : i32
      %dma_wait3A_607 = tpu.memref_slice %arg6[%dma_wait3A_604, %dma_wait3A_605, %dma_wait3A_606] : memref<4x400x32xi32, #tpu.memory_space<vmem>> -> memref<1x96x32xi32, #tpu.memory_space<vmem>>
      %dma_wait3A_608 = tpu.memref_squeeze %dma_wait3A_607 : memref<1x96x32xi32, #tpu.memory_space<vmem>> -> memref<96x32xi32, #tpu.memory_space<vmem>>
      %dma_wait3A_609 = arith.constant 0 : i32
      %dma_wait3A_610 = tpu.memref_slice %arg5[%add3A_603, %dma_wait3A_609] : memref<64x200xi32, #tpu.memory_space<vmem>> -> memref<1x96xi32, #tpu.memory_space<vmem>>
      %dma_wait3A_611 = tpu.memref_squeeze %dma_wait3A_610 : memref<1x96xi32, #tpu.memory_space<vmem>> -> memref<96xi32, #tpu.memory_space<vmem>>
      %dma_wait3A_612 = arith.constant 0 : i32
      %dma_wait3A_613 = arith.constant 0 : i32
      %dma_wait3A_614 = tpu.memref_slice %arg3[%dma_wait3A_612, %dma_wait3A_613] : memref<42000x32xi32, #tpu.memory_space<hbm>> -> memref<42000x32xi32, #tpu.memory_space<hbm>>
      tpu.wait_indirect_dma semaphore(%arg10 : memref<!tpu.dma_semaphore, #tpu.memory_space<semaphore_mem>>) src(%dma_wait3A_614 : memref<42000x32xi32, #tpu.memory_space<hbm>>) dst(%dma_wait3A_608 : memref<96x32xi32, #tpu.memory_space<vmem>>)
      %jit3A_615 = arith.constant 32 : i32
      %eq3A_616 = arith.constant 0 : i32
      %eq3A_617 = arith.cmpi eq, %jit3A_615, %eq3A_616 : i32
      %jit3A_618 = arith.constant 1 : i32
      %select_n3A_619 = arith.select %eq3A_617, %jit3A_618, %jit3A_615 : i32
      %rem3A_620 = arith.remsi %add3A_583, %select_n3A_619 : i32
      %ne3A_621 = arith.constant 0 : i32
      %ne3A_622 = arith.cmpi ne, %rem3A_620, %ne3A_621 : i32
      %lt3A_623 = arith.constant 0 : i32
      %lt3A_624 = arith.cmpi slt, %rem3A_620, %lt3A_623 : i32
      %lt3A_625 = arith.constant 0 : i32
      %lt3A_626 = arith.cmpi slt, %select_n3A_619, %lt3A_625 : i32
      %ne3A_627 = arith.xori %lt3A_624, %lt3A_626 : i1
      %and3A_628 = arith.andi %ne3A_627, %ne3A_622 : i1
      %add3A_629 = arith.addi %rem3A_620, %select_n3A_619 : i32
      %select_n3A_630 = arith.select %and3A_628, %add3A_629, %rem3A_620 : i32
      %mul3A_631 = arith.constant 2 : i32
      %mul3A_632 = arith.muli %select_n3A_630, %mul3A_631 : i32
      %add3A_633 = arith.constant 0 : i32
      %add3A_634 = arith.addi %mul3A_632, %add3A_633 : i32
      %dma_wait3A_635 = arith.constant 2 : i32
      %dma_wait3A_636 = arith.constant 96 : i32
      %dma_wait3A_637 = arith.constant 0 : i32
      %dma_wait3A_638 = tpu.memref_slice %arg6[%dma_wait3A_635, %dma_wait3A_636, %dma_wait3A_637] : memref<4x400x32xi32, #tpu.memory_space<vmem>> -> memref<1x104x32xi32, #tpu.memory_space<vmem>>
      %dma_wait3A_639 = tpu.memref_squeeze %dma_wait3A_638 : memref<1x104x32xi32, #tpu.memory_space<vmem>> -> memref<104x32xi32, #tpu.memory_space<vmem>>
      %dma_wait3A_640 = arith.constant 96 : i32
      %dma_wait3A_641 = tpu.memref_slice %arg5[%add3A_634, %dma_wait3A_640] : memref<64x200xi32, #tpu.memory_space<vmem>> -> memref<1x104xi32, #tpu.memory_space<vmem>>
      %dma_wait3A_642 = tpu.memref_squeeze %dma_wait3A_641 : memref<1x104xi32, #tpu.memory_space<vmem>> -> memref<104xi32, #tpu.memory_space<vmem>>
      %dma_wait3A_643 = arith.constant 0 : i32
      %dma_wait3A_644 = arith.constant 0 : i32
      %dma_wait3A_645 = tpu.memref_slice %arg3[%dma_wait3A_643, %dma_wait3A_644] : memref<42000x32xi32, #tpu.memory_space<hbm>> -> memref<42000x32xi32, #tpu.memory_space<hbm>>
      tpu.wait_indirect_dma semaphore(%arg10 : memref<!tpu.dma_semaphore, #tpu.memory_space<semaphore_mem>>) src(%dma_wait3A_645 : memref<42000x32xi32, #tpu.memory_space<hbm>>) dst(%dma_wait3A_639 : memref<104x32xi32, #tpu.memory_space<vmem>>)
      %jit3A_646 = arith.constant 32 : i32
      %eq3A_647 = arith.constant 0 : i32
      %eq3A_648 = arith.cmpi eq, %jit3A_646, %eq3A_647 : i32
      %jit3A_649 = arith.constant 1 : i32
      %select_n3A_650 = arith.select %eq3A_648, %jit3A_649, %jit3A_646 : i32
      %rem3A_651 = arith.remsi %add3A_583, %select_n3A_650 : i32
      %ne3A_652 = arith.constant 0 : i32
      %ne3A_653 = arith.cmpi ne, %rem3A_651, %ne3A_652 : i32
      %lt3A_654 = arith.constant 0 : i32
      %lt3A_655 = arith.cmpi slt, %rem3A_651, %lt3A_654 : i32
      %lt3A_656 = arith.constant 0 : i32
      %lt3A_657 = arith.cmpi slt, %select_n3A_650, %lt3A_656 : i32
      %ne3A_658 = arith.xori %lt3A_655, %lt3A_657 : i1
      %and3A_659 = arith.andi %ne3A_658, %ne3A_653 : i1
      %add3A_660 = arith.addi %rem3A_651, %select_n3A_650 : i32
      %select_n3A_661 = arith.select %and3A_659, %add3A_660, %rem3A_651 : i32
      %mul3A_662 = arith.constant 2 : i32
      %mul3A_663 = arith.muli %select_n3A_661, %mul3A_662 : i32
      %add3A_664 = arith.constant 1 : i32
      %add3A_665 = arith.addi %mul3A_663, %add3A_664 : i32
      %dma_wait3A_666 = arith.constant 2 : i32
      %dma_wait3A_667 = arith.constant 200 : i32
      %dma_wait3A_668 = arith.constant 0 : i32
      %dma_wait3A_669 = tpu.memref_slice %arg6[%dma_wait3A_666, %dma_wait3A_667, %dma_wait3A_668] : memref<4x400x32xi32, #tpu.memory_space<vmem>> -> memref<1x96x32xi32, #tpu.memory_space<vmem>>
      %dma_wait3A_670 = tpu.memref_squeeze %dma_wait3A_669 : memref<1x96x32xi32, #tpu.memory_space<vmem>> -> memref<96x32xi32, #tpu.memory_space<vmem>>
      %dma_wait3A_671 = arith.constant 0 : i32
      %dma_wait3A_672 = tpu.memref_slice %arg5[%add3A_665, %dma_wait3A_671] : memref<64x200xi32, #tpu.memory_space<vmem>> -> memref<1x96xi32, #tpu.memory_space<vmem>>
      %dma_wait3A_673 = tpu.memref_squeeze %dma_wait3A_672 : memref<1x96xi32, #tpu.memory_space<vmem>> -> memref<96xi32, #tpu.memory_space<vmem>>
      %dma_wait3A_674 = arith.constant 0 : i32
      %dma_wait3A_675 = arith.constant 0 : i32
      %dma_wait3A_676 = tpu.memref_slice %arg3[%dma_wait3A_674, %dma_wait3A_675] : memref<42000x32xi32, #tpu.memory_space<hbm>> -> memref<42000x32xi32, #tpu.memory_space<hbm>>
      tpu.wait_indirect_dma semaphore(%arg10 : memref<!tpu.dma_semaphore, #tpu.memory_space<semaphore_mem>>) src(%dma_wait3A_676 : memref<42000x32xi32, #tpu.memory_space<hbm>>) dst(%dma_wait3A_670 : memref<96x32xi32, #tpu.memory_space<vmem>>)
      %jit3A_677 = arith.constant 32 : i32
      %eq3A_678 = arith.constant 0 : i32
      %eq3A_679 = arith.cmpi eq, %jit3A_677, %eq3A_678 : i32
      %jit3A_680 = arith.constant 1 : i32
      %select_n3A_681 = arith.select %eq3A_679, %jit3A_680, %jit3A_677 : i32
      %rem3A_682 = arith.remsi %add3A_583, %select_n3A_681 : i32
      %ne3A_683 = arith.constant 0 : i32
      %ne3A_684 = arith.cmpi ne, %rem3A_682, %ne3A_683 : i32
      %lt3A_685 = arith.constant 0 : i32
      %lt3A_686 = arith.cmpi slt, %rem3A_682, %lt3A_685 : i32
      %lt3A_687 = arith.constant 0 : i32
      %lt3A_688 = arith.cmpi slt, %select_n3A_681, %lt3A_687 : i32
      %ne3A_689 = arith.xori %lt3A_686, %lt3A_688 : i1
      %and3A_690 = arith.andi %ne3A_689, %ne3A_684 : i1
      %add3A_691 = arith.addi %rem3A_682, %select_n3A_681 : i32
      %select_n3A_692 = arith.select %and3A_690, %add3A_691, %rem3A_682 : i32
      %mul3A_693 = arith.constant 2 : i32
      %mul3A_694 = arith.muli %select_n3A_692, %mul3A_693 : i32
      %add3A_695 = arith.constant 1 : i32
      %add3A_696 = arith.addi %mul3A_694, %add3A_695 : i32
      %dma_wait3A_697 = arith.constant 2 : i32
      %dma_wait3A_698 = arith.constant 296 : i32
      %dma_wait3A_699 = arith.constant 0 : i32
      %dma_wait3A_700 = tpu.memref_slice %arg6[%dma_wait3A_697, %dma_wait3A_698, %dma_wait3A_699] : memref<4x400x32xi32, #tpu.memory_space<vmem>> -> memref<1x104x32xi32, #tpu.memory_space<vmem>>
      %dma_wait3A_701 = tpu.memref_squeeze %dma_wait3A_700 : memref<1x104x32xi32, #tpu.memory_space<vmem>> -> memref<104x32xi32, #tpu.memory_space<vmem>>
      %dma_wait3A_702 = arith.constant 96 : i32
      %dma_wait3A_703 = tpu.memref_slice %arg5[%add3A_696, %dma_wait3A_702] : memref<64x200xi32, #tpu.memory_space<vmem>> -> memref<1x104xi32, #tpu.memory_space<vmem>>
      %dma_wait3A_704 = tpu.memref_squeeze %dma_wait3A_703 : memref<1x104xi32, #tpu.memory_space<vmem>> -> memref<104xi32, #tpu.memory_space<vmem>>
      %dma_wait3A_705 = arith.constant 0 : i32
      %dma_wait3A_706 = arith.constant 0 : i32
      %dma_wait3A_707 = tpu.memref_slice %arg3[%dma_wait3A_705, %dma_wait3A_706] : memref<42000x32xi32, #tpu.memory_space<hbm>> -> memref<42000x32xi32, #tpu.memory_space<hbm>>
      tpu.wait_indirect_dma semaphore(%arg10 : memref<!tpu.dma_semaphore, #tpu.memory_space<semaphore_mem>>) src(%dma_wait3A_707 : memref<42000x32xi32, #tpu.memory_space<hbm>>) dst(%dma_wait3A_701 : memref<104x32xi32, #tpu.memory_space<vmem>>)
      %add3A_708 = arith.constant 3 : i32
      %add3A_709 = arith.addi %add3A_583, %add3A_708 : i32
      %lt3A_710 = arith.constant 256 : i32
      %lt3A_711 = arith.cmpi slt, %add3A_709, %lt3A_710 : i32
      %convert_element_type3A_712 = arith.extui %lt3A_711 : i1 to i32
      %cond3A_713 = arith.constant 0 : i32
      %cond3A_714 = arith.cmpi ne, %convert_element_type3A_712, %cond3A_713 : i32
      scf.if %cond3A_714 {
        %jit3A_1015 = arith.constant 16 : i32
        %eq3A_1016 = arith.constant 0 : i32
        %eq3A_1017 = arith.cmpi eq, %jit3A_1015, %eq3A_1016 : i32
        %jit3A_1018 = arith.constant 1 : i32
        %select_n3A_1019 = arith.select %eq3A_1017, %jit3A_1018, %jit3A_1015 : i32
        %rem3A_1020 = arith.remsi %add3A_709, %select_n3A_1019 : i32
        %ne3A_1021 = arith.constant 0 : i32
        %ne3A_1022 = arith.cmpi ne, %rem3A_1020, %ne3A_1021 : i32
        %lt3A_1023 = arith.constant 0 : i32
        %lt3A_1024 = arith.cmpi slt, %rem3A_1020, %lt3A_1023 : i32
        %lt3A_1025 = arith.constant 0 : i32
        %lt3A_1026 = arith.cmpi slt, %select_n3A_1019, %lt3A_1025 : i32
        %ne3A_1027 = arith.xori %lt3A_1024, %lt3A_1026 : i1
        %and3A_1028 = arith.andi %ne3A_1027, %ne3A_1022 : i1
        %add3A_1029 = arith.addi %rem3A_1020, %select_n3A_1019 : i32
        %select_n3A_1030 = arith.select %and3A_1028, %add3A_1029, %rem3A_1020 : i32
        %eq3A_1031 = arith.constant 0 : i32
        %eq3A_1032 = arith.cmpi eq, %select_n3A_1030, %eq3A_1031 : i32
        %convert_element_type3A_1033 = arith.extui %eq3A_1032 : i1 to i32
        %cond3A_1034 = arith.constant 0 : i32
        %cond3A_1035 = arith.cmpi ne, %convert_element_type3A_1033, %cond3A_1034 : i32
        scf.if %cond3A_1035 {
          %jit3A_1160 = arith.constant 16 : i32
          %div3A = arith.divsi %add3A_709, %jit3A_1160 : i32
          %sign3A = arith.constant 0 : i32
          %sign3A_1161 = arith.cmpi sgt, %add3A_709, %sign3A : i32
          %sign3A_1162 = arith.extui %sign3A_1161 : i1 to i32
          %sign3A_1163 = arith.constant 0 : i32
          %sign3A_1164 = arith.cmpi slt, %add3A_709, %sign3A_1163 : i32
          %sign3A_1165 = arith.extui %sign3A_1164 : i1 to i32
          %sign3A_1166 = arith.subi %sign3A_1162, %sign3A_1165 : i32
          %sign3A_1167 = arith.constant 0 : i32
          %sign3A_1168 = arith.cmpi sgt, %jit3A_1160, %sign3A_1167 : i32
          %sign3A_1169 = arith.extui %sign3A_1168 : i1 to i32
          %sign3A_1170 = arith.constant 0 : i32
          %sign3A_1171 = arith.cmpi slt, %jit3A_1160, %sign3A_1170 : i32
          %sign3A_1172 = arith.extui %sign3A_1171 : i1 to i32
          %sign3A_1173 = arith.subi %sign3A_1169, %sign3A_1172 : i32
          %ne3A_1174 = arith.cmpi ne, %sign3A_1166, %sign3A_1173 : i32
          %rem3A_1175 = arith.remsi %add3A_709, %jit3A_1160 : i32
          %ne3A_1176 = arith.constant 0 : i32
          %ne3A_1177 = arith.cmpi ne, %rem3A_1175, %ne3A_1176 : i32
          %and3A_1178 = arith.andi %ne3A_1174, %ne3A_1177 : i1
          %sub3A = arith.constant 1 : i32
          %sub3A_1179 = arith.subi %div3A, %sub3A : i32
          %select_n3A_1180 = arith.select %and3A_1178, %sub3A_1179, %div3A : i32
          %mul3A_1181 = arith.constant 32 : i32
          %mul3A_1182 = arith.muli %select_n3A_1180, %mul3A_1181 : i32
          %add3A_1183 = arith.addi %mul3A_2, %mul3A_1182 : i32
          %jit3A_1184 = arith.constant 2 : i32
          %eq3A_1185 = arith.constant 0 : i32
          %eq3A_1186 = arith.cmpi eq, %jit3A_1184, %eq3A_1185 : i32
          %jit3A_1187 = arith.constant 1 : i32
          %select_n3A_1188 = arith.select %eq3A_1186, %jit3A_1187, %jit3A_1184 : i32
          %rem3A_1189 = arith.remsi %select_n3A_1180, %select_n3A_1188 : i32
          %ne3A_1190 = arith.constant 0 : i32
          %ne3A_1191 = arith.cmpi ne, %rem3A_1189, %ne3A_1190 : i32
          %lt3A_1192 = arith.constant 0 : i32
          %lt3A_1193 = arith.cmpi slt, %rem3A_1189, %lt3A_1192 : i32
          %lt3A_1194 = arith.constant 0 : i32
          %lt3A_1195 = arith.cmpi slt, %select_n3A_1188, %lt3A_1194 : i32
          %ne3A_1196 = arith.xori %lt3A_1193, %lt3A_1195 : i1
          %and3A_1197 = arith.andi %ne3A_1196, %ne3A_1191 : i1
          %add3A_1198 = arith.addi %rem3A_1189, %select_n3A_1188 : i32
          %select_n3A_1199 = arith.select %and3A_1197, %add3A_1198, %rem3A_1189 : i32
          %mul3A_1200 = arith.constant 32 : i32
          %mul3A_1201 = arith.muli %select_n3A_1199, %mul3A_1200 : i32
          "tpu.region"() ({
            %run_scoped3A = tpu.sem_alloc : memref<!tpu.dma_semaphore, #tpu.memory_space<semaphore_mem>>
            %dma_start3A_1202 = arith.constant 0 : i32
            %dma_start3A_1203 = tpu.memref_slice %arg5[%mul3A_1201, %dma_start3A_1202] : memref<64x200xi32, #tpu.memory_space<vmem>> -> memref<32x200xi32, #tpu.memory_space<vmem>>
            %dma_start3A_1204 = arith.constant 0 : i32
            %dma_start3A_1205 = tpu.memref_slice %arg2[%add3A_1183, %dma_start3A_1204] : memref<16384x200xi32, #tpu.memory_space<hbm>> -> memref<32x200xi32, #tpu.memory_space<hbm>>
            %dma_start3A_1206 = arith.constant 0 : i32
            %dma_start3A_1207 = tpu.memref_slice %arg5[%mul3A_1201, %dma_start3A_1206] : memref<64x200xi32, #tpu.memory_space<vmem>> -> memref<32x200xi32, #tpu.memory_space<vmem>>
            %dma_start3A_1208 = arith.constant 0 : i32
            %dma_start3A_1209 = tpu.memref_slice %arg2[%add3A_1183, %dma_start3A_1208] : memref<16384x200xi32, #tpu.memory_space<hbm>> -> memref<32x200xi32, #tpu.memory_space<hbm>>
            tpu.enqueue_dma source(%dma_start3A_1209 : memref<32x200xi32, #tpu.memory_space<hbm>>) target(%dma_start3A_1207 : memref<32x200xi32, #tpu.memory_space<vmem>>) target_semaphore(%run_scoped3A : memref<!tpu.dma_semaphore, #tpu.memory_space<semaphore_mem>>)
            %dma_wait3A_1210 = arith.constant 0 : i32
            %dma_wait3A_1211 = tpu.memref_slice %arg5[%mul3A_1201, %dma_wait3A_1210] : memref<64x200xi32, #tpu.memory_space<vmem>> -> memref<32x200xi32, #tpu.memory_space<vmem>>
            %dma_wait3A_1212 = arith.constant 0 : i32
            %dma_wait3A_1213 = tpu.memref_slice %arg2[%add3A_1183, %dma_wait3A_1212] : memref<16384x200xi32, #tpu.memory_space<hbm>> -> memref<32x200xi32, #tpu.memory_space<hbm>>
            %dma_wait3A_1214 = arith.constant 0 : i32
            %dma_wait3A_1215 = tpu.memref_slice %arg5[%mul3A_1201, %dma_wait3A_1214] : memref<64x200xi32, #tpu.memory_space<vmem>> -> memref<32x200xi32, #tpu.memory_space<vmem>>
            %dma_wait3A_1216 = arith.constant 0 : i32
            %dma_wait3A_1217 = tpu.memref_slice %arg2[%add3A_1183, %dma_wait3A_1216] : memref<16384x200xi32, #tpu.memory_space<hbm>> -> memref<32x200xi32, #tpu.memory_space<hbm>>
            tpu.wait_dma2 semaphore(%run_scoped3A : memref<!tpu.dma_semaphore, #tpu.memory_space<semaphore_mem>>) src(%dma_wait3A_1217 : memref<32x200xi32, #tpu.memory_space<hbm>>) dst(%dma_wait3A_1215 : memref<32x200xi32, #tpu.memory_space<vmem>>)
            tpu.yield
          }) : () -> ()
        } else {
        }
        %jit3A_1036 = arith.constant 32 : i32
        %eq3A_1037 = arith.constant 0 : i32
        %eq3A_1038 = arith.cmpi eq, %jit3A_1036, %eq3A_1037 : i32
        %jit3A_1039 = arith.constant 1 : i32
        %select_n3A_1040 = arith.select %eq3A_1038, %jit3A_1039, %jit3A_1036 : i32
        %rem3A_1041 = arith.remsi %add3A_709, %select_n3A_1040 : i32
        %ne3A_1042 = arith.constant 0 : i32
        %ne3A_1043 = arith.cmpi ne, %rem3A_1041, %ne3A_1042 : i32
        %lt3A_1044 = arith.constant 0 : i32
        %lt3A_1045 = arith.cmpi slt, %rem3A_1041, %lt3A_1044 : i32
        %lt3A_1046 = arith.constant 0 : i32
        %lt3A_1047 = arith.cmpi slt, %select_n3A_1040, %lt3A_1046 : i32
        %ne3A_1048 = arith.xori %lt3A_1045, %lt3A_1047 : i1
        %and3A_1049 = arith.andi %ne3A_1048, %ne3A_1043 : i1
        %add3A_1050 = arith.addi %rem3A_1041, %select_n3A_1040 : i32
        %select_n3A_1051 = arith.select %and3A_1049, %add3A_1050, %rem3A_1041 : i32
        %mul3A_1052 = arith.constant 2 : i32
        %mul3A_1053 = arith.muli %select_n3A_1051, %mul3A_1052 : i32
        %add3A_1054 = arith.constant 0 : i32
        %add3A_1055 = arith.addi %mul3A_1053, %add3A_1054 : i32
        %dma_start3A_1056 = arith.constant 1 : i32
        %dma_start3A_1057 = arith.constant 0 : i32
        %dma_start3A_1058 = arith.constant 0 : i32
        %dma_start3A_1059 = tpu.memref_slice %arg6[%dma_start3A_1056, %dma_start3A_1057, %dma_start3A_1058] : memref<4x400x32xi32, #tpu.memory_space<vmem>> -> memref<1x96x32xi32, #tpu.memory_space<vmem>>
        %dma_start3A_1060 = tpu.memref_squeeze %dma_start3A_1059 : memref<1x96x32xi32, #tpu.memory_space<vmem>> -> memref<96x32xi32, #tpu.memory_space<vmem>>
        %dma_start3A_1061 = arith.constant 0 : i32
        %dma_start3A_1062 = tpu.memref_slice %arg5[%add3A_1055, %dma_start3A_1061] : memref<64x200xi32, #tpu.memory_space<vmem>> -> memref<1x96xi32, #tpu.memory_space<vmem>>
        %dma_start3A_1063 = tpu.memref_squeeze %dma_start3A_1062 : memref<1x96xi32, #tpu.memory_space<vmem>> -> memref<96xi32, #tpu.memory_space<vmem>>
        %dma_start3A_1064 = arith.constant 0 : i32
        %dma_start3A_1065 = arith.constant 0 : i32
        %dma_start3A_1066 = tpu.memref_slice %arg3[%dma_start3A_1064, %dma_start3A_1065] : memref<42000x32xi32, #tpu.memory_space<hbm>> -> memref<42000x32xi32, #tpu.memory_space<hbm>>
        tpu.enqueue_indirect_dma source(%dma_start3A_1066 : memref<42000x32xi32, #tpu.memory_space<hbm>>) target(%dma_start3A_1060 : memref<96x32xi32, #tpu.memory_space<vmem>>) offsets(%dma_start3A_1063 : memref<96xi32, #tpu.memory_space<vmem>>) semaphore(%arg9 : memref<!tpu.dma_semaphore, #tpu.memory_space<semaphore_mem>>)
        %jit3A_1067 = arith.constant 32 : i32
        %eq3A_1068 = arith.constant 0 : i32
        %eq3A_1069 = arith.cmpi eq, %jit3A_1067, %eq3A_1068 : i32
        %jit3A_1070 = arith.constant 1 : i32
        %select_n3A_1071 = arith.select %eq3A_1069, %jit3A_1070, %jit3A_1067 : i32
        %rem3A_1072 = arith.remsi %add3A_709, %select_n3A_1071 : i32
        %ne3A_1073 = arith.constant 0 : i32
        %ne3A_1074 = arith.cmpi ne, %rem3A_1072, %ne3A_1073 : i32
        %lt3A_1075 = arith.constant 0 : i32
        %lt3A_1076 = arith.cmpi slt, %rem3A_1072, %lt3A_1075 : i32
        %lt3A_1077 = arith.constant 0 : i32
        %lt3A_1078 = arith.cmpi slt, %select_n3A_1071, %lt3A_1077 : i32
        %ne3A_1079 = arith.xori %lt3A_1076, %lt3A_1078 : i1
        %and3A_1080 = arith.andi %ne3A_1079, %ne3A_1074 : i1
        %add3A_1081 = arith.addi %rem3A_1072, %select_n3A_1071 : i32
        %select_n3A_1082 = arith.select %and3A_1080, %add3A_1081, %rem3A_1072 : i32
        %mul3A_1083 = arith.constant 2 : i32
        %mul3A_1084 = arith.muli %select_n3A_1082, %mul3A_1083 : i32
        %add3A_1085 = arith.constant 0 : i32
        %add3A_1086 = arith.addi %mul3A_1084, %add3A_1085 : i32
        %dma_start3A_1087 = arith.constant 1 : i32
        %dma_start3A_1088 = arith.constant 96 : i32
        %dma_start3A_1089 = arith.constant 0 : i32
        %dma_start3A_1090 = tpu.memref_slice %arg6[%dma_start3A_1087, %dma_start3A_1088, %dma_start3A_1089] : memref<4x400x32xi32, #tpu.memory_space<vmem>> -> memref<1x104x32xi32, #tpu.memory_space<vmem>>
        %dma_start3A_1091 = tpu.memref_squeeze %dma_start3A_1090 : memref<1x104x32xi32, #tpu.memory_space<vmem>> -> memref<104x32xi32, #tpu.memory_space<vmem>>
        %dma_start3A_1092 = arith.constant 96 : i32
        %dma_start3A_1093 = tpu.memref_slice %arg5[%add3A_1086, %dma_start3A_1092] : memref<64x200xi32, #tpu.memory_space<vmem>> -> memref<1x104xi32, #tpu.memory_space<vmem>>
        %dma_start3A_1094 = tpu.memref_squeeze %dma_start3A_1093 : memref<1x104xi32, #tpu.memory_space<vmem>> -> memref<104xi32, #tpu.memory_space<vmem>>
        %dma_start3A_1095 = arith.constant 0 : i32
        %dma_start3A_1096 = arith.constant 0 : i32
        %dma_start3A_1097 = tpu.memref_slice %arg3[%dma_start3A_1095, %dma_start3A_1096] : memref<42000x32xi32, #tpu.memory_space<hbm>> -> memref<42000x32xi32, #tpu.memory_space<hbm>>
        tpu.enqueue_indirect_dma source(%dma_start3A_1097 : memref<42000x32xi32, #tpu.memory_space<hbm>>) target(%dma_start3A_1091 : memref<104x32xi32, #tpu.memory_space<vmem>>) offsets(%dma_start3A_1094 : memref<104xi32, #tpu.memory_space<vmem>>) semaphore(%arg9 : memref<!tpu.dma_semaphore, #tpu.memory_space<semaphore_mem>>)
        %jit3A_1098 = arith.constant 32 : i32
        %eq3A_1099 = arith.constant 0 : i32
        %eq3A_1100 = arith.cmpi eq, %jit3A_1098, %eq3A_1099 : i32
        %jit3A_1101 = arith.constant 1 : i32
        %select_n3A_1102 = arith.select %eq3A_1100, %jit3A_1101, %jit3A_1098 : i32
        %rem3A_1103 = arith.remsi %add3A_709, %select_n3A_1102 : i32
        %ne3A_1104 = arith.constant 0 : i32
        %ne3A_1105 = arith.cmpi ne, %rem3A_1103, %ne3A_1104 : i32
        %lt3A_1106 = arith.constant 0 : i32
        %lt3A_1107 = arith.cmpi slt, %rem3A_1103, %lt3A_1106 : i32
        %lt3A_1108 = arith.constant 0 : i32
        %lt3A_1109 = arith.cmpi slt, %select_n3A_1102, %lt3A_1108 : i32
        %ne3A_1110 = arith.xori %lt3A_1107, %lt3A_1109 : i1
        %and3A_1111 = arith.andi %ne3A_1110, %ne3A_1105 : i1
        %add3A_1112 = arith.addi %rem3A_1103, %select_n3A_1102 : i32
        %select_n3A_1113 = arith.select %and3A_1111, %add3A_1112, %rem3A_1103 : i32
        %mul3A_1114 = arith.constant 2 : i32
        %mul3A_1115 = arith.muli %select_n3A_1113, %mul3A_1114 : i32
        %add3A_1116 = arith.constant 1 : i32
        %add3A_1117 = arith.addi %mul3A_1115, %add3A_1116 : i32
        %dma_start3A_1118 = arith.constant 1 : i32
        %dma_start3A_1119 = arith.constant 200 : i32
        %dma_start3A_1120 = arith.constant 0 : i32
        %dma_start3A_1121 = tpu.memref_slice %arg6[%dma_start3A_1118, %dma_start3A_1119, %dma_start3A_1120] : memref<4x400x32xi32, #tpu.memory_space<vmem>> -> memref<1x96x32xi32, #tpu.memory_space<vmem>>
        %dma_start3A_1122 = tpu.memref_squeeze %dma_start3A_1121 : memref<1x96x32xi32, #tpu.memory_space<vmem>> -> memref<96x32xi32, #tpu.memory_space<vmem>>
        %dma_start3A_1123 = arith.constant 0 : i32
        %dma_start3A_1124 = tpu.memref_slice %arg5[%add3A_1117, %dma_start3A_1123] : memref<64x200xi32, #tpu.memory_space<vmem>> -> memref<1x96xi32, #tpu.memory_space<vmem>>
        %dma_start3A_1125 = tpu.memref_squeeze %dma_start3A_1124 : memref<1x96xi32, #tpu.memory_space<vmem>> -> memref<96xi32, #tpu.memory_space<vmem>>
        %dma_start3A_1126 = arith.constant 0 : i32
        %dma_start3A_1127 = arith.constant 0 : i32
        %dma_start3A_1128 = tpu.memref_slice %arg3[%dma_start3A_1126, %dma_start3A_1127] : memref<42000x32xi32, #tpu.memory_space<hbm>> -> memref<42000x32xi32, #tpu.memory_space<hbm>>
        tpu.enqueue_indirect_dma source(%dma_start3A_1128 : memref<42000x32xi32, #tpu.memory_space<hbm>>) target(%dma_start3A_1122 : memref<96x32xi32, #tpu.memory_space<vmem>>) offsets(%dma_start3A_1125 : memref<96xi32, #tpu.memory_space<vmem>>) semaphore(%arg9 : memref<!tpu.dma_semaphore, #tpu.memory_space<semaphore_mem>>)
        %jit3A_1129 = arith.constant 32 : i32
        %eq3A_1130 = arith.constant 0 : i32
        %eq3A_1131 = arith.cmpi eq, %jit3A_1129, %eq3A_1130 : i32
        %jit3A_1132 = arith.constant 1 : i32
        %select_n3A_1133 = arith.select %eq3A_1131, %jit3A_1132, %jit3A_1129 : i32
        %rem3A_1134 = arith.remsi %add3A_709, %select_n3A_1133 : i32
        %ne3A_1135 = arith.constant 0 : i32
        %ne3A_1136 = arith.cmpi ne, %rem3A_1134, %ne3A_1135 : i32
        %lt3A_1137 = arith.constant 0 : i32
        %lt3A_1138 = arith.cmpi slt, %rem3A_1134, %lt3A_1137 : i32
        %lt3A_1139 = arith.constant 0 : i32
        %lt3A_1140 = arith.cmpi slt, %select_n3A_1133, %lt3A_1139 : i32
        %ne3A_1141 = arith.xori %lt3A_1138, %lt3A_1140 : i1
        %and3A_1142 = arith.andi %ne3A_1141, %ne3A_1136 : i1
        %add3A_1143 = arith.addi %rem3A_1134, %select_n3A_1133 : i32
        %select_n3A_1144 = arith.select %and3A_1142, %add3A_1143, %rem3A_1134 : i32
        %mul3A_1145 = arith.constant 2 : i32
        %mul3A_1146 = arith.muli %select_n3A_1144, %mul3A_1145 : i32
        %add3A_1147 = arith.constant 1 : i32
        %add3A_1148 = arith.addi %mul3A_1146, %add3A_1147 : i32
        %dma_start3A_1149 = arith.constant 1 : i32
        %dma_start3A_1150 = arith.constant 296 : i32
        %dma_start3A_1151 = arith.constant 0 : i32
        %dma_start3A_1152 = tpu.memref_slice %arg6[%dma_start3A_1149, %dma_start3A_1150, %dma_start3A_1151] : memref<4x400x32xi32, #tpu.memory_space<vmem>> -> memref<1x104x32xi32, #tpu.memory_space<vmem>>
        %dma_start3A_1153 = tpu.memref_squeeze %dma_start3A_1152 : memref<1x104x32xi32, #tpu.memory_space<vmem>> -> memref<104x32xi32, #tpu.memory_space<vmem>>
        %dma_start3A_1154 = arith.constant 96 : i32
        %dma_start3A_1155 = tpu.memref_slice %arg5[%add3A_1148, %dma_start3A_1154] : memref<64x200xi32, #tpu.memory_space<vmem>> -> memref<1x104xi32, #tpu.memory_space<vmem>>
        %dma_start3A_1156 = tpu.memref_squeeze %dma_start3A_1155 : memref<1x104xi32, #tpu.memory_space<vmem>> -> memref<104xi32, #tpu.memory_space<vmem>>
        %dma_start3A_1157 = arith.constant 0 : i32
        %dma_start3A_1158 = arith.constant 0 : i32
        %dma_start3A_1159 = tpu.memref_slice %arg3[%dma_start3A_1157, %dma_start3A_1158] : memref<42000x32xi32, #tpu.memory_space<hbm>> -> memref<42000x32xi32, #tpu.memory_space<hbm>>
        tpu.enqueue_indirect_dma source(%dma_start3A_1159 : memref<42000x32xi32, #tpu.memory_space<hbm>>) target(%dma_start3A_1153 : memref<104x32xi32, #tpu.memory_space<vmem>>) offsets(%dma_start3A_1156 : memref<104xi32, #tpu.memory_space<vmem>>) semaphore(%arg9 : memref<!tpu.dma_semaphore, #tpu.memory_space<semaphore_mem>>)
      } else {
      }
      %broadcast_in_dim3A_715 = arith.constant 0.000000e+00 : f32
      %broadcast_in_dim3A_716 = vector.broadcast %broadcast_in_dim3A_715 : f32 to vector<16xf32>
      %scan3A_717 = arith.constant 2 : i32
      %scan3A_718 = arith.constant 0 : i32
      %scan3A_719 = arith.constant 50 : i32
      %scan3A_720 = arith.addi %scan3A_718, %scan3A_719 : i32
      %scan3A_721 = arith.constant 1 : i32
      %scan3A_722:8 = scf.for %scan3A_1015 = %scan3A_718 to %scan3A_720 step %scan3A_721 iter_args(%scan3A_1016 = %broadcast_in_dim3A_716, %scan3A_1017 = %broadcast_in_dim3A_716, %scan3A_1018 = %broadcast_in_dim3A_716, %scan3A_1019 = %broadcast_in_dim3A_716, %scan3A_1020 = %broadcast_in_dim3A_716, %scan3A_1021 = %broadcast_in_dim3A_716, %scan3A_1022 = %broadcast_in_dim3A_716, %scan3A_1023 = %broadcast_in_dim3A_716) -> (vector<16xf32>, vector<16xf32>, vector<16xf32>, vector<16xf32>, vector<16xf32>, vector<16xf32>, vector<16xf32>, vector<16xf32>)  : i32 {
        %mul3A_1024 = arith.constant 4 : i32
        %mul3A_1025 = arith.muli %scan3A_1015, %mul3A_1024 : i32
        %add3A_1026 = arith.constant 0 : i32
        %add3A_1027 = arith.addi %add3A_1026, %mul3A_1025 : i32
        %add3A_1028 = arith.constant 0 : i32
        %add3A_1029 = arith.addi %add3A_1027, %add3A_1028 : i32
        %get3A = arith.constant 0 : i32
        %get3A_1030 = arith.constant 0 : i32
        %get3A_1031 = tpu.memref_slice %arg6[%scan3A_717, %get3A, %get3A_1030] : memref<4x400x32xi32, #tpu.memory_space<vmem>> -> memref<1x400x32xi32, #tpu.memory_space<vmem>>
        %get3A_1032 = tpu.memref_squeeze %get3A_1031 : memref<1x400x32xi32, #tpu.memory_space<vmem>> -> memref<400x32xi32, #tpu.memory_space<vmem>>
        %get3A_1033 = arith.index_cast %add3A_1029 : i32 to index
        %get3A_1034 = arith.constant 0 : index
        %get3A_1035 = tpu.vector_load %get3A_1032[%get3A_1033, %get3A_1034] {strides = array<i32>} : memref<400x32xi32, #tpu.memory_space<vmem>>, vector<16xi32>,
        %bitcast3A = vector.bitcast %get3A_1035 : vector<16xi32> to vector<32xbf16>
        %add3A_1036 = arith.constant 1 : i32
        %add3A_1037 = arith.addi %add3A_1029, %add3A_1036 : i32
        %get3A_1038 = arith.constant 0 : i32
        %get3A_1039 = arith.constant 0 : i32
        %get3A_1040 = tpu.memref_slice %arg6[%scan3A_717, %get3A_1038, %get3A_1039] : memref<4x400x32xi32, #tpu.memory_space<vmem>> -> memref<1x400x32xi32, #tpu.memory_space<vmem>>
        %get3A_1041 = tpu.memref_squeeze %get3A_1040 : memref<1x400x32xi32, #tpu.memory_space<vmem>> -> memref<400x32xi32, #tpu.memory_space<vmem>>
        %get3A_1042 = arith.index_cast %add3A_1037 : i32 to index
        %get3A_1043 = arith.constant 0 : index
        %get3A_1044 = tpu.vector_load %get3A_1041[%get3A_1042, %get3A_1043] {strides = array<i32>} : memref<400x32xi32, #tpu.memory_space<vmem>>, vector<16xi32>,
        %bitcast3A_1045 = vector.bitcast %get3A_1044 : vector<16xi32> to vector<32xbf16>
        %add3A_1046 = arith.addf %bitcast3A, %bitcast3A_1045 : vector<32xbf16>
        %unpack3A = tpu.unpack_subelements %add3A_1046, 0 {pack_format = #tpu.pack_format<interleaved>} : vector<32xbf16> -> vector<16xf32>
        %unpack3A_1047 = tpu.unpack_subelements %add3A_1046, 1 {pack_format = #tpu.pack_format<interleaved>} : vector<32xbf16> -> vector<16xf32>
        %add3A_1048 = arith.addf %scan3A_1016, %unpack3A : vector<16xf32>
        %add3A_1049 = arith.addf %scan3A_1017, %unpack3A_1047 : vector<16xf32>
        %get3A_1050 = arith.constant 0 : i32
        %get3A_1051 = arith.constant 0 : i32
        %get3A_1052 = tpu.memref_slice %arg6[%scan3A_717, %get3A_1050, %get3A_1051] : memref<4x400x32xi32, #tpu.memory_space<vmem>> -> memref<1x400x32xi32, #tpu.memory_space<vmem>>
        %get3A_1053 = tpu.memref_squeeze %get3A_1052 : memref<1x400x32xi32, #tpu.memory_space<vmem>> -> memref<400x32xi32, #tpu.memory_space<vmem>>
        %get3A_1054 = arith.index_cast %add3A_1029 : i32 to index
        %get3A_1055 = arith.constant 16 : index
        %get3A_1056 = tpu.vector_load %get3A_1053[%get3A_1054, %get3A_1055] {strides = array<i32>} : memref<400x32xi32, #tpu.memory_space<vmem>>, vector<16xi32>,
        %bitcast3A_1057 = vector.bitcast %get3A_1056 : vector<16xi32> to vector<32xbf16>
        %add3A_1058 = arith.constant 1 : i32
        %add3A_1059 = arith.addi %add3A_1029, %add3A_1058 : i32
        %get3A_1060 = arith.constant 0 : i32
        %get3A_1061 = arith.constant 0 : i32
        %get3A_1062 = tpu.memref_slice %arg6[%scan3A_717, %get3A_1060, %get3A_1061] : memref<4x400x32xi32, #tpu.memory_space<vmem>> -> memref<1x400x32xi32, #tpu.memory_space<vmem>>
        %get3A_1063 = tpu.memref_squeeze %get3A_1062 : memref<1x400x32xi32, #tpu.memory_space<vmem>> -> memref<400x32xi32, #tpu.memory_space<vmem>>
        %get3A_1064 = arith.index_cast %add3A_1059 : i32 to index
        %get3A_1065 = arith.constant 16 : index
        %get3A_1066 = tpu.vector_load %get3A_1063[%get3A_1064, %get3A_1065] {strides = array<i32>} : memref<400x32xi32, #tpu.memory_space<vmem>>, vector<16xi32>,
        %bitcast3A_1067 = vector.bitcast %get3A_1066 : vector<16xi32> to vector<32xbf16>
        %add3A_1068 = arith.addf %bitcast3A_1057, %bitcast3A_1067 : vector<32xbf16>
        %unpack3A_1069 = tpu.unpack_subelements %add3A_1068, 0 {pack_format = #tpu.pack_format<interleaved>} : vector<32xbf16> -> vector<16xf32>
        %unpack3A_1070 = tpu.unpack_subelements %add3A_1068, 1 {pack_format = #tpu.pack_format<interleaved>} : vector<32xbf16> -> vector<16xf32>
        %add3A_1071 = arith.addf %scan3A_1018, %unpack3A_1069 : vector<16xf32>
        %add3A_1072 = arith.addf %scan3A_1019, %unpack3A_1070 : vector<16xf32>
        %mul3A_1073 = arith.constant 4 : i32
        %mul3A_1074 = arith.muli %scan3A_1015, %mul3A_1073 : i32
        %add3A_1075 = arith.constant 0 : i32
        %add3A_1076 = arith.addi %add3A_1075, %mul3A_1074 : i32
        %add3A_1077 = arith.constant 2 : i32
        %add3A_1078 = arith.addi %add3A_1076, %add3A_1077 : i32
        %get3A_1079 = arith.constant 0 : i32
        %get3A_1080 = arith.constant 0 : i32
        %get3A_1081 = tpu.memref_slice %arg6[%scan3A_717, %get3A_1079, %get3A_1080] : memref<4x400x32xi32, #tpu.memory_space<vmem>> -> memref<1x400x32xi32, #tpu.memory_space<vmem>>
        %get3A_1082 = tpu.memref_squeeze %get3A_1081 : memref<1x400x32xi32, #tpu.memory_space<vmem>> -> memref<400x32xi32, #tpu.memory_space<vmem>>
        %get3A_1083 = arith.index_cast %add3A_1078 : i32 to index
        %get3A_1084 = arith.constant 0 : index
        %get3A_1085 = tpu.vector_load %get3A_1082[%get3A_1083, %get3A_1084] {strides = array<i32>} : memref<400x32xi32, #tpu.memory_space<vmem>>, vector<16xi32>,
        %bitcast3A_1086 = vector.bitcast %get3A_1085 : vector<16xi32> to vector<32xbf16>
        %add3A_1087 = arith.constant 1 : i32
        %add3A_1088 = arith.addi %add3A_1078, %add3A_1087 : i32
        %get3A_1089 = arith.constant 0 : i32
        %get3A_1090 = arith.constant 0 : i32
        %get3A_1091 = tpu.memref_slice %arg6[%scan3A_717, %get3A_1089, %get3A_1090] : memref<4x400x32xi32, #tpu.memory_space<vmem>> -> memref<1x400x32xi32, #tpu.memory_space<vmem>>
        %get3A_1092 = tpu.memref_squeeze %get3A_1091 : memref<1x400x32xi32, #tpu.memory_space<vmem>> -> memref<400x32xi32, #tpu.memory_space<vmem>>
        %get3A_1093 = arith.index_cast %add3A_1088 : i32 to index
        %get3A_1094 = arith.constant 0 : index
        %get3A_1095 = tpu.vector_load %get3A_1092[%get3A_1093, %get3A_1094] {strides = array<i32>} : memref<400x32xi32, #tpu.memory_space<vmem>>, vector<16xi32>,
        %bitcast3A_1096 = vector.bitcast %get3A_1095 : vector<16xi32> to vector<32xbf16>
        %add3A_1097 = arith.addf %bitcast3A_1086, %bitcast3A_1096 : vector<32xbf16>
        %unpack3A_1098 = tpu.unpack_subelements %add3A_1097, 0 {pack_format = #tpu.pack_format<interleaved>} : vector<32xbf16> -> vector<16xf32>
        %unpack3A_1099 = tpu.unpack_subelements %add3A_1097, 1 {pack_format = #tpu.pack_format<interleaved>} : vector<32xbf16> -> vector<16xf32>
        %add3A_1100 = arith.addf %scan3A_1020, %unpack3A_1098 : vector<16xf32>
        %add3A_1101 = arith.addf %scan3A_1021, %unpack3A_1099 : vector<16xf32>
        %get3A_1102 = arith.constant 0 : i32
        %get3A_1103 = arith.constant 0 : i32
        %get3A_1104 = tpu.memref_slice %arg6[%scan3A_717, %get3A_1102, %get3A_1103] : memref<4x400x32xi32, #tpu.memory_space<vmem>> -> memref<1x400x32xi32, #tpu.memory_space<vmem>>
        %get3A_1105 = tpu.memref_squeeze %get3A_1104 : memref<1x400x32xi32, #tpu.memory_space<vmem>> -> memref<400x32xi32, #tpu.memory_space<vmem>>
        %get3A_1106 = arith.index_cast %add3A_1078 : i32 to index
        %get3A_1107 = arith.constant 16 : index
        %get3A_1108 = tpu.vector_load %get3A_1105[%get3A_1106, %get3A_1107] {strides = array<i32>} : memref<400x32xi32, #tpu.memory_space<vmem>>, vector<16xi32>,
        %bitcast3A_1109 = vector.bitcast %get3A_1108 : vector<16xi32> to vector<32xbf16>
        %add3A_1110 = arith.constant 1 : i32
        %add3A_1111 = arith.addi %add3A_1078, %add3A_1110 : i32
        %get3A_1112 = arith.constant 0 : i32
        %get3A_1113 = arith.constant 0 : i32
        %get3A_1114 = tpu.memref_slice %arg6[%scan3A_717, %get3A_1112, %get3A_1113] : memref<4x400x32xi32, #tpu.memory_space<vmem>> -> memref<1x400x32xi32, #tpu.memory_space<vmem>>
        %get3A_1115 = tpu.memref_squeeze %get3A_1114 : memref<1x400x32xi32, #tpu.memory_space<vmem>> -> memref<400x32xi32, #tpu.memory_space<vmem>>
        %get3A_1116 = arith.index_cast %add3A_1111 : i32 to index
        %get3A_1117 = arith.constant 16 : index
        %get3A_1118 = tpu.vector_load %get3A_1115[%get3A_1116, %get3A_1117] {strides = array<i32>} : memref<400x32xi32, #tpu.memory_space<vmem>>, vector<16xi32>,
        %bitcast3A_1119 = vector.bitcast %get3A_1118 : vector<16xi32> to vector<32xbf16>
        %add3A_1120 = arith.addf %bitcast3A_1109, %bitcast3A_1119 : vector<32xbf16>
        %unpack3A_1121 = tpu.unpack_subelements %add3A_1120, 0 {pack_format = #tpu.pack_format<interleaved>} : vector<32xbf16> -> vector<16xf32>
        %unpack3A_1122 = tpu.unpack_subelements %add3A_1120, 1 {pack_format = #tpu.pack_format<interleaved>} : vector<32xbf16> -> vector<16xf32>
        %add3A_1123 = arith.addf %scan3A_1022, %unpack3A_1121 : vector<16xf32>
        %add3A_1124 = arith.addf %scan3A_1023, %unpack3A_1122 : vector<16xf32>
        scf.yield %add3A_1048, %add3A_1049, %add3A_1071, %add3A_1072, %add3A_1100, %add3A_1101, %add3A_1123, %add3A_1124 : vector<16xf32>, vector<16xf32>, vector<16xf32>, vector<16xf32>, vector<16xf32>, vector<16xf32>, vector<16xf32>, vector<16xf32>
      }
      %scan3A_723 = arith.constant 50 : i32
      %mul3A_724 = arith.constant 2 : i32
      %mul3A_725 = arith.muli %add3A_583, %mul3A_724 : i32
      %add3A_726 = arith.constant 0 : i32
      %add3A_727 = arith.addi %mul3A_725, %add3A_726 : i32
      %add3A_728 = arith.addf %scan3A_722#0, %scan3A_722#4 : vector<16xf32>
      %mul3A_729 = arith.constant 5.000000e-03 : f32
      %mul3A_730 = vector.broadcast %mul3A_729 : f32 to vector<16xf32>
      %mul3A_731 = arith.mulf %add3A_728, %mul3A_730 : vector<16xf32>
      %swap3A_732 = arith.index_cast %add3A_727 : i32 to index
      %swap3A_733 = arith.constant 0 : index
      %swap3A_734 = tpu.vector_load %arg7[%swap3A_732, %swap3A_733] {strides = array<i32>} : memref<512x64xf32, #tpu.memory_space<vmem>>, vector<16xf32>,
      tpu.vector_store %arg7[%swap3A_732, %swap3A_733], %mul3A_731 {strides = array<i32>} : memref<512x64xf32, #tpu.memory_space<vmem>>, vector<16xf32>,
      %add3A_735 = arith.addf %scan3A_722#1, %scan3A_722#5 : vector<16xf32>
      %mul3A_736 = arith.constant 5.000000e-03 : f32
      %mul3A_737 = vector.broadcast %mul3A_736 : f32 to vector<16xf32>
      %mul3A_738 = arith.mulf %add3A_735, %mul3A_737 : vector<16xf32>
      %swap3A_739 = arith.index_cast %add3A_727 : i32 to index
      %swap3A_740 = arith.constant 16 : index
      %swap3A_741 = tpu.vector_load %arg7[%swap3A_739, %swap3A_740] {strides = array<i32>} : memref<512x64xf32, #tpu.memory_space<vmem>>, vector<16xf32>,
      tpu.vector_store %arg7[%swap3A_739, %swap3A_740], %mul3A_738 {strides = array<i32>} : memref<512x64xf32, #tpu.memory_space<vmem>>, vector<16xf32>,
      %add3A_742 = arith.addf %scan3A_722#2, %scan3A_722#6 : vector<16xf32>
      %mul3A_743 = arith.constant 5.000000e-03 : f32
      %mul3A_744 = vector.broadcast %mul3A_743 : f32 to vector<16xf32>
      %mul3A_745 = arith.mulf %add3A_742, %mul3A_744 : vector<16xf32>
      %swap3A_746 = arith.index_cast %add3A_727 : i32 to index
      %swap3A_747 = arith.constant 32 : index
      %swap3A_748 = tpu.vector_load %arg7[%swap3A_746, %swap3A_747] {strides = array<i32>} : memref<512x64xf32, #tpu.memory_space<vmem>>, vector<16xf32>,
      tpu.vector_store %arg7[%swap3A_746, %swap3A_747], %mul3A_745 {strides = array<i32>} : memref<512x64xf32, #tpu.memory_space<vmem>>, vector<16xf32>,
      %add3A_749 = arith.addf %scan3A_722#3, %scan3A_722#7 : vector<16xf32>
      %mul3A_750 = arith.constant 5.000000e-03 : f32
      %mul3A_751 = vector.broadcast %mul3A_750 : f32 to vector<16xf32>
      %mul3A_752 = arith.mulf %add3A_749, %mul3A_751 : vector<16xf32>
      %swap3A_753 = arith.index_cast %add3A_727 : i32 to index
      %swap3A_754 = arith.constant 48 : index
      %swap3A_755 = tpu.vector_load %arg7[%swap3A_753, %swap3A_754] {strides = array<i32>} : memref<512x64xf32, #tpu.memory_space<vmem>>, vector<16xf32>,
      tpu.vector_store %arg7[%swap3A_753, %swap3A_754], %mul3A_752 {strides = array<i32>} : memref<512x64xf32, #tpu.memory_space<vmem>>, vector<16xf32>,
      %broadcast_in_dim3A_756 = arith.constant 0.000000e+00 : f32
      %broadcast_in_dim3A_757 = vector.broadcast %broadcast_in_dim3A_756 : f32 to vector<16xf32>
      %scan3A_758 = arith.constant 2 : i32
      %scan3A_759 = arith.constant 0 : i32
      %scan3A_760 = arith.constant 50 : i32
      %scan3A_761 = arith.addi %scan3A_759, %scan3A_760 : i32
      %scan3A_762 = arith.constant 1 : i32
      %scan3A_763:8 = scf.for %scan3A_1015 = %scan3A_759 to %scan3A_761 step %scan3A_762 iter_args(%scan3A_1016 = %broadcast_in_dim3A_757, %scan3A_1017 = %broadcast_in_dim3A_757, %scan3A_1018 = %broadcast_in_dim3A_757, %scan3A_1019 = %broadcast_in_dim3A_757, %scan3A_1020 = %broadcast_in_dim3A_757, %scan3A_1021 = %broadcast_in_dim3A_757, %scan3A_1022 = %broadcast_in_dim3A_757, %scan3A_1023 = %broadcast_in_dim3A_757) -> (vector<16xf32>, vector<16xf32>, vector<16xf32>, vector<16xf32>, vector<16xf32>, vector<16xf32>, vector<16xf32>, vector<16xf32>)  : i32 {
        %mul3A_1024 = arith.constant 4 : i32
        %mul3A_1025 = arith.muli %scan3A_1015, %mul3A_1024 : i32
        %add3A_1026 = arith.constant 200 : i32
        %add3A_1027 = arith.addi %add3A_1026, %mul3A_1025 : i32
        %add3A_1028 = arith.constant 0 : i32
        %add3A_1029 = arith.addi %add3A_1027, %add3A_1028 : i32
        %get3A = arith.constant 0 : i32
        %get3A_1030 = arith.constant 0 : i32
        %get3A_1031 = tpu.memref_slice %arg6[%scan3A_758, %get3A, %get3A_1030] : memref<4x400x32xi32, #tpu.memory_space<vmem>> -> memref<1x400x32xi32, #tpu.memory_space<vmem>>
        %get3A_1032 = tpu.memref_squeeze %get3A_1031 : memref<1x400x32xi32, #tpu.memory_space<vmem>> -> memref<400x32xi32, #tpu.memory_space<vmem>>
        %get3A_1033 = arith.index_cast %add3A_1029 : i32 to index
        %get3A_1034 = arith.constant 0 : index
        %get3A_1035 = tpu.vector_load %get3A_1032[%get3A_1033, %get3A_1034] {strides = array<i32>} : memref<400x32xi32, #tpu.memory_space<vmem>>, vector<16xi32>,
        %bitcast3A = vector.bitcast %get3A_1035 : vector<16xi32> to vector<32xbf16>
        %add3A_1036 = arith.constant 1 : i32
        %add3A_1037 = arith.addi %add3A_1029, %add3A_1036 : i32
        %get3A_1038 = arith.constant 0 : i32
        %get3A_1039 = arith.constant 0 : i32
        %get3A_1040 = tpu.memref_slice %arg6[%scan3A_758, %get3A_1038, %get3A_1039] : memref<4x400x32xi32, #tpu.memory_space<vmem>> -> memref<1x400x32xi32, #tpu.memory_space<vmem>>
        %get3A_1041 = tpu.memref_squeeze %get3A_1040 : memref<1x400x32xi32, #tpu.memory_space<vmem>> -> memref<400x32xi32, #tpu.memory_space<vmem>>
        %get3A_1042 = arith.index_cast %add3A_1037 : i32 to index
        %get3A_1043 = arith.constant 0 : index
        %get3A_1044 = tpu.vector_load %get3A_1041[%get3A_1042, %get3A_1043] {strides = array<i32>} : memref<400x32xi32, #tpu.memory_space<vmem>>, vector<16xi32>,
        %bitcast3A_1045 = vector.bitcast %get3A_1044 : vector<16xi32> to vector<32xbf16>
        %add3A_1046 = arith.addf %bitcast3A, %bitcast3A_1045 : vector<32xbf16>
        %unpack3A = tpu.unpack_subelements %add3A_1046, 0 {pack_format = #tpu.pack_format<interleaved>} : vector<32xbf16> -> vector<16xf32>
        %unpack3A_1047 = tpu.unpack_subelements %add3A_1046, 1 {pack_format = #tpu.pack_format<interleaved>} : vector<32xbf16> -> vector<16xf32>
        %add3A_1048 = arith.addf %scan3A_1016, %unpack3A : vector<16xf32>
        %add3A_1049 = arith.addf %scan3A_1017, %unpack3A_1047 : vector<16xf32>
        %get3A_1050 = arith.constant 0 : i32
        %get3A_1051 = arith.constant 0 : i32
        %get3A_1052 = tpu.memref_slice %arg6[%scan3A_758, %get3A_1050, %get3A_1051] : memref<4x400x32xi32, #tpu.memory_space<vmem>> -> memref<1x400x32xi32, #tpu.memory_space<vmem>>
        %get3A_1053 = tpu.memref_squeeze %get3A_1052 : memref<1x400x32xi32, #tpu.memory_space<vmem>> -> memref<400x32xi32, #tpu.memory_space<vmem>>
        %get3A_1054 = arith.index_cast %add3A_1029 : i32 to index
        %get3A_1055 = arith.constant 16 : index
        %get3A_1056 = tpu.vector_load %get3A_1053[%get3A_1054, %get3A_1055] {strides = array<i32>} : memref<400x32xi32, #tpu.memory_space<vmem>>, vector<16xi32>,
        %bitcast3A_1057 = vector.bitcast %get3A_1056 : vector<16xi32> to vector<32xbf16>
        %add3A_1058 = arith.constant 1 : i32
        %add3A_1059 = arith.addi %add3A_1029, %add3A_1058 : i32
        %get3A_1060 = arith.constant 0 : i32
        %get3A_1061 = arith.constant 0 : i32
        %get3A_1062 = tpu.memref_slice %arg6[%scan3A_758, %get3A_1060, %get3A_1061] : memref<4x400x32xi32, #tpu.memory_space<vmem>> -> memref<1x400x32xi32, #tpu.memory_space<vmem>>
        %get3A_1063 = tpu.memref_squeeze %get3A_1062 : memref<1x400x32xi32, #tpu.memory_space<vmem>> -> memref<400x32xi32, #tpu.memory_space<vmem>>
        %get3A_1064 = arith.index_cast %add3A_1059 : i32 to index
        %get3A_1065 = arith.constant 16 : index
        %get3A_1066 = tpu.vector_load %get3A_1063[%get3A_1064, %get3A_1065] {strides = array<i32>} : memref<400x32xi32, #tpu.memory_space<vmem>>, vector<16xi32>,
        %bitcast3A_1067 = vector.bitcast %get3A_1066 : vector<16xi32> to vector<32xbf16>
        %add3A_1068 = arith.addf %bitcast3A_1057, %bitcast3A_1067 : vector<32xbf16>
        %unpack3A_1069 = tpu.unpack_subelements %add3A_1068, 0 {pack_format = #tpu.pack_format<interleaved>} : vector<32xbf16> -> vector<16xf32>
        %unpack3A_1070 = tpu.unpack_subelements %add3A_1068, 1 {pack_format = #tpu.pack_format<interleaved>} : vector<32xbf16> -> vector<16xf32>
        %add3A_1071 = arith.addf %scan3A_1018, %unpack3A_1069 : vector<16xf32>
        %add3A_1072 = arith.addf %scan3A_1019, %unpack3A_1070 : vector<16xf32>
        %mul3A_1073 = arith.constant 4 : i32
        %mul3A_1074 = arith.muli %scan3A_1015, %mul3A_1073 : i32
        %add3A_1075 = arith.constant 200 : i32
        %add3A_1076 = arith.addi %add3A_1075, %mul3A_1074 : i32
        %add3A_1077 = arith.constant 2 : i32
        %add3A_1078 = arith.addi %add3A_1076, %add3A_1077 : i32
        %get3A_1079 = arith.constant 0 : i32
        %get3A_1080 = arith.constant 0 : i32
        %get3A_1081 = tpu.memref_slice %arg6[%scan3A_758, %get3A_1079, %get3A_1080] : memref<4x400x32xi32, #tpu.memory_space<vmem>> -> memref<1x400x32xi32, #tpu.memory_space<vmem>>
        %get3A_1082 = tpu.memref_squeeze %get3A_1081 : memref<1x400x32xi32, #tpu.memory_space<vmem>> -> memref<400x32xi32, #tpu.memory_space<vmem>>
        %get3A_1083 = arith.index_cast %add3A_1078 : i32 to index
        %get3A_1084 = arith.constant 0 : index
        %get3A_1085 = tpu.vector_load %get3A_1082[%get3A_1083, %get3A_1084] {strides = array<i32>} : memref<400x32xi32, #tpu.memory_space<vmem>>, vector<16xi32>,
        %bitcast3A_1086 = vector.bitcast %get3A_1085 : vector<16xi32> to vector<32xbf16>
        %add3A_1087 = arith.constant 1 : i32
        %add3A_1088 = arith.addi %add3A_1078, %add3A_1087 : i32
        %get3A_1089 = arith.constant 0 : i32
        %get3A_1090 = arith.constant 0 : i32
        %get3A_1091 = tpu.memref_slice %arg6[%scan3A_758, %get3A_1089, %get3A_1090] : memref<4x400x32xi32, #tpu.memory_space<vmem>> -> memref<1x400x32xi32, #tpu.memory_space<vmem>>
        %get3A_1092 = tpu.memref_squeeze %get3A_1091 : memref<1x400x32xi32, #tpu.memory_space<vmem>> -> memref<400x32xi32, #tpu.memory_space<vmem>>
        %get3A_1093 = arith.index_cast %add3A_1088 : i32 to index
        %get3A_1094 = arith.constant 0 : index
        %get3A_1095 = tpu.vector_load %get3A_1092[%get3A_1093, %get3A_1094] {strides = array<i32>} : memref<400x32xi32, #tpu.memory_space<vmem>>, vector<16xi32>,
        %bitcast3A_1096 = vector.bitcast %get3A_1095 : vector<16xi32> to vector<32xbf16>
        %add3A_1097 = arith.addf %bitcast3A_1086, %bitcast3A_1096 : vector<32xbf16>
        %unpack3A_1098 = tpu.unpack_subelements %add3A_1097, 0 {pack_format = #tpu.pack_format<interleaved>} : vector<32xbf16> -> vector<16xf32>
        %unpack3A_1099 = tpu.unpack_subelements %add3A_1097, 1 {pack_format = #tpu.pack_format<interleaved>} : vector<32xbf16> -> vector<16xf32>
        %add3A_1100 = arith.addf %scan3A_1020, %unpack3A_1098 : vector<16xf32>
        %add3A_1101 = arith.addf %scan3A_1021, %unpack3A_1099 : vector<16xf32>
        %get3A_1102 = arith.constant 0 : i32
        %get3A_1103 = arith.constant 0 : i32
        %get3A_1104 = tpu.memref_slice %arg6[%scan3A_758, %get3A_1102, %get3A_1103] : memref<4x400x32xi32, #tpu.memory_space<vmem>> -> memref<1x400x32xi32, #tpu.memory_space<vmem>>
        %get3A_1105 = tpu.memref_squeeze %get3A_1104 : memref<1x400x32xi32, #tpu.memory_space<vmem>> -> memref<400x32xi32, #tpu.memory_space<vmem>>
        %get3A_1106 = arith.index_cast %add3A_1078 : i32 to index
        %get3A_1107 = arith.constant 16 : index
        %get3A_1108 = tpu.vector_load %get3A_1105[%get3A_1106, %get3A_1107] {strides = array<i32>} : memref<400x32xi32, #tpu.memory_space<vmem>>, vector<16xi32>,
        %bitcast3A_1109 = vector.bitcast %get3A_1108 : vector<16xi32> to vector<32xbf16>
        %add3A_1110 = arith.constant 1 : i32
        %add3A_1111 = arith.addi %add3A_1078, %add3A_1110 : i32
        %get3A_1112 = arith.constant 0 : i32
        %get3A_1113 = arith.constant 0 : i32
        %get3A_1114 = tpu.memref_slice %arg6[%scan3A_758, %get3A_1112, %get3A_1113] : memref<4x400x32xi32, #tpu.memory_space<vmem>> -> memref<1x400x32xi32, #tpu.memory_space<vmem>>
        %get3A_1115 = tpu.memref_squeeze %get3A_1114 : memref<1x400x32xi32, #tpu.memory_space<vmem>> -> memref<400x32xi32, #tpu.memory_space<vmem>>
        %get3A_1116 = arith.index_cast %add3A_1111 : i32 to index
        %get3A_1117 = arith.constant 16 : index
        %get3A_1118 = tpu.vector_load %get3A_1115[%get3A_1116, %get3A_1117] {strides = array<i32>} : memref<400x32xi32, #tpu.memory_space<vmem>>, vector<16xi32>,
        %bitcast3A_1119 = vector.bitcast %get3A_1118 : vector<16xi32> to vector<32xbf16>
        %add3A_1120 = arith.addf %bitcast3A_1109, %bitcast3A_1119 : vector<32xbf16>
        %unpack3A_1121 = tpu.unpack_subelements %add3A_1120, 0 {pack_format = #tpu.pack_format<interleaved>} : vector<32xbf16> -> vector<16xf32>
        %unpack3A_1122 = tpu.unpack_subelements %add3A_1120, 1 {pack_format = #tpu.pack_format<interleaved>} : vector<32xbf16> -> vector<16xf32>
        %add3A_1123 = arith.addf %scan3A_1022, %unpack3A_1121 : vector<16xf32>
        %add3A_1124 = arith.addf %scan3A_1023, %unpack3A_1122 : vector<16xf32>
        scf.yield %add3A_1048, %add3A_1049, %add3A_1071, %add3A_1072, %add3A_1100, %add3A_1101, %add3A_1123, %add3A_1124 : vector<16xf32>, vector<16xf32>, vector<16xf32>, vector<16xf32>, vector<16xf32>, vector<16xf32>, vector<16xf32>, vector<16xf32>
      }
      %scan3A_764 = arith.constant 50 : i32
      %mul3A_765 = arith.constant 2 : i32
      %mul3A_766 = arith.muli %add3A_583, %mul3A_765 : i32
      %add3A_767 = arith.constant 1 : i32
      %add3A_768 = arith.addi %mul3A_766, %add3A_767 : i32
      %add3A_769 = arith.addf %scan3A_763#0, %scan3A_763#4 : vector<16xf32>
      %mul3A_770 = arith.constant 5.000000e-03 : f32
      %mul3A_771 = vector.broadcast %mul3A_770 : f32 to vector<16xf32>
      %mul3A_772 = arith.mulf %add3A_769, %mul3A_771 : vector<16xf32>
      %swap3A_773 = arith.index_cast %add3A_768 : i32 to index
      %swap3A_774 = arith.constant 0 : index
      %swap3A_775 = tpu.vector_load %arg7[%swap3A_773, %swap3A_774] {strides = array<i32>} : memref<512x64xf32, #tpu.memory_space<vmem>>, vector<16xf32>,
      tpu.vector_store %arg7[%swap3A_773, %swap3A_774], %mul3A_772 {strides = array<i32>} : memref<512x64xf32, #tpu.memory_space<vmem>>, vector<16xf32>,
      %add3A_776 = arith.addf %scan3A_763#1, %scan3A_763#5 : vector<16xf32>
      %mul3A_777 = arith.constant 5.000000e-03 : f32
      %mul3A_778 = vector.broadcast %mul3A_777 : f32 to vector<16xf32>
      %mul3A_779 = arith.mulf %add3A_776, %mul3A_778 : vector<16xf32>
      %swap3A_780 = arith.index_cast %add3A_768 : i32 to index
      %swap3A_781 = arith.constant 16 : index
      %swap3A_782 = tpu.vector_load %arg7[%swap3A_780, %swap3A_781] {strides = array<i32>} : memref<512x64xf32, #tpu.memory_space<vmem>>, vector<16xf32>,
      tpu.vector_store %arg7[%swap3A_780, %swap3A_781], %mul3A_779 {strides = array<i32>} : memref<512x64xf32, #tpu.memory_space<vmem>>, vector<16xf32>,
      %add3A_783 = arith.addf %scan3A_763#2, %scan3A_763#6 : vector<16xf32>
      %mul3A_784 = arith.constant 5.000000e-03 : f32
      %mul3A_785 = vector.broadcast %mul3A_784 : f32 to vector<16xf32>
      %mul3A_786 = arith.mulf %add3A_783, %mul3A_785 : vector<16xf32>
      %swap3A_787 = arith.index_cast %add3A_768 : i32 to index
      %swap3A_788 = arith.constant 32 : index
      %swap3A_789 = tpu.vector_load %arg7[%swap3A_787, %swap3A_788] {strides = array<i32>} : memref<512x64xf32, #tpu.memory_space<vmem>>, vector<16xf32>,
      tpu.vector_store %arg7[%swap3A_787, %swap3A_788], %mul3A_786 {strides = array<i32>} : memref<512x64xf32, #tpu.memory_space<vmem>>, vector<16xf32>,
      %add3A_790 = arith.addf %scan3A_763#3, %scan3A_763#7 : vector<16xf32>
      %mul3A_791 = arith.constant 5.000000e-03 : f32
      %mul3A_792 = vector.broadcast %mul3A_791 : f32 to vector<16xf32>
      %mul3A_793 = arith.mulf %add3A_790, %mul3A_792 : vector<16xf32>
      %swap3A_794 = arith.index_cast %add3A_768 : i32 to index
      %swap3A_795 = arith.constant 48 : index
      %swap3A_796 = tpu.vector_load %arg7[%swap3A_794, %swap3A_795] {strides = array<i32>} : memref<512x64xf32, #tpu.memory_space<vmem>>, vector<16xf32>,
      tpu.vector_store %arg7[%swap3A_794, %swap3A_795], %mul3A_793 {strides = array<i32>} : memref<512x64xf32, #tpu.memory_space<vmem>>, vector<16xf32>,
      %mul3A_797 = arith.constant 4 : i32
      %mul3A_798 = arith.muli %mul3A_797, %scan3A_156 : i32
      %add3A_799 = arith.constant 3 : i32
      %add3A_800 = arith.addi %mul3A_798, %add3A_799 : i32
      %jit3A_801 = arith.constant 32 : i32
      %eq3A_802 = arith.constant 0 : i32
      %eq3A_803 = arith.cmpi eq, %jit3A_801, %eq3A_802 : i32
      %jit3A_804 = arith.constant 1 : i32
      %select_n3A_805 = arith.select %eq3A_803, %jit3A_804, %jit3A_801 : i32
      %rem3A_806 = arith.remsi %add3A_800, %select_n3A_805 : i32
      %ne3A_807 = arith.constant 0 : i32
      %ne3A_808 = arith.cmpi ne, %rem3A_806, %ne3A_807 : i32
      %lt3A_809 = arith.constant 0 : i32
      %lt3A_810 = arith.cmpi slt, %rem3A_806, %lt3A_809 : i32
      %lt3A_811 = arith.constant 0 : i32
      %lt3A_812 = arith.cmpi slt, %select_n3A_805, %lt3A_811 : i32
      %ne3A_813 = arith.xori %lt3A_810, %lt3A_812 : i1
      %and3A_814 = arith.andi %ne3A_813, %ne3A_808 : i1
      %add3A_815 = arith.addi %rem3A_806, %select_n3A_805 : i32
      %select_n3A_816 = arith.select %and3A_814, %add3A_815, %rem3A_806 : i32
      %mul3A_817 = arith.constant 2 : i32
      %mul3A_818 = arith.muli %select_n3A_816, %mul3A_817 : i32
      %add3A_819 = arith.constant 0 : i32
      %add3A_820 = arith.addi %mul3A_818, %add3A_819 : i32
      %dma_wait3A_821 = arith.constant 3 : i32
      %dma_wait3A_822 = arith.constant 0 : i32
      %dma_wait3A_823 = arith.constant 0 : i32
      %dma_wait3A_824 = tpu.memref_slice %arg6[%dma_wait3A_821, %dma_wait3A_822, %dma_wait3A_823] : memref<4x400x32xi32, #tpu.memory_space<vmem>> -> memref<1x96x32xi32, #tpu.memory_space<vmem>>
      %dma_wait3A_825 = tpu.memref_squeeze %dma_wait3A_824 : memref<1x96x32xi32, #tpu.memory_space<vmem>> -> memref<96x32xi32, #tpu.memory_space<vmem>>
      %dma_wait3A_826 = arith.constant 0 : i32
      %dma_wait3A_827 = tpu.memref_slice %arg5[%add3A_820, %dma_wait3A_826] : memref<64x200xi32, #tpu.memory_space<vmem>> -> memref<1x96xi32, #tpu.memory_space<vmem>>
      %dma_wait3A_828 = tpu.memref_squeeze %dma_wait3A_827 : memref<1x96xi32, #tpu.memory_space<vmem>> -> memref<96xi32, #tpu.memory_space<vmem>>
      %dma_wait3A_829 = arith.constant 0 : i32
      %dma_wait3A_830 = arith.constant 0 : i32
      %dma_wait3A_831 = tpu.memref_slice %arg3[%dma_wait3A_829, %dma_wait3A_830] : memref<42000x32xi32, #tpu.memory_space<hbm>> -> memref<42000x32xi32, #tpu.memory_space<hbm>>
      tpu.wait_indirect_dma semaphore(%arg11 : memref<!tpu.dma_semaphore, #tpu.memory_space<semaphore_mem>>) src(%dma_wait3A_831 : memref<42000x32xi32, #tpu.memory_space<hbm>>) dst(%dma_wait3A_825 : memref<96x32xi32, #tpu.memory_space<vmem>>)
      %jit3A_832 = arith.constant 32 : i32
      %eq3A_833 = arith.constant 0 : i32
      %eq3A_834 = arith.cmpi eq, %jit3A_832, %eq3A_833 : i32
      %jit3A_835 = arith.constant 1 : i32
      %select_n3A_836 = arith.select %eq3A_834, %jit3A_835, %jit3A_832 : i32
      %rem3A_837 = arith.remsi %add3A_800, %select_n3A_836 : i32
      %ne3A_838 = arith.constant 0 : i32
      %ne3A_839 = arith.cmpi ne, %rem3A_837, %ne3A_838 : i32
      %lt3A_840 = arith.constant 0 : i32
      %lt3A_841 = arith.cmpi slt, %rem3A_837, %lt3A_840 : i32
      %lt3A_842 = arith.constant 0 : i32
      %lt3A_843 = arith.cmpi slt, %select_n3A_836, %lt3A_842 : i32
      %ne3A_844 = arith.xori %lt3A_841, %lt3A_843 : i1
      %and3A_845 = arith.andi %ne3A_844, %ne3A_839 : i1
      %add3A_846 = arith.addi %rem3A_837, %select_n3A_836 : i32
      %select_n3A_847 = arith.select %and3A_845, %add3A_846, %rem3A_837 : i32
      %mul3A_848 = arith.constant 2 : i32
      %mul3A_849 = arith.muli %select_n3A_847, %mul3A_848 : i32
      %add3A_850 = arith.constant 0 : i32
      %add3A_851 = arith.addi %mul3A_849, %add3A_850 : i32
      %dma_wait3A_852 = arith.constant 3 : i32
      %dma_wait3A_853 = arith.constant 96 : i32
      %dma_wait3A_854 = arith.constant 0 : i32
      %dma_wait3A_855 = tpu.memref_slice %arg6[%dma_wait3A_852, %dma_wait3A_853, %dma_wait3A_854] : memref<4x400x32xi32, #tpu.memory_space<vmem>> -> memref<1x104x32xi32, #tpu.memory_space<vmem>>
      %dma_wait3A_856 = tpu.memref_squeeze %dma_wait3A_855 : memref<1x104x32xi32, #tpu.memory_space<vmem>> -> memref<104x32xi32, #tpu.memory_space<vmem>>
      %dma_wait3A_857 = arith.constant 96 : i32
      %dma_wait3A_858 = tpu.memref_slice %arg5[%add3A_851, %dma_wait3A_857] : memref<64x200xi32, #tpu.memory_space<vmem>> -> memref<1x104xi32, #tpu.memory_space<vmem>>
      %dma_wait3A_859 = tpu.memref_squeeze %dma_wait3A_858 : memref<1x104xi32, #tpu.memory_space<vmem>> -> memref<104xi32, #tpu.memory_space<vmem>>
      %dma_wait3A_860 = arith.constant 0 : i32
      %dma_wait3A_861 = arith.constant 0 : i32
      %dma_wait3A_862 = tpu.memref_slice %arg3[%dma_wait3A_860, %dma_wait3A_861] : memref<42000x32xi32, #tpu.memory_space<hbm>> -> memref<42000x32xi32, #tpu.memory_space<hbm>>
      tpu.wait_indirect_dma semaphore(%arg11 : memref<!tpu.dma_semaphore, #tpu.memory_space<semaphore_mem>>) src(%dma_wait3A_862 : memref<42000x32xi32, #tpu.memory_space<hbm>>) dst(%dma_wait3A_856 : memref<104x32xi32, #tpu.memory_space<vmem>>)
      %jit3A_863 = arith.constant 32 : i32
      %eq3A_864 = arith.constant 0 : i32
      %eq3A_865 = arith.cmpi eq, %jit3A_863, %eq3A_864 : i32
      %jit3A_866 = arith.constant 1 : i32
      %select_n3A_867 = arith.select %eq3A_865, %jit3A_866, %jit3A_863 : i32
      %rem3A_868 = arith.remsi %add3A_800, %select_n3A_867 : i32
      %ne3A_869 = arith.constant 0 : i32
      %ne3A_870 = arith.cmpi ne, %rem3A_868, %ne3A_869 : i32
      %lt3A_871 = arith.constant 0 : i32
      %lt3A_872 = arith.cmpi slt, %rem3A_868, %lt3A_871 : i32
      %lt3A_873 = arith.constant 0 : i32
      %lt3A_874 = arith.cmpi slt, %select_n3A_867, %lt3A_873 : i32
      %ne3A_875 = arith.xori %lt3A_872, %lt3A_874 : i1
      %and3A_876 = arith.andi %ne3A_875, %ne3A_870 : i1
      %add3A_877 = arith.addi %rem3A_868, %select_n3A_867 : i32
      %select_n3A_878 = arith.select %and3A_876, %add3A_877, %rem3A_868 : i32
      %mul3A_879 = arith.constant 2 : i32
      %mul3A_880 = arith.muli %select_n3A_878, %mul3A_879 : i32
      %add3A_881 = arith.constant 1 : i32
      %add3A_882 = arith.addi %mul3A_880, %add3A_881 : i32
      %dma_wait3A_883 = arith.constant 3 : i32
      %dma_wait3A_884 = arith.constant 200 : i32
      %dma_wait3A_885 = arith.constant 0 : i32
      %dma_wait3A_886 = tpu.memref_slice %arg6[%dma_wait3A_883, %dma_wait3A_884, %dma_wait3A_885] : memref<4x400x32xi32, #tpu.memory_space<vmem>> -> memref<1x96x32xi32, #tpu.memory_space<vmem>>
      %dma_wait3A_887 = tpu.memref_squeeze %dma_wait3A_886 : memref<1x96x32xi32, #tpu.memory_space<vmem>> -> memref<96x32xi32, #tpu.memory_space<vmem>>
      %dma_wait3A_888 = arith.constant 0 : i32
      %dma_wait3A_889 = tpu.memref_slice %arg5[%add3A_882, %dma_wait3A_888] : memref<64x200xi32, #tpu.memory_space<vmem>> -> memref<1x96xi32, #tpu.memory_space<vmem>>
      %dma_wait3A_890 = tpu.memref_squeeze %dma_wait3A_889 : memref<1x96xi32, #tpu.memory_space<vmem>> -> memref<96xi32, #tpu.memory_space<vmem>>
      %dma_wait3A_891 = arith.constant 0 : i32
      %dma_wait3A_892 = arith.constant 0 : i32
      %dma_wait3A_893 = tpu.memref_slice %arg3[%dma_wait3A_891, %dma_wait3A_892] : memref<42000x32xi32, #tpu.memory_space<hbm>> -> memref<42000x32xi32, #tpu.memory_space<hbm>>
      tpu.wait_indirect_dma semaphore(%arg11 : memref<!tpu.dma_semaphore, #tpu.memory_space<semaphore_mem>>) src(%dma_wait3A_893 : memref<42000x32xi32, #tpu.memory_space<hbm>>) dst(%dma_wait3A_887 : memref<96x32xi32, #tpu.memory_space<vmem>>)
      %jit3A_894 = arith.constant 32 : i32
      %eq3A_895 = arith.constant 0 : i32
      %eq3A_896 = arith.cmpi eq, %jit3A_894, %eq3A_895 : i32
      %jit3A_897 = arith.constant 1 : i32
      %select_n3A_898 = arith.select %eq3A_896, %jit3A_897, %jit3A_894 : i32
      %rem3A_899 = arith.remsi %add3A_800, %select_n3A_898 : i32
      %ne3A_900 = arith.constant 0 : i32
      %ne3A_901 = arith.cmpi ne, %rem3A_899, %ne3A_900 : i32
      %lt3A_902 = arith.constant 0 : i32
      %lt3A_903 = arith.cmpi slt, %rem3A_899, %lt3A_902 : i32
      %lt3A_904 = arith.constant 0 : i32
      %lt3A_905 = arith.cmpi slt, %select_n3A_898, %lt3A_904 : i32
      %ne3A_906 = arith.xori %lt3A_903, %lt3A_905 : i1
      %and3A_907 = arith.andi %ne3A_906, %ne3A_901 : i1
      %add3A_908 = arith.addi %rem3A_899, %select_n3A_898 : i32
      %select_n3A_909 = arith.select %and3A_907, %add3A_908, %rem3A_899 : i32
      %mul3A_910 = arith.constant 2 : i32
      %mul3A_911 = arith.muli %select_n3A_909, %mul3A_910 : i32
      %add3A_912 = arith.constant 1 : i32
      %add3A_913 = arith.addi %mul3A_911, %add3A_912 : i32
      %dma_wait3A_914 = arith.constant 3 : i32
      %dma_wait3A_915 = arith.constant 296 : i32
      %dma_wait3A_916 = arith.constant 0 : i32
      %dma_wait3A_917 = tpu.memref_slice %arg6[%dma_wait3A_914, %dma_wait3A_915, %dma_wait3A_916] : memref<4x400x32xi32, #tpu.memory_space<vmem>> -> memref<1x104x32xi32, #tpu.memory_space<vmem>>
      %dma_wait3A_918 = tpu.memref_squeeze %dma_wait3A_917 : memref<1x104x32xi32, #tpu.memory_space<vmem>> -> memref<104x32xi32, #tpu.memory_space<vmem>>
      %dma_wait3A_919 = arith.constant 96 : i32
      %dma_wait3A_920 = tpu.memref_slice %arg5[%add3A_913, %dma_wait3A_919] : memref<64x200xi32, #tpu.memory_space<vmem>> -> memref<1x104xi32, #tpu.memory_space<vmem>>
      %dma_wait3A_921 = tpu.memref_squeeze %dma_wait3A_920 : memref<1x104xi32, #tpu.memory_space<vmem>> -> memref<104xi32, #tpu.memory_space<vmem>>
      %dma_wait3A_922 = arith.constant 0 : i32
      %dma_wait3A_923 = arith.constant 0 : i32
      %dma_wait3A_924 = tpu.memref_slice %arg3[%dma_wait3A_922, %dma_wait3A_923] : memref<42000x32xi32, #tpu.memory_space<hbm>> -> memref<42000x32xi32, #tpu.memory_space<hbm>>
      tpu.wait_indirect_dma semaphore(%arg11 : memref<!tpu.dma_semaphore, #tpu.memory_space<semaphore_mem>>) src(%dma_wait3A_924 : memref<42000x32xi32, #tpu.memory_space<hbm>>) dst(%dma_wait3A_918 : memref<104x32xi32, #tpu.memory_space<vmem>>)
      %add3A_925 = arith.constant 3 : i32
      %add3A_926 = arith.addi %add3A_800, %add3A_925 : i32
      %lt3A_927 = arith.constant 256 : i32
      %lt3A_928 = arith.cmpi slt, %add3A_926, %lt3A_927 : i32
      %convert_element_type3A_929 = arith.extui %lt3A_928 : i1 to i32
      %cond3A_930 = arith.constant 0 : i32
      %cond3A_931 = arith.cmpi ne, %convert_element_type3A_929, %cond3A_930 : i32
      scf.if %cond3A_931 {
        %jit3A_1015 = arith.constant 16 : i32
        %eq3A_1016 = arith.constant 0 : i32
        %eq3A_1017 = arith.cmpi eq, %jit3A_1015, %eq3A_1016 : i32
        %jit3A_1018 = arith.constant 1 : i32
        %select_n3A_1019 = arith.select %eq3A_1017, %jit3A_1018, %jit3A_1015 : i32
        %rem3A_1020 = arith.remsi %add3A_926, %select_n3A_1019 : i32
        %ne3A_1021 = arith.constant 0 : i32
        %ne3A_1022 = arith.cmpi ne, %rem3A_1020, %ne3A_1021 : i32
        %lt3A_1023 = arith.constant 0 : i32
        %lt3A_1024 = arith.cmpi slt, %rem3A_1020, %lt3A_1023 : i32
        %lt3A_1025 = arith.constant 0 : i32
        %lt3A_1026 = arith.cmpi slt, %select_n3A_1019, %lt3A_1025 : i32
        %ne3A_1027 = arith.xori %lt3A_1024, %lt3A_1026 : i1
        %and3A_1028 = arith.andi %ne3A_1027, %ne3A_1022 : i1
        %add3A_1029 = arith.addi %rem3A_1020, %select_n3A_1019 : i32
        %select_n3A_1030 = arith.select %and3A_1028, %add3A_1029, %rem3A_1020 : i32
        %eq3A_1031 = arith.constant 0 : i32
        %eq3A_1032 = arith.cmpi eq, %select_n3A_1030, %eq3A_1031 : i32
        %convert_element_type3A_1033 = arith.extui %eq3A_1032 : i1 to i32
        %cond3A_1034 = arith.constant 0 : i32
        %cond3A_1035 = arith.cmpi ne, %convert_element_type3A_1033, %cond3A_1034 : i32
        scf.if %cond3A_1035 {
          %jit3A_1160 = arith.constant 16 : i32
          %div3A = arith.divsi %add3A_926, %jit3A_1160 : i32
          %sign3A = arith.constant 0 : i32
          %sign3A_1161 = arith.cmpi sgt, %add3A_926, %sign3A : i32
          %sign3A_1162 = arith.extui %sign3A_1161 : i1 to i32
          %sign3A_1163 = arith.constant 0 : i32
          %sign3A_1164 = arith.cmpi slt, %add3A_926, %sign3A_1163 : i32
          %sign3A_1165 = arith.extui %sign3A_1164 : i1 to i32
          %sign3A_1166 = arith.subi %sign3A_1162, %sign3A_1165 : i32
          %sign3A_1167 = arith.constant 0 : i32
          %sign3A_1168 = arith.cmpi sgt, %jit3A_1160, %sign3A_1167 : i32
          %sign3A_1169 = arith.extui %sign3A_1168 : i1 to i32
          %sign3A_1170 = arith.constant 0 : i32
          %sign3A_1171 = arith.cmpi slt, %jit3A_1160, %sign3A_1170 : i32
          %sign3A_1172 = arith.extui %sign3A_1171 : i1 to i32
          %sign3A_1173 = arith.subi %sign3A_1169, %sign3A_1172 : i32
          %ne3A_1174 = arith.cmpi ne, %sign3A_1166, %sign3A_1173 : i32
          %rem3A_1175 = arith.remsi %add3A_926, %jit3A_1160 : i32
          %ne3A_1176 = arith.constant 0 : i32
          %ne3A_1177 = arith.cmpi ne, %rem3A_1175, %ne3A_1176 : i32
          %and3A_1178 = arith.andi %ne3A_1174, %ne3A_1177 : i1
          %sub3A = arith.constant 1 : i32
          %sub3A_1179 = arith.subi %div3A, %sub3A : i32
          %select_n3A_1180 = arith.select %and3A_1178, %sub3A_1179, %div3A : i32
          %mul3A_1181 = arith.constant 32 : i32
          %mul3A_1182 = arith.muli %select_n3A_1180, %mul3A_1181 : i32
          %add3A_1183 = arith.addi %mul3A_2, %mul3A_1182 : i32
          %jit3A_1184 = arith.constant 2 : i32
          %eq3A_1185 = arith.constant 0 : i32
          %eq3A_1186 = arith.cmpi eq, %jit3A_1184, %eq3A_1185 : i32
          %jit3A_1187 = arith.constant 1 : i32
          %select_n3A_1188 = arith.select %eq3A_1186, %jit3A_1187, %jit3A_1184 : i32
          %rem3A_1189 = arith.remsi %select_n3A_1180, %select_n3A_1188 : i32
          %ne3A_1190 = arith.constant 0 : i32
          %ne3A_1191 = arith.cmpi ne, %rem3A_1189, %ne3A_1190 : i32
          %lt3A_1192 = arith.constant 0 : i32
          %lt3A_1193 = arith.cmpi slt, %rem3A_1189, %lt3A_1192 : i32
          %lt3A_1194 = arith.constant 0 : i32
          %lt3A_1195 = arith.cmpi slt, %select_n3A_1188, %lt3A_1194 : i32
          %ne3A_1196 = arith.xori %lt3A_1193, %lt3A_1195 : i1
          %and3A_1197 = arith.andi %ne3A_1196, %ne3A_1191 : i1
          %add3A_1198 = arith.addi %rem3A_1189, %select_n3A_1188 : i32
          %select_n3A_1199 = arith.select %and3A_1197, %add3A_1198, %rem3A_1189 : i32
          %mul3A_1200 = arith.constant 32 : i32
          %mul3A_1201 = arith.muli %select_n3A_1199, %mul3A_1200 : i32
          "tpu.region"() ({
            %run_scoped3A = tpu.sem_alloc : memref<!tpu.dma_semaphore, #tpu.memory_space<semaphore_mem>>
            %dma_start3A_1202 = arith.constant 0 : i32
            %dma_start3A_1203 = tpu.memref_slice %arg5[%mul3A_1201, %dma_start3A_1202] : memref<64x200xi32, #tpu.memory_space<vmem>> -> memref<32x200xi32, #tpu.memory_space<vmem>>
            %dma_start3A_1204 = arith.constant 0 : i32
            %dma_start3A_1205 = tpu.memref_slice %arg2[%add3A_1183, %dma_start3A_1204] : memref<16384x200xi32, #tpu.memory_space<hbm>> -> memref<32x200xi32, #tpu.memory_space<hbm>>
            %dma_start3A_1206 = arith.constant 0 : i32
            %dma_start3A_1207 = tpu.memref_slice %arg5[%mul3A_1201, %dma_start3A_1206] : memref<64x200xi32, #tpu.memory_space<vmem>> -> memref<32x200xi32, #tpu.memory_space<vmem>>
            %dma_start3A_1208 = arith.constant 0 : i32
            %dma_start3A_1209 = tpu.memref_slice %arg2[%add3A_1183, %dma_start3A_1208] : memref<16384x200xi32, #tpu.memory_space<hbm>> -> memref<32x200xi32, #tpu.memory_space<hbm>>
            tpu.enqueue_dma source(%dma_start3A_1209 : memref<32x200xi32, #tpu.memory_space<hbm>>) target(%dma_start3A_1207 : memref<32x200xi32, #tpu.memory_space<vmem>>) target_semaphore(%run_scoped3A : memref<!tpu.dma_semaphore, #tpu.memory_space<semaphore_mem>>)
            %dma_wait3A_1210 = arith.constant 0 : i32
            %dma_wait3A_1211 = tpu.memref_slice %arg5[%mul3A_1201, %dma_wait3A_1210] : memref<64x200xi32, #tpu.memory_space<vmem>> -> memref<32x200xi32, #tpu.memory_space<vmem>>
            %dma_wait3A_1212 = arith.constant 0 : i32
            %dma_wait3A_1213 = tpu.memref_slice %arg2[%add3A_1183, %dma_wait3A_1212] : memref<16384x200xi32, #tpu.memory_space<hbm>> -> memref<32x200xi32, #tpu.memory_space<hbm>>
            %dma_wait3A_1214 = arith.constant 0 : i32
            %dma_wait3A_1215 = tpu.memref_slice %arg5[%mul3A_1201, %dma_wait3A_1214] : memref<64x200xi32, #tpu.memory_space<vmem>> -> memref<32x200xi32, #tpu.memory_space<vmem>>
            %dma_wait3A_1216 = arith.constant 0 : i32
            %dma_wait3A_1217 = tpu.memref_slice %arg2[%add3A_1183, %dma_wait3A_1216] : memref<16384x200xi32, #tpu.memory_space<hbm>> -> memref<32x200xi32, #tpu.memory_space<hbm>>
            tpu.wait_dma2 semaphore(%run_scoped3A : memref<!tpu.dma_semaphore, #tpu.memory_space<semaphore_mem>>) src(%dma_wait3A_1217 : memref<32x200xi32, #tpu.memory_space<hbm>>) dst(%dma_wait3A_1215 : memref<32x200xi32, #tpu.memory_space<vmem>>)
            tpu.yield
          }) : () -> ()
        } else {
        }
        %jit3A_1036 = arith.constant 32 : i32
        %eq3A_1037 = arith.constant 0 : i32
        %eq3A_1038 = arith.cmpi eq, %jit3A_1036, %eq3A_1037 : i32
        %jit3A_1039 = arith.constant 1 : i32
        %select_n3A_1040 = arith.select %eq3A_1038, %jit3A_1039, %jit3A_1036 : i32
        %rem3A_1041 = arith.remsi %add3A_926, %select_n3A_1040 : i32
        %ne3A_1042 = arith.constant 0 : i32
        %ne3A_1043 = arith.cmpi ne, %rem3A_1041, %ne3A_1042 : i32
        %lt3A_1044 = arith.constant 0 : i32
        %lt3A_1045 = arith.cmpi slt, %rem3A_1041, %lt3A_1044 : i32
        %lt3A_1046 = arith.constant 0 : i32
        %lt3A_1047 = arith.cmpi slt, %select_n3A_1040, %lt3A_1046 : i32
        %ne3A_1048 = arith.xori %lt3A_1045, %lt3A_1047 : i1
        %and3A_1049 = arith.andi %ne3A_1048, %ne3A_1043 : i1
        %add3A_1050 = arith.addi %rem3A_1041, %select_n3A_1040 : i32
        %select_n3A_1051 = arith.select %and3A_1049, %add3A_1050, %rem3A_1041 : i32
        %mul3A_1052 = arith.constant 2 : i32
        %mul3A_1053 = arith.muli %select_n3A_1051, %mul3A_1052 : i32
        %add3A_1054 = arith.constant 0 : i32
        %add3A_1055 = arith.addi %mul3A_1053, %add3A_1054 : i32
        %dma_start3A_1056 = arith.constant 2 : i32
        %dma_start3A_1057 = arith.constant 0 : i32
        %dma_start3A_1058 = arith.constant 0 : i32
        %dma_start3A_1059 = tpu.memref_slice %arg6[%dma_start3A_1056, %dma_start3A_1057, %dma_start3A_1058] : memref<4x400x32xi32, #tpu.memory_space<vmem>> -> memref<1x96x32xi32, #tpu.memory_space<vmem>>
        %dma_start3A_1060 = tpu.memref_squeeze %dma_start3A_1059 : memref<1x96x32xi32, #tpu.memory_space<vmem>> -> memref<96x32xi32, #tpu.memory_space<vmem>>
        %dma_start3A_1061 = arith.constant 0 : i32
        %dma_start3A_1062 = tpu.memref_slice %arg5[%add3A_1055, %dma_start3A_1061] : memref<64x200xi32, #tpu.memory_space<vmem>> -> memref<1x96xi32, #tpu.memory_space<vmem>>
        %dma_start3A_1063 = tpu.memref_squeeze %dma_start3A_1062 : memref<1x96xi32, #tpu.memory_space<vmem>> -> memref<96xi32, #tpu.memory_space<vmem>>
        %dma_start3A_1064 = arith.constant 0 : i32
        %dma_start3A_1065 = arith.constant 0 : i32
        %dma_start3A_1066 = tpu.memref_slice %arg3[%dma_start3A_1064, %dma_start3A_1065] : memref<42000x32xi32, #tpu.memory_space<hbm>> -> memref<42000x32xi32, #tpu.memory_space<hbm>>
        tpu.enqueue_indirect_dma source(%dma_start3A_1066 : memref<42000x32xi32, #tpu.memory_space<hbm>>) target(%dma_start3A_1060 : memref<96x32xi32, #tpu.memory_space<vmem>>) offsets(%dma_start3A_1063 : memref<96xi32, #tpu.memory_space<vmem>>) semaphore(%arg10 : memref<!tpu.dma_semaphore, #tpu.memory_space<semaphore_mem>>)
        %jit3A_1067 = arith.constant 32 : i32
        %eq3A_1068 = arith.constant 0 : i32
        %eq3A_1069 = arith.cmpi eq, %jit3A_1067, %eq3A_1068 : i32
        %jit3A_1070 = arith.constant 1 : i32
        %select_n3A_1071 = arith.select %eq3A_1069, %jit3A_1070, %jit3A_1067 : i32
        %rem3A_1072 = arith.remsi %add3A_926, %select_n3A_1071 : i32
        %ne3A_1073 = arith.constant 0 : i32
        %ne3A_1074 = arith.cmpi ne, %rem3A_1072, %ne3A_1073 : i32
        %lt3A_1075 = arith.constant 0 : i32
        %lt3A_1076 = arith.cmpi slt, %rem3A_1072, %lt3A_1075 : i32
        %lt3A_1077 = arith.constant 0 : i32
        %lt3A_1078 = arith.cmpi slt, %select_n3A_1071, %lt3A_1077 : i32
        %ne3A_1079 = arith.xori %lt3A_1076, %lt3A_1078 : i1
        %and3A_1080 = arith.andi %ne3A_1079, %ne3A_1074 : i1
        %add3A_1081 = arith.addi %rem3A_1072, %select_n3A_1071 : i32
        %select_n3A_1082 = arith.select %and3A_1080, %add3A_1081, %rem3A_1072 : i32
        %mul3A_1083 = arith.constant 2 : i32
        %mul3A_1084 = arith.muli %select_n3A_1082, %mul3A_1083 : i32
        %add3A_1085 = arith.constant 0 : i32
        %add3A_1086 = arith.addi %mul3A_1084, %add3A_1085 : i32
        %dma_start3A_1087 = arith.constant 2 : i32
        %dma_start3A_1088 = arith.constant 96 : i32
        %dma_start3A_1089 = arith.constant 0 : i32
        %dma_start3A_1090 = tpu.memref_slice %arg6[%dma_start3A_1087, %dma_start3A_1088, %dma_start3A_1089] : memref<4x400x32xi32, #tpu.memory_space<vmem>> -> memref<1x104x32xi32, #tpu.memory_space<vmem>>
        %dma_start3A_1091 = tpu.memref_squeeze %dma_start3A_1090 : memref<1x104x32xi32, #tpu.memory_space<vmem>> -> memref<104x32xi32, #tpu.memory_space<vmem>>
        %dma_start3A_1092 = arith.constant 96 : i32
        %dma_start3A_1093 = tpu.memref_slice %arg5[%add3A_1086, %dma_start3A_1092] : memref<64x200xi32, #tpu.memory_space<vmem>> -> memref<1x104xi32, #tpu.memory_space<vmem>>
        %dma_start3A_1094 = tpu.memref_squeeze %dma_start3A_1093 : memref<1x104xi32, #tpu.memory_space<vmem>> -> memref<104xi32, #tpu.memory_space<vmem>>
        %dma_start3A_1095 = arith.constant 0 : i32
        %dma_start3A_1096 = arith.constant 0 : i32
        %dma_start3A_1097 = tpu.memref_slice %arg3[%dma_start3A_1095, %dma_start3A_1096] : memref<42000x32xi32, #tpu.memory_space<hbm>> -> memref<42000x32xi32, #tpu.memory_space<hbm>>
        tpu.enqueue_indirect_dma source(%dma_start3A_1097 : memref<42000x32xi32, #tpu.memory_space<hbm>>) target(%dma_start3A_1091 : memref<104x32xi32, #tpu.memory_space<vmem>>) offsets(%dma_start3A_1094 : memref<104xi32, #tpu.memory_space<vmem>>) semaphore(%arg10 : memref<!tpu.dma_semaphore, #tpu.memory_space<semaphore_mem>>)
        %jit3A_1098 = arith.constant 32 : i32
        %eq3A_1099 = arith.constant 0 : i32
        %eq3A_1100 = arith.cmpi eq, %jit3A_1098, %eq3A_1099 : i32
        %jit3A_1101 = arith.constant 1 : i32
        %select_n3A_1102 = arith.select %eq3A_1100, %jit3A_1101, %jit3A_1098 : i32
        %rem3A_1103 = arith.remsi %add3A_926, %select_n3A_1102 : i32
        %ne3A_1104 = arith.constant 0 : i32
        %ne3A_1105 = arith.cmpi ne, %rem3A_1103, %ne3A_1104 : i32
        %lt3A_1106 = arith.constant 0 : i32
        %lt3A_1107 = arith.cmpi slt, %rem3A_1103, %lt3A_1106 : i32
        %lt3A_1108 = arith.constant 0 : i32
        %lt3A_1109 = arith.cmpi slt, %select_n3A_1102, %lt3A_1108 : i32
        %ne3A_1110 = arith.xori %lt3A_1107, %lt3A_1109 : i1
        %and3A_1111 = arith.andi %ne3A_1110, %ne3A_1105 : i1
        %add3A_1112 = arith.addi %rem3A_1103, %select_n3A_1102 : i32
        %select_n3A_1113 = arith.select %and3A_1111, %add3A_1112, %rem3A_1103 : i32
        %mul3A_1114 = arith.constant 2 : i32
        %mul3A_1115 = arith.muli %select_n3A_1113, %mul3A_1114 : i32
        %add3A_1116 = arith.constant 1 : i32
        %add3A_1117 = arith.addi %mul3A_1115, %add3A_1116 : i32
        %dma_start3A_1118 = arith.constant 2 : i32
        %dma_start3A_1119 = arith.constant 200 : i32
        %dma_start3A_1120 = arith.constant 0 : i32
        %dma_start3A_1121 = tpu.memref_slice %arg6[%dma_start3A_1118, %dma_start3A_1119, %dma_start3A_1120] : memref<4x400x32xi32, #tpu.memory_space<vmem>> -> memref<1x96x32xi32, #tpu.memory_space<vmem>>
        %dma_start3A_1122 = tpu.memref_squeeze %dma_start3A_1121 : memref<1x96x32xi32, #tpu.memory_space<vmem>> -> memref<96x32xi32, #tpu.memory_space<vmem>>
        %dma_start3A_1123 = arith.constant 0 : i32
        %dma_start3A_1124 = tpu.memref_slice %arg5[%add3A_1117, %dma_start3A_1123] : memref<64x200xi32, #tpu.memory_space<vmem>> -> memref<1x96xi32, #tpu.memory_space<vmem>>
        %dma_start3A_1125 = tpu.memref_squeeze %dma_start3A_1124 : memref<1x96xi32, #tpu.memory_space<vmem>> -> memref<96xi32, #tpu.memory_space<vmem>>
        %dma_start3A_1126 = arith.constant 0 : i32
        %dma_start3A_1127 = arith.constant 0 : i32
        %dma_start3A_1128 = tpu.memref_slice %arg3[%dma_start3A_1126, %dma_start3A_1127] : memref<42000x32xi32, #tpu.memory_space<hbm>> -> memref<42000x32xi32, #tpu.memory_space<hbm>>
        tpu.enqueue_indirect_dma source(%dma_start3A_1128 : memref<42000x32xi32, #tpu.memory_space<hbm>>) target(%dma_start3A_1122 : memref<96x32xi32, #tpu.memory_space<vmem>>) offsets(%dma_start3A_1125 : memref<96xi32, #tpu.memory_space<vmem>>) semaphore(%arg10 : memref<!tpu.dma_semaphore, #tpu.memory_space<semaphore_mem>>)
        %jit3A_1129 = arith.constant 32 : i32
        %eq3A_1130 = arith.constant 0 : i32
        %eq3A_1131 = arith.cmpi eq, %jit3A_1129, %eq3A_1130 : i32
        %jit3A_1132 = arith.constant 1 : i32
        %select_n3A_1133 = arith.select %eq3A_1131, %jit3A_1132, %jit3A_1129 : i32
        %rem3A_1134 = arith.remsi %add3A_926, %select_n3A_1133 : i32
        %ne3A_1135 = arith.constant 0 : i32
        %ne3A_1136 = arith.cmpi ne, %rem3A_1134, %ne3A_1135 : i32
        %lt3A_1137 = arith.constant 0 : i32
        %lt3A_1138 = arith.cmpi slt, %rem3A_1134, %lt3A_1137 : i32
        %lt3A_1139 = arith.constant 0 : i32
        %lt3A_1140 = arith.cmpi slt, %select_n3A_1133, %lt3A_1139 : i32
        %ne3A_1141 = arith.xori %lt3A_1138, %lt3A_1140 : i1
        %and3A_1142 = arith.andi %ne3A_1141, %ne3A_1136 : i1
        %add3A_1143 = arith.addi %rem3A_1134, %select_n3A_1133 : i32
        %select_n3A_1144 = arith.select %and3A_1142, %add3A_1143, %rem3A_1134 : i32
        %mul3A_1145 = arith.constant 2 : i32
        %mul3A_1146 = arith.muli %select_n3A_1144, %mul3A_1145 : i32
        %add3A_1147 = arith.constant 1 : i32
        %add3A_1148 = arith.addi %mul3A_1146, %add3A_1147 : i32
        %dma_start3A_1149 = arith.constant 2 : i32
        %dma_start3A_1150 = arith.constant 296 : i32
        %dma_start3A_1151 = arith.constant 0 : i32
        %dma_start3A_1152 = tpu.memref_slice %arg6[%dma_start3A_1149, %dma_start3A_1150, %dma_start3A_1151] : memref<4x400x32xi32, #tpu.memory_space<vmem>> -> memref<1x104x32xi32, #tpu.memory_space<vmem>>
        %dma_start3A_1153 = tpu.memref_squeeze %dma_start3A_1152 : memref<1x104x32xi32, #tpu.memory_space<vmem>> -> memref<104x32xi32, #tpu.memory_space<vmem>>
        %dma_start3A_1154 = arith.constant 96 : i32
        %dma_start3A_1155 = tpu.memref_slice %arg5[%add3A_1148, %dma_start3A_1154] : memref<64x200xi32, #tpu.memory_space<vmem>> -> memref<1x104xi32, #tpu.memory_space<vmem>>
        %dma_start3A_1156 = tpu.memref_squeeze %dma_start3A_1155 : memref<1x104xi32, #tpu.memory_space<vmem>> -> memref<104xi32, #tpu.memory_space<vmem>>
        %dma_start3A_1157 = arith.constant 0 : i32
        %dma_start3A_1158 = arith.constant 0 : i32
        %dma_start3A_1159 = tpu.memref_slice %arg3[%dma_start3A_1157, %dma_start3A_1158] : memref<42000x32xi32, #tpu.memory_space<hbm>> -> memref<42000x32xi32, #tpu.memory_space<hbm>>
        tpu.enqueue_indirect_dma source(%dma_start3A_1159 : memref<42000x32xi32, #tpu.memory_space<hbm>>) target(%dma_start3A_1153 : memref<104x32xi32, #tpu.memory_space<vmem>>) offsets(%dma_start3A_1156 : memref<104xi32, #tpu.memory_space<vmem>>) semaphore(%arg10 : memref<!tpu.dma_semaphore, #tpu.memory_space<semaphore_mem>>)
      } else {
      }
      %broadcast_in_dim3A_932 = arith.constant 0.000000e+00 : f32
      %broadcast_in_dim3A_933 = vector.broadcast %broadcast_in_dim3A_932 : f32 to vector<16xf32>
      %scan3A_934 = arith.constant 3 : i32
      %scan3A_935 = arith.constant 0 : i32
      %scan3A_936 = arith.constant 50 : i32
      %scan3A_937 = arith.addi %scan3A_935, %scan3A_936 : i32
      %scan3A_938 = arith.constant 1 : i32
      %scan3A_939:8 = scf.for %scan3A_1015 = %scan3A_935 to %scan3A_937 step %scan3A_938 iter_args(%scan3A_1016 = %broadcast_in_dim3A_933, %scan3A_1017 = %broadcast_in_dim3A_933, %scan3A_1018 = %broadcast_in_dim3A_933, %scan3A_1019 = %broadcast_in_dim3A_933, %scan3A_1020 = %broadcast_in_dim3A_933, %scan3A_1021 = %broadcast_in_dim3A_933, %scan3A_1022 = %broadcast_in_dim3A_933, %scan3A_1023 = %broadcast_in_dim3A_933) -> (vector<16xf32>, vector<16xf32>, vector<16xf32>, vector<16xf32>, vector<16xf32>, vector<16xf32>, vector<16xf32>, vector<16xf32>)  : i32 {
        %mul3A_1024 = arith.constant 4 : i32
        %mul3A_1025 = arith.muli %scan3A_1015, %mul3A_1024 : i32
        %add3A_1026 = arith.constant 0 : i32
        %add3A_1027 = arith.addi %add3A_1026, %mul3A_1025 : i32
        %add3A_1028 = arith.constant 0 : i32
        %add3A_1029 = arith.addi %add3A_1027, %add3A_1028 : i32
        %get3A = arith.constant 0 : i32
        %get3A_1030 = arith.constant 0 : i32
        %get3A_1031 = tpu.memref_slice %arg6[%scan3A_934, %get3A, %get3A_1030] : memref<4x400x32xi32, #tpu.memory_space<vmem>> -> memref<1x400x32xi32, #tpu.memory_space<vmem>>
        %get3A_1032 = tpu.memref_squeeze %get3A_1031 : memref<1x400x32xi32, #tpu.memory_space<vmem>> -> memref<400x32xi32, #tpu.memory_space<vmem>>
        %get3A_1033 = arith.index_cast %add3A_1029 : i32 to index
        %get3A_1034 = arith.constant 0 : index
        %get3A_1035 = tpu.vector_load %get3A_1032[%get3A_1033, %get3A_1034] {strides = array<i32>} : memref<400x32xi32, #tpu.memory_space<vmem>>, vector<16xi32>,
        %bitcast3A = vector.bitcast %get3A_1035 : vector<16xi32> to vector<32xbf16>
        %add3A_1036 = arith.constant 1 : i32
        %add3A_1037 = arith.addi %add3A_1029, %add3A_1036 : i32
        %get3A_1038 = arith.constant 0 : i32
        %get3A_1039 = arith.constant 0 : i32
        %get3A_1040 = tpu.memref_slice %arg6[%scan3A_934, %get3A_1038, %get3A_1039] : memref<4x400x32xi32, #tpu.memory_space<vmem>> -> memref<1x400x32xi32, #tpu.memory_space<vmem>>
        %get3A_1041 = tpu.memref_squeeze %get3A_1040 : memref<1x400x32xi32, #tpu.memory_space<vmem>> -> memref<400x32xi32, #tpu.memory_space<vmem>>
        %get3A_1042 = arith.index_cast %add3A_1037 : i32 to index
        %get3A_1043 = arith.constant 0 : index
        %get3A_1044 = tpu.vector_load %get3A_1041[%get3A_1042, %get3A_1043] {strides = array<i32>} : memref<400x32xi32, #tpu.memory_space<vmem>>, vector<16xi32>,
        %bitcast3A_1045 = vector.bitcast %get3A_1044 : vector<16xi32> to vector<32xbf16>
        %add3A_1046 = arith.addf %bitcast3A, %bitcast3A_1045 : vector<32xbf16>
        %unpack3A = tpu.unpack_subelements %add3A_1046, 0 {pack_format = #tpu.pack_format<interleaved>} : vector<32xbf16> -> vector<16xf32>
        %unpack3A_1047 = tpu.unpack_subelements %add3A_1046, 1 {pack_format = #tpu.pack_format<interleaved>} : vector<32xbf16> -> vector<16xf32>
        %add3A_1048 = arith.addf %scan3A_1016, %unpack3A : vector<16xf32>
        %add3A_1049 = arith.addf %scan3A_1017, %unpack3A_1047 : vector<16xf32>
        %get3A_1050 = arith.constant 0 : i32
        %get3A_1051 = arith.constant 0 : i32
        %get3A_1052 = tpu.memref_slice %arg6[%scan3A_934, %get3A_1050, %get3A_1051] : memref<4x400x32xi32, #tpu.memory_space<vmem>> -> memref<1x400x32xi32, #tpu.memory_space<vmem>>
        %get3A_1053 = tpu.memref_squeeze %get3A_1052 : memref<1x400x32xi32, #tpu.memory_space<vmem>> -> memref<400x32xi32, #tpu.memory_space<vmem>>
        %get3A_1054 = arith.index_cast %add3A_1029 : i32 to index
        %get3A_1055 = arith.constant 16 : index
        %get3A_1056 = tpu.vector_load %get3A_1053[%get3A_1054, %get3A_1055] {strides = array<i32>} : memref<400x32xi32, #tpu.memory_space<vmem>>, vector<16xi32>,
        %bitcast3A_1057 = vector.bitcast %get3A_1056 : vector<16xi32> to vector<32xbf16>
        %add3A_1058 = arith.constant 1 : i32
        %add3A_1059 = arith.addi %add3A_1029, %add3A_1058 : i32
        %get3A_1060 = arith.constant 0 : i32
        %get3A_1061 = arith.constant 0 : i32
        %get3A_1062 = tpu.memref_slice %arg6[%scan3A_934, %get3A_1060, %get3A_1061] : memref<4x400x32xi32, #tpu.memory_space<vmem>> -> memref<1x400x32xi32, #tpu.memory_space<vmem>>
        %get3A_1063 = tpu.memref_squeeze %get3A_1062 : memref<1x400x32xi32, #tpu.memory_space<vmem>> -> memref<400x32xi32, #tpu.memory_space<vmem>>
        %get3A_1064 = arith.index_cast %add3A_1059 : i32 to index
        %get3A_1065 = arith.constant 16 : index
        %get3A_1066 = tpu.vector_load %get3A_1063[%get3A_1064, %get3A_1065] {strides = array<i32>} : memref<400x32xi32, #tpu.memory_space<vmem>>, vector<16xi32>,
        %bitcast3A_1067 = vector.bitcast %get3A_1066 : vector<16xi32> to vector<32xbf16>
        %add3A_1068 = arith.addf %bitcast3A_1057, %bitcast3A_1067 : vector<32xbf16>
        %unpack3A_1069 = tpu.unpack_subelements %add3A_1068, 0 {pack_format = #tpu.pack_format<interleaved>} : vector<32xbf16> -> vector<16xf32>
        %unpack3A_1070 = tpu.unpack_subelements %add3A_1068, 1 {pack_format = #tpu.pack_format<interleaved>} : vector<32xbf16> -> vector<16xf32>
        %add3A_1071 = arith.addf %scan3A_1018, %unpack3A_1069 : vector<16xf32>
        %add3A_1072 = arith.addf %scan3A_1019, %unpack3A_1070 : vector<16xf32>
        %mul3A_1073 = arith.constant 4 : i32
        %mul3A_1074 = arith.muli %scan3A_1015, %mul3A_1073 : i32
        %add3A_1075 = arith.constant 0 : i32
        %add3A_1076 = arith.addi %add3A_1075, %mul3A_1074 : i32
        %add3A_1077 = arith.constant 2 : i32
        %add3A_1078 = arith.addi %add3A_1076, %add3A_1077 : i32
        %get3A_1079 = arith.constant 0 : i32
        %get3A_1080 = arith.constant 0 : i32
        %get3A_1081 = tpu.memref_slice %arg6[%scan3A_934, %get3A_1079, %get3A_1080] : memref<4x400x32xi32, #tpu.memory_space<vmem>> -> memref<1x400x32xi32, #tpu.memory_space<vmem>>
        %get3A_1082 = tpu.memref_squeeze %get3A_1081 : memref<1x400x32xi32, #tpu.memory_space<vmem>> -> memref<400x32xi32, #tpu.memory_space<vmem>>
        %get3A_1083 = arith.index_cast %add3A_1078 : i32 to index
        %get3A_1084 = arith.constant 0 : index
        %get3A_1085 = tpu.vector_load %get3A_1082[%get3A_1083, %get3A_1084] {strides = array<i32>} : memref<400x32xi32, #tpu.memory_space<vmem>>, vector<16xi32>,
        %bitcast3A_1086 = vector.bitcast %get3A_1085 : vector<16xi32> to vector<32xbf16>
        %add3A_1087 = arith.constant 1 : i32
        %add3A_1088 = arith.addi %add3A_1078, %add3A_1087 : i32
        %get3A_1089 = arith.constant 0 : i32
        %get3A_1090 = arith.constant 0 : i32
        %get3A_1091 = tpu.memref_slice %arg6[%scan3A_934, %get3A_1089, %get3A_1090] : memref<4x400x32xi32, #tpu.memory_space<vmem>> -> memref<1x400x32xi32, #tpu.memory_space<vmem>>
        %get3A_1092 = tpu.memref_squeeze %get3A_1091 : memref<1x400x32xi32, #tpu.memory_space<vmem>> -> memref<400x32xi32, #tpu.memory_space<vmem>>
        %get3A_1093 = arith.index_cast %add3A_1088 : i32 to index
        %get3A_1094 = arith.constant 0 : index
        %get3A_1095 = tpu.vector_load %get3A_1092[%get3A_1093, %get3A_1094] {strides = array<i32>} : memref<400x32xi32, #tpu.memory_space<vmem>>, vector<16xi32>,
        %bitcast3A_1096 = vector.bitcast %get3A_1095 : vector<16xi32> to vector<32xbf16>
        %add3A_1097 = arith.addf %bitcast3A_1086, %bitcast3A_1096 : vector<32xbf16>
        %unpack3A_1098 = tpu.unpack_subelements %add3A_1097, 0 {pack_format = #tpu.pack_format<interleaved>} : vector<32xbf16> -> vector<16xf32>
        %unpack3A_1099 = tpu.unpack_subelements %add3A_1097, 1 {pack_format = #tpu.pack_format<interleaved>} : vector<32xbf16> -> vector<16xf32>
        %add3A_1100 = arith.addf %scan3A_1020, %unpack3A_1098 : vector<16xf32>
        %add3A_1101 = arith.addf %scan3A_1021, %unpack3A_1099 : vector<16xf32>
        %get3A_1102 = arith.constant 0 : i32
        %get3A_1103 = arith.constant 0 : i32
        %get3A_1104 = tpu.memref_slice %arg6[%scan3A_934, %get3A_1102, %get3A_1103] : memref<4x400x32xi32, #tpu.memory_space<vmem>> -> memref<1x400x32xi32, #tpu.memory_space<vmem>>
        %get3A_1105 = tpu.memref_squeeze %get3A_1104 : memref<1x400x32xi32, #tpu.memory_space<vmem>> -> memref<400x32xi32, #tpu.memory_space<vmem>>
        %get3A_1106 = arith.index_cast %add3A_1078 : i32 to index
        %get3A_1107 = arith.constant 16 : index
        %get3A_1108 = tpu.vector_load %get3A_1105[%get3A_1106, %get3A_1107] {strides = array<i32>} : memref<400x32xi32, #tpu.memory_space<vmem>>, vector<16xi32>,
        %bitcast3A_1109 = vector.bitcast %get3A_1108 : vector<16xi32> to vector<32xbf16>
        %add3A_1110 = arith.constant 1 : i32
        %add3A_1111 = arith.addi %add3A_1078, %add3A_1110 : i32
        %get3A_1112 = arith.constant 0 : i32
        %get3A_1113 = arith.constant 0 : i32
        %get3A_1114 = tpu.memref_slice %arg6[%scan3A_934, %get3A_1112, %get3A_1113] : memref<4x400x32xi32, #tpu.memory_space<vmem>> -> memref<1x400x32xi32, #tpu.memory_space<vmem>>
        %get3A_1115 = tpu.memref_squeeze %get3A_1114 : memref<1x400x32xi32, #tpu.memory_space<vmem>> -> memref<400x32xi32, #tpu.memory_space<vmem>>
        %get3A_1116 = arith.index_cast %add3A_1111 : i32 to index
        %get3A_1117 = arith.constant 16 : index
        %get3A_1118 = tpu.vector_load %get3A_1115[%get3A_1116, %get3A_1117] {strides = array<i32>} : memref<400x32xi32, #tpu.memory_space<vmem>>, vector<16xi32>,
        %bitcast3A_1119 = vector.bitcast %get3A_1118 : vector<16xi32> to vector<32xbf16>
        %add3A_1120 = arith.addf %bitcast3A_1109, %bitcast3A_1119 : vector<32xbf16>
        %unpack3A_1121 = tpu.unpack_subelements %add3A_1120, 0 {pack_format = #tpu.pack_format<interleaved>} : vector<32xbf16> -> vector<16xf32>
        %unpack3A_1122 = tpu.unpack_subelements %add3A_1120, 1 {pack_format = #tpu.pack_format<interleaved>} : vector<32xbf16> -> vector<16xf32>
        %add3A_1123 = arith.addf %scan3A_1022, %unpack3A_1121 : vector<16xf32>
        %add3A_1124 = arith.addf %scan3A_1023, %unpack3A_1122 : vector<16xf32>
        scf.yield %add3A_1048, %add3A_1049, %add3A_1071, %add3A_1072, %add3A_1100, %add3A_1101, %add3A_1123, %add3A_1124 : vector<16xf32>, vector<16xf32>, vector<16xf32>, vector<16xf32>, vector<16xf32>, vector<16xf32>, vector<16xf32>, vector<16xf32>
      }
      %scan3A_940 = arith.constant 50 : i32
      %mul3A_941 = arith.constant 2 : i32
      %mul3A_942 = arith.muli %add3A_800, %mul3A_941 : i32
      %add3A_943 = arith.constant 0 : i32
      %add3A_944 = arith.addi %mul3A_942, %add3A_943 : i32
      %add3A_945 = arith.addf %scan3A_939#0, %scan3A_939#4 : vector<16xf32>
      %mul3A_946 = arith.constant 5.000000e-03 : f32
      %mul3A_947 = vector.broadcast %mul3A_946 : f32 to vector<16xf32>
      %mul3A_948 = arith.mulf %add3A_945, %mul3A_947 : vector<16xf32>
      %swap3A_949 = arith.index_cast %add3A_944 : i32 to index
      %swap3A_950 = arith.constant 0 : index
      %swap3A_951 = tpu.vector_load %arg7[%swap3A_949, %swap3A_950] {strides = array<i32>} : memref<512x64xf32, #tpu.memory_space<vmem>>, vector<16xf32>,
      tpu.vector_store %arg7[%swap3A_949, %swap3A_950], %mul3A_948 {strides = array<i32>} : memref<512x64xf32, #tpu.memory_space<vmem>>, vector<16xf32>,
      %add3A_952 = arith.addf %scan3A_939#1, %scan3A_939#5 : vector<16xf32>
      %mul3A_953 = arith.constant 5.000000e-03 : f32
      %mul3A_954 = vector.broadcast %mul3A_953 : f32 to vector<16xf32>
      %mul3A_955 = arith.mulf %add3A_952, %mul3A_954 : vector<16xf32>
      %swap3A_956 = arith.index_cast %add3A_944 : i32 to index
      %swap3A_957 = arith.constant 16 : index
      %swap3A_958 = tpu.vector_load %arg7[%swap3A_956, %swap3A_957] {strides = array<i32>} : memref<512x64xf32, #tpu.memory_space<vmem>>, vector<16xf32>,
      tpu.vector_store %arg7[%swap3A_956, %swap3A_957], %mul3A_955 {strides = array<i32>} : memref<512x64xf32, #tpu.memory_space<vmem>>, vector<16xf32>,
      %add3A_959 = arith.addf %scan3A_939#2, %scan3A_939#6 : vector<16xf32>
      %mul3A_960 = arith.constant 5.000000e-03 : f32
      %mul3A_961 = vector.broadcast %mul3A_960 : f32 to vector<16xf32>
      %mul3A_962 = arith.mulf %add3A_959, %mul3A_961 : vector<16xf32>
      %swap3A_963 = arith.index_cast %add3A_944 : i32 to index
      %swap3A_964 = arith.constant 32 : index
      %swap3A_965 = tpu.vector_load %arg7[%swap3A_963, %swap3A_964] {strides = array<i32>} : memref<512x64xf32, #tpu.memory_space<vmem>>, vector<16xf32>,
      tpu.vector_store %arg7[%swap3A_963, %swap3A_964], %mul3A_962 {strides = array<i32>} : memref<512x64xf32, #tpu.memory_space<vmem>>, vector<16xf32>,
      %add3A_966 = arith.addf %scan3A_939#3, %scan3A_939#7 : vector<16xf32>
      %mul3A_967 = arith.constant 5.000000e-03 : f32
      %mul3A_968 = vector.broadcast %mul3A_967 : f32 to vector<16xf32>
      %mul3A_969 = arith.mulf %add3A_966, %mul3A_968 : vector<16xf32>
      %swap3A_970 = arith.index_cast %add3A_944 : i32 to index
      %swap3A_971 = arith.constant 48 : index
      %swap3A_972 = tpu.vector_load %arg7[%swap3A_970, %swap3A_971] {strides = array<i32>} : memref<512x64xf32, #tpu.memory_space<vmem>>, vector<16xf32>,
      tpu.vector_store %arg7[%swap3A_970, %swap3A_971], %mul3A_969 {strides = array<i32>} : memref<512x64xf32, #tpu.memory_space<vmem>>, vector<16xf32>,
      %broadcast_in_dim3A_973 = arith.constant 0.000000e+00 : f32
      %broadcast_in_dim3A_974 = vector.broadcast %broadcast_in_dim3A_973 : f32 to vector<16xf32>
      %scan3A_975 = arith.constant 3 : i32
      %scan3A_976 = arith.constant 0 : i32
      %scan3A_977 = arith.constant 50 : i32
      %scan3A_978 = arith.addi %scan3A_976, %scan3A_977 : i32
      %scan3A_979 = arith.constant 1 : i32
      %scan3A_980:8 = scf.for %scan3A_1015 = %scan3A_976 to %scan3A_978 step %scan3A_979 iter_args(%scan3A_1016 = %broadcast_in_dim3A_974, %scan3A_1017 = %broadcast_in_dim3A_974, %scan3A_1018 = %broadcast_in_dim3A_974, %scan3A_1019 = %broadcast_in_dim3A_974, %scan3A_1020 = %broadcast_in_dim3A_974, %scan3A_1021 = %broadcast_in_dim3A_974, %scan3A_1022 = %broadcast_in_dim3A_974, %scan3A_1023 = %broadcast_in_dim3A_974) -> (vector<16xf32>, vector<16xf32>, vector<16xf32>, vector<16xf32>, vector<16xf32>, vector<16xf32>, vector<16xf32>, vector<16xf32>)  : i32 {
        %mul3A_1024 = arith.constant 4 : i32
        %mul3A_1025 = arith.muli %scan3A_1015, %mul3A_1024 : i32
        %add3A_1026 = arith.constant 200 : i32
        %add3A_1027 = arith.addi %add3A_1026, %mul3A_1025 : i32
        %add3A_1028 = arith.constant 0 : i32
        %add3A_1029 = arith.addi %add3A_1027, %add3A_1028 : i32
        %get3A = arith.constant 0 : i32
        %get3A_1030 = arith.constant 0 : i32
        %get3A_1031 = tpu.memref_slice %arg6[%scan3A_975, %get3A, %get3A_1030] : memref<4x400x32xi32, #tpu.memory_space<vmem>> -> memref<1x400x32xi32, #tpu.memory_space<vmem>>
        %get3A_1032 = tpu.memref_squeeze %get3A_1031 : memref<1x400x32xi32, #tpu.memory_space<vmem>> -> memref<400x32xi32, #tpu.memory_space<vmem>>
        %get3A_1033 = arith.index_cast %add3A_1029 : i32 to index
        %get3A_1034 = arith.constant 0 : index
        %get3A_1035 = tpu.vector_load %get3A_1032[%get3A_1033, %get3A_1034] {strides = array<i32>} : memref<400x32xi32, #tpu.memory_space<vmem>>, vector<16xi32>,
        %bitcast3A = vector.bitcast %get3A_1035 : vector<16xi32> to vector<32xbf16>
        %add3A_1036 = arith.constant 1 : i32
        %add3A_1037 = arith.addi %add3A_1029, %add3A_1036 : i32
        %get3A_1038 = arith.constant 0 : i32
        %get3A_1039 = arith.constant 0 : i32
        %get3A_1040 = tpu.memref_slice %arg6[%scan3A_975, %get3A_1038, %get3A_1039] : memref<4x400x32xi32, #tpu.memory_space<vmem>> -> memref<1x400x32xi32, #tpu.memory_space<vmem>>
        %get3A_1041 = tpu.memref_squeeze %get3A_1040 : memref<1x400x32xi32, #tpu.memory_space<vmem>> -> memref<400x32xi32, #tpu.memory_space<vmem>>
        %get3A_1042 = arith.index_cast %add3A_1037 : i32 to index
        %get3A_1043 = arith.constant 0 : index
        %get3A_1044 = tpu.vector_load %get3A_1041[%get3A_1042, %get3A_1043] {strides = array<i32>} : memref<400x32xi32, #tpu.memory_space<vmem>>, vector<16xi32>,
        %bitcast3A_1045 = vector.bitcast %get3A_1044 : vector<16xi32> to vector<32xbf16>
        %add3A_1046 = arith.addf %bitcast3A, %bitcast3A_1045 : vector<32xbf16>
        %unpack3A = tpu.unpack_subelements %add3A_1046, 0 {pack_format = #tpu.pack_format<interleaved>} : vector<32xbf16> -> vector<16xf32>
        %unpack3A_1047 = tpu.unpack_subelements %add3A_1046, 1 {pack_format = #tpu.pack_format<interleaved>} : vector<32xbf16> -> vector<16xf32>
        %add3A_1048 = arith.addf %scan3A_1016, %unpack3A : vector<16xf32>
        %add3A_1049 = arith.addf %scan3A_1017, %unpack3A_1047 : vector<16xf32>
        %get3A_1050 = arith.constant 0 : i32
        %get3A_1051 = arith.constant 0 : i32
        %get3A_1052 = tpu.memref_slice %arg6[%scan3A_975, %get3A_1050, %get3A_1051] : memref<4x400x32xi32, #tpu.memory_space<vmem>> -> memref<1x400x32xi32, #tpu.memory_space<vmem>>
        %get3A_1053 = tpu.memref_squeeze %get3A_1052 : memref<1x400x32xi32, #tpu.memory_space<vmem>> -> memref<400x32xi32, #tpu.memory_space<vmem>>
        %get3A_1054 = arith.index_cast %add3A_1029 : i32 to index
        %get3A_1055 = arith.constant 16 : index
        %get3A_1056 = tpu.vector_load %get3A_1053[%get3A_1054, %get3A_1055] {strides = array<i32>} : memref<400x32xi32, #tpu.memory_space<vmem>>, vector<16xi32>,
        %bitcast3A_1057 = vector.bitcast %get3A_1056 : vector<16xi32> to vector<32xbf16>
        %add3A_1058 = arith.constant 1 : i32
        %add3A_1059 = arith.addi %add3A_1029, %add3A_1058 : i32
        %get3A_1060 = arith.constant 0 : i32
        %get3A_1061 = arith.constant 0 : i32
        %get3A_1062 = tpu.memref_slice %arg6[%scan3A_975, %get3A_1060, %get3A_1061] : memref<4x400x32xi32, #tpu.memory_space<vmem>> -> memref<1x400x32xi32, #tpu.memory_space<vmem>>
        %get3A_1063 = tpu.memref_squeeze %get3A_1062 : memref<1x400x32xi32, #tpu.memory_space<vmem>> -> memref<400x32xi32, #tpu.memory_space<vmem>>
        %get3A_1064 = arith.index_cast %add3A_1059 : i32 to index
        %get3A_1065 = arith.constant 16 : index
        %get3A_1066 = tpu.vector_load %get3A_1063[%get3A_1064, %get3A_1065] {strides = array<i32>} : memref<400x32xi32, #tpu.memory_space<vmem>>, vector<16xi32>,
        %bitcast3A_1067 = vector.bitcast %get3A_1066 : vector<16xi32> to vector<32xbf16>
        %add3A_1068 = arith.addf %bitcast3A_1057, %bitcast3A_1067 : vector<32xbf16>
        %unpack3A_1069 = tpu.unpack_subelements %add3A_1068, 0 {pack_format = #tpu.pack_format<interleaved>} : vector<32xbf16> -> vector<16xf32>
        %unpack3A_1070 = tpu.unpack_subelements %add3A_1068, 1 {pack_format = #tpu.pack_format<interleaved>} : vector<32xbf16> -> vector<16xf32>
        %add3A_1071 = arith.addf %scan3A_1018, %unpack3A_1069 : vector<16xf32>
        %add3A_1072 = arith.addf %scan3A_1019, %unpack3A_1070 : vector<16xf32>
        %mul3A_1073 = arith.constant 4 : i32
        %mul3A_1074 = arith.muli %scan3A_1015, %mul3A_1073 : i32
        %add3A_1075 = arith.constant 200 : i32
        %add3A_1076 = arith.addi %add3A_1075, %mul3A_1074 : i32
        %add3A_1077 = arith.constant 2 : i32
        %add3A_1078 = arith.addi %add3A_1076, %add3A_1077 : i32
        %get3A_1079 = arith.constant 0 : i32
        %get3A_1080 = arith.constant 0 : i32
        %get3A_1081 = tpu.memref_slice %arg6[%scan3A_975, %get3A_1079, %get3A_1080] : memref<4x400x32xi32, #tpu.memory_space<vmem>> -> memref<1x400x32xi32, #tpu.memory_space<vmem>>
        %get3A_1082 = tpu.memref_squeeze %get3A_1081 : memref<1x400x32xi32, #tpu.memory_space<vmem>> -> memref<400x32xi32, #tpu.memory_space<vmem>>
        %get3A_1083 = arith.index_cast %add3A_1078 : i32 to index
        %get3A_1084 = arith.constant 0 : index
        %get3A_1085 = tpu.vector_load %get3A_1082[%get3A_1083, %get3A_1084] {strides = array<i32>} : memref<400x32xi32, #tpu.memory_space<vmem>>, vector<16xi32>,
        %bitcast3A_1086 = vector.bitcast %get3A_1085 : vector<16xi32> to vector<32xbf16>
        %add3A_1087 = arith.constant 1 : i32
        %add3A_1088 = arith.addi %add3A_1078, %add3A_1087 : i32
        %get3A_1089 = arith.constant 0 : i32
        %get3A_1090 = arith.constant 0 : i32
        %get3A_1091 = tpu.memref_slice %arg6[%scan3A_975, %get3A_1089, %get3A_1090] : memref<4x400x32xi32, #tpu.memory_space<vmem>> -> memref<1x400x32xi32, #tpu.memory_space<vmem>>
        %get3A_1092 = tpu.memref_squeeze %get3A_1091 : memref<1x400x32xi32, #tpu.memory_space<vmem>> -> memref<400x32xi32, #tpu.memory_space<vmem>>
        %get3A_1093 = arith.index_cast %add3A_1088 : i32 to index
        %get3A_1094 = arith.constant 0 : index
        %get3A_1095 = tpu.vector_load %get3A_1092[%get3A_1093, %get3A_1094] {strides = array<i32>} : memref<400x32xi32, #tpu.memory_space<vmem>>, vector<16xi32>,
        %bitcast3A_1096 = vector.bitcast %get3A_1095 : vector<16xi32> to vector<32xbf16>
        %add3A_1097 = arith.addf %bitcast3A_1086, %bitcast3A_1096 : vector<32xbf16>
        %unpack3A_1098 = tpu.unpack_subelements %add3A_1097, 0 {pack_format = #tpu.pack_format<interleaved>} : vector<32xbf16> -> vector<16xf32>
        %unpack3A_1099 = tpu.unpack_subelements %add3A_1097, 1 {pack_format = #tpu.pack_format<interleaved>} : vector<32xbf16> -> vector<16xf32>
        %add3A_1100 = arith.addf %scan3A_1020, %unpack3A_1098 : vector<16xf32>
        %add3A_1101 = arith.addf %scan3A_1021, %unpack3A_1099 : vector<16xf32>
        %get3A_1102 = arith.constant 0 : i32
        %get3A_1103 = arith.constant 0 : i32
        %get3A_1104 = tpu.memref_slice %arg6[%scan3A_975, %get3A_1102, %get3A_1103] : memref<4x400x32xi32, #tpu.memory_space<vmem>> -> memref<1x400x32xi32, #tpu.memory_space<vmem>>
        %get3A_1105 = tpu.memref_squeeze %get3A_1104 : memref<1x400x32xi32, #tpu.memory_space<vmem>> -> memref<400x32xi32, #tpu.memory_space<vmem>>
        %get3A_1106 = arith.index_cast %add3A_1078 : i32 to index
        %get3A_1107 = arith.constant 16 : index
        %get3A_1108 = tpu.vector_load %get3A_1105[%get3A_1106, %get3A_1107] {strides = array<i32>} : memref<400x32xi32, #tpu.memory_space<vmem>>, vector<16xi32>,
        %bitcast3A_1109 = vector.bitcast %get3A_1108 : vector<16xi32> to vector<32xbf16>
        %add3A_1110 = arith.constant 1 : i32
        %add3A_1111 = arith.addi %add3A_1078, %add3A_1110 : i32
        %get3A_1112 = arith.constant 0 : i32
        %get3A_1113 = arith.constant 0 : i32
        %get3A_1114 = tpu.memref_slice %arg6[%scan3A_975, %get3A_1112, %get3A_1113] : memref<4x400x32xi32, #tpu.memory_space<vmem>> -> memref<1x400x32xi32, #tpu.memory_space<vmem>>
        %get3A_1115 = tpu.memref_squeeze %get3A_1114 : memref<1x400x32xi32, #tpu.memory_space<vmem>> -> memref<400x32xi32, #tpu.memory_space<vmem>>
        %get3A_1116 = arith.index_cast %add3A_1111 : i32 to index
        %get3A_1117 = arith.constant 16 : index
        %get3A_1118 = tpu.vector_load %get3A_1115[%get3A_1116, %get3A_1117] {strides = array<i32>} : memref<400x32xi32, #tpu.memory_space<vmem>>, vector<16xi32>,
        %bitcast3A_1119 = vector.bitcast %get3A_1118 : vector<16xi32> to vector<32xbf16>
        %add3A_1120 = arith.addf %bitcast3A_1109, %bitcast3A_1119 : vector<32xbf16>
        %unpack3A_1121 = tpu.unpack_subelements %add3A_1120, 0 {pack_format = #tpu.pack_format<interleaved>} : vector<32xbf16> -> vector<16xf32>
        %unpack3A_1122 = tpu.unpack_subelements %add3A_1120, 1 {pack_format = #tpu.pack_format<interleaved>} : vector<32xbf16> -> vector<16xf32>
        %add3A_1123 = arith.addf %scan3A_1022, %unpack3A_1121 : vector<16xf32>
        %add3A_1124 = arith.addf %scan3A_1023, %unpack3A_1122 : vector<16xf32>
        scf.yield %add3A_1048, %add3A_1049, %add3A_1071, %add3A_1072, %add3A_1100, %add3A_1101, %add3A_1123, %add3A_1124 : vector<16xf32>, vector<16xf32>, vector<16xf32>, vector<16xf32>, vector<16xf32>, vector<16xf32>, vector<16xf32>, vector<16xf32>
      }
      %scan3A_981 = arith.constant 50 : i32
      %mul3A_982 = arith.constant 2 : i32
      %mul3A_983 = arith.muli %add3A_800, %mul3A_982 : i32
      %add3A_984 = arith.constant 1 : i32
      %add3A_985 = arith.addi %mul3A_983, %add3A_984 : i32
      %add3A_986 = arith.addf %scan3A_980#0, %scan3A_980#4 : vector<16xf32>
      %mul3A_987 = arith.constant 5.000000e-03 : f32
      %mul3A_988 = vector.broadcast %mul3A_987 : f32 to vector<16xf32>
      %mul3A_989 = arith.mulf %add3A_986, %mul3A_988 : vector<16xf32>
      %swap3A_990 = arith.index_cast %add3A_985 : i32 to index
      %swap3A_991 = arith.constant 0 : index
      %swap3A_992 = tpu.vector_load %arg7[%swap3A_990, %swap3A_991] {strides = array<i32>} : memref<512x64xf32, #tpu.memory_space<vmem>>, vector<16xf32>,
      tpu.vector_store %arg7[%swap3A_990, %swap3A_991], %mul3A_989 {strides = array<i32>} : memref<512x64xf32, #tpu.memory_space<vmem>>, vector<16xf32>,
      %add3A_993 = arith.addf %scan3A_980#1, %scan3A_980#5 : vector<16xf32>
      %mul3A_994 = arith.constant 5.000000e-03 : f32
      %mul3A_995 = vector.broadcast %mul3A_994 : f32 to vector<16xf32>
      %mul3A_996 = arith.mulf %add3A_993, %mul3A_995 : vector<16xf32>
      %swap3A_997 = arith.index_cast %add3A_985 : i32 to index
      %swap3A_998 = arith.constant 16 : index
      %swap3A_999 = tpu.vector_load %arg7[%swap3A_997, %swap3A_998] {strides = array<i32>} : memref<512x64xf32, #tpu.memory_space<vmem>>, vector<16xf32>,
      tpu.vector_store %arg7[%swap3A_997, %swap3A_998], %mul3A_996 {strides = array<i32>} : memref<512x64xf32, #tpu.memory_space<vmem>>, vector<16xf32>,
      %add3A_1000 = arith.addf %scan3A_980#2, %scan3A_980#6 : vector<16xf32>
      %mul3A_1001 = arith.constant 5.000000e-03 : f32
      %mul3A_1002 = vector.broadcast %mul3A_1001 : f32 to vector<16xf32>
      %mul3A_1003 = arith.mulf %add3A_1000, %mul3A_1002 : vector<16xf32>
      %swap3A_1004 = arith.index_cast %add3A_985 : i32 to index
      %swap3A_1005 = arith.constant 32 : index
      %swap3A_1006 = tpu.vector_load %arg7[%swap3A_1004, %swap3A_1005] {strides = array<i32>} : memref<512x64xf32, #tpu.memory_space<vmem>>, vector<16xf32>,
      tpu.vector_store %arg7[%swap3A_1004, %swap3A_1005], %mul3A_1003 {strides = array<i32>} : memref<512x64xf32, #tpu.memory_space<vmem>>, vector<16xf32>,
      %add3A_1007 = arith.addf %scan3A_980#3, %scan3A_980#7 : vector<16xf32>
      %mul3A_1008 = arith.constant 5.000000e-03 : f32
      %mul3A_1009 = vector.broadcast %mul3A_1008 : f32 to vector<16xf32>
      %mul3A_1010 = arith.mulf %add3A_1007, %mul3A_1009 : vector<16xf32>
      %swap3A_1011 = arith.index_cast %add3A_985 : i32 to index
      %swap3A_1012 = arith.constant 48 : index
      %swap3A_1013 = tpu.vector_load %arg7[%swap3A_1011, %swap3A_1012] {strides = array<i32>} : memref<512x64xf32, #tpu.memory_space<vmem>>, vector<16xf32>,
      tpu.vector_store %arg7[%swap3A_1011, %swap3A_1012], %mul3A_1010 {strides = array<i32>} : memref<512x64xf32, #tpu.memory_space<vmem>>, vector<16xf32>,
      %scan3A_1014 = arith.constant 0 : i32
      scf.yield %scan3A_1014 : i32
    }
    %scan3A_153 = arith.constant 64 : i32
    %mul3A_154 = arith.constant 512 : i32
    %mul3A_155 = arith.muli %add3A, %mul3A_154 : i32
    "tpu.region"() ({
      %run_scoped3A = tpu.sem_alloc : memref<!tpu.dma_semaphore, #tpu.memory_space<semaphore_mem>>
      %dma_start3A_156 = arith.constant 0 : i32
      %dma_start3A_157 = tpu.memref_slice %arg4[%mul3A_155, %dma_start3A_156] : memref<16384x64xf32, #tpu.memory_space<hbm>> -> memref<512x64xf32, #tpu.memory_space<hbm>>
      %dma_start3A_158 = arith.constant 0 : i32
      %dma_start3A_159 = tpu.memref_slice %arg4[%mul3A_155, %dma_start3A_158] : memref<16384x64xf32, #tpu.memory_space<hbm>> -> memref<512x64xf32, #tpu.memory_space<hbm>>
      tpu.enqueue_dma source(%arg7 : memref<512x64xf32, #tpu.memory_space<vmem>>) target(%dma_start3A_159 : memref<512x64xf32, #tpu.memory_space<hbm>>) target_semaphore(%run_scoped3A : memref<!tpu.dma_semaphore, #tpu.memory_space<semaphore_mem>>)
      %dma_wait3A = arith.constant 0 : i32
      %dma_wait3A_160 = tpu.memref_slice %arg4[%mul3A_155, %dma_wait3A] : memref<16384x64xf32, #tpu.memory_space<hbm>> -> memref<512x64xf32, #tpu.memory_space<hbm>>
      %dma_wait3A_161 = arith.constant 0 : i32
      %dma_wait3A_162 = tpu.memref_slice %arg4[%mul3A_155, %dma_wait3A_161] : memref<16384x64xf32, #tpu.memory_space<hbm>> -> memref<512x64xf32, #tpu.memory_space<hbm>>
      tpu.wait_dma2 semaphore(%run_scoped3A : memref<!tpu.dma_semaphore, #tpu.memory_space<semaphore_mem>>) src(%arg7 : memref<512x64xf32, #tpu.memory_space<vmem>>) dst(%dma_wait3A_162 : memref<512x64xf32, #tpu.memory_space<hbm>>)
      tpu.yield
    }) : () -> ()
    return
  }
}

#map = affine_map<(d0, d1) -> (0, 0)>
module attributes {stable_mosaic.version = 14 : i64} {
  func.func @pack_tab(%arg0: i32, %arg1: i32, %arg2: memref<42000x64xf32, #tpu.memory_space<hbm>>, %arg3: memref<42000x32xi32, #tpu.memory_space<hbm>>, %arg4: memref<120x64xf32, #tpu.memory_space<vmem>>, %arg5: memref<120x32xi32, #tpu.memory_space<vmem>>) attributes {dimension_semantics = [#tpu.dimension_semantics<core_parallel>, #tpu.dimension_semantics<subcore_parallel>], iteration_bounds = array<i64: 2, 16>, scalar_prefetch = 0 : i64, scratch_operands = 2 : i64, tpu.core_type = #tpu.core_type<sc_vector_subcore>, window_params = [{transform_indices = #map}, {transform_indices = #map}]} {
    %mul3A = arith.constant 2 : i32
    %mul3A_0 = arith.muli %arg1, %mul3A : i32
    %add3A = arith.addi %mul3A_0, %arg0 : i32
    %scan3A = arith.constant 0 : i32
    %scan3A_1 = arith.constant 0 : i32
    %scan3A_2 = arith.constant 11 : i32
    %scan3A_3 = arith.addi %scan3A_1, %scan3A_2 : i32
    %scan3A_4 = arith.constant 1 : i32
    %scan3A_5 = scf.for %scan3A_7 = %scan3A_1 to %scan3A_3 step %scan3A_4 iter_args(%scan3A_8 = %scan3A) -> (i32)  : i32 {
      %mul3A_9 = arith.constant 32 : i32
      %mul3A_10 = arith.muli %scan3A_7, %mul3A_9 : i32
      %add3A_11 = arith.addi %mul3A_10, %add3A : i32
      %lt3A = arith.constant 350 : i32
      %lt3A_12 = arith.cmpi slt, %add3A_11, %lt3A : i32
      %convert_element_type3A = arith.extui %lt3A_12 : i1 to i32
      %cond3A = arith.constant 0 : i32
      %cond3A_13 = arith.cmpi ne, %convert_element_type3A, %cond3A : i32
      scf.if %cond3A_13 {
        %mul3A_15 = arith.constant 120 : i32
        %mul3A_16 = arith.muli %add3A_11, %mul3A_15 : i32
        "tpu.region"() ({
          %run_scoped3A = tpu.sem_alloc : memref<!tpu.dma_semaphore, #tpu.memory_space<semaphore_mem>>
          %dma_start3A = arith.constant 0 : i32
          %dma_start3A_26 = tpu.memref_slice %arg2[%mul3A_16, %dma_start3A] : memref<42000x64xf32, #tpu.memory_space<hbm>> -> memref<120x64xf32, #tpu.memory_space<hbm>>
          %dma_start3A_27 = arith.constant 0 : i32
          %dma_start3A_28 = tpu.memref_slice %arg2[%mul3A_16, %dma_start3A_27] : memref<42000x64xf32, #tpu.memory_space<hbm>> -> memref<120x64xf32, #tpu.memory_space<hbm>>
          tpu.enqueue_dma source(%dma_start3A_28 : memref<120x64xf32, #tpu.memory_space<hbm>>) target(%arg4 : memref<120x64xf32, #tpu.memory_space<vmem>>) target_semaphore(%run_scoped3A : memref<!tpu.dma_semaphore, #tpu.memory_space<semaphore_mem>>)
          %dma_wait3A = arith.constant 0 : i32
          %dma_wait3A_29 = tpu.memref_slice %arg2[%mul3A_16, %dma_wait3A] : memref<42000x64xf32, #tpu.memory_space<hbm>> -> memref<120x64xf32, #tpu.memory_space<hbm>>
          %dma_wait3A_30 = arith.constant 0 : i32
          %dma_wait3A_31 = tpu.memref_slice %arg2[%mul3A_16, %dma_wait3A_30] : memref<42000x64xf32, #tpu.memory_space<hbm>> -> memref<120x64xf32, #tpu.memory_space<hbm>>
          tpu.wait_dma2 semaphore(%run_scoped3A : memref<!tpu.dma_semaphore, #tpu.memory_space<semaphore_mem>>) src(%dma_wait3A_31 : memref<120x64xf32, #tpu.memory_space<hbm>>) dst(%arg4 : memref<120x64xf32, #tpu.memory_space<vmem>>)
          tpu.yield
        }) : () -> ()
        %scan3A_17 = arith.constant 0 : i32
        %scan3A_18 = arith.constant 0 : i32
        %scan3A_19 = arith.constant 120 : i32
        %scan3A_20 = arith.addi %scan3A_18, %scan3A_19 : i32
        %scan3A_21 = arith.constant 1 : i32
        %scan3A_22 = scf.for %scan3A_26 = %scan3A_18 to %scan3A_20 step %scan3A_21 iter_args(%scan3A_27 = %scan3A_17) -> (i32)  : i32 {
          %get3A = arith.index_cast %scan3A_26 : i32 to index
          %get3A_28 = arith.constant 0 : index
          %get3A_29 = tpu.vector_load %arg4[%get3A, %get3A_28] {strides = array<i32>} : memref<120x64xf32, #tpu.memory_space<vmem>>, vector<16xf32>,
          %get3A_30 = arith.index_cast %scan3A_26 : i32 to index
          %get3A_31 = arith.constant 16 : index
          %get3A_32 = tpu.vector_load %arg4[%get3A_30, %get3A_31] {strides = array<i32>} : memref<120x64xf32, #tpu.memory_space<vmem>>, vector<16xf32>,
          %pack3A = tpu.pack_subelements %get3A_29, %get3A_32 {pack_format = #tpu.pack_format<interleaved>, positions = array<i32: 0, 1>} : vector<16xf32>, vector<16xf32> -> vector<32xbf16>
          %bitcast3A = vector.bitcast %pack3A : vector<32xbf16> to vector<16xi32>
          %swap3A = arith.index_cast %scan3A_26 : i32 to index
          %swap3A_33 = arith.constant 0 : index
          %swap3A_34 = tpu.vector_load %arg5[%swap3A, %swap3A_33] {strides = array<i32>} : memref<120x32xi32, #tpu.memory_space<vmem>>, vector<16xi32>,
          tpu.vector_store %arg5[%swap3A, %swap3A_33], %bitcast3A {strides = array<i32>} : memref<120x32xi32, #tpu.memory_space<vmem>>, vector<16xi32>,
          %get3A_35 = arith.index_cast %scan3A_26 : i32 to index
          %get3A_36 = arith.constant 32 : index
          %get3A_37 = tpu.vector_load %arg4[%get3A_35, %get3A_36] {strides = array<i32>} : memref<120x64xf32, #tpu.memory_space<vmem>>, vector<16xf32>,
          %get3A_38 = arith.index_cast %scan3A_26 : i32 to index
          %get3A_39 = arith.constant 48 : index
          %get3A_40 = tpu.vector_load %arg4[%get3A_38, %get3A_39] {strides = array<i32>} : memref<120x64xf32, #tpu.memory_space<vmem>>, vector<16xf32>,
          %pack3A_41 = tpu.pack_subelements %get3A_37, %get3A_40 {pack_format = #tpu.pack_format<interleaved>, positions = array<i32: 0, 1>} : vector<16xf32>, vector<16xf32> -> vector<32xbf16>
          %bitcast3A_42 = vector.bitcast %pack3A_41 : vector<32xbf16> to vector<16xi32>
          %swap3A_43 = arith.index_cast %scan3A_26 : i32 to index
          %swap3A_44 = arith.constant 16 : index
          %swap3A_45 = tpu.vector_load %arg5[%swap3A_43, %swap3A_44] {strides = array<i32>} : memref<120x32xi32, #tpu.memory_space<vmem>>, vector<16xi32>,
          tpu.vector_store %arg5[%swap3A_43, %swap3A_44], %bitcast3A_42 {strides = array<i32>} : memref<120x32xi32, #tpu.memory_space<vmem>>, vector<16xi32>,
          %scan3A_46 = arith.constant 0 : i32
          scf.yield %scan3A_46 : i32
        }
        %scan3A_23 = arith.constant 120 : i32
        %mul3A_24 = arith.constant 120 : i32
        %mul3A_25 = arith.muli %add3A_11, %mul3A_24 : i32
        "tpu.region"() ({
          %run_scoped3A = tpu.sem_alloc : memref<!tpu.dma_semaphore, #tpu.memory_space<semaphore_mem>>
          %dma_start3A = arith.constant 0 : i32
          %dma_start3A_26 = tpu.memref_slice %arg3[%mul3A_25, %dma_start3A] : memref<42000x32xi32, #tpu.memory_space<hbm>> -> memref<120x32xi32, #tpu.memory_space<hbm>>
          %dma_start3A_27 = arith.constant 0 : i32
          %dma_start3A_28 = tpu.memref_slice %arg3[%mul3A_25, %dma_start3A_27] : memref<42000x32xi32, #tpu.memory_space<hbm>> -> memref<120x32xi32, #tpu.memory_space<hbm>>
          tpu.enqueue_dma source(%arg5 : memref<120x32xi32, #tpu.memory_space<vmem>>) target(%dma_start3A_28 : memref<120x32xi32, #tpu.memory_space<hbm>>) target_semaphore(%run_scoped3A : memref<!tpu.dma_semaphore, #tpu.memory_space<semaphore_mem>>)
          %dma_wait3A = arith.constant 0 : i32
          %dma_wait3A_29 = tpu.memref_slice %arg3[%mul3A_25, %dma_wait3A] : memref<42000x32xi32, #tpu.memory_space<hbm>> -> memref<120x32xi32, #tpu.memory_space<hbm>>
          %dma_wait3A_30 = arith.constant 0 : i32
          %dma_wait3A_31 = tpu.memref_slice %arg3[%mul3A_25, %dma_wait3A_30] : memref<42000x32xi32, #tpu.memory_space<hbm>> -> memref<120x32xi32, #tpu.memory_space<hbm>>
          tpu.wait_dma2 semaphore(%run_scoped3A : memref<!tpu.dma_semaphore, #tpu.memory_space<semaphore_mem>>) src(%arg5 : memref<120x32xi32, #tpu.memory_space<vmem>>) dst(%dma_wait3A_31 : memref<120x32xi32, #tpu.memory_space<hbm>>)
          tpu.yield
        }) : () -> ()
      } else {
      }
      %scan3A_14 = arith.constant 0 : i32
      scf.yield %scan3A_14 : i32
    }
    %scan3A_6 = arith.constant 11 : i32
    return
  }
}

module attributes {stable_mosaic.version = 14 : i64} {
  func.func @body(%arg0: i32, %arg1: i32, %arg2: memref<4096x64xf32, #tpu.memory_space<vmem>>, %arg3: memref<64x128xf32, #tpu.memory_space<vmem>>, %arg4: memref<1x128xf32, #tpu.memory_space<vmem>>, %arg5: memref<1x128xf32, #tpu.memory_space<vmem>>, %arg6: memref<1x128xf32, #tpu.memory_space<vmem>>, %arg7: memref<128x10xf32, #tpu.memory_space<vmem>>, %arg8: memref<1x10xf32, #tpu.memory_space<vmem>>, %arg9: memref<4096x10xf32, #tpu.memory_space<vmem>>, %arg10: memref<1x64xf32, #tpu.memory_space<vmem>>, %arg11: memref<64x64xf32, #tpu.memory_space<vmem>>, %arg12: memref<1x128xf32, #tpu.memory_space<vmem>>, %arg13: memref<1x128xf32, #tpu.memory_space<vmem>>) attributes {dimension_semantics = [#tpu.dimension_semantics<arbitrary>, #tpu.dimension_semantics<arbitrary>], iteration_bounds = array<i64: 2, 4>, scalar_prefetch = 0 : i64, scratch_operands = 4 : i64, tpu.core_type = #tpu.core_type<tc>, window_params = [{transform_indices = @transform_0, window_bounds = array<i64: 4096, 64>}, {pipeline_mode = #tpu.pipeline_mode<synchronous>, transform_indices = @transform_1, window_bounds = array<i64: 64, 128>}, {pipeline_mode = #tpu.pipeline_mode<synchronous>, transform_indices = @transform_2, window_bounds = array<i64: 1, 128>}, {pipeline_mode = #tpu.pipeline_mode<synchronous>, transform_indices = @transform_3, window_bounds = array<i64: 1, 128>}, {pipeline_mode = #tpu.pipeline_mode<synchronous>, transform_indices = @transform_4, window_bounds = array<i64: 1, 128>}, {pipeline_mode = #tpu.pipeline_mode<synchronous>, transform_indices = @transform_5, window_bounds = array<i64: 128, 10>}, {pipeline_mode = #tpu.pipeline_mode<synchronous>, transform_indices = @transform_6, window_bounds = array<i64: 1, 10>}, {transform_indices = @transform_7, window_bounds = array<i64: 4096, 10>}]} {
    %eq3A = arith.constant 0 : i32
    %eq3A_0 = arith.cmpi eq, %arg0, %eq3A : i32
    %convert_element_type3A = arith.extui %eq3A_0 : i1 to i32
    %cond3A = arith.constant 0 : i32
    %cond3A_1 = arith.cmpi ne, %convert_element_type3A, %cond3A : i32
    scf.if %cond3A_1 {
      %eq3A_7 = arith.constant 0 : i32
      %eq3A_8 = arith.cmpi eq, %arg1, %eq3A_7 : i32
      %convert_element_type3A_9 = arith.extui %eq3A_8 : i1 to i32
      %cond3A_10 = arith.constant 0 : i32
      %cond3A_11 = arith.cmpi ne, %convert_element_type3A_9, %cond3A_10 : i32
      scf.if %cond3A_11 {
        %broadcast_in_dim3A_33 = arith.constant 0.000000e+00 : f32
        %broadcast_in_dim3A_34 = vector.broadcast %broadcast_in_dim3A_33 : f32 to vector<1x64xf32>
        %swap3A_35 = arith.constant 0 : index
        %swap3A_36 = arith.constant 0 : index
        %swap3A_37 = vector.load %arg10[%swap3A_35, %swap3A_36] : memref<1x64xf32, #tpu.memory_space<vmem>>, vector<1x64xf32>
        tpu.vector_store %arg10[%swap3A_35, %swap3A_36], %broadcast_in_dim3A_34 {strides = array<i32>} : memref<1x64xf32, #tpu.memory_space<vmem>>, vector<1x64xf32>,
        %broadcast_in_dim3A_38 = arith.constant 0.000000e+00 : f32
        %broadcast_in_dim3A_39 = vector.broadcast %broadcast_in_dim3A_38 : f32 to vector<64x64xf32>
        %swap3A_40 = arith.constant 0 : index
        %swap3A_41 = arith.constant 0 : index
        %swap3A_42 = vector.load %arg11[%swap3A_40, %swap3A_41] : memref<64x64xf32, #tpu.memory_space<vmem>>, vector<64x64xf32>
        tpu.vector_store %arg11[%swap3A_40, %swap3A_41], %broadcast_in_dim3A_39 {strides = array<i32>} : memref<64x64xf32, #tpu.memory_space<vmem>>, vector<64x64xf32>,
      } else {
      }
      %get3A = arith.constant 0 : index
      %get3A_12 = arith.constant 0 : index
      %get3A_13 = vector.load %arg2[%get3A, %get3A_12] : memref<4096x64xf32, #tpu.memory_space<vmem>>, vector<4096x64xf32>
      %get3A_14 = arith.constant 0 : index
      %get3A_15 = arith.constant 0 : index
      %get3A_16 = vector.load %arg10[%get3A_14, %get3A_15] : memref<1x64xf32, #tpu.memory_space<vmem>>, vector<1x64xf32>
      %reduce_sum3A = arith.constant dense<0.000000e+00> : vector<64xf32>
      %reduce_sum3A_17 = vector.multi_reduction <add>, %get3A_13, %reduce_sum3A [0] : vector<4096x64xf32> to vector<64xf32>
      %broadcast_in_dim3A = vector.shape_cast %reduce_sum3A_17 : vector<64xf32> to vector<1x64xf32>
      %add3A = arith.addf %get3A_16, %broadcast_in_dim3A : vector<1x64xf32>
      %swap3A = arith.constant 0 : index
      %swap3A_18 = arith.constant 0 : index
      %swap3A_19 = vector.load %arg10[%swap3A, %swap3A_18] : memref<1x64xf32, #tpu.memory_space<vmem>>, vector<1x64xf32>
      tpu.vector_store %arg10[%swap3A, %swap3A_18], %add3A {strides = array<i32>} : memref<1x64xf32, #tpu.memory_space<vmem>>, vector<1x64xf32>,
      %get3A_20 = arith.constant 0 : index
      %get3A_21 = arith.constant 0 : index
      %get3A_22 = vector.load %arg11[%get3A_20, %get3A_21] : memref<64x64xf32, #tpu.memory_space<vmem>>, vector<64x64xf32>
      %dot_general3A = arith.constant dense<0.000000e+00> : vector<64x64xf32>
      %dot_general3A_23 = tpu.matmul %get3A_13, %get3A_13, %dot_general3A {dimension_numbers = #tpu.dot_dimension_numbers<[0], [0], [1], [1], [0, 1, 1, 1], [], []>, transpose_lhs_hint = false} : vector<4096x64xf32>, vector<4096x64xf32>, vector<64x64xf32> -> vector<64x64xf32>
      %add3A_24 = arith.addf %get3A_22, %dot_general3A_23 : vector<64x64xf32>
      %swap3A_25 = arith.constant 0 : index
      %swap3A_26 = arith.constant 0 : index
      %swap3A_27 = vector.load %arg11[%swap3A_25, %swap3A_26] : memref<64x64xf32, #tpu.memory_space<vmem>>, vector<64x64xf32>
      tpu.vector_store %arg11[%swap3A_25, %swap3A_26], %add3A_24 {strides = array<i32>} : memref<64x64xf32, #tpu.memory_space<vmem>>, vector<64x64xf32>,
      %eq3A_28 = arith.constant 3 : i32
      %eq3A_29 = arith.cmpi eq, %arg1, %eq3A_28 : i32
      %convert_element_type3A_30 = arith.extui %eq3A_29 : i1 to i32
      %cond3A_31 = arith.constant 0 : i32
      %cond3A_32 = arith.cmpi ne, %convert_element_type3A_30, %cond3A_31 : i32
      scf.if %cond3A_32 {
        %get3A_33 = arith.constant 0 : index
        %get3A_34 = arith.constant 0 : index
        %get3A_35 = vector.load %arg10[%get3A_33, %get3A_34] : memref<1x64xf32, #tpu.memory_space<vmem>>, vector<1x64xf32>
        %mul3A = arith.constant 6.10351563E-5 : f32
        %mul3A_36 = vector.broadcast %mul3A : f32 to vector<1x64xf32>
        %mul3A_37 = arith.mulf %get3A_35, %mul3A_36 : vector<1x64xf32>
        %get3A_38 = arith.constant 0 : index
        %get3A_39 = arith.constant 0 : index
        %get3A_40 = vector.load %arg11[%get3A_38, %get3A_39] : memref<64x64xf32, #tpu.memory_space<vmem>>, vector<64x64xf32>
        %mul3A_41 = arith.constant 6.10351563E-5 : f32
        %mul3A_42 = vector.broadcast %mul3A_41 : f32 to vector<64x64xf32>
        %mul3A_43 = arith.mulf %get3A_40, %mul3A_42 : vector<64x64xf32>
        %dot_general3A_44 = arith.constant dense<0.000000e+00> : vector<64x64xf32>
        %dot_general3A_45 = tpu.matmul %mul3A_37, %mul3A_37, %dot_general3A_44 {dimension_numbers = #tpu.dot_dimension_numbers<[0], [0], [1], [1], [0, 1, 1, 1], [], []>, transpose_lhs_hint = false} : vector<1x64xf32>, vector<1x64xf32>, vector<64x64xf32> -> vector<64x64xf32>
        %sub3A = arith.subf %mul3A_43, %dot_general3A_45 : vector<64x64xf32>
        %get3A_46 = arith.constant 0 : index
        %get3A_47 = arith.constant 0 : index
        %get3A_48 = vector.load %arg3[%get3A_46, %get3A_47] : memref<64x128xf32, #tpu.memory_space<vmem>>, vector<64x128xf32>
        %dot_general3A_49 = arith.constant dense<0.000000e+00> : vector<1x128xf32>
        %dot_general3A_50 = tpu.matmul %mul3A_37, %get3A_48, %dot_general3A_49 {dimension_numbers = #tpu.dot_dimension_numbers<[1], [0], [0], [1], [0, 0, 1, 1], [], []>, transpose_lhs_hint = false} : vector<1x64xf32>, vector<64x128xf32>, vector<1x128xf32> -> vector<1x128xf32>
        %get3A_51 = arith.constant 0 : index
        %get3A_52 = arith.constant 0 : index
        %get3A_53 = vector.load %arg4[%get3A_51, %get3A_52] : memref<1x128xf32, #tpu.memory_space<vmem>>, vector<1x128xf32>
        %add3A_54 = arith.addf %dot_general3A_50, %get3A_53 : vector<1x128xf32>
        %swap3A_55 = arith.constant 0 : index
        %swap3A_56 = arith.constant 0 : index
        %swap3A_57 = vector.load %arg12[%swap3A_55, %swap3A_56] : memref<1x128xf32, #tpu.memory_space<vmem>>, vector<1x128xf32>
        tpu.vector_store %arg12[%swap3A_55, %swap3A_56], %add3A_54 {strides = array<i32>} : memref<1x128xf32, #tpu.memory_space<vmem>>, vector<1x128xf32>,
        %dot_general3A_58 = arith.constant dense<0.000000e+00> : vector<64x128xf32>
        %dot_general3A_59 = tpu.matmul %sub3A, %get3A_48, %dot_general3A_58 {dimension_numbers = #tpu.dot_dimension_numbers<[1], [0], [0], [1], [0, 0, 1, 1], [], []>, transpose_lhs_hint = false} : vector<64x64xf32>, vector<64x128xf32>, vector<64x128xf32> -> vector<64x128xf32>
        %mul3A_60 = arith.mulf %get3A_48, %dot_general3A_59 : vector<64x128xf32>
        %reduce_sum3A_61 = arith.constant dense<0.000000e+00> : vector<128xf32>
        %reduce_sum3A_62 = vector.multi_reduction <add>, %mul3A_60, %reduce_sum3A_61 [0] : vector<64x128xf32> to vector<128xf32>
        %broadcast_in_dim3A_63 = vector.shape_cast %reduce_sum3A_62 : vector<128xf32> to vector<1x128xf32>
        %get3A_64 = arith.constant 0 : index
        %get3A_65 = arith.constant 0 : index
        %get3A_66 = vector.load %arg5[%get3A_64, %get3A_65] : memref<1x128xf32, #tpu.memory_space<vmem>>, vector<1x128xf32>
        %add3A_67 = arith.constant 9.99999974E-6 : f32
        %add3A_68 = vector.broadcast %add3A_67 : f32 to vector<1x128xf32>
        %add3A_69 = arith.addf %broadcast_in_dim3A_63, %add3A_68 : vector<1x128xf32>
        %rsqrt3A = math.rsqrt %add3A_69 : vector<1x128xf32>
        %mul3A_70 = arith.mulf %get3A_66, %rsqrt3A : vector<1x128xf32>
        %swap3A_71 = arith.constant 0 : index
        %swap3A_72 = arith.constant 0 : index
        %swap3A_73 = vector.load %arg13[%swap3A_71, %swap3A_72] : memref<1x128xf32, #tpu.memory_space<vmem>>, vector<1x128xf32>
        tpu.vector_store %arg13[%swap3A_71, %swap3A_72], %mul3A_70 {strides = array<i32>} : memref<1x128xf32, #tpu.memory_space<vmem>>, vector<1x128xf32>,
      } else {
      }
    } else {
    }
    %eq3A_2 = arith.constant 1 : i32
    %eq3A_3 = arith.cmpi eq, %arg0, %eq3A_2 : i32
    %convert_element_type3A_4 = arith.extui %eq3A_3 : i1 to i32
    %cond3A_5 = arith.constant 0 : i32
    %cond3A_6 = arith.cmpi ne, %convert_element_type3A_4, %cond3A_5 : i32
    scf.if %cond3A_6 {
      %get3A = arith.constant 0 : index
      %get3A_7 = arith.constant 0 : index
      %get3A_8 = vector.load %arg2[%get3A, %get3A_7] : memref<4096x64xf32, #tpu.memory_space<vmem>>, vector<4096x64xf32>
      %get3A_9 = arith.constant 0 : index
      %get3A_10 = arith.constant 0 : index
      %get3A_11 = vector.load %arg3[%get3A_9, %get3A_10] : memref<64x128xf32, #tpu.memory_space<vmem>>, vector<64x128xf32>
      %dot_general3A = arith.constant dense<0.000000e+00> : vector<4096x128xf32>
      %dot_general3A_12 = tpu.matmul %get3A_8, %get3A_11, %dot_general3A {dimension_numbers = #tpu.dot_dimension_numbers<[1], [0], [0], [1], [0, 0, 1, 1], [], []>, transpose_lhs_hint = false} : vector<4096x64xf32>, vector<64x128xf32>, vector<4096x128xf32> -> vector<4096x128xf32>
      %get3A_13 = arith.constant 0 : index
      %get3A_14 = arith.constant 0 : index
      %get3A_15 = vector.load %arg4[%get3A_13, %get3A_14] : memref<1x128xf32, #tpu.memory_space<vmem>>, vector<1x128xf32>
      %add3A = vector.broadcast %get3A_15 : vector<1x128xf32> to vector<4096x128xf32>
      %add3A_16 = arith.addf %dot_general3A_12, %add3A : vector<4096x128xf32>
      %get3A_17 = arith.constant 0 : index
      %get3A_18 = arith.constant 0 : index
      %get3A_19 = vector.load %arg12[%get3A_17, %get3A_18] : memref<1x128xf32, #tpu.memory_space<vmem>>, vector<1x128xf32>
      %sub3A = vector.broadcast %get3A_19 : vector<1x128xf32> to vector<4096x128xf32>
      %sub3A_20 = arith.subf %add3A_16, %sub3A : vector<4096x128xf32>
      %get3A_21 = arith.constant 0 : index
      %get3A_22 = arith.constant 0 : index
      %get3A_23 = vector.load %arg13[%get3A_21, %get3A_22] : memref<1x128xf32, #tpu.memory_space<vmem>>, vector<1x128xf32>
      %mul3A = vector.broadcast %get3A_23 : vector<1x128xf32> to vector<4096x128xf32>
      %mul3A_24 = arith.mulf %sub3A_20, %mul3A : vector<4096x128xf32>
      %get3A_25 = arith.constant 0 : index
      %get3A_26 = arith.constant 0 : index
      %get3A_27 = vector.load %arg6[%get3A_25, %get3A_26] : memref<1x128xf32, #tpu.memory_space<vmem>>, vector<1x128xf32>
      %add3A_28 = vector.broadcast %get3A_27 : vector<1x128xf32> to vector<4096x128xf32>
      %add3A_29 = arith.addf %mul3A_24, %add3A_28 : vector<4096x128xf32>
      %max3A = arith.constant 0.000000e+00 : f32
      %max3A_30 = vector.broadcast %max3A : f32 to vector<4096x128xf32>
      %max3A_31 = arith.maximumf %add3A_29, %max3A_30 : vector<4096x128xf32>
      %get3A_32 = arith.constant 0 : index
      %get3A_33 = arith.constant 0 : index
      %get3A_34 = vector.load %arg7[%get3A_32, %get3A_33] : memref<128x10xf32, #tpu.memory_space<vmem>>, vector<128x10xf32>
      %dot_general3A_35 = arith.constant dense<0.000000e+00> : vector<4096x10xf32>
      %dot_general3A_36 = tpu.matmul %max3A_31, %get3A_34, %dot_general3A_35 {dimension_numbers = #tpu.dot_dimension_numbers<[1], [0], [0], [1], [0, 0, 1, 1], [], []>, transpose_lhs_hint = false} : vector<4096x128xf32>, vector<128x10xf32>, vector<4096x10xf32> -> vector<4096x10xf32>
      %get3A_37 = arith.constant 0 : index
      %get3A_38 = arith.constant 0 : index
      %get3A_39 = vector.load %arg8[%get3A_37, %get3A_38] : memref<1x10xf32, #tpu.memory_space<vmem>>, vector<1x10xf32>
      %add3A_40 = vector.broadcast %get3A_39 : vector<1x10xf32> to vector<4096x10xf32>
      %add3A_41 = arith.addf %dot_general3A_36, %add3A_40 : vector<4096x10xf32>
      %swap3A = arith.constant 0 : index
      %swap3A_42 = arith.constant 0 : index
      %swap3A_43 = vector.load %arg9[%swap3A, %swap3A_42] : memref<4096x10xf32, #tpu.memory_space<vmem>>, vector<4096x10xf32>
      tpu.vector_store %arg9[%swap3A, %swap3A_42], %add3A_41 {strides = array<i32>} : memref<4096x10xf32, #tpu.memory_space<vmem>>, vector<4096x10xf32>,
    } else {
    }
    return
  }
  func.func @transform_0(%arg0: i32, %arg1: i32) -> (i32, i32) {
    %c0_i32 = arith.constant 0 : i32
    %c0_i32_0 = arith.constant 0 : i32
    return %arg1, %c0_i32 : i32, i32
  }
  func.func @transform_1(%arg0: i32, %arg1: i32) -> (i32, i32) {
    %c0_i32 = arith.constant 0 : i32
    %c0_i32_0 = arith.constant 0 : i32
    %c0_i32_1 = arith.constant 0 : i32
    return %c0_i32, %c0_i32_0 : i32, i32
  }
  func.func @transform_2(%arg0: i32, %arg1: i32) -> (i32, i32) {
    %c0_i32 = arith.constant 0 : i32
    %c0_i32_0 = arith.constant 0 : i32
    %c0_i32_1 = arith.constant 0 : i32
    return %c0_i32, %c0_i32_0 : i32, i32
  }
  func.func @transform_3(%arg0: i32, %arg1: i32) -> (i32, i32) {
    %c0_i32 = arith.constant 0 : i32
    %c0_i32_0 = arith.constant 0 : i32
    %c0_i32_1 = arith.constant 0 : i32
    return %c0_i32, %c0_i32_0 : i32, i32
  }
  func.func @transform_4(%arg0: i32, %arg1: i32) -> (i32, i32) {
    %c0_i32 = arith.constant 0 : i32
    %c0_i32_0 = arith.constant 0 : i32
    %c0_i32_1 = arith.constant 0 : i32
    return %c0_i32, %c0_i32_0 : i32, i32
  }
  func.func @transform_5(%arg0: i32, %arg1: i32) -> (i32, i32) {
    %c0_i32 = arith.constant 0 : i32
    %c0_i32_0 = arith.constant 0 : i32
    %c0_i32_1 = arith.constant 0 : i32
    return %c0_i32, %c0_i32_0 : i32, i32
  }
  func.func @transform_6(%arg0: i32, %arg1: i32) -> (i32, i32) {
    %c0_i32 = arith.constant 0 : i32
    %c0_i32_0 = arith.constant 0 : i32
    %c0_i32_1 = arith.constant 0 : i32
    return %c0_i32, %c0_i32_0 : i32, i32
  }
  func.func @transform_7(%arg0: i32, %arg1: i32) -> (i32, i32) {
    %c0_i32 = arith.constant 0 : i32
    %c0_i32_0 = arith.constant 0 : i32
    return %arg1, %c0_i32 : i32, i32
  }
}

</mosaic_0001>

<sc_bundles>
// kernel: kernel.5.cloned.1.call-start
scs
__scs_entry_jumppad:
0x0: {  	(pc) =	sbr.rel $0x88, $3  }
0x1: {  	(tag) =	ssettag $0x0;
	lr =	simm.s32 $0x1  }
0x2: {  	[smem:$0x3F99] =	sst lr;
	_ =	strace $0xD0000000  }
0x3: {  	_ = 	snop  }
0x4: {  	_ = 	snop  }
0x5: {  	_ = 	snop  }
0x6: {  	_ = 	snop  }
0x7: {  	_ = 	snop  }
__scs_overlays_trampoline_lowered:
0x8: {  	[smem:$0x3FA8] =	sst s0  }
0x9: {  	[smem:$0x3FA9] =	sst s1  }
0xa: {  	[smem:$0x3FAA] =	sst s2  }
0xb: {  	[smem:$0x3FAB] =	sst s3  }
0xc: {  	[smem:$0x3FAC] =	sst s4  }
0xd: {  	[smem:$0x3FAD] =	sst s5  }
0xe: {  	[smem:$0x3FAE] =	sst s6  }
0xf: {  	[smem:$0x3FAF] =	sst s7  }
0x10: {  	[smem:$0x3FB0] =	sst s8  }
0x11: {  	[smem:$0x3FB1] =	sst s9;
	s0 =	simm.s32 @!p0 $0x0  }
0x12: {  	s1 =	sld [smem:$0x3F97];
	s0 =	simm.s32 @p0 $0x1  }
0x13: {  	[smem:$0x3FB2] =	sst s0;
	s0 =	simm.s32 @!p1 $0x0  }
0x14: {  	s2 =	sld [smem:$0x3F96];
	s0 =	simm.s32 @p1 $0x1  }
0x15: {  	[smem:$0x3FB3] =	sst s0;
	s0 =	simm.s32 @!p2 $0x0  }
0x16: {  	s3 =	sld [smem:$0x3FDB];
	s0 =	simm.s32 @p2 $0x1  }
0x17: {  	s4 =	simm.s32 $0x1BF5;
	[smem:$0x3FB5] =	sst s0  }
0x18: {  	s0 =	sld [smem:$0x3F98];
	_ =	swait.ge [sflag:s4], $0x0  }
0x19: {  	s7 =	sld [smem:$0x3F99]  }
0x1a: {  	s8 =	sadd.s32 $0xFFFFE003, lr  }
0x1b: {  	s9 =	sadd.s32 $0xFFFFFEF7, lr;
	s5 =	simm.s32 $0xFFFFFFFF;
	p2 =	slt.u32 s8, $0xFFFFF086  }
0x1c: {  	p1 =	slt.u32 s9, $0xF7A;
	s5 =	simm.s32 @!p2 $0x0  }
0x1d: {  	s5 =	simm.s32 @p1 $0x1;
	p0 =	seq.s32 s7, s2  }
0x1e: {  	s7 =	smul.u32 @!p0 $0xF7A, s2;
	p2 =	seq.s32 @!p0 s5, $0x0  }
0x1f: {  	s9 =	smul.u32 $0xF7A, s1;
	s8 =	simm.s32 @!p0 $0x1BF5;
	p2 =	por !p2, p0  }
0x20: {  	[sflag:s8] =	ssyncset.s32 @!p0 $0xFFFFF086;
	s6 =	sadd.s32 @!p0 s3, s7;
	s7 =	simm.s32 @!p0 $0x108  }
0x21: {  	s3 =	sadd.s32 s3, s9;
	s6 =	sadd.s32 @!p0 $0x88, s6;
	s7 =	simm.s32 @p2 $0x1082  }
0x22: {  	[simem:s7], [sflag:s8] =	dma.local @!p0 [hbm:s6], $0xF7A  }
0x23: {  	s9 =	sor.u32 $0xD0000000, s2;
	s6 =	simm.s32 $0x108;
	_ =	swait.ge @!p0 [sflag:s8], $0x0  }
0x24: {  	s3 =	sadd.s32 $0x88, s3;
	s6 =	simm.s32 @!p1 $0x1082;
	[sflag:s4] =	ssyncset.s32 $0xFFFFF086  }
0x25: {  	[simem:s6], [sflag:s4] =	dma.local [hbm:s3], $0xF7A  }
0x26: {  	[smem:$0x3F99] =	sst s1;
	(tag) =	ssettag s2;
	_ =	strace s9  }
0x27: {  	s1 =	sld [smem:$0x3FA9]  }
0x28: {  	s2 =	sld [smem:$0x3FAA]  }
0x29: {  	s4 =	sld [smem:$0x3FAC]  }
0x2a: {  	p0 =	seq.s32 s5, $0x0;
	s5 =	sld [smem:$0x3FAD]  }
0x2b: {  	s6 =	sld [smem:$0x3FAE]  }
0x2c: {  	s7 =	sld [smem:$0x3FAF]  }
0x2d: {  	s3 =	simm.s32 $0x108;
	s8 =	sld [smem:$0x3FB0]  }
0x2e: {  	s3 =	simm.s32 @!p0 $0x1082;
	s9 =	sld [smem:$0x3FB1]  }
0x2f: {  	lr =	sadd.s32 s0, s3;
	s0 =	sld [smem:$0x3FA8]  }
0x30: {  	s3 =	sld [smem:$0x3FAB]  }
0x31: {  	[smem:$0x3FB4] =	sst s10  }
0x32: {  	s10 =	sld [smem:$0x3FB2];
	_ =	sdelay $0x3  }
0x33: {  	p0 =	seq.s32 s10, $0x1;
	s10 =	sld [smem:$0x3FB4];
	_ =	sdelay $0x3  }
0x34: {  	[smem:$0x3FB4] =	sst s10  }
0x35: {  	s10 =	sld [smem:$0x3FB3];
	_ =	sdelay $0x3  }
0x36: {  	p1 =	seq.s32 s10, $0x1;
	s10 =	sld [smem:$0x3FB4];
	_ =	sdelay $0x3  }
0x37: {  	[smem:$0x3FB4] =	sst s10  }
0x38: {  	s10 =	sld [smem:$0x3FB5]  }
0x39: {  	_ = 	snop;
	(pc) =	sbr.ind lr, $3  }
0x3a: {  	_ = 	snop  }
0x3b: {  	_ = 	snop  }
0x3c: {  	p2 =	seq.s32 s10, $0x1;
	s10 =	sld [smem:$0x3FB4]  }
0x3d: {  	_ =	shalt  }
0x3e: {  	_ =	shalt  }
0x3f: {  	_ =	shalt  }
0x40: {  	_ =	shalt  }
0x41: {  	_ =	shalt  }
0x42: {  	_ =	shalt  }
0x43: {  	_ =	shalt  }
0x44: {  	_ =	shalt  }
0x45: {  	_ =	shalt  }
0x46: {  	_ =	shalt  }
0x47: {  	_ =	shalt  }
0x48: {  	_ =	shalt  }
0x49: {  	_ =	shalt  }
0x4a: {  	_ =	shalt  }
0x4b: {  	_ =	shalt  }
0x4c: {  	_ =	shalt  }
0x4d: {  	_ =	shalt  }
0x4e: {  	_ =	shalt  }
0x4f: {  	_ =	shalt  }
0x50: {  	_ =	shalt  }
0x51: {  	_ =	shalt  }
0x52: {  	_ =	shalt  }
0x53: {  	_ =	shalt  }
0x54: {  	_ =	shalt  }
0x55: {  	_ =	shalt  }
0x56: {  	_ =	shalt  }
0x57: {  	_ =	shalt  }
0x58: {  	_ =	shalt  }
0x59: {  	_ =	shalt  }
0x5a: {  	_ =	shalt  }
0x5b: {  	_ =	shalt  }
0x5c: {  	_ =	shalt  }
0x5d: {  	_ =	shalt  }
0x5e: {  	_ =	shalt  }
0x5f: {  	_ =	shalt  }
0x60: {  	_ =	shalt  }
0x61: {  	_ =	shalt  }
0x62: {  	_ =	shalt  }
0x63: {  	_ =	shalt  }
0x64: {  	_ =	shalt  }
0x65: {  	_ =	shalt  }
0x66: {  	_ =	shalt  }
0x67: {  	_ =	shalt  }
0x68: {  	_ =	shalt  }
0x69: {  	_ =	shalt  }
0x6a: {  	_ =	shalt  }
0x6b: {  	_ =	shalt  }
0x6c: {  	_ =	shalt  }
0x6d: {  	_ =	shalt  }
0x6e: {  	_ =	shalt  }
0x6f: {  	_ =	shalt  }
0x70: {  	_ =	shalt  }
0x71: {  	_ =	shalt  }
0x72: {  	_ =	shalt  }
0x73: {  	_ =	shalt  }
0x74: {  	_ =	shalt  }
0x75: {  	_ =	shalt  }
0x76: {  	_ =	shalt  }
0x77: {  	_ =	shalt  }
0x78: {  	_ =	shalt  }
0x79: {  	_ =	shalt  }
0x7a: {  	_ =	shalt  }
0x7b: {  	_ =	shalt  }
0x7c: {  	_ =	shalt  }
0x7d: {  	_ =	shalt  }
0x7e: {  	_ =	shalt  }
0x7f: {  	_ =	shalt  }
0x80: {  	_ =	shalt  }
0x81: {  	_ =	shalt  }
0x82: {  	_ =	shalt  }
0x83: {  	_ =	shalt  }
0x84: {  	_ =	shalt  }
0x85: {  	_ =	shalt  }
0x86: {  	_ =	shalt  }
0x87: {  	_ =	shalt  }
.Lfunc_end0:
.L_simem_size_0:
called_computation_lowered:
.L_overlay_start_0:
0x88: {  	s2 =	sld [smem:$0x3FD9]  }
0x89: {  	s3 =	sld [smem:$0x3FFE];
	_ =	sdelay $0x1  }
0x8a: {  	s1 =	srdreg.scid  }
0x8b: {  	s0 =	sand.u32 $0x1, s1  }
0x8c: {  	s16 =	sshll.u32 s0, $0xA;
	s2 =	sadd.s32 s3, s2  }
0x8d: {  	s2 =	sadd.s32 s2, s16  }
0x8e: {  	[smem:$0x3FC0] =	sst s2  }
0x8f: {  	_ = 	snop  }
0x90: {  	(tm) =	ssettm $0x1  }
0x91: {  	s17 =	sld [smem:$0x3FFB];
	_ =	sdelay $0x3  }
0x92: {  	_ =	strace s17  }
0x93: {  	s2 =	sld [smem:$0x3FFC];
	_ =	sdelay $0x3  }
0x94: {  	_ =	strace s2  }
0x95: {  	s2 =	sld [smem:$0x3FFD];
	_ =	sdelay $0x3  }
0x96: {  	_ =	strace s2  }
0x97: {  	_ =	strace $0x8FFFFFFF  }
0x98: {  	s18 =	sld [smem:$0x3FDB];
	_ =	sdelay $0x1  }
0x99: {  	s19 =	simm.s32 $_scs_section_size  }
0x9a: {  	s4 =	simm.s32 $_size__tile_overlayer_lowered;
	s5 =	simm.s32 $_tile_overlayer_lowered  }
0x9b: {  	s22 =	simm.s32 $0x1BFF;
	s21 =	sshll.u32 s5, $0x1;
	s2 =	sadd.s32 s19, s18  }
0x9c: {  	s6 =	simm.s32 $0x0;
	s20 =	sshll.u32 s4, $0x1;
	s4 =	sadd.s32 s21, s2  }
0x9d: {  	[timem:s6], [sflag:s22] =	dma.local [hbm:s4], s20  }
0x9e: {  	_ =	swait.ge [sflag:s22], s20  }
0x9f: {  	s3 =	ssub.s32 $0x0, s20;
	[sflag:s22] =	ssyncset.done $0x0  }
0xa0: {  	[sflag:s22] =	ssyncadd.s32 s3;
	_ =	sdelay $0x1  }
0xa1: {  	s23 =	simm.s32 $0x1B8B  }
0xa2: {  	_ =	swait.ge [sflag:s23], $0x1  }
0xa3: {  	[sflag:s23] =	ssyncset.done $0x0  }
0xa4: {  	s25 =	simm.s32 $0x1B8E;
	s24 =	sld [smem:$0x3FFE];
	[sflag:s23] =	ssyncadd.s32 $0xFFFFFFFF  }
0xa5: {  	s26 =	simm.s32 $execute0_lowered;
	[smem:$0x3FD2] =	sst s25  }
0xa6: {  	s4 =	sshll.u32 s26, $0x1;
	_ =	strace $0x80000046;
	[dreg:$0x1] =	wrdreg $0xFFFFFFFF  }
0xa7: {  	s28 =	simm.s32 $_size_execute0_lowered;
	s2 =	sadd.s32 s2, s4;
	[dreg:$0x0] =	wrdreg $0x0  }
0xa8: {  	s4 =	sshll.u32 s28, $0x1;
	[dreg:$0x2] =	wrdreg s2  }
0xa9: {  	[dreg:$0x3] =	wrdreg s4  }
0xaa: {  	[dreg:$0x4] =	wrdreg $0xC0  }
0xab: {  	_ =	task [dreg:s6], $0x5FFFF  }
0xac: {  	[dreg:$0x1] =	wrdreg $0xFFFFFFFF  }
0xad: {  	[dreg:$0x0] =	wrdreg $0x60  }
0xae: {  	[dreg:$0x2] =	wrdreg s24  }
0xaf: {  	[dreg:$0x3] =	wrdreg $0x9  }
0xb0: {  	_ =	task.clear_ibuf [dreg:s6], $0x4FFFF;
	_ =	strace $0x90000046  }
0xb1: {  	s29 =	simm.s32 $0x9;
	_ =	strace $0x80000048  }
0xb2: {  	_ =	swait.ge [sflag:s29], $0x1  }
0xb3: {  	[sflag:s29] =	ssyncadd.s32 $0xFFFFFFFF  }
0xb4: {  	_ =	strace $0x90000048  }
0xb5: {  	_ =	sfence  }
0xb6: {  	s30 =	sld [smem:$0x0];
	_ =	sdelay $0x2  }
0xb7: {  	s31 =	sshll.u32 s1, $0xD;
	s1 =	sshrl.u32 s1, $0x2  }
0xb8: {  	s3 =	sand.u32 $0x4000, s31;
	s1 =	sadd.s32 s1, s30  }
0xb9: {  	s0 =	sor.u32 s3, s0;
	s1 =	sshll.u32 s1, $0x11  }
0xba: {  	s0 =	sor.u32 s1, s0  }
0xbb: {  	s0 =	sadd.s32 $0x8F2B, s0  }
0xbc: {  	[sflag:s0] =	ssyncadd.remote.s32 $0x1  }
0xbd: {  	_ =	sfence.sel $0xFFFF  }
0xbe: {  	[dreg:$0x0] =	wrdreg $0xFFFFFFFF;
	(pc) =	sbr.abs _section_cstart, $3  }
0xbf: {  	[dreg:$0x1] =	wrdreg $0xFFFFFFFF  }
0xc0: {  	_ =	task.clear_ibuf [dreg:s6], $0x2FFFF;
	_ =	strace $0x9FFFFFFF  }
0xc1: {  	(tm) =	ssettm $0x7FFFFFFF  }
tec
execute0_lowered:
.L_overlay_start_1:
0x0: {  	(tag) =	ssettag $0x1  }
0x1: {  	s3 =	rddreg [dreg:$0x0];
	s2 =	srdreg.scid  }
0x2: {  	s0 =	rddreg [dreg:$0x1];
	s1 =	simm.s32 $0x0;
	s8 =	simm.s32 $0x2  }
.Ltmp0:
0x3: {  	s9 =	simm.s32 $0x1E00;
	s2 =	sand.u32 $0x1, s2;
	(pc) =	sbr.rel .LBB2_1-.Ltmp0, $4  }
0x4: {  	s10 =	simm.s32 $0x1;
	s11 =	simm.s32 $0x0;
	s6 =	ssub.s32 $0x2, s2  }
0x5: {  	[smem:$0x7FF] =	sst s1;
	s4 =	sadd.s32 $0x2400, s3;
	s7 =	sshrl.u32 s6, $0x1  }
0x6: {  	s5 =	sadd.s32 $0x54600, s3;
	s3 =	stileid.u32;
	s7 =	ssub.s32 s6, s7  }
0x7: {  	_ =	strace $0x80000047;
	s6 =	sshll.u32 s3, $0x1;
	s7 =	smax.u32 s7, $0x1  }
.LBB2_7:
0x8: {  	s11 =	sadd.s32 $0x1, s11  }
0x9: {  	p0 =	sne.s32 s11, s7  }
.Ltmp1:
0xa: {  	_ = 	snop;
	(pc) =	sbr.rel @!p0 .LBB2_8-.Ltmp1, $1  }
0xb: {  	_ =	sdelay $0x3  }
.LBB2_1:
.Ltmp2:
0xc: {  	(pc) =	sbr.rel .LBB2_2-.Ltmp2, $2  }
0xd: {  	_ =	sdelay $0x2  }
0xe: {  	s12 =	simm.s32 $0x0  }
.LBB2_6:
0xf: {  	s12 =	sadd.s32 $0x1, s12  }
0x10: {  	p0 =	sne.s32 s12, $0xB  }
.Ltmp3:
0x11: {  	_ = 	snop;
	(pc) =	sbr.rel @!p0 .LBB2_7-.Ltmp3, $1  }
0x12: {  	_ =	sdelay $0x3  }
.LBB2_2:
0x13: {  	s13 =	sshll.u32 s12, $0x5  }
0x14: {  	s13 =	sor.u32 s6, s13  }
0x15: {  	p0 =	sgt.u32 s13, $0x15D  }
.Ltmp4:
0x16: {  	_ = 	snop;
	(pc) =	sbr.rel @p0 .LBB2_6-.Ltmp4, $1  }
0x17: {  	_ =	sdelay $0x3  }
0x18: {  	s13 =	sor.u32 s2, s13  }
0x19: {  	s14 =	smul.u32 $0x3C0, s13;
	_ =	sdelay $0x1  }
0x1a: {  	s15 =	simm.s32 $0x0;
	s14 =	sadd.s32 s4, s14  }
0x1b: {  	[tilespmem:s15], [sflag:$0x2] =	stream.linear.gather [hbm4b:s14+s15], $0x1E00, $0x38;
	[tilespmem:$0x2D00] =	vst v63  }
0x1c: {  	_ =	swait.ge [sflag:s8], $0x1E00  }
0x1d: {  	[sflag:s8] =	ssyncset.done $0x0  }
0x1e: {  	s14 =	simm.s32 $0x20;
	[sflag:s8] =	ssyncadd.s32 $0xFFFFE200  }
0x1f: {  	v0 =	vld [tilespmem:s14+$0xFFFFFFE0]  }
0x20: {  	v1 =	vld [tilespmem:s14+$0xFFFFFFF0];
	_ =	sdelay $0x4  }
0x21: {  	s16 =	simm.s32 $0x0;
	v0 =	vpack.i.f32.bf16 v1, v0  }
0x22: {  	[tilespmem:s16+$0x1E00] =	vst v0  }
0x23: {  	v0 =	vld [tilespmem:s14+$0x0]  }
0x24: {  	s15 =	simm.s32 $0x80;
	v1 =	vld [tilespmem:s14+$0x10]  }
.LBB2_4:
0x25: {  	_ =	sdelay $0x2  }
0x26: {  	p0 =	sne.s32 s15, $0x3B80  }
0x27: {  	s14 =	sadd.s32 $0x40, s14;
	s17 =	smov.u32 s15;
	s15 =	sadd.s32 $0x80, s15;
	v0 =	vpack.i.f32.bf16 v1, v0  }
0x28: {  	[tilespmem:s16+$0x1E10] =	vst v0  }
0x29: {  	v0 =	vld [tilespmem:s14+$0xFFFFFFE0]  }
0x2a: {  	v1 =	vld [tilespmem:s14+$0xFFFFFFF0];
	_ =	sdelay $0x3  }
.Ltmp5:
0x2b: {  	(pc) =	sbr.rel @p0 .LBB2_4-.Ltmp5, $4  }
0x2c: {  	s16 =	sshra.s32 s17, $0x2;
	v0 =	vpack.i.f32.bf16 v1, v0  }
0x2d: {  	[tilespmem:s16+$0x1E00] =	vst v0  }
0x2e: {  	v0 =	vld [tilespmem:s14+$0x0]  }
0x2f: {  	v1 =	vld [tilespmem:s14+$0x10]  }
0x30: {  	_ =	sdelay $0x2  }
0x31: {  	s13 =	smul.u32 $0x1E0, s13  }
0x32: {  	v0 =	vpack.i.f32.bf16 v1, v0  }
.Ltmp6:
0x33: {  	s13 =	sadd.s32 s5, s13;
	[tilespmem:s16+$0x1E10] =	vst v0;
	(pc) =	sbr.rel .LBB2_6-.Ltmp6, $4  }
0x34: {  	[hbm4b:s13+s1] =	stream.linear.scatter [tilespmem:s9], [sflag:$0x1], $0xF00, $0x38;
	[tilespmem:$0x2D00] =	vst v63  }
0x35: {  	_ =	swait.ge [sflag:s10], $0xF00  }
0x36: {  	[sflag:s10] =	ssyncset.done $0x0  }
0x37: {  	[sflag:s10] =	ssyncadd.s32 $0xFFFFF100  }
.LBB2_8:
0x38: {  	_ =	sfence.sel $0x180000  }
0x39: {  	[bflag:$0x0] =	sbarrier.arrive $0xFFFF  }
0x3a: {  	p0 =	sne.s32 s3, $0x0;
	_ =	strace $0x90000047  }
0x3b: {  	s0 =	sadd.s32 @!p0 $0x100000, s0;
	[bflag:$0x2] =	sbarrier.arrive $0xFFFF  }
0x3c: {  	[sflag:s0] =	ssyncadd.tile.s32 @!p0 $0x1;
	_ =	shalt  }
.Lfunc_end2:
_tile_overlayer_lowered:
.L_overlay_start_2:
0x3d: {  	(tag) =	ssettag $0x2  }
0x3e: {  	s0 =	rddreg [dreg:$0x0];
	s2 =	stileid.u32  }
0x3f: {  	s1 =	rddreg [dreg:$0x1];
	p0 =	sne.s32 s2, $0x0  }
0x40: {  	s3 =	rddreg [dreg:$0x2];
	[bflag:$0x3] =	sbarrier.arrive $0xFFFF;
	s2 =	simm.s32 @!p0 $0x1C01  }
0x41: {  	[timem:s3], [sflag:s2] =	dma.local @!p0 [hbm:s0], s1  }
0x42: {  	s0 =	simm.s32 @!p0 $0x1  }
0x43: {  	_ =	swait.ge @!p0 [sflag:s0], s1  }
0x44: {  	s1 =	ssub.s32 @!p0 $0x0, s1;
	[sflag:s0] =	ssyncset.done @!p0 $0x0  }
0x45: {  	[sflag:s0] =	ssyncadd.s32 @!p0 s1  }
0x46: {  	[bflag:$0x3] =	sbarrier.arrive $0xFFFF  }
0x47: {  	_ =	shalt  }

// kernel: kernel.8.cloned.1.call-start
scs
__scs_entry_jumppad:
0x0: {  	(pc) =	sbr.rel $0x88, $3  }
0x1: {  	(tag) =	ssettag $0x0;
	lr =	simm.s32 $0x1  }
0x2: {  	[smem:$0x3F99] =	sst lr;
	_ =	strace $0xD0000000  }
0x3: {  	_ = 	snop  }
0x4: {  	_ = 	snop  }
0x5: {  	_ = 	snop  }
0x6: {  	_ = 	snop  }
0x7: {  	_ = 	snop  }
__scs_overlays_trampoline_lowered:
0x8: {  	[smem:$0x3FA8] =	sst s0  }
0x9: {  	[smem:$0x3FA9] =	sst s1  }
0xa: {  	[smem:$0x3FAA] =	sst s2  }
0xb: {  	[smem:$0x3FAB] =	sst s3  }
0xc: {  	[smem:$0x3FAC] =	sst s4  }
0xd: {  	[smem:$0x3FAD] =	sst s5  }
0xe: {  	[smem:$0x3FAE] =	sst s6  }
0xf: {  	[smem:$0x3FAF] =	sst s7  }
0x10: {  	[smem:$0x3FB0] =	sst s8  }
0x11: {  	[smem:$0x3FB1] =	sst s9;
	s0 =	simm.s32 @!p0 $0x0  }
0x12: {  	s1 =	sld [smem:$0x3F97];
	s0 =	simm.s32 @p0 $0x1  }
0x13: {  	[smem:$0x3FB2] =	sst s0;
	s0 =	simm.s32 @!p1 $0x0  }
0x14: {  	s2 =	sld [smem:$0x3F96];
	s0 =	simm.s32 @p1 $0x1  }
0x15: {  	[smem:$0x3FB3] =	sst s0;
	s0 =	simm.s32 @!p2 $0x0  }
0x16: {  	s3 =	sld [smem:$0x3FDB];
	s0 =	simm.s32 @p2 $0x1  }
0x17: {  	s4 =	simm.s32 $0x1BF5;
	[smem:$0x3FB5] =	sst s0  }
0x18: {  	s0 =	sld [smem:$0x3F98];
	_ =	swait.ge [sflag:s4], $0x0  }
0x19: {  	s7 =	sld [smem:$0x3F99]  }
0x1a: {  	s8 =	sadd.s32 $0xFFFFE003, lr  }
0x1b: {  	s9 =	sadd.s32 $0xFFFFFEF7, lr;
	s5 =	simm.s32 $0xFFFFFFFF;
	p2 =	slt.u32 s8, $0xFFFFF086  }
0x1c: {  	p1 =	slt.u32 s9, $0xF7A;
	s5 =	simm.s32 @!p2 $0x0  }
0x1d: {  	s5 =	simm.s32 @p1 $0x1;
	p0 =	seq.s32 s7, s2  }
0x1e: {  	s7 =	smul.u32 @!p0 $0xF7A, s2;
	p2 =	seq.s32 @!p0 s5, $0x0  }
0x1f: {  	s9 =	smul.u32 $0xF7A, s1;
	s8 =	simm.s32 @!p0 $0x1BF5;
	p2 =	por !p2, p0  }
0x20: {  	[sflag:s8] =	ssyncset.s32 @!p0 $0xFFFFF086;
	s6 =	sadd.s32 @!p0 s3, s7;
	s7 =	simm.s32 @!p0 $0x108  }
0x21: {  	s3 =	sadd.s32 s3, s9;
	s6 =	sadd.s32 @!p0 $0x88, s6;
	s7 =	simm.s32 @p2 $0x1082  }
0x22: {  	[simem:s7], [sflag:s8] =	dma.local @!p0 [hbm:s6], $0xF7A  }
0x23: {  	s9 =	sor.u32 $0xD0000000, s2;
	s6 =	simm.s32 $0x108;
	_ =	swait.ge @!p0 [sflag:s8], $0x0  }
0x24: {  	s3 =	sadd.s32 $0x88, s3;
	s6 =	simm.s32 @!p1 $0x1082;
	[sflag:s4] =	ssyncset.s32 $0xFFFFF086  }
0x25: {  	[simem:s6], [sflag:s4] =	dma.local [hbm:s3], $0xF7A  }
0x26: {  	[smem:$0x3F99] =	sst s1;
	(tag) =	ssettag s2;
	_ =	strace s9  }
0x27: {  	s1 =	sld [smem:$0x3FA9]  }
0x28: {  	s2 =	sld [smem:$0x3FAA]  }
0x29: {  	s4 =	sld [smem:$0x3FAC]  }
0x2a: {  	p0 =	seq.s32 s5, $0x0;
	s5 =	sld [smem:$0x3FAD]  }
0x2b: {  	s6 =	sld [smem:$0x3FAE]  }
0x2c: {  	s7 =	sld [smem:$0x3FAF]  }
0x2d: {  	s3 =	simm.s32 $0x108;
	s8 =	sld [smem:$0x3FB0]  }
0x2e: {  	s3 =	simm.s32 @!p0 $0x1082;
	s9 =	sld [smem:$0x3FB1]  }
0x2f: {  	lr =	sadd.s32 s0, s3;
	s0 =	sld [smem:$0x3FA8]  }
0x30: {  	s3 =	sld [smem:$0x3FAB]  }
0x31: {  	[smem:$0x3FB4] =	sst s10  }
0x32: {  	s10 =	sld [smem:$0x3FB2];
	_ =	sdelay $0x3  }
0x33: {  	p0 =	seq.s32 s10, $0x1;
	s10 =	sld [smem:$0x3FB4];
	_ =	sdelay $0x3  }
0x34: {  	[smem:$0x3FB4] =	sst s10  }
0x35: {  	s10 =	sld [smem:$0x3FB3];
	_ =	sdelay $0x3  }
0x36: {  	p1 =	seq.s32 s10, $0x1;
	s10 =	sld [smem:$0x3FB4];
	_ =	sdelay $0x3  }
0x37: {  	[smem:$0x3FB4] =	sst s10  }
0x38: {  	s10 =	sld [smem:$0x3FB5]  }
0x39: {  	_ = 	snop;
	(pc) =	sbr.ind lr, $3  }
0x3a: {  	_ = 	snop  }
0x3b: {  	_ = 	snop  }
0x3c: {  	p2 =	seq.s32 s10, $0x1;
	s10 =	sld [smem:$0x3FB4]  }
0x3d: {  	_ =	shalt  }
0x3e: {  	_ =	shalt  }
0x3f: {  	_ =	shalt  }
0x40: {  	_ =	shalt  }
0x41: {  	_ =	shalt  }
0x42: {  	_ =	shalt  }
0x43: {  	_ =	shalt  }
0x44: {  	_ =	shalt  }
0x45: {  	_ =	shalt  }
0x46: {  	_ =	shalt  }
0x47: {  	_ =	shalt  }
0x48: {  	_ =	shalt  }
0x49: {  	_ =	shalt  }
0x4a: {  	_ =	shalt  }
0x4b: {  	_ =	shalt  }
0x4c: {  	_ =	shalt  }
0x4d: {  	_ =	shalt  }
0x4e: {  	_ =	shalt  }
0x4f: {  	_ =	shalt  }
0x50: {  	_ =	shalt  }
0x51: {  	_ =	shalt  }
0x52: {  	_ =	shalt  }
0x53: {  	_ =	shalt  }
0x54: {  	_ =	shalt  }
0x55: {  	_ =	shalt  }
0x56: {  	_ =	shalt  }
0x57: {  	_ =	shalt  }
0x58: {  	_ =	shalt  }
0x59: {  	_ =	shalt  }
0x5a: {  	_ =	shalt  }
0x5b: {  	_ =	shalt  }
0x5c: {  	_ =	shalt  }
0x5d: {  	_ =	shalt  }
0x5e: {  	_ =	shalt  }
0x5f: {  	_ =	shalt  }
0x60: {  	_ =	shalt  }
0x61: {  	_ =	shalt  }
0x62: {  	_ =	shalt  }
0x63: {  	_ =	shalt  }
0x64: {  	_ =	shalt  }
0x65: {  	_ =	shalt  }
0x66: {  	_ =	shalt  }
0x67: {  	_ =	shalt  }
0x68: {  	_ =	shalt  }
0x69: {  	_ =	shalt  }
0x6a: {  	_ =	shalt  }
0x6b: {  	_ =	shalt  }
0x6c: {  	_ =	shalt  }
0x6d: {  	_ =	shalt  }
0x6e: {  	_ =	shalt  }
0x6f: {  	_ =	shalt  }
0x70: {  	_ =	shalt  }
0x71: {  	_ =	shalt  }
0x72: {  	_ =	shalt  }
0x73: {  	_ =	shalt  }
0x74: {  	_ =	shalt  }
0x75: {  	_ =	shalt  }
0x76: {  	_ =	shalt  }
0x77: {  	_ =	shalt  }
0x78: {  	_ =	shalt  }
0x79: {  	_ =	shalt  }
0x7a: {  	_ =	shalt  }
0x7b: {  	_ =	shalt  }
0x7c: {  	_ =	shalt  }
0x7d: {  	_ =	shalt  }
0x7e: {  	_ =	shalt  }
0x7f: {  	_ =	shalt  }
0x80: {  	_ =	shalt  }
0x81: {  	_ =	shalt  }
0x82: {  	_ =	shalt  }
0x83: {  	_ =	shalt  }
0x84: {  	_ =	shalt  }
0x85: {  	_ =	shalt  }
0x86: {  	_ =	shalt  }
0x87: {  	_ =	shalt  }
.Lfunc_end0:
.L_simem_size_0:
called_computation.1_lowered:
.L_overlay_start_0:
0x88: {  	s2 =	sld [smem:$0x3FD9]  }
0x89: {  	s3 =	sld [smem:$0x3FFE];
	_ =	sdelay $0x1  }
0x8a: {  	s1 =	srdreg.scid  }
0x8b: {  	s0 =	sand.u32 $0x1, s1  }
0x8c: {  	s16 =	sshll.u32 s0, $0xA;
	s2 =	sadd.s32 s3, s2  }
0x8d: {  	s2 =	sadd.s32 s2, s16  }
0x8e: {  	[smem:$0x3FC0] =	sst s2  }
0x8f: {  	_ = 	snop  }
0x90: {  	(tm) =	ssettm $0x1  }
0x91: {  	s17 =	sld [smem:$0x3FFB];
	_ =	sdelay $0x3  }
0x92: {  	_ =	strace s17  }
0x93: {  	s2 =	sld [smem:$0x3FFC];
	_ =	sdelay $0x3  }
0x94: {  	_ =	strace s2  }
0x95: {  	s2 =	sld [smem:$0x3FFD];
	_ =	sdelay $0x3  }
0x96: {  	_ =	strace s2  }
0x97: {  	_ =	strace $0x8FFFFFFF  }
0x98: {  	s18 =	sld [smem:$0x3FDB];
	_ =	sdelay $0x1  }
0x99: {  	s19 =	simm.s32 $_scs_section_size  }
0x9a: {  	s4 =	simm.s32 $_size__tile_overlayer_lowered;
	s5 =	simm.s32 $_tile_overlayer_lowered  }
0x9b: {  	s22 =	simm.s32 $0x1BFF;
	s21 =	sshll.u32 s5, $0x1;
	s2 =	sadd.s32 s19, s18  }
0x9c: {  	s6 =	simm.s32 $0x0;
	s20 =	sshll.u32 s4, $0x1;
	s4 =	sadd.s32 s21, s2  }
0x9d: {  	[timem:s6], [sflag:s22] =	dma.local [hbm:s4], s20  }
0x9e: {  	_ =	swait.ge [sflag:s22], s20  }
0x9f: {  	s3 =	ssub.s32 $0x0, s20;
	[sflag:s22] =	ssyncset.done $0x0  }
0xa0: {  	[sflag:s22] =	ssyncadd.s32 s3;
	_ =	sdelay $0x1  }
0xa1: {  	s23 =	simm.s32 $0x1B8B  }
0xa2: {  	_ =	swait.ge [sflag:s23], $0x1  }
0xa3: {  	[sflag:s23] =	ssyncset.done $0x0  }
0xa4: {  	s25 =	simm.s32 $0x1B8E;
	s24 =	sld [smem:$0x3FFE];
	[sflag:s23] =	ssyncadd.s32 $0xFFFFFFFF  }
0xa5: {  	s26 =	simm.s32 $execute0_lowered;
	[smem:$0x3FD2] =	sst s25  }
0xa6: {  	s4 =	sshll.u32 s26, $0x1;
	_ =	strace $0x80000049;
	[dreg:$0x1] =	wrdreg $0xFFFFFFFF  }
0xa7: {  	s28 =	simm.s32 $_size_execute0_lowered;
	s2 =	sadd.s32 s2, s4;
	[dreg:$0x0] =	wrdreg $0x0  }
0xa8: {  	s4 =	sshll.u32 s28, $0x1;
	[dreg:$0x2] =	wrdreg s2  }
0xa9: {  	[dreg:$0x3] =	wrdreg s4  }
0xaa: {  	[dreg:$0x4] =	wrdreg $0xC0  }
0xab: {  	_ =	task [dreg:s6], $0x5FFFF  }
0xac: {  	[dreg:$0x1] =	wrdreg $0xFFFFFFFF  }
0xad: {  	[dreg:$0x0] =	wrdreg $0x60  }
0xae: {  	[dreg:$0x2] =	wrdreg s24  }
0xaf: {  	[dreg:$0x3] =	wrdreg $0x9  }
0xb0: {  	_ =	task.clear_ibuf [dreg:s6], $0x4FFFF;
	_ =	strace $0x90000049  }
0xb1: {  	s29 =	simm.s32 $0x9;
	_ =	strace $0x8000004B  }
0xb2: {  	_ =	swait.ge [sflag:s29], $0x1  }
0xb3: {  	[sflag:s29] =	ssyncadd.s32 $0xFFFFFFFF  }
0xb4: {  	_ =	strace $0x9000004B  }
0xb5: {  	_ =	sfence  }
0xb6: {  	s30 =	sld [smem:$0x0];
	_ =	sdelay $0x2  }
0xb7: {  	s31 =	sshll.u32 s1, $0xD;
	s1 =	sshrl.u32 s1, $0x2  }
0xb8: {  	s3 =	sand.u32 $0x4000, s31;
	s1 =	sadd.s32 s1, s30  }
0xb9: {  	s0 =	sor.u32 s3, s0;
	s1 =	sshll.u32 s1, $0x11  }
0xba: {  	s0 =	sor.u32 s1, s0  }
0xbb: {  	s0 =	sadd.s32 $0x8F2B, s0  }
0xbc: {  	[sflag:s0] =	ssyncadd.remote.s32 $0x1  }
0xbd: {  	_ =	sfence.sel $0xFFFF  }
0xbe: {  	[dreg:$0x0] =	wrdreg $0xFFFFFFFF;
	(pc) =	sbr.abs _section_cstart, $3  }
0xbf: {  	[dreg:$0x1] =	wrdreg $0xFFFFFFFF  }
0xc0: {  	_ =	task.clear_ibuf [dreg:s6], $0x2FFFF;
	_ =	strace $0x9FFFFFFF  }
0xc1: {  	(tm) =	ssettm $0x7FFFFFFF  }
tec
execute0_lowered:
.L_overlay_start_1:
0x0: {  	(tag) =	ssettag $0x1  }
0x1: {  	s0 =	rddreg [dreg:$0x0];
	s1 =	srdreg.scid;
	s2 =	simm.s32 $0x0  }
0x2: {  	s3 =	stileid.u32;
	s9 =	simm.s32 $0x5;
	s10 =	simm.s32 $0x60  }
0x3: {  	s12 =	simm.s32 $0x68;
	s11 =	simm.s32 $0xBB00;
	s13 =	simm.s32 $0x1  }
0x4: {  	s14 =	simm.s32 $0xC800;
	s15 =	simm.s32 $0xD400;
	s16 =	simm.s32 $0xE100  }
0x5: {  	s17 =	simm.s32 $0xED00;
	s18 =	simm.s32 $0x2;
	s19 =	simm.s32 $0x3  }
0x6: {  	s20 =	simm.s32 $0x4;
	s21 =	simm.s32 $0xFA00;
	s22 =	simm.s32 $0x0  }
0x7: {  	s1 =	sand.u32 $0x1, s1;
	[smem:$0x7FF] =	sst s2;
	s4 =	sshll.u32 s3, $0xA  }
0x8: {  	s3 =	sadd.s32 $0x7D800, s0;
	s5 =	sshll.u32 s1, $0x9;
	s1 =	ssub.s32 $0x2, s1  }
0x9: {  	_ =	strace $0x8000004A;
	s4 =	sor.u32 s5, s4;
	s31 =	sshrl.u32 s1, $0x1  }
0xa: {  	s6 =	sshll.u32 s4, $0x3;
	s7 =	smul.u32 $0x19, s4;
	s1 =	ssub.s32 s1, s31  }
0xb: {  	s5 =	sadd.s32 $0x54600, s0;
	s0 =	sadd.s32 s6, s0;
	s8 =	smax.u32 s1, $0x1  }
0xc: {  	s1 =	simm.s32 $0x448;
	s6 =	sadd.s32 s3, s7;
	s7 =	sadd.s32 $0x2400, s0  }
.LBB2_1:
0xd: {  	[tilespmem:s2], [sflag:$0x5] =	stream.linear.gather [hbm4b:s6+s2], $0x1900, $0x38;
	[tilespmem:$0x17A00] =	vst v63  }
0xe: {  	_ =	swait.ge [sflag:s9], $0x1900  }
0xf: {  	[sflag:s9] =	ssyncset.done $0x0  }
0x10: {  	s0 =	simm.s32 $0x3200;
	[sflag:s9] =	ssyncadd.s32 $0xFFFFE700  }
0x11: {  	[tilespmem:s0], [sflag:$0x1] =	stream.indirect.gather [hbm4b:s5+s10], $0x20, s2, s10, $0xb8;
	[tilespmem:$0x17A00] =	vst v63  }
0x12: {  	s30 =	simm.s32 $0x3E00  }
0x13: {  	[tilespmem:s30], [sflag:$0x1] =	stream.indirect.gather [hbm4b:s5+s12], $0x20, s10, s12, $0xb8;
	[tilespmem:$0x17A00] =	vst v63  }
0x14: {  	s31 =	simm.s32 $0xC8;
	s23 =	simm.s32 $0x4B00  }
0x15: {  	[tilespmem:s23], [sflag:$0x1] =	stream.indirect.gather [hbm4b:s5+s10], $0x20, s31, s10, $0xb8;
	[tilespmem:$0x17A00] =	vst v63  }
0x16: {  	s24 =	simm.s32 $0x5700;
	s23 =	simm.s32 $0x128  }
0x17: {  	[tilespmem:s24], [sflag:$0x1] =	stream.indirect.gather [hbm4b:s5+s12], $0x20, s23, s12, $0xb8;
	[tilespmem:$0x17A00] =	vst v63  }
0x18: {  	s25 =	simm.s32 $0x190;
	s26 =	simm.s32 $0x6400  }
0x19: {  	[tilespmem:s26], [sflag:$0x2] =	stream.indirect.gather [hbm4b:s5+s10], $0x20, s25, s10, $0xb8;
	[tilespmem:$0x17A00] =	vst v63  }
0x1a: {  	s28 =	simm.s32 $0x1F0;
	s29 =	simm.s32 $0x7000  }
0x1b: {  	[tilespmem:s29], [sflag:$0x2] =	stream.indirect.gather [hbm4b:s5+s12], $0x20, s28, s12, $0xb8;
	[tilespmem:$0x17A00] =	vst v63  }
0x1c: {  	s30 =	simm.s32 $0x258;
	s31 =	simm.s32 $0x7D00  }
0x1d: {  	[tilespmem:s31], [sflag:$0x2] =	stream.indirect.gather [hbm4b:s5+s10], $0x20, s30, s10, $0xb8;
	[tilespmem:$0x17A00] =	vst v63  }
0x1e: {  	s23 =	simm.s32 $0x2B8;
	s24 =	simm.s32 $0x8900  }
0x1f: {  	[tilespmem:s24], [sflag:$0x2] =	stream.indirect.gather [hbm4b:s5+s12], $0x20, s23, s12, $0xb8;
	[tilespmem:$0x17A00] =	vst v63  }
0x20: {  	s25 =	simm.s32 $0x320;
	s26 =	simm.s32 $0x9600  }
0x21: {  	[tilespmem:s26], [sflag:$0x3] =	stream.indirect.gather [hbm4b:s5+s10], $0x20, s25, s10, $0xb8;
	[tilespmem:$0x17A00] =	vst v63  }
0x22: {  	s28 =	simm.s32 $0x380;
	s29 =	simm.s32 $0xA200  }
0x23: {  	[tilespmem:s29], [sflag:$0x3] =	stream.indirect.gather [hbm4b:s5+s12], $0x20, s28, s12, $0xb8;
	[tilespmem:$0x17A00] =	vst v63  }
0x24: {  	s30 =	simm.s32 $0x3E8;
	s31 =	simm.s32 $0xAF00  }
0x25: {  	[tilespmem:s31], [sflag:$0x3] =	stream.indirect.gather [hbm4b:s5+s10], $0x20, s30, s10, $0xb8;
	[tilespmem:$0x17A00] =	vst v63  }
0x26: {  	s23 =	simm.s32 $0x0  }
0x27: {  	[tilespmem:s11], [sflag:$0x3] =	stream.indirect.gather [hbm4b:s5+s12], $0x20, s1, s12, $0xb8;
	[tilespmem:$0x17A00] =	vst v63  }
.LBB2_2:
0x28: {  	_ =	swait.ge [sflag:s13], $0xC00  }
0x29: {  	[sflag:s13] =	ssyncset.done $0x0  }
0x2a: {  	[sflag:s13] =	ssyncadd.s32 $0xFFFFF400  }
0x2b: {  	_ =	swait.ge [sflag:s13], $0xD00  }
0x2c: {  	[sflag:s13] =	ssyncset.done $0x0  }
0x2d: {  	[sflag:s13] =	ssyncadd.s32 $0xFFFFF300  }
0x2e: {  	s24 =	sshllo.u32 s23, $0x2;
	_ =	swait.ge [sflag:s13], $0xC00  }
0x2f: {  	s25 =	sshll.u32 s24, $0x1;
	[sflag:s13] =	ssyncset.done $0x0  }
0x30: {  	s25 =	sand.u32 $0x3E, s25;
	[sflag:s13] =	ssyncadd.s32 $0xFFFFF400  }
0x31: {  	s25 =	smul.u32 $0x320, s25;
	_ =	swait.ge [sflag:s13], $0xD00  }
0x32: {  	[sflag:s13] =	ssyncset.done $0x0  }
0x33: {  	s25 =	sshrl.u32 s25, $0x2;
	[sflag:s13] =	ssyncadd.s32 $0xFFFFF300  }
0x34: {  	[tilespmem:s14], [sflag:$0x4] =	stream.indirect.gather [hbm4b:s5+s10], $0x20, s25, s10, $0xb8;
	[tilespmem:$0x17A00] =	vst v63  }
0x35: {  	s26 =	sadd.s32 $0x60, s25  }
0x36: {  	[tilespmem:s15], [sflag:$0x4] =	stream.indirect.gather [hbm4b:s5+s12], $0x20, s26, s12, $0xb8;
	[tilespmem:$0x17A00] =	vst v63  }
0x37: {  	s30 =	sadd.s32 $0xC8, s25  }
0x38: {  	[tilespmem:s16], [sflag:$0x4] =	stream.indirect.gather [hbm4b:s5+s10], $0x20, s30, s10, $0xb8;
	[tilespmem:$0x17A00] =	vst v63  }
0x39: {  	s31 =	simm.s32 $0x0;
	s25 =	sadd.s32 $0x128, s25  }
0x3a: {  	[tilespmem:s17], [sflag:$0x4] =	stream.indirect.gather [hbm4b:s5+s12], $0x20, s25, s12, $0xb8;
	[tilespmem:$0x17A00] =	vst v63  }
0x3b: {  	v0 =	vld [tilespmem:s31+$0x3250]  }
0x3c: {  	v1 =	vld [tilespmem:s31+$0x3270]  }
0x3d: {  	v2 =	vld [tilespmem:s31+$0x3200]  }
0x3e: {  	v3 =	vld [tilespmem:s31+$0x3220];
	_ =	sdelay $0x2  }
0x3f: {  	v5 =	vld [tilespmem:s31+$0x3210]  }
0x40: {  	v4 =	vimm.f32 $0.0e+00;
	v9 =	vimm.f32 $0.0e+00;
	v8 =	vimm.f32 $0.0e+00;
	v11 =	vld [tilespmem:s31+$0x3230]  }
0x41: {  	v6 =	vimm.f32 $0.0e+00;
	v7 =	vld [tilespmem:s31+$0x3240];
	v0 =	vadd.bf16 v1, v0;
	v13 =	vadd.bf16 v3, v2  }
0x42: {  	s25 =	simm.s32 $0x80;
	v12 =	vld [tilespmem:s31+$0x3260];
	v2 =	vimm.f32 $0.0e+00;
	v3 =	vimm.f32 $0.0e+00;
	v1 =	vimm.f32 $0.0e+00  }
0x43: {  	s28 =	simm.s32 $0x400;
	s26 =	sshll.u32 s23, $0x2;
	v10 =	vld [tilespmem:s25+$0x3250];
	v14 =	vunpack.i.u.bf16.f32 v0;
	v15 =	vunpack.i.l.bf16.f32 v0;
	v0 =	vimm.f32 $0.0e+00  }
.LBB2_3:
0x44: {  	p0 =	sne.s32 s28, $0x6200;
	v16 =	vld [tilespmem:s25+$0x3270];
	v4 =	vadd.f32 v15, v4;
	v9 =	vadd.f32 v14, v9  }
0x45: {  	v14 =	vld [tilespmem:s25+$0x3200];
	v15 =	vunpack.i.u.bf16.f32 v13;
	v13 =	vunpack.i.l.bf16.f32 v13;
	v11 =	vadd.bf16 v11, v5  }
0x46: {  	v17 =	vld [tilespmem:s25+$0x3220];
	v8 =	vadd.f32 v13, v8;
	v6 =	vadd.f32 v15, v6  }
.Ltmp0:
0x47: {  	v5 =	vld [tilespmem:s25+$0x3210];
	v13 =	vunpack.i.u.bf16.f32 v11;
	v15 =	vunpack.i.l.bf16.f32 v11;
	v12 =	vadd.bf16 v12, v7;
	(pc) =	sbr.rel @p0 .LBB2_3-.Ltmp0, $4  }
0x48: {  	v11 =	vld [tilespmem:s25+$0x3230];
	v2 =	vadd.f32 v15, v2;
	v3 =	vadd.f32 v13, v3  }
0x49: {  	v7 =	vld [tilespmem:s25+$0x3240];
	v15 =	vadd.bf16 v16, v10;
	v10 =	vunpack.i.u.bf16.f32 v12;
	v13 =	vunpack.i.l.bf16.f32 v12  }
0x4a: {  	v12 =	vld [tilespmem:s25+$0x3260];
	s25 =	sshra.s32 s28, $0x2;
	v0 =	vadd.f32 v13, v0;
	v1 =	vadd.f32 v10, v1  }
0x4b: {  	s28 =	sadd.s32 $0x200, s28;
	v10 =	vld [tilespmem:s25+$0x3250];
	v13 =	vadd.bf16 v17, v14;
	v14 =	vunpack.i.u.bf16.f32 v15;
	v15 =	vunpack.i.l.bf16.f32 v15  }
0x4c: {  	v16 =	vld [tilespmem:s25+$0x3270]  }
0x4d: {  	v17 =	vld [tilespmem:s25+$0x3200]  }
0x4e: {  	v4 =	vadd.f32 v15, v4;
	v15 =	vld [tilespmem:s25+$0x3220]  }
0x4f: {  	v9 =	vadd.f32 v14, v9;
	v14 =	vunpack.i.l.bf16.f32 v13;
	v5 =	vadd.bf16 v11, v5;
	v11 =	vld [tilespmem:s25+$0x3240]  }
0x50: {  	v13 =	vunpack.i.u.bf16.f32 v13;
	v8 =	vadd.f32 v14, v8;
	v7 =	vadd.bf16 v12, v7;
	v12 =	vld [tilespmem:s25+$0x3260]  }
0x51: {  	v6 =	vadd.f32 v13, v6;
	v13 =	vld [tilespmem:s25+$0x3210];
	v14 =	vunpack.i.u.bf16.f32 v5;
	v5 =	vunpack.i.l.bf16.f32 v5  }
0x52: {  	v2 =	vadd.f32 v5, v2;
	v5 =	vld [tilespmem:s25+$0x3230];
	v3 =	vadd.f32 v14, v3;
	v14 =	vunpack.i.l.bf16.f32 v7  }
0x53: {  	v10 =	vadd.bf16 v16, v10;
	v7 =	vunpack.i.u.bf16.f32 v7;
	v0 =	vadd.f32 v14, v0  }
0x54: {  	v1 =	vadd.f32 v7, v1;
	v7 =	vadd.bf16 v15, v17  }
0x55: {  	v14 =	vunpack.i.u.bf16.f32 v10;
	v10 =	vunpack.i.l.bf16.f32 v10;
	v11 =	vadd.bf16 v12, v11  }
0x56: {  	v4 =	vadd.f32 v10, v4;
	v9 =	vadd.f32 v14, v9;
	v10 =	vunpack.i.u.bf16.f32 v7  }
0x57: {  	v7 =	vunpack.i.l.bf16.f32 v7;
	v5 =	vadd.bf16 v5, v13;
	v12 =	vunpack.i.l.bf16.f32 v11  }
0x58: {  	v7 =	vadd.f32 v7, v8;
	v8 =	vunpack.i.u.bf16.f32 v11;
	v0 =	vadd.f32 v12, v0  }
0x59: {  	v6 =	vadd.f32 v10, v6;
	v10 =	vunpack.i.l.bf16.f32 v5;
	v1 =	vadd.f32 v8, v1  }
0x5a: {  	v5 =	vunpack.i.u.bf16.f32 v5;
	v2 =	vadd.f32 v10, v2;
	v0 =	vadd.f32 v0, v7  }
0x5b: {  	v3 =	vadd.f32 v5, v3;
	v1 =	vadd.f32 v1, v6  }
0x5c: {  	s31 =	sshll.u32 s23, $0xB;
	v2 =	vadd.f32 v4, v2;
	v0 =	vmul.f32 $4.999999890e-03, v0  }
0x5d: {  	s25 =	sshra.s32 s31, $0x2;
	v3 =	vadd.f32 v9, v3;
	v1 =	vmul.f32 $4.999999890e-03, v1  }
0x5e: {  	[tilespmem:s25+$0xFA00] =	vst v0;
	v0 =	vmul.f32 $4.999999890e-03, v2  }
0x5f: {  	[tilespmem:s25+$0xFA10] =	vst v1;
	v1 =	vmul.f32 $4.999999890e-03, v3  }
0x60: {  	[tilespmem:s25+$0xFA20] =	vst v0  }
0x61: {  	s29 =	simm.s32 $0x0;
	[tilespmem:s25+$0xFA30] =	vst v1  }
0x62: {  	v0 =	vld [tilespmem:s29+$0x4B50]  }
0x63: {  	v1 =	vld [tilespmem:s29+$0x4B70]  }
0x64: {  	v2 =	vld [tilespmem:s29+$0x4B00]  }
0x65: {  	v3 =	vld [tilespmem:s29+$0x4B20];
	_ =	sdelay $0x2  }
0x66: {  	v5 =	vld [tilespmem:s29+$0x4B10]  }
0x67: {  	v8 =	vimm.f32 $0.0e+00;
	v10 =	vimm.f32 $0.0e+00;
	v6 =	vimm.f32 $0.0e+00;
	v11 =	vld [tilespmem:s29+$0x4B30]  }
0x68: {  	v4 =	vimm.f32 $0.0e+00;
	v7 =	vld [tilespmem:s29+$0x4B40];
	v0 =	vadd.bf16 v1, v0;
	v13 =	vadd.bf16 v3, v2  }
0x69: {  	s28 =	simm.s32 $0x80;
	v12 =	vld [tilespmem:s29+$0x4B60];
	v2 =	vimm.f32 $0.0e+00;
	v3 =	vimm.f32 $0.0e+00;
	v1 =	vimm.f32 $0.0e+00  }
0x6a: {  	v9 =	vld [tilespmem:s28+$0x4B50];
	s29 =	simm.s32 $0x400;
	v14 =	vunpack.i.u.bf16.f32 v0;
	v15 =	vunpack.i.l.bf16.f32 v0;
	v0 =	vimm.f32 $0.0e+00  }
.LBB2_5:
0x6b: {  	p0 =	sne.s32 s29, $0x6200;
	v16 =	vld [tilespmem:s28+$0x4B70];
	v4 =	vadd.f32 v15, v4;
	v10 =	vadd.f32 v14, v10  }
0x6c: {  	v14 =	vld [tilespmem:s28+$0x4B00];
	v15 =	vunpack.i.u.bf16.f32 v13;
	v13 =	vunpack.i.l.bf16.f32 v13;
	v11 =	vadd.bf16 v11, v5  }
0x6d: {  	v17 =	vld [tilespmem:s28+$0x4B20];
	v8 =	vadd.f32 v13, v8;
	v6 =	vadd.f32 v15, v6  }
.Ltmp1:
0x6e: {  	v5 =	vld [tilespmem:s28+$0x4B10];
	v13 =	vunpack.i.u.bf16.f32 v11;
	v15 =	vunpack.i.l.bf16.f32 v11;
	v12 =	vadd.bf16 v12, v7;
	(pc) =	sbr.rel @p0 .LBB2_5-.Ltmp1, $4  }
0x6f: {  	v11 =	vld [tilespmem:s28+$0x4B30];
	v2 =	vadd.f32 v15, v2;
	v3 =	vadd.f32 v13, v3  }
0x70: {  	v7 =	vld [tilespmem:s28+$0x4B40];
	v15 =	vadd.bf16 v16, v9;
	v9 =	vunpack.i.u.bf16.f32 v12;
	v13 =	vunpack.i.l.bf16.f32 v12  }
0x71: {  	v12 =	vld [tilespmem:s28+$0x4B60];
	s28 =	sshra.s32 s29, $0x2;
	v0 =	vadd.f32 v13, v0;
	v1 =	vadd.f32 v9, v1  }
0x72: {  	s29 =	sadd.s32 $0x200, s29;
	v9 =	vld [tilespmem:s28+$0x4B50];
	v13 =	vadd.bf16 v17, v14;
	v14 =	vunpack.i.u.bf16.f32 v15;
	v15 =	vunpack.i.l.bf16.f32 v15  }
0x73: {  	v16 =	vld [tilespmem:s28+$0x4B70]  }
0x74: {  	v17 =	vld [tilespmem:s28+$0x4B00]  }
0x75: {  	v4 =	vadd.f32 v15, v4;
	v15 =	vld [tilespmem:s28+$0x4B20]  }
0x76: {  	v10 =	vadd.f32 v14, v10;
	v14 =	vunpack.i.l.bf16.f32 v13;
	v5 =	vadd.bf16 v11, v5;
	v11 =	vld [tilespmem:s28+$0x4B40]  }
0x77: {  	v13 =	vunpack.i.u.bf16.f32 v13;
	v8 =	vadd.f32 v14, v8;
	v7 =	vadd.bf16 v12, v7;
	v12 =	vld [tilespmem:s28+$0x4B60]  }
0x78: {  	v6 =	vadd.f32 v13, v6;
	v13 =	vld [tilespmem:s28+$0x4B10];
	v14 =	vunpack.i.u.bf16.f32 v5;
	v5 =	vunpack.i.l.bf16.f32 v5  }
0x79: {  	v2 =	vadd.f32 v5, v2;
	v5 =	vld [tilespmem:s28+$0x4B30];
	v3 =	vadd.f32 v14, v3;
	v14 =	vunpack.i.l.bf16.f32 v7  }
0x7a: {  	v9 =	vadd.bf16 v16, v9;
	v7 =	vunpack.i.u.bf16.f32 v7;
	v0 =	vadd.f32 v14, v0  }
0x7b: {  	v1 =	vadd.f32 v7, v1;
	v7 =	vadd.bf16 v15, v17  }
0x7c: {  	v14 =	vunpack.i.u.bf16.f32 v9;
	v9 =	vunpack.i.l.bf16.f32 v9;
	v11 =	vadd.bf16 v12, v11  }
0x7d: {  	v4 =	vadd.f32 v9, v4;
	v9 =	vadd.f32 v14, v10;
	v10 =	vunpack.i.u.bf16.f32 v7  }
0x7e: {  	v7 =	vunpack.i.l.bf16.f32 v7;
	v5 =	vadd.bf16 v5, v13;
	v12 =	vunpack.i.l.bf16.f32 v11  }
0x7f: {  	v7 =	vadd.f32 v7, v8;
	v8 =	vunpack.i.u.bf16.f32 v11;
	v0 =	vadd.f32 v12, v0  }
0x80: {  	v6 =	vadd.f32 v10, v6;
	v10 =	vunpack.i.l.bf16.f32 v5;
	v1 =	vadd.f32 v8, v1  }
0x81: {  	v5 =	vunpack.i.u.bf16.f32 v5;
	v2 =	vadd.f32 v10, v2;
	v0 =	vadd.f32 v0, v7  }
0x82: {  	v3 =	vadd.f32 v5, v3;
	v1 =	vadd.f32 v1, v6  }
0x83: {  	v2 =	vadd.f32 v4, v2;
	v0 =	vmul.f32 $4.999999890e-03, v0  }
0x84: {  	v3 =	vadd.f32 v9, v3;
	v1 =	vmul.f32 $4.999999890e-03, v1  }
0x85: {  	[tilespmem:s25+$0xFA40] =	vst v0;
	v0 =	vmul.f32 $4.999999890e-03, v2  }
0x86: {  	[tilespmem:s25+$0xFA50] =	vst v1;
	v1 =	vmul.f32 $4.999999890e-03, v3  }
0x87: {  	[tilespmem:s25+$0xFA60] =	vst v0  }
0x88: {  	[tilespmem:s25+$0xFA70] =	vst v1  }
0x89: {  	_ =	swait.ge [sflag:s18], $0xC00  }
0x8a: {  	[sflag:s18] =	ssyncset.done $0x0  }
0x8b: {  	p0 =	seq.s32 s23, $0x3F;
	[sflag:s18] =	ssyncadd.s32 $0xFFFFF400  }
0x8c: {  	s26 =	sadd.s32 @!p0 $0x4, s26;
	_ =	swait.ge [sflag:s18], $0xD00  }
0x8d: {  	s28 =	sand.u32 @!p0 $0xC, s26;
	[sflag:s18] =	ssyncset.done $0x0  }
0x8e: {  	p1 =	sne.s32 @!p0 s28, $0x0;
	[sflag:s18] =	ssyncadd.s32 $0xFFFFF300  }
0x8f: {  	s26 =	sshll.u32 @!p0 s26, $0x1;
	p1 =	por p1, p0;
	_ =	swait.ge [sflag:s18], $0xC00  }
0x90: {  	s28 =	sand.u32 @!p1 $0x20, s26;
	[sflag:s18] =	ssyncset.done $0x0  }
0x91: {  	s29 =	sadd.s32 @!p1 s4, s26;
	s28 =	smul.u32 @!p1 $0x320, s28;
	[sflag:s18] =	ssyncadd.s32 $0xFFFFF400  }
0x92: {  	s29 =	smul.u32 @!p1 $0x19, s29;
	_ =	swait.ge [sflag:s18], $0xD00  }
0x93: {  	s30 =	simm.s32 @!p1 $0x0;
	s26 =	sand.u32 @!p0 $0x38, s26;
	[sflag:s18] =	ssyncset.done $0x0  }
0x94: {  	s28 =	sshrl.u32 @!p1 s28, $0x2;
	s29 =	sadd.s32 @!p1 s3, s29;
	[sflag:s18] =	ssyncadd.s32 $0xFFFFF300  }
0x95: {  	[tilespmem:s28], [sflag:$0x5] =	stream.linear.gather @!p1 [hbm4b:s29+s30], $0x1900, $0x38;
	[tilespmem:$0x17A00] =	vst v63  }
0x96: {  	s26 =	smul.u32 @!p0 $0x320, s26;
	s28 =	simm.s32 @!p1 $0x5  }
0x97: {  	_ =	swait.ge @!p1 [sflag:s28], $0x1900  }
0x98: {  	s26 =	sshrl.u32 @!p0 s26, $0x2;
	[sflag:s28] =	ssyncset.done @!p1 $0x0  }
0x99: {  	s29 =	simm.s32 @!p0 $0x3200;
	[sflag:s28] =	ssyncadd.s32 @!p1 $0xFFFFE700;
	s28 =	simm.s32 @!p0 $0x60  }
0x9a: {  	[tilespmem:s29], [sflag:$0x1] =	stream.indirect.gather @!p0 [hbm4b:s5+s28], $0x20, s26, s28, $0xb8;
	[tilespmem:$0x17A00] =	vst v63  }
0x9b: {  	s31 =	simm.s32 @!p0 $0x3E00;
	s30 =	simm.s32 @!p0 $0x68;
	s29 =	sadd.s32 @!p0 $0x60, s26  }
0x9c: {  	[tilespmem:s31], [sflag:$0x1] =	stream.indirect.gather @!p0 [hbm4b:s5+s30], $0x20, s29, s30, $0xb8;
	[tilespmem:$0x17A00] =	vst v63  }
0x9d: {  	s29 =	sadd.s32 @!p0 $0xC8, s26;
	s31 =	simm.s32 @!p0 $0x4B00  }
0x9e: {  	[tilespmem:s31], [sflag:$0x1] =	stream.indirect.gather @!p0 [hbm4b:s5+s28], $0x20, s29, s28, $0xb8;
	[tilespmem:$0x17A00] =	vst v63  }
0x9f: {  	s26 =	sadd.s32 @!p0 $0x128, s26;
	s28 =	simm.s32 @!p0 $0x5700  }
0xa0: {  	[tilespmem:s28], [sflag:$0x1] =	stream.indirect.gather @!p0 [hbm4b:s5+s30], $0x20, s26, s30, $0xb8;
	[tilespmem:$0x17A00] =	vst v63  }
0xa1: {  	s28 =	simm.s32 $0x0  }
0xa2: {  	v0 =	vld [tilespmem:s28+$0x6450]  }
0xa3: {  	v1 =	vld [tilespmem:s28+$0x6470]  }
0xa4: {  	v2 =	vld [tilespmem:s28+$0x6400]  }
0xa5: {  	v3 =	vld [tilespmem:s28+$0x6420];
	_ =	sdelay $0x2  }
0xa6: {  	v5 =	vld [tilespmem:s28+$0x6410]  }
0xa7: {  	v8 =	vimm.f32 $0.0e+00;
	v10 =	vimm.f32 $0.0e+00;
	v6 =	vimm.f32 $0.0e+00;
	v11 =	vld [tilespmem:s28+$0x6430]  }
0xa8: {  	v4 =	vimm.f32 $0.0e+00;
	v7 =	vld [tilespmem:s28+$0x6440];
	v0 =	vadd.bf16 v1, v0;
	v13 =	vadd.bf16 v3, v2  }
0xa9: {  	s26 =	simm.s32 $0x80;
	v12 =	vld [tilespmem:s28+$0x6460];
	v2 =	vimm.f32 $0.0e+00;
	v3 =	vimm.f32 $0.0e+00;
	v1 =	vimm.f32 $0.0e+00  }
0xaa: {  	v9 =	vld [tilespmem:s26+$0x6450];
	s28 =	simm.s32 $0x400;
	v14 =	vunpack.i.u.bf16.f32 v0;
	v15 =	vunpack.i.l.bf16.f32 v0;
	v0 =	vimm.f32 $0.0e+00  }
.LBB2_7:
0xab: {  	p1 =	sne.s32 s28, $0x6200;
	v16 =	vld [tilespmem:s26+$0x6470];
	v4 =	vadd.f32 v15, v4;
	v10 =	vadd.f32 v14, v10  }
0xac: {  	v14 =	vld [tilespmem:s26+$0x6400];
	v15 =	vunpack.i.u.bf16.f32 v13;
	v13 =	vunpack.i.l.bf16.f32 v13;
	v11 =	vadd.bf16 v11, v5  }
0xad: {  	v17 =	vld [tilespmem:s26+$0x6420];
	v8 =	vadd.f32 v13, v8;
	v6 =	vadd.f32 v15, v6  }
.Ltmp2:
0xae: {  	v5 =	vld [tilespmem:s26+$0x6410];
	v13 =	vunpack.i.u.bf16.f32 v11;
	v15 =	vunpack.i.l.bf16.f32 v11;
	v12 =	vadd.bf16 v12, v7;
	(pc) =	sbr.rel @p1 .LBB2_7-.Ltmp2, $4  }
0xaf: {  	v11 =	vld [tilespmem:s26+$0x6430];
	v2 =	vadd.f32 v15, v2;
	v3 =	vadd.f32 v13, v3  }
0xb0: {  	v7 =	vld [tilespmem:s26+$0x6440];
	v15 =	vadd.bf16 v16, v9;
	v9 =	vunpack.i.u.bf16.f32 v12;
	v13 =	vunpack.i.l.bf16.f32 v12  }
0xb1: {  	v12 =	vld [tilespmem:s26+$0x6460];
	s26 =	sshra.s32 s28, $0x2;
	v0 =	vadd.f32 v13, v0;
	v1 =	vadd.f32 v9, v1  }
0xb2: {  	s28 =	sadd.s32 $0x200, s28;
	v9 =	vld [tilespmem:s26+$0x6450];
	v13 =	vadd.bf16 v17, v14;
	v14 =	vunpack.i.u.bf16.f32 v15;
	v15 =	vunpack.i.l.bf16.f32 v15  }
0xb3: {  	v16 =	vld [tilespmem:s26+$0x6470]  }
0xb4: {  	v17 =	vld [tilespmem:s26+$0x6400]  }
0xb5: {  	v4 =	vadd.f32 v15, v4;
	v15 =	vld [tilespmem:s26+$0x6420]  }
0xb6: {  	v10 =	vadd.f32 v14, v10;
	v14 =	vunpack.i.l.bf16.f32 v13;
	v5 =	vadd.bf16 v11, v5;
	v11 =	vld [tilespmem:s26+$0x6440]  }
0xb7: {  	v13 =	vunpack.i.u.bf16.f32 v13;
	v8 =	vadd.f32 v14, v8;
	v7 =	vadd.bf16 v12, v7;
	v12 =	vld [tilespmem:s26+$0x6460]  }
0xb8: {  	v6 =	vadd.f32 v13, v6;
	v13 =	vld [tilespmem:s26+$0x6410];
	v14 =	vunpack.i.u.bf16.f32 v5;
	v5 =	vunpack.i.l.bf16.f32 v5  }
0xb9: {  	v2 =	vadd.f32 v5, v2;
	v5 =	vld [tilespmem:s26+$0x6430];
	v3 =	vadd.f32 v14, v3;
	v14 =	vunpack.i.l.bf16.f32 v7  }
0xba: {  	v9 =	vadd.bf16 v16, v9;
	v7 =	vunpack.i.u.bf16.f32 v7;
	v0 =	vadd.f32 v14, v0  }
0xbb: {  	v1 =	vadd.f32 v7, v1;
	v7 =	vadd.bf16 v15, v17  }
0xbc: {  	v14 =	vunpack.i.u.bf16.f32 v9;
	v9 =	vunpack.i.l.bf16.f32 v9;
	v11 =	vadd.bf16 v12, v11  }
0xbd: {  	v4 =	vadd.f32 v9, v4;
	v9 =	vadd.f32 v14, v10;
	v10 =	vunpack.i.u.bf16.f32 v7  }
0xbe: {  	v7 =	vunpack.i.l.bf16.f32 v7;
	v5 =	vadd.bf16 v5, v13;
	v12 =	vunpack.i.l.bf16.f32 v11  }
0xbf: {  	v7 =	vadd.f32 v7, v8;
	v8 =	vunpack.i.u.bf16.f32 v11;
	v0 =	vadd.f32 v12, v0  }
0xc0: {  	v6 =	vadd.f32 v10, v6;
	v10 =	vunpack.i.l.bf16.f32 v5;
	v1 =	vadd.f32 v8, v1  }
0xc1: {  	v5 =	vunpack.i.u.bf16.f32 v5;
	v2 =	vadd.f32 v10, v2;
	v0 =	vadd.f32 v0, v7  }
0xc2: {  	v3 =	vadd.f32 v5, v3;
	v1 =	vadd.f32 v1, v6  }
0xc3: {  	v2 =	vadd.f32 v4, v2;
	v0 =	vmul.f32 $4.999999890e-03, v0  }
0xc4: {  	v3 =	vadd.f32 v9, v3;
	v1 =	vmul.f32 $4.999999890e-03, v1  }
0xc5: {  	[tilespmem:s25+$0xFA80] =	vst v0;
	v0 =	vmul.f32 $4.999999890e-03, v2  }
0xc6: {  	[tilespmem:s25+$0xFA90] =	vst v1;
	v1 =	vmul.f32 $4.999999890e-03, v3  }
0xc7: {  	[tilespmem:s25+$0xFAA0] =	vst v0  }
0xc8: {  	s28 =	simm.s32 $0x0;
	[tilespmem:s25+$0xFAB0] =	vst v1  }
0xc9: {  	v0 =	vld [tilespmem:s28+$0x7D50]  }
0xca: {  	v1 =	vld [tilespmem:s28+$0x7D70]  }
0xcb: {  	v2 =	vld [tilespmem:s28+$0x7D00]  }
0xcc: {  	v3 =	vld [tilespmem:s28+$0x7D20];
	_ =	sdelay $0x2  }
0xcd: {  	v5 =	vld [tilespmem:s28+$0x7D10]  }
0xce: {  	v8 =	vimm.f32 $0.0e+00;
	v10 =	vimm.f32 $0.0e+00;
	v6 =	vimm.f32 $0.0e+00;
	v11 =	vld [tilespmem:s28+$0x7D30]  }
0xcf: {  	v4 =	vimm.f32 $0.0e+00;
	v7 =	vld [tilespmem:s28+$0x7D40];
	v0 =	vadd.bf16 v1, v0;
	v13 =	vadd.bf16 v3, v2  }
0xd0: {  	s26 =	simm.s32 $0x80;
	v12 =	vld [tilespmem:s28+$0x7D60];
	v2 =	vimm.f32 $0.0e+00;
	v3 =	vimm.f32 $0.0e+00;
	v1 =	vimm.f32 $0.0e+00  }
0xd1: {  	v9 =	vld [tilespmem:s26+$0x7D50];
	s28 =	simm.s32 $0x400;
	v14 =	vunpack.i.u.bf16.f32 v0;
	v15 =	vunpack.i.l.bf16.f32 v0;
	v0 =	vimm.f32 $0.0e+00  }
.LBB2_9:
0xd2: {  	p1 =	sne.s32 s28, $0x6200;
	v16 =	vld [tilespmem:s26+$0x7D70];
	v4 =	vadd.f32 v15, v4;
	v10 =	vadd.f32 v14, v10  }
0xd3: {  	v14 =	vld [tilespmem:s26+$0x7D00];
	v15 =	vunpack.i.u.bf16.f32 v13;
	v13 =	vunpack.i.l.bf16.f32 v13;
	v11 =	vadd.bf16 v11, v5  }
0xd4: {  	v17 =	vld [tilespmem:s26+$0x7D20];
	v8 =	vadd.f32 v13, v8;
	v6 =	vadd.f32 v15, v6  }
.Ltmp3:
0xd5: {  	v5 =	vld [tilespmem:s26+$0x7D10];
	v13 =	vunpack.i.u.bf16.f32 v11;
	v15 =	vunpack.i.l.bf16.f32 v11;
	v12 =	vadd.bf16 v12, v7;
	(pc) =	sbr.rel @p1 .LBB2_9-.Ltmp3, $4  }
0xd6: {  	v11 =	vld [tilespmem:s26+$0x7D30];
	v2 =	vadd.f32 v15, v2;
	v3 =	vadd.f32 v13, v3  }
0xd7: {  	v7 =	vld [tilespmem:s26+$0x7D40];
	v15 =	vadd.bf16 v16, v9;
	v9 =	vunpack.i.u.bf16.f32 v12;
	v13 =	vunpack.i.l.bf16.f32 v12  }
0xd8: {  	v12 =	vld [tilespmem:s26+$0x7D60];
	s26 =	sshra.s32 s28, $0x2;
	v0 =	vadd.f32 v13, v0;
	v1 =	vadd.f32 v9, v1  }
0xd9: {  	s28 =	sadd.s32 $0x200, s28;
	v9 =	vld [tilespmem:s26+$0x7D50];
	v13 =	vadd.bf16 v17, v14;
	v14 =	vunpack.i.u.bf16.f32 v15;
	v15 =	vunpack.i.l.bf16.f32 v15  }
0xda: {  	v16 =	vld [tilespmem:s26+$0x7D70]  }
0xdb: {  	v17 =	vld [tilespmem:s26+$0x7D00]  }
0xdc: {  	v4 =	vadd.f32 v15, v4;
	v15 =	vld [tilespmem:s26+$0x7D20]  }
0xdd: {  	v10 =	vadd.f32 v14, v10;
	v14 =	vunpack.i.l.bf16.f32 v13;
	v5 =	vadd.bf16 v11, v5;
	v11 =	vld [tilespmem:s26+$0x7D40]  }
0xde: {  	v13 =	vunpack.i.u.bf16.f32 v13;
	v8 =	vadd.f32 v14, v8;
	v7 =	vadd.bf16 v12, v7;
	v12 =	vld [tilespmem:s26+$0x7D60]  }
0xdf: {  	v6 =	vadd.f32 v13, v6;
	v13 =	vld [tilespmem:s26+$0x7D10];
	v14 =	vunpack.i.u.bf16.f32 v5;
	v5 =	vunpack.i.l.bf16.f32 v5  }
0xe0: {  	v2 =	vadd.f32 v5, v2;
	v5 =	vld [tilespmem:s26+$0x7D30];
	v3 =	vadd.f32 v14, v3;
	v14 =	vunpack.i.l.bf16.f32 v7  }
0xe1: {  	v9 =	vadd.bf16 v16, v9;
	v7 =	vunpack.i.u.bf16.f32 v7;
	v0 =	vadd.f32 v14, v0  }
0xe2: {  	v1 =	vadd.f32 v7, v1;
	v7 =	vadd.bf16 v15, v17  }
0xe3: {  	v14 =	vunpack.i.u.bf16.f32 v9;
	v9 =	vunpack.i.l.bf16.f32 v9;
	v11 =	vadd.bf16 v12, v11  }
0xe4: {  	v4 =	vadd.f32 v9, v4;
	v9 =	vadd.f32 v14, v10;
	v10 =	vunpack.i.u.bf16.f32 v7  }
0xe5: {  	v7 =	vunpack.i.l.bf16.f32 v7;
	v5 =	vadd.bf16 v5, v13;
	v12 =	vunpack.i.l.bf16.f32 v11  }
0xe6: {  	v7 =	vadd.f32 v7, v8;
	v8 =	vunpack.i.u.bf16.f32 v11;
	v0 =	vadd.f32 v12, v0  }
0xe7: {  	v6 =	vadd.f32 v10, v6;
	v10 =	vunpack.i.l.bf16.f32 v5;
	v1 =	vadd.f32 v8, v1  }
0xe8: {  	v5 =	vunpack.i.u.bf16.f32 v5;
	v2 =	vadd.f32 v10, v2;
	v0 =	vadd.f32 v0, v7  }
0xe9: {  	v3 =	vadd.f32 v5, v3;
	v1 =	vadd.f32 v1, v6  }
0xea: {  	v2 =	vadd.f32 v4, v2;
	v0 =	vmul.f32 $4.999999890e-03, v0  }
0xeb: {  	v3 =	vadd.f32 v9, v3;
	v1 =	vmul.f32 $4.999999890e-03, v1  }
0xec: {  	[tilespmem:s25+$0xFAC0] =	vst v0;
	v0 =	vmul.f32 $4.999999890e-03, v2  }
0xed: {  	[tilespmem:s25+$0xFAD0] =	vst v1;
	v1 =	vmul.f32 $4.999999890e-03, v3  }
0xee: {  	[tilespmem:s25+$0xFAE0] =	vst v0  }
0xef: {  	[tilespmem:s25+$0xFAF0] =	vst v1  }
0xf0: {  	_ =	swait.ge [sflag:s19], $0xC00  }
0xf1: {  	[sflag:s19] =	ssyncset.done $0x0  }
0xf2: {  	[sflag:s19] =	ssyncadd.s32 $0xFFFFF400  }
0xf3: {  	_ =	swait.ge [sflag:s19], $0xD00  }
0xf4: {  	[sflag:s19] =	ssyncset.done $0x0  }
0xf5: {  	[sflag:s19] =	ssyncadd.s32 $0xFFFFF300  }
0xf6: {  	s26 =	sshll.u32 @!p0 s23, $0x3;
	_ =	swait.ge [sflag:s19], $0xC00  }
0xf7: {  	s28 =	sadd.s32 @!p0 $0xA, s26;
	[sflag:s19] =	ssyncset.done $0x0  }
0xf8: {  	s28 =	sand.u32 @!p0 $0x3A, s28;
	[sflag:s19] =	ssyncadd.s32 $0xFFFFF400  }
0xf9: {  	s28 =	smul.u32 @!p0 $0x320, s28;
	_ =	swait.ge [sflag:s19], $0xD00  }
0xfa: {  	s29 =	simm.s32 @!p0 $0x60;
	[sflag:s19] =	ssyncset.done $0x0  }
0xfb: {  	s30 =	simm.s32 @!p0 $0x6400;
	s28 =	sshrl.u32 @!p0 s28, $0x2;
	[sflag:s19] =	ssyncadd.s32 $0xFFFFF300  }
0xfc: {  	[tilespmem:s30], [sflag:$0x2] =	stream.indirect.gather @!p0 [hbm4b:s5+s29], $0x20, s28, s29, $0xb8;
	[tilespmem:$0x17A00] =	vst v63  }
0xfd: {  	s31 =	simm.s32 @!p0 $0x68;
	s0 =	simm.s32 @!p0 $0x7000;
	s30 =	sadd.s32 @!p0 $0x60, s28  }
0xfe: {  	[tilespmem:s0], [sflag:$0x2] =	stream.indirect.gather @!p0 [hbm4b:s5+s31], $0x20, s30, s31, $0xb8;
	[tilespmem:$0x17A00] =	vst v63  }
0xff: {  	s0 =	sadd.s32 @!p0 $0xC8, s28;
	s30 =	simm.s32 @!p0 $0x7D00  }
0x100: {  	[tilespmem:s30], [sflag:$0x2] =	stream.indirect.gather @!p0 [hbm4b:s5+s29], $0x20, s0, s29, $0xb8;
	[tilespmem:$0x17A00] =	vst v63  }
0x101: {  	s0 =	sadd.s32 @!p0 $0x128, s28;
	s28 =	simm.s32 @!p0 $0x8900  }
0x102: {  	[tilespmem:s28], [sflag:$0x2] =	stream.indirect.gather @!p0 [hbm4b:s5+s31], $0x20, s0, s31, $0xb8;
	[tilespmem:$0x17A00] =	vst v63  }
0x103: {  	s31 =	simm.s32 $0x0  }
0x104: {  	v0 =	vld [tilespmem:s31+$0x9650]  }
0x105: {  	v1 =	vld [tilespmem:s31+$0x9670]  }
0x106: {  	v2 =	vld [tilespmem:s31+$0x9600]  }
0x107: {  	v3 =	vld [tilespmem:s31+$0x9620];
	_ =	sdelay $0x2  }
0x108: {  	v5 =	vld [tilespmem:s31+$0x9610]  }
0x109: {  	v8 =	vimm.f32 $0.0e+00;
	v10 =	vimm.f32 $0.0e+00;
	v6 =	vimm.f32 $0.0e+00;
	v11 =	vld [tilespmem:s31+$0x9630]  }
0x10a: {  	v4 =	vimm.f32 $0.0e+00;
	v7 =	vld [tilespmem:s31+$0x9640];
	v0 =	vadd.bf16 v1, v0;
	v13 =	vadd.bf16 v3, v2  }
0x10b: {  	s28 =	simm.s32 $0x80;
	v12 =	vld [tilespmem:s31+$0x9660];
	v2 =	vimm.f32 $0.0e+00;
	v3 =	vimm.f32 $0.0e+00;
	v1 =	vimm.f32 $0.0e+00  }
0x10c: {  	s29 =	simm.s32 $0x400;
	v9 =	vld [tilespmem:s28+$0x9650];
	v14 =	vunpack.i.u.bf16.f32 v0;
	v15 =	vunpack.i.l.bf16.f32 v0;
	v0 =	vimm.f32 $0.0e+00  }
.LBB2_11:
0x10d: {  	p1 =	sne.s32 s29, $0x6200;
	v16 =	vld [tilespmem:s28+$0x9670];
	v4 =	vadd.f32 v15, v4;
	v10 =	vadd.f32 v14, v10  }
0x10e: {  	v14 =	vld [tilespmem:s28+$0x9600];
	v15 =	vunpack.i.u.bf16.f32 v13;
	v13 =	vunpack.i.l.bf16.f32 v13;
	v11 =	vadd.bf16 v11, v5  }
0x10f: {  	v17 =	vld [tilespmem:s28+$0x9620];
	v8 =	vadd.f32 v13, v8;
	v6 =	vadd.f32 v15, v6  }
.Ltmp4:
0x110: {  	v5 =	vld [tilespmem:s28+$0x9610];
	v13 =	vunpack.i.u.bf16.f32 v11;
	v15 =	vunpack.i.l.bf16.f32 v11;
	v12 =	vadd.bf16 v12, v7;
	(pc) =	sbr.rel @p1 .LBB2_11-.Ltmp4, $4  }
0x111: {  	v11 =	vld [tilespmem:s28+$0x9630];
	v2 =	vadd.f32 v15, v2;
	v3 =	vadd.f32 v13, v3  }
0x112: {  	v7 =	vld [tilespmem:s28+$0x9640];
	v15 =	vadd.bf16 v16, v9;
	v9 =	vunpack.i.u.bf16.f32 v12;
	v13 =	vunpack.i.l.bf16.f32 v12  }
0x113: {  	v12 =	vld [tilespmem:s28+$0x9660];
	s28 =	sshra.s32 s29, $0x2;
	v0 =	vadd.f32 v13, v0;
	v1 =	vadd.f32 v9, v1  }
0x114: {  	s29 =	sadd.s32 $0x200, s29;
	v9 =	vld [tilespmem:s28+$0x9650];
	v13 =	vadd.bf16 v17, v14;
	v14 =	vunpack.i.u.bf16.f32 v15;
	v15 =	vunpack.i.l.bf16.f32 v15  }
0x115: {  	v16 =	vld [tilespmem:s28+$0x9670]  }
0x116: {  	v17 =	vld [tilespmem:s28+$0x9600]  }
0x117: {  	v4 =	vadd.f32 v15, v4;
	v15 =	vld [tilespmem:s28+$0x9620]  }
0x118: {  	v10 =	vadd.f32 v14, v10;
	v14 =	vunpack.i.l.bf16.f32 v13;
	v5 =	vadd.bf16 v11, v5;
	v11 =	vld [tilespmem:s28+$0x9640]  }
0x119: {  	v13 =	vunpack.i.u.bf16.f32 v13;
	v8 =	vadd.f32 v14, v8;
	v7 =	vadd.bf16 v12, v7;
	v12 =	vld [tilespmem:s28+$0x9660]  }
0x11a: {  	v6 =	vadd.f32 v13, v6;
	v13 =	vld [tilespmem:s28+$0x9610];
	v14 =	vunpack.i.u.bf16.f32 v5;
	v5 =	vunpack.i.l.bf16.f32 v5  }
0x11b: {  	v2 =	vadd.f32 v5, v2;
	v5 =	vld [tilespmem:s28+$0x9630];
	v3 =	vadd.f32 v14, v3;
	v14 =	vunpack.i.l.bf16.f32 v7  }
0x11c: {  	v9 =	vadd.bf16 v16, v9;
	v7 =	vunpack.i.u.bf16.f32 v7;
	v0 =	vadd.f32 v14, v0  }
0x11d: {  	v1 =	vadd.f32 v7, v1;
	v7 =	vadd.bf16 v15, v17  }
0x11e: {  	v14 =	vunpack.i.u.bf16.f32 v9;
	v9 =	vunpack.i.l.bf16.f32 v9;
	v11 =	vadd.bf16 v12, v11  }
0x11f: {  	v4 =	vadd.f32 v9, v4;
	v9 =	vadd.f32 v14, v10;
	v10 =	vunpack.i.u.bf16.f32 v7  }
0x120: {  	v7 =	vunpack.i.l.bf16.f32 v7;
	v5 =	vadd.bf16 v5, v13;
	v12 =	vunpack.i.l.bf16.f32 v11  }
0x121: {  	v7 =	vadd.f32 v7, v8;
	v8 =	vunpack.i.u.bf16.f32 v11;
	v0 =	vadd.f32 v12, v0  }
0x122: {  	v6 =	vadd.f32 v10, v6;
	v10 =	vunpack.i.l.bf16.f32 v5;
	v1 =	vadd.f32 v8, v1  }
0x123: {  	v5 =	vunpack.i.u.bf16.f32 v5;
	v2 =	vadd.f32 v10, v2;
	v0 =	vadd.f32 v0, v7  }
0x124: {  	v3 =	vadd.f32 v5, v3;
	v1 =	vadd.f32 v1, v6  }
0x125: {  	v2 =	vadd.f32 v4, v2;
	v0 =	vmul.f32 $4.999999890e-03, v0  }
0x126: {  	v3 =	vadd.f32 v9, v3;
	v1 =	vmul.f32 $4.999999890e-03, v1  }
0x127: {  	[tilespmem:s25+$0xFB00] =	vst v0;
	v0 =	vmul.f32 $4.999999890e-03, v2  }
0x128: {  	[tilespmem:s25+$0xFB10] =	vst v1;
	v1 =	vmul.f32 $4.999999890e-03, v3  }
0x129: {  	[tilespmem:s25+$0xFB20] =	vst v0  }
0x12a: {  	s0 =	simm.s32 $0x0;
	[tilespmem:s25+$0xFB30] =	vst v1  }
0x12b: {  	v0 =	vld [tilespmem:s0+$0xAF50]  }
0x12c: {  	v1 =	vld [tilespmem:s0+$0xAF70]  }
0x12d: {  	v2 =	vld [tilespmem:s0+$0xAF00]  }
0x12e: {  	v3 =	vld [tilespmem:s0+$0xAF20];
	_ =	sdelay $0x2  }
0x12f: {  	v5 =	vld [tilespmem:s0+$0xAF10]  }
0x130: {  	v8 =	vimm.f32 $0.0e+00;
	v10 =	vimm.f32 $0.0e+00;
	v6 =	vimm.f32 $0.0e+00;
	v11 =	vld [tilespmem:s0+$0xAF30]  }
0x131: {  	v4 =	vimm.f32 $0.0e+00;
	v7 =	vld [tilespmem:s0+$0xAF40];
	v0 =	vadd.bf16 v1, v0;
	v13 =	vadd.bf16 v3, v2  }
0x132: {  	s28 =	simm.s32 $0x80;
	v12 =	vld [tilespmem:s0+$0xAF60];
	v2 =	vimm.f32 $0.0e+00;
	v3 =	vimm.f32 $0.0e+00;
	v1 =	vimm.f32 $0.0e+00  }
0x133: {  	s29 =	simm.s32 $0x400;
	v9 =	vld [tilespmem:s28+$0xAF50];
	v14 =	vunpack.i.u.bf16.f32 v0;
	v15 =	vunpack.i.l.bf16.f32 v0;
	v0 =	vimm.f32 $0.0e+00  }
.LBB2_13:
0x134: {  	p1 =	sne.s32 s29, $0x6200;
	v16 =	vld [tilespmem:s28+$0xAF70];
	v4 =	vadd.f32 v15, v4;
	v10 =	vadd.f32 v14, v10  }
0x135: {  	v14 =	vld [tilespmem:s28+$0xAF00];
	v15 =	vunpack.i.u.bf16.f32 v13;
	v13 =	vunpack.i.l.bf16.f32 v13;
	v11 =	vadd.bf16 v11, v5  }
0x136: {  	v17 =	vld [tilespmem:s28+$0xAF20];
	v8 =	vadd.f32 v13, v8;
	v6 =	vadd.f32 v15, v6  }
.Ltmp5:
0x137: {  	v5 =	vld [tilespmem:s28+$0xAF10];
	v13 =	vunpack.i.u.bf16.f32 v11;
	v15 =	vunpack.i.l.bf16.f32 v11;
	v12 =	vadd.bf16 v12, v7;
	(pc) =	sbr.rel @p1 .LBB2_13-.Ltmp5, $4  }
0x138: {  	v11 =	vld [tilespmem:s28+$0xAF30];
	v2 =	vadd.f32 v15, v2;
	v3 =	vadd.f32 v13, v3  }
0x139: {  	v7 =	vld [tilespmem:s28+$0xAF40];
	v15 =	vadd.bf16 v16, v9;
	v9 =	vunpack.i.u.bf16.f32 v12;
	v13 =	vunpack.i.l.bf16.f32 v12  }
0x13a: {  	v12 =	vld [tilespmem:s28+$0xAF60];
	s28 =	sshra.s32 s29, $0x2;
	v0 =	vadd.f32 v13, v0;
	v1 =	vadd.f32 v9, v1  }
0x13b: {  	s29 =	sadd.s32 $0x200, s29;
	v9 =	vld [tilespmem:s28+$0xAF50];
	v13 =	vadd.bf16 v17, v14;
	v14 =	vunpack.i.u.bf16.f32 v15;
	v15 =	vunpack.i.l.bf16.f32 v15  }
0x13c: {  	v16 =	vld [tilespmem:s28+$0xAF70]  }
0x13d: {  	v17 =	vld [tilespmem:s28+$0xAF00]  }
0x13e: {  	v4 =	vadd.f32 v15, v4;
	v15 =	vld [tilespmem:s28+$0xAF20]  }
0x13f: {  	v10 =	vadd.f32 v14, v10;
	v14 =	vunpack.i.l.bf16.f32 v13;
	v5 =	vadd.bf16 v11, v5;
	v11 =	vld [tilespmem:s28+$0xAF40]  }
0x140: {  	v13 =	vunpack.i.u.bf16.f32 v13;
	v8 =	vadd.f32 v14, v8;
	v7 =	vadd.bf16 v12, v7;
	v12 =	vld [tilespmem:s28+$0xAF60]  }
0x141: {  	v6 =	vadd.f32 v13, v6;
	v13 =	vld [tilespmem:s28+$0xAF10];
	v14 =	vunpack.i.u.bf16.f32 v5;
	v5 =	vunpack.i.l.bf16.f32 v5  }
0x142: {  	v2 =	vadd.f32 v5, v2;
	v5 =	vld [tilespmem:s28+$0xAF30];
	v3 =	vadd.f32 v14, v3;
	v14 =	vunpack.i.l.bf16.f32 v7  }
0x143: {  	v9 =	vadd.bf16 v16, v9;
	v7 =	vunpack.i.u.bf16.f32 v7;
	v0 =	vadd.f32 v14, v0  }
0x144: {  	v1 =	vadd.f32 v7, v1;
	v7 =	vadd.bf16 v15, v17  }
0x145: {  	v14 =	vunpack.i.u.bf16.f32 v9;
	v9 =	vunpack.i.l.bf16.f32 v9;
	v11 =	vadd.bf16 v12, v11  }
0x146: {  	v4 =	vadd.f32 v9, v4;
	v9 =	vadd.f32 v14, v10;
	v10 =	vunpack.i.u.bf16.f32 v7  }
0x147: {  	v7 =	vunpack.i.l.bf16.f32 v7;
	v5 =	vadd.bf16 v5, v13;
	v12 =	vunpack.i.l.bf16.f32 v11  }
0x148: {  	v7 =	vadd.f32 v7, v8;
	v8 =	vunpack.i.u.bf16.f32 v11;
	v0 =	vadd.f32 v12, v0  }
0x149: {  	v6 =	vadd.f32 v10, v6;
	v10 =	vunpack.i.l.bf16.f32 v5;
	v1 =	vadd.f32 v8, v1  }
0x14a: {  	v5 =	vunpack.i.u.bf16.f32 v5;
	v2 =	vadd.f32 v10, v2;
	v0 =	vadd.f32 v0, v7  }
0x14b: {  	v3 =	vadd.f32 v5, v3;
	v1 =	vadd.f32 v1, v6  }
0x14c: {  	v2 =	vadd.f32 v4, v2;
	v0 =	vmul.f32 $4.999999890e-03, v0  }
0x14d: {  	v3 =	vadd.f32 v9, v3;
	v1 =	vmul.f32 $4.999999890e-03, v1  }
0x14e: {  	[tilespmem:s25+$0xFB40] =	vst v0;
	v0 =	vmul.f32 $4.999999890e-03, v2  }
0x14f: {  	[tilespmem:s25+$0xFB50] =	vst v1;
	v1 =	vmul.f32 $4.999999890e-03, v3  }
0x150: {  	[tilespmem:s25+$0xFB60] =	vst v0  }
0x151: {  	[tilespmem:s25+$0xFB70] =	vst v1  }
0x152: {  	_ =	swait.ge [sflag:s20], $0xC00  }
0x153: {  	[sflag:s20] =	ssyncset.done $0x0  }
0x154: {  	[sflag:s20] =	ssyncadd.s32 $0xFFFFF400  }
0x155: {  	_ =	swait.ge [sflag:s20], $0xD00  }
0x156: {  	[sflag:s20] =	ssyncset.done $0x0  }
0x157: {  	[sflag:s20] =	ssyncadd.s32 $0xFFFFF300  }
0x158: {  	_ =	swait.ge [sflag:s20], $0xC00  }
0x159: {  	s0 =	sadd.s32 @!p0 $0xC, s26;
	[sflag:s20] =	ssyncset.done $0x0  }
0x15a: {  	s0 =	sand.u32 @!p0 $0x3C, s0;
	[sflag:s20] =	ssyncadd.s32 $0xFFFFF400  }
0x15b: {  	s0 =	smul.u32 @!p0 $0x320, s0;
	_ =	swait.ge [sflag:s20], $0xD00  }
0x15c: {  	s26 =	simm.s32 @!p0 $0x9600;
	[sflag:s20] =	ssyncset.done $0x0  }
0x15d: {  	s0 =	sshrl.u32 @!p0 s0, $0x2;
	s25 =	simm.s32 @!p0 $0x60;
	[sflag:s20] =	ssyncadd.s32 $0xFFFFF300  }
0x15e: {  	[tilespmem:s26], [sflag:$0x3] =	stream.indirect.gather @!p0 [hbm4b:s5+s25], $0x20, s0, s25, $0xb8;
	[tilespmem:$0x17A00] =	vst v63  }
0x15f: {  	s29 =	simm.s32 @!p0 $0xA200;
	s28 =	simm.s32 @!p0 $0x68;
	s26 =	sadd.s32 @!p0 $0x60, s0  }
0x160: {  	[tilespmem:s29], [sflag:$0x3] =	stream.indirect.gather @!p0 [hbm4b:s5+s28], $0x20, s26, s28, $0xb8;
	[tilespmem:$0x17A00] =	vst v63  }
0x161: {  	s26 =	sadd.s32 @!p0 $0xC8, s0;
	s29 =	simm.s32 @!p0 $0xAF00  }
0x162: {  	[tilespmem:s29], [sflag:$0x3] =	stream.indirect.gather @!p0 [hbm4b:s5+s25], $0x20, s26, s25, $0xb8;
	[tilespmem:$0x17A00] =	vst v63  }
0x163: {  	s31 =	simm.s32 $0x0;
	s0 =	sadd.s32 @!p0 $0x128, s0;
	s25 =	simm.s32 @!p0 $0xBB00  }
0x164: {  	[tilespmem:s25], [sflag:$0x3] =	stream.indirect.gather @!p0 [hbm4b:s5+s28], $0x20, s0, s28, $0xb8;
	[tilespmem:$0x17A00] =	vst v63  }
0x165: {  	v0 =	vld [tilespmem:s31+$0xC850]  }
0x166: {  	v1 =	vld [tilespmem:s31+$0xC870]  }
0x167: {  	v2 =	vld [tilespmem:s31+$0xC800]  }
0x168: {  	v3 =	vld [tilespmem:s31+$0xC820];
	_ =	sdelay $0x2  }
0x169: {  	v5 =	vld [tilespmem:s31+$0xC810]  }
0x16a: {  	v8 =	vimm.f32 $0.0e+00;
	v10 =	vimm.f32 $0.0e+00;
	v6 =	vimm.f32 $0.0e+00;
	v11 =	vld [tilespmem:s31+$0xC830]  }
0x16b: {  	v4 =	vimm.f32 $0.0e+00;
	v7 =	vld [tilespmem:s31+$0xC840];
	v0 =	vadd.bf16 v1, v0;
	v13 =	vadd.bf16 v3, v2  }
0x16c: {  	s25 =	simm.s32 $0x80;
	v12 =	vld [tilespmem:s31+$0xC860];
	v2 =	vimm.f32 $0.0e+00;
	v3 =	vimm.f32 $0.0e+00;
	v1 =	vimm.f32 $0.0e+00  }
0x16d: {  	s26 =	simm.s32 $0x400;
	v9 =	vld [tilespmem:s25+$0xC850];
	v14 =	vunpack.i.u.bf16.f32 v0;
	v15 =	vunpack.i.l.bf16.f32 v0;
	v0 =	vimm.f32 $0.0e+00  }
.LBB2_15:
0x16e: {  	p0 =	sne.s32 s26, $0x6200;
	v16 =	vld [tilespmem:s25+$0xC870];
	v4 =	vadd.f32 v15, v4;
	v10 =	vadd.f32 v14, v10  }
0x16f: {  	v14 =	vld [tilespmem:s25+$0xC800];
	v15 =	vunpack.i.u.bf16.f32 v13;
	v13 =	vunpack.i.l.bf16.f32 v13;
	v11 =	vadd.bf16 v11, v5  }
0x170: {  	v17 =	vld [tilespmem:s25+$0xC820];
	v8 =	vadd.f32 v13, v8;
	v6 =	vadd.f32 v15, v6  }
.Ltmp6:
0x171: {  	v5 =	vld [tilespmem:s25+$0xC810];
	v13 =	vunpack.i.u.bf16.f32 v11;
	v15 =	vunpack.i.l.bf16.f32 v11;
	v12 =	vadd.bf16 v12, v7;
	(pc) =	sbr.rel @p0 .LBB2_15-.Ltmp6, $4  }
0x172: {  	v11 =	vld [tilespmem:s25+$0xC830];
	v2 =	vadd.f32 v15, v2;
	v3 =	vadd.f32 v13, v3  }
0x173: {  	v7 =	vld [tilespmem:s25+$0xC840];
	v15 =	vadd.bf16 v16, v9;
	v9 =	vunpack.i.u.bf16.f32 v12;
	v13 =	vunpack.i.l.bf16.f32 v12  }
0x174: {  	v12 =	vld [tilespmem:s25+$0xC860];
	s25 =	sshra.s32 s26, $0x2;
	v0 =	vadd.f32 v13, v0;
	v1 =	vadd.f32 v9, v1  }
0x175: {  	s26 =	sadd.s32 $0x200, s26;
	v9 =	vld [tilespmem:s25+$0xC850];
	v13 =	vadd.bf16 v17, v14;
	v14 =	vunpack.i.u.bf16.f32 v15;
	v15 =	vunpack.i.l.bf16.f32 v15  }
0x176: {  	v16 =	vld [tilespmem:s25+$0xC870]  }
0x177: {  	v17 =	vld [tilespmem:s25+$0xC800]  }
0x178: {  	v4 =	vadd.f32 v15, v4;
	v15 =	vld [tilespmem:s25+$0xC820]  }
0x179: {  	v10 =	vadd.f32 v14, v10;
	v14 =	vunpack.i.l.bf16.f32 v13;
	v5 =	vadd.bf16 v11, v5;
	v11 =	vld [tilespmem:s25+$0xC840]  }
0x17a: {  	v13 =	vunpack.i.u.bf16.f32 v13;
	v8 =	vadd.f32 v14, v8;
	v7 =	vadd.bf16 v12, v7;
	v12 =	vld [tilespmem:s25+$0xC860]  }
0x17b: {  	v6 =	vadd.f32 v13, v6;
	v13 =	vld [tilespmem:s25+$0xC810];
	v14 =	vunpack.i.u.bf16.f32 v5;
	v5 =	vunpack.i.l.bf16.f32 v5  }
0x17c: {  	v2 =	vadd.f32 v5, v2;
	v5 =	vld [tilespmem:s25+$0xC830];
	v3 =	vadd.f32 v14, v3;
	v14 =	vunpack.i.l.bf16.f32 v7  }
0x17d: {  	v9 =	vadd.bf16 v16, v9;
	v7 =	vunpack.i.u.bf16.f32 v7;
	v0 =	vadd.f32 v14, v0  }
0x17e: {  	v1 =	vadd.f32 v7, v1;
	v7 =	vadd.bf16 v15, v17  }
0x17f: {  	v14 =	vunpack.i.u.bf16.f32 v9;
	v9 =	vunpack.i.l.bf16.f32 v9;
	v11 =	vadd.bf16 v12, v11  }
0x180: {  	v4 =	vadd.f32 v9, v4;
	v9 =	vadd.f32 v14, v10;
	v10 =	vunpack.i.u.bf16.f32 v7  }
0x181: {  	v7 =	vunpack.i.l.bf16.f32 v7;
	v5 =	vadd.bf16 v5, v13;
	v12 =	vunpack.i.l.bf16.f32 v11  }
0x182: {  	v7 =	vadd.f32 v7, v8;
	v8 =	vunpack.i.u.bf16.f32 v11;
	v0 =	vadd.f32 v12, v0  }
0x183: {  	v6 =	vadd.f32 v10, v6;
	v10 =	vunpack.i.l.bf16.f32 v5;
	v1 =	vadd.f32 v8, v1  }
0x184: {  	v5 =	vunpack.i.u.bf16.f32 v5;
	v2 =	vadd.f32 v10, v2;
	v0 =	vadd.f32 v0, v7  }
0x185: {  	v3 =	vadd.f32 v5, v3;
	v1 =	vadd.f32 v1, v6  }
0x186: {  	s0 =	sshll.u32 s24, $0x7;
	v2 =	vadd.f32 v4, v2;
	v0 =	vmul.f32 $4.999999890e-03, v0  }
0x187: {  	s24 =	sand.u32 $0x3FFFFF80, s0;
	v3 =	vadd.f32 v9, v3;
	v1 =	vmul.f32 $4.999999890e-03, v1  }
0x188: {  	[tilespmem:s24+$0xFA00] =	vst v0;
	v0 =	vmul.f32 $4.999999890e-03, v2  }
0x189: {  	[tilespmem:s24+$0xFA10] =	vst v1;
	v1 =	vmul.f32 $4.999999890e-03, v3  }
0x18a: {  	[tilespmem:s24+$0xFA20] =	vst v0  }
0x18b: {  	s31 =	simm.s32 $0x0;
	[tilespmem:s24+$0xFA30] =	vst v1  }
0x18c: {  	v0 =	vld [tilespmem:s31+$0xE150]  }
0x18d: {  	v1 =	vld [tilespmem:s31+$0xE170]  }
0x18e: {  	v2 =	vld [tilespmem:s31+$0xE100]  }
0x18f: {  	v3 =	vld [tilespmem:s31+$0xE120];
	_ =	sdelay $0x2  }
0x190: {  	v5 =	vld [tilespmem:s31+$0xE110]  }
0x191: {  	v8 =	vimm.f32 $0.0e+00;
	v10 =	vimm.f32 $0.0e+00;
	v6 =	vimm.f32 $0.0e+00;
	v11 =	vld [tilespmem:s31+$0xE130]  }
0x192: {  	v4 =	vimm.f32 $0.0e+00;
	v7 =	vld [tilespmem:s31+$0xE140];
	v0 =	vadd.bf16 v1, v0;
	v13 =	vadd.bf16 v3, v2  }
0x193: {  	s25 =	simm.s32 $0x80;
	v12 =	vld [tilespmem:s31+$0xE160];
	v2 =	vimm.f32 $0.0e+00;
	v3 =	vimm.f32 $0.0e+00;
	v1 =	vimm.f32 $0.0e+00  }
0x194: {  	s26 =	simm.s32 $0x400;
	v9 =	vld [tilespmem:s25+$0xE150];
	v14 =	vunpack.i.u.bf16.f32 v0;
	v15 =	vunpack.i.l.bf16.f32 v0;
	v0 =	vimm.f32 $0.0e+00  }
.LBB2_17:
0x195: {  	p0 =	sne.s32 s26, $0x6200;
	v16 =	vld [tilespmem:s25+$0xE170];
	v4 =	vadd.f32 v15, v4;
	v10 =	vadd.f32 v14, v10  }
0x196: {  	v14 =	vld [tilespmem:s25+$0xE100];
	v15 =	vunpack.i.u.bf16.f32 v13;
	v13 =	vunpack.i.l.bf16.f32 v13;
	v11 =	vadd.bf16 v11, v5  }
0x197: {  	v17 =	vld [tilespmem:s25+$0xE120];
	v8 =	vadd.f32 v13, v8;
	v6 =	vadd.f32 v15, v6  }
.Ltmp7:
0x198: {  	v5 =	vld [tilespmem:s25+$0xE110];
	v13 =	vunpack.i.u.bf16.f32 v11;
	v15 =	vunpack.i.l.bf16.f32 v11;
	v12 =	vadd.bf16 v12, v7;
	(pc) =	sbr.rel @p0 .LBB2_17-.Ltmp7, $4  }
0x199: {  	v11 =	vld [tilespmem:s25+$0xE130];
	v2 =	vadd.f32 v15, v2;
	v3 =	vadd.f32 v13, v3  }
0x19a: {  	v7 =	vld [tilespmem:s25+$0xE140];
	v15 =	vadd.bf16 v16, v9;
	v9 =	vunpack.i.u.bf16.f32 v12;
	v13 =	vunpack.i.l.bf16.f32 v12  }
0x19b: {  	v12 =	vld [tilespmem:s25+$0xE160];
	s25 =	sshra.s32 s26, $0x2;
	v0 =	vadd.f32 v13, v0;
	v1 =	vadd.f32 v9, v1  }
0x19c: {  	s26 =	sadd.s32 $0x200, s26;
	v9 =	vld [tilespmem:s25+$0xE150];
	v13 =	vadd.bf16 v17, v14;
	v14 =	vunpack.i.u.bf16.f32 v15;
	v15 =	vunpack.i.l.bf16.f32 v15  }
0x19d: {  	v16 =	vld [tilespmem:s25+$0xE170]  }
0x19e: {  	v17 =	vld [tilespmem:s25+$0xE100]  }
0x19f: {  	v47 =	vld [tilespmem:s25+$0xE120]  }
0x1a0: {  	v49 =	vld [tilespmem:s25+$0xE140]  }
0x1a1: {  	v51 =	vld [tilespmem:s25+$0xE160]  }
0x1a2: {  	v4 =	vadd.f32 v15, v4;
	v10 =	vadd.f32 v14, v10;
	v52 =	vld [tilespmem:s25+$0xE110]  }
0x1a3: {  	v54 =	vld [tilespmem:s25+$0xE130];
	v48 =	vunpack.i.l.bf16.f32 v13;
	v5 =	vadd.bf16 v11, v5;
	v50 =	vunpack.i.u.bf16.f32 v13  }
0x1a4: {  	v8 =	vadd.f32 v48, v8;
	v6 =	vadd.f32 v50, v6  }
0x1a5: {  	v7 =	vadd.bf16 v12, v7;
	v53 =	vunpack.i.u.bf16.f32 v5;
	v5 =	vunpack.i.l.bf16.f32 v5  }
0x1a6: {  	v2 =	vadd.f32 v5, v2;
	v3 =	vadd.f32 v53, v3  }
0x1a7: {  	v55 =	vunpack.i.l.bf16.f32 v7;
	v9 =	vadd.bf16 v16, v9;
	v56 =	vadd.bf16 v47, v17  }
0x1a8: {  	v7 =	vunpack.i.u.bf16.f32 v7;
	v11 =	vadd.bf16 v51, v49;
	v5 =	vadd.bf16 v54, v52  }
0x1a9: {  	v0 =	vadd.f32 v55, v0;
	v1 =	vadd.f32 v7, v1;
	v57 =	vunpack.i.u.bf16.f32 v9  }
0x1aa: {  	v9 =	vunpack.i.l.bf16.f32 v9;
	v59 =	vunpack.i.u.bf16.f32 v56;
	v7 =	vunpack.i.l.bf16.f32 v56  }
0x1ab: {  	v12 =	vunpack.i.l.bf16.f32 v11;
	v4 =	vadd.f32 v9, v4;
	v58 =	vadd.f32 v57, v10  }
0x1ac: {  	v60 =	vunpack.i.u.bf16.f32 v11;
	v7 =	vadd.f32 v7, v8;
	v0 =	vadd.f32 v12, v0  }
0x1ad: {  	v61 =	vunpack.i.l.bf16.f32 v5;
	v6 =	vadd.f32 v59, v6;
	v1 =	vadd.f32 v60, v1  }
0x1ae: {  	v5 =	vunpack.i.u.bf16.f32 v5;
	v2 =	vadd.f32 v61, v2;
	v0 =	vadd.f32 v0, v7  }
0x1af: {  	s23 =	sadd.s32 $0x1, s23;
	v3 =	vadd.f32 v5, v3;
	v1 =	vadd.f32 v1, v6  }
0x1b0: {  	p0 =	sne.s32 s23, $0x40;
	v2 =	vadd.f32 v4, v2;
	v0 =	vmul.f32 $4.999999890e-03, v0  }
.Ltmp8:
0x1b1: {  	v3 =	vadd.f32 v58, v3;
	v1 =	vmul.f32 $4.999999890e-03, v1;
	(pc) =	sbr.rel @p0 .LBB2_2-.Ltmp8, $4  }
0x1b2: {  	v62 =	vmul.f32 $4.999999890e-03, v2;
	[tilespmem:s24+$0xFA40] =	vst v0  }
0x1b3: {  	v63 =	vmul.f32 $4.999999890e-03, v3;
	[tilespmem:s24+$0xFA50] =	vst v1  }
0x1b4: {  	[tilespmem:s24+$0xFA60] =	vst v62  }
0x1b5: {  	[tilespmem:s24+$0xFA70] =	vst v63  }
0x1b6: {  	s22 =	sadd.s32 $0x1, s22  }
0x1b7: {  	p0 =	sne.s32 s22, s8  }
.Ltmp9:
0x1b8: {  	_ = 	snop;
	(pc) =	sbr.rel @p0 .LBB2_1-.Ltmp9, $4  }
0x1b9: {  	[hbm4b:s7+s2] =	stream.linear.scatter [tilespmem:s21], [sflag:$0x5], $0x8000, $0x38;
	[tilespmem:$0x17A00] =	vst v63  }
0x1ba: {  	_ =	swait.ge [sflag:s9], $0x8000  }
0x1bb: {  	[sflag:s9] =	ssyncset.done $0x0  }
0x1bc: {  	[sflag:s9] =	ssyncadd.s32 $0xFFFF8000  }
0x1bd: {  	_ =	sfence.sel $0x180000  }
0x1be: {  	[bflag:$0x0] =	sbarrier.arrive $0xFFFF  }
0x1bf: {  	_ =	strace $0x9000004A  }
0x1c0: {  	s0 =	stileid.u32;
	[bflag:$0x2] =	sbarrier.arrive $0xFFFF  }
0x1c1: {  	p0 =	sne.s32 s0, $0x0;
	s0 =	rddreg [dreg:$0x1]  }
0x1c2: {  	s0 =	sadd.s32 @!p0 $0x100000, s0  }
0x1c3: {  	[sflag:s0] =	ssyncadd.tile.s32 @!p0 $0x1;
	_ =	shalt  }
.Lfunc_end2:
_tile_overlayer_lowered:
.L_overlay_start_2:
0x1c4: {  	(tag) =	ssettag $0x2  }
0x1c5: {  	s0 =	rddreg [dreg:$0x0];
	s2 =	stileid.u32  }
0x1c6: {  	s1 =	rddreg [dreg:$0x1];
	p0 =	sne.s32 s2, $0x0  }
0x1c7: {  	s3 =	rddreg [dreg:$0x2];
	[bflag:$0x3] =	sbarrier.arrive $0xFFFF;
	s2 =	simm.s32 @!p0 $0x1C05  }
0x1c8: {  	[timem:s3], [sflag:s2] =	dma.local @!p0 [hbm:s0], s1  }
0x1c9: {  	s0 =	simm.s32 @!p0 $0x5  }
0x1ca: {  	_ =	swait.ge @!p0 [sflag:s0], s1  }
0x1cb: {  	s1 =	ssub.s32 @!p0 $0x0, s1;
	[sflag:s0] =	ssyncset.done @!p0 $0x0  }
0x1cc: {  	[sflag:s0] =	ssyncadd.s32 @!p0 s1  }
0x1cd: {  	[bflag:$0x3] =	sbarrier.arrive $0xFFFF  }
0x1ce: {  	_ =	shalt  }

</sc_bundles>
